<compile_context>
chip_gen: v7x
topology: tpu7x:2x2x1
jax: 0.10.2.dev20260603
libtpu: 0.0.44.dev20260713+nightly
codegen_flags: <defaults>
</compile_context>

<pallas_src>
import dataclasses

import jax
import jax.numpy as jnp
from jax import lax
from jax.experimental import pallas as pl
from jax.experimental.pallas import tpu as pltpu
from jax.experimental.pallas import tpu_sc as plsc

S = 128
C = 10000
N = 10000
NNZ = 320000
L = 16
NC = 2
NS = 16
NW = NC * NS
CH = 96
NB = 3
CPT = 105
EPT = CH * CPT
NNZP = NW * EPT
EREC = 3 * CH
NP = 10240
ZR = 128
RPT = NP // NS
ZB = NP // S


def _prep_body(ll_ref, out_ref):
    out_ref[...] = jnp.exp(ll_ref[...]).T


def _tc_prep(ll):
    return pl.pallas_call(
        _prep_body,
        out_shape=jax.ShapeDtypeStruct((C, S), jnp.float32),
    )(ll)


def _sc_body(probs_hbm, epack_hbm, acc_hbm, z_hbm,
             e0, e1, e2, rv0, rv1, rv2, g0, g1, g2, z_v,
             acc_sh,
             se0, se1, se2, sg0, sg1, sg2, ss0, ss1, ss2):
    cid = lax.axis_index("c")
    sid = lax.axis_index("s")
    wid = sid * NC + cid

    ebufs = (e0, e1, e2)
    rbufs = (rv0, rv1, rv2)
    gbufs = (g0, g1, g2)
    esems = (se0, se1, se2)
    gsems = (sg0, sg1, sg2)
    ssems = (ss0, ss1, ss2)

    @pl.loop(0, CH)
    def _(r):
        for f in range(S // L):
            g0[r, pl.ds(f * L, L)] = jnp.zeros((L,), jnp.float32)

    @pl.loop(0, ZB)
    def _(r):
        for f in range(S // L):
            z_v[r, pl.ds(f * L, L)] = jnp.zeros((L,), jnp.float32)

    base = sid * RPT

    @pl.loop(0, RPT // CH)
    def _(k):
        pltpu.sync_copy(g0, acc_sh.at[pl.ds(base + k * CH, CH)])

    if RPT % CH:
        pltpu.sync_copy(
            g0.at[pl.ds(0, RPT % CH)],
            acc_sh.at[pl.ds(base + (RPT // CH) * CH, RPT % CH)])

    cbase = wid * CPT

    pltpu.async_copy(epack_hbm.at[pl.ds(cbase * EREC, EREC)], e0, se0)
    pltpu.async_copy(epack_hbm.at[pl.ds((cbase + 1) * EREC, EREC)], e1, se1)
    pltpu.make_async_copy(epack_hbm.at[pl.ds(0, EREC)], e0, se0).wait()
    pltpu.async_copy(probs_hbm.at[e0.at[pl.ds(0, CH)]], g0, sg0)

    plsc.subcore_barrier()

    def chunk_step(j, i):
        i1 = (i + 1) % NB
        i2 = (i + 2) % NB
        x = gbufs[i]
        rv = rbufs[i]
        eb = ebufs[i]

        @pl.when(j >= 2)
        def _():
            pltpu.make_async_copy(
                gbufs[i1], acc_sh.at[rbufs[i1]], ssems[i1]).wait()

        @pl.when(j <= CPT - 3)
        def _():
            pltpu.async_copy(
                epack_hbm.at[pl.ds((cbase + j + 2) * EREC, EREC)],
                ebufs[i2], esems[i2])

        @pl.when(j <= CPT - 2)
        def _():
            pltpu.make_async_copy(
                epack_hbm.at[pl.ds(0, EREC)], ebufs[i1], esems[i1]).wait()
            pltpu.async_copy(
                probs_hbm.at[ebufs[i1].at[pl.ds(0, CH)]], gbufs[i1],
                gsems[i1])

        pltpu.make_async_copy(
            probs_hbm.at[eb.at[pl.ds(0, CH)]], x, gsems[i]).wait()

        @pl.loop(0, CH // L)
        def _(g):
            rg = eb[pl.ds(CH + g * L, L)]
            rv[pl.ds(g * L, L)] = rg
            wg = jnp.exp(plsc.bitcast(eb[pl.ds(2 * CH + g * L, L)],
                                      jnp.float32))
            plsc.addupdate_scatter(
                z_v, [lax.shift_right_logical(rg, 7),
                      lax.bitwise_and(rg, 127)], wg)
            for u in range(L):
                e = g * L + u
                wv = jnp.full((L,), wg[u], dtype=jnp.float32)
                for f in range(S // L):
                    x[e, pl.ds(f * L, L)] = x[e, pl.ds(f * L, L)] * wv

        pltpu.async_copy(x, acc_sh.at[rv], ssems[i], add=True)

    @pl.loop(0, CPT // NB)
    def _(t):
        for i in range(NB):
            chunk_step(t * NB + i, i)

    for i in ((CPT - 2) % NB, (CPT - 1) % NB):
        pltpu.make_async_copy(gbufs[i], acc_sh.at[rbufs[i]],
                              ssems[i]).wait()

    pltpu.sync_copy(z_v, z_hbm.at[cid].at[sid])

    plsc.subcore_barrier()

    @pl.loop(0, RPT // ZR)
    def _(k):
        pltpu.sync_copy(acc_sh.at[pl.ds(base + k * ZR, ZR)],
                        acc_hbm.at[cid].at[pl.ds(base + k * ZR, ZR)])



def _sc_aggregate(probsT, epack):
    mesh = plsc.VectorSubcoreMesh(core_axis_name="c", subcore_axis_name="s")
    cp = pltpu.CompilerParams()
    if "needs_layout_passes" in pltpu.CompilerParams.__dataclass_fields__:
        cp = dataclasses.replace(cp, needs_layout_passes=False)
    kern = pl.kernel(
        _sc_body,
        out_type=(jax.ShapeDtypeStruct((NC, NP, S), jnp.float32),
                  jax.ShapeDtypeStruct((NC, NS, ZB, S), jnp.float32)),
        mesh=mesh,
        compiler_params=cp,
        scratch_types=(
            [pltpu.VMEM((EREC,), jnp.int32) for _ in range(NB)]
            + [pltpu.VMEM((CH,), jnp.int32) for _ in range(NB)]
            + [pltpu.VMEM((CH, S), jnp.float32) for _ in range(NB)]
            + [pltpu.VMEM((ZB, S), jnp.float32),
               pltpu.VMEM_SHARED((NP, S), jnp.float32)]
            + [pltpu.SemaphoreType.DMA for _ in range(3 * NB)]
        ),
    )
    return kern(probsT, epack)


def _fin_body(acc_ref, z_ref, out_ref):
    t = acc_ref[0, :N] + acc_ref[1, :N]
    z = z_ref[...].reshape(NW, ZB * S).sum(axis=0).reshape(NP)[:N]
    out_ref[...] = (jnp.log(t) - jnp.log(z)[:, None]).T


def _tc_finalize(acc, z):
    return pl.pallas_call(
        _fin_body,
        out_shape=jax.ShapeDtypeStruct((S, N), jnp.float32),
    )(acc, z)


def kernel(ll, w_rows, w_cols, w_data):
    pad = NNZP - NNZ
    spread = jnp.arange(pad, dtype=jnp.int32) % N
    cols = jnp.concatenate([w_cols.astype(jnp.int32),
                            spread]).reshape(-1, CH)
    rows = jnp.concatenate([w_rows.astype(jnp.int32),
                            spread]).reshape(-1, CH)
    wbits = lax.bitcast_convert_type(
        jnp.concatenate([w_data, jnp.full((pad,), -1e30, jnp.float32)]),
        jnp.int32).reshape(-1, CH)
    epack = jnp.stack([cols, rows, wbits], axis=1).reshape(-1)
    probsT = _tc_prep(ll)
    acc, z = _sc_aggregate(probsT, epack)
    return _tc_finalize(acc, z)

# --- scband reference (transcript-rebuilt; emitter-appended) ---
"""Pipeline reference for scband-sum-layer-75239237091660 (READ-ONLY COPY).

The authoritative reference and input builder live on the scoring server;
editing this copy changes nothing except your own understanding.
"""

import jax, jax.numpy as jnp
import numpy as np

N_NODES = 10000      # number of sum units in this layer
N_CHILD = 10000      # number of nodes in the (single) child layer
NNZ = 320000         # nonzeros in the sparse BCOO log-weight matrix
N_SAMPLES = 128      # number of samples (rows of x / ll)


def setup_inputs(seed: int = 0) -> dict:
    key = jax.random.key(seed)
    k1, k2, k3, k4 = jax.random.split(key, 4)
    # Child layer log-likelihoods: child_layer.log_likelihood_of_nodes(x) -> [S, C].
    # The child layer is abstract in the original code, so we materialize its output directly.
    ll = jax.random.normal(k1, (N_SAMPLES, N_CHILD), dtype=jnp.float32)
    # Sparse BCOO log_weights of shape [N_NODES, N_CHILD] in COO form.
    w_rows = jax.random.randint(k2, (NNZ,), 0, N_NODES, dtype=jnp.int32)
    w_cols = jax.random.randint(k3, (NNZ,), 0, N_CHILD, dtype=jnp.int32)
    w_data = jax.random.normal(k4, (NNZ,), dtype=jnp.float32)
    return {"ll": ll, "w_rows": w_rows, "w_cols": w_cols, "w_data": w_data}


def reference(ll, w_rows, w_cols, w_data):
    # SumLayer.log_likelihood_of_nodes:
    #   result = 0
    #   for each child layer: result += exp(ll) @ exp(log_weights).T   (sparse matmul)
    #   return log(result) - log_normalization_constants
    probs = jnp.exp(ll)                       # [S, C]
    weights = jnp.exp(w_data)                 # [NNZ]
    # exp(ll) @ exp(W).T with sparse W: gather columns of probs by w_cols,
    # scale by weights, scatter-add into destination node rows (w_rows).
    contrib = jnp.take(probs, w_cols, axis=1) * weights[None, :]   # [S, NNZ]
    summed = jax.ops.segment_sum(contrib.T, w_rows, num_segments=N_NODES)  # [N_NODES, S]
    result = summed.T                          # [S, N_NODES]
    # log_normalization_constants: log of row-sums of exp(concatenated log weights)
    z = jnp.zeros((N_NODES,), dtype=ll.dtype).at[w_rows].add(weights)      # [N_NODES]
    log_norm = jnp.log(z)
    return jnp.log(result) - log_norm[None, :]

if __name__ == "__main__":
    import jax
    _d = setup_inputs()
    print(jax.jit(kernel)(*tuple(_d.values())))

</pallas_src>

<mosaic_0001>
#map = affine_map<(d0, d1) -> (0, 0)>
#map1 = affine_map<(d0, d1) -> (0)>
#map2 = affine_map<(d0, d1) -> (0, 0, 0)>
#map3 = affine_map<(d0, d1) -> (0, 0, 0, 0)>
module attributes {stable_mosaic.version = 14 : i64} {
  func.func @_sc_body(%arg0: i32, %arg1: i32, %arg2: memref<10000x128xf32, #tpu.memory_space<hbm>>, %arg3: memref<967680xi32, #tpu.memory_space<hbm>>, %arg4: memref<2x10240x128xf32, #tpu.memory_space<hbm>>, %arg5: memref<2x16x80x128xf32, #tpu.memory_space<hbm>>, %arg6: memref<288xi32, #tpu.memory_space<vmem>>, %arg7: memref<288xi32, #tpu.memory_space<vmem>>, %arg8: memref<288xi32, #tpu.memory_space<vmem>>, %arg9: memref<96xi32, #tpu.memory_space<vmem>>, %arg10: memref<96xi32, #tpu.memory_space<vmem>>, %arg11: memref<96xi32, #tpu.memory_space<vmem>>, %arg12: memref<96x128xf32, #tpu.memory_space<vmem>>, %arg13: memref<96x128xf32, #tpu.memory_space<vmem>>, %arg14: memref<96x128xf32, #tpu.memory_space<vmem>>, %arg15: memref<80x128xf32, #tpu.memory_space<vmem>>, %arg16: memref<10240x128xf32, #tpu.memory_space<vmem_shared>>, %arg17: memref<!tpu.dma_semaphore, #tpu.memory_space<semaphore_mem>>, %arg18: memref<!tpu.dma_semaphore, #tpu.memory_space<semaphore_mem>>, %arg19: memref<!tpu.dma_semaphore, #tpu.memory_space<semaphore_mem>>, %arg20: memref<!tpu.dma_semaphore, #tpu.memory_space<semaphore_mem>>, %arg21: memref<!tpu.dma_semaphore, #tpu.memory_space<semaphore_mem>>, %arg22: memref<!tpu.dma_semaphore, #tpu.memory_space<semaphore_mem>>, %arg23: memref<!tpu.dma_semaphore, #tpu.memory_space<semaphore_mem>>, %arg24: memref<!tpu.dma_semaphore, #tpu.memory_space<semaphore_mem>>, %arg25: memref<!tpu.dma_semaphore, #tpu.memory_space<semaphore_mem>>) attributes {dimension_semantics = [#tpu.dimension_semantics<core_parallel>, #tpu.dimension_semantics<subcore_parallel>], iteration_bounds = array<i64: 2, 16>, scalar_prefetch = 0 : i64, scratch_operands = 20 : i64, tpu.core_type = #tpu.core_type<sc_vector_subcore>, window_params = [{transform_indices = #map}, {transform_indices = #map1}, {transform_indices = #map2}, {transform_indices = #map3}]} {
    %mul3A = arith.constant 2 : i32
    %mul3A_0 = arith.muli %arg1, %mul3A : i32
    %add3A = arith.addi %mul3A_0, %arg0 : i32
    %scan3A = arith.constant 0 : i32
    %scan3A_1 = arith.constant 96 : i32
    %scan3A_2 = arith.addi %scan3A, %scan3A_1 : i32
    %scan3A_3 = arith.constant 1 : i32
    scf.for %scan3A_55 = %scan3A to %scan3A_2 step %scan3A_3  : i32 {
      %mul3A_56 = arith.constant 1 : i32
      %mul3A_57 = arith.muli %scan3A_55, %mul3A_56 : i32
      %add3A_58 = arith.constant 0 : i32
      %add3A_59 = arith.addi %add3A_58, %mul3A_57 : i32
      %broadcast_in_dim3A = arith.constant 0.000000e+00 : f32
      %broadcast_in_dim3A_60 = vector.broadcast %broadcast_in_dim3A : f32 to vector<16xf32>
      %swap3A = arith.index_cast %add3A_59 : i32 to index
      %swap3A_61 = arith.constant 0 : index
      %swap3A_62 = tpu.vector_load %arg12[%swap3A, %swap3A_61] {strides = array<i32>} : memref<96x128xf32, #tpu.memory_space<vmem>>, vector<16xf32>,
      tpu.vector_store %arg12[%swap3A, %swap3A_61], %broadcast_in_dim3A_60 {strides = array<i32>} : memref<96x128xf32, #tpu.memory_space<vmem>>, vector<16xf32>,
      %broadcast_in_dim3A_63 = arith.constant 0.000000e+00 : f32
      %broadcast_in_dim3A_64 = vector.broadcast %broadcast_in_dim3A_63 : f32 to vector<16xf32>
      %swap3A_65 = arith.index_cast %add3A_59 : i32 to index
      %swap3A_66 = arith.constant 16 : index
      %swap3A_67 = tpu.vector_load %arg12[%swap3A_65, %swap3A_66] {strides = array<i32>} : memref<96x128xf32, #tpu.memory_space<vmem>>, vector<16xf32>,
      tpu.vector_store %arg12[%swap3A_65, %swap3A_66], %broadcast_in_dim3A_64 {strides = array<i32>} : memref<96x128xf32, #tpu.memory_space<vmem>>, vector<16xf32>,
      %broadcast_in_dim3A_68 = arith.constant 0.000000e+00 : f32
      %broadcast_in_dim3A_69 = vector.broadcast %broadcast_in_dim3A_68 : f32 to vector<16xf32>
      %swap3A_70 = arith.index_cast %add3A_59 : i32 to index
      %swap3A_71 = arith.constant 32 : index
      %swap3A_72 = tpu.vector_load %arg12[%swap3A_70, %swap3A_71] {strides = array<i32>} : memref<96x128xf32, #tpu.memory_space<vmem>>, vector<16xf32>,
      tpu.vector_store %arg12[%swap3A_70, %swap3A_71], %broadcast_in_dim3A_69 {strides = array<i32>} : memref<96x128xf32, #tpu.memory_space<vmem>>, vector<16xf32>,
      %broadcast_in_dim3A_73 = arith.constant 0.000000e+00 : f32
      %broadcast_in_dim3A_74 = vector.broadcast %broadcast_in_dim3A_73 : f32 to vector<16xf32>
      %swap3A_75 = arith.index_cast %add3A_59 : i32 to index
      %swap3A_76 = arith.constant 48 : index
      %swap3A_77 = tpu.vector_load %arg12[%swap3A_75, %swap3A_76] {strides = array<i32>} : memref<96x128xf32, #tpu.memory_space<vmem>>, vector<16xf32>,
      tpu.vector_store %arg12[%swap3A_75, %swap3A_76], %broadcast_in_dim3A_74 {strides = array<i32>} : memref<96x128xf32, #tpu.memory_space<vmem>>, vector<16xf32>,
      %broadcast_in_dim3A_78 = arith.constant 0.000000e+00 : f32
      %broadcast_in_dim3A_79 = vector.broadcast %broadcast_in_dim3A_78 : f32 to vector<16xf32>
      %swap3A_80 = arith.index_cast %add3A_59 : i32 to index
      %swap3A_81 = arith.constant 64 : index
      %swap3A_82 = tpu.vector_load %arg12[%swap3A_80, %swap3A_81] {strides = array<i32>} : memref<96x128xf32, #tpu.memory_space<vmem>>, vector<16xf32>,
      tpu.vector_store %arg12[%swap3A_80, %swap3A_81], %broadcast_in_dim3A_79 {strides = array<i32>} : memref<96x128xf32, #tpu.memory_space<vmem>>, vector<16xf32>,
      %broadcast_in_dim3A_83 = arith.constant 0.000000e+00 : f32
      %broadcast_in_dim3A_84 = vector.broadcast %broadcast_in_dim3A_83 : f32 to vector<16xf32>
      %swap3A_85 = arith.index_cast %add3A_59 : i32 to index
      %swap3A_86 = arith.constant 80 : index
      %swap3A_87 = tpu.vector_load %arg12[%swap3A_85, %swap3A_86] {strides = array<i32>} : memref<96x128xf32, #tpu.memory_space<vmem>>, vector<16xf32>,
      tpu.vector_store %arg12[%swap3A_85, %swap3A_86], %broadcast_in_dim3A_84 {strides = array<i32>} : memref<96x128xf32, #tpu.memory_space<vmem>>, vector<16xf32>,
      %broadcast_in_dim3A_88 = arith.constant 0.000000e+00 : f32
      %broadcast_in_dim3A_89 = vector.broadcast %broadcast_in_dim3A_88 : f32 to vector<16xf32>
      %swap3A_90 = arith.index_cast %add3A_59 : i32 to index
      %swap3A_91 = arith.constant 96 : index
      %swap3A_92 = tpu.vector_load %arg12[%swap3A_90, %swap3A_91] {strides = array<i32>} : memref<96x128xf32, #tpu.memory_space<vmem>>, vector<16xf32>,
      tpu.vector_store %arg12[%swap3A_90, %swap3A_91], %broadcast_in_dim3A_89 {strides = array<i32>} : memref<96x128xf32, #tpu.memory_space<vmem>>, vector<16xf32>,
      %broadcast_in_dim3A_93 = arith.constant 0.000000e+00 : f32
      %broadcast_in_dim3A_94 = vector.broadcast %broadcast_in_dim3A_93 : f32 to vector<16xf32>
      %swap3A_95 = arith.index_cast %add3A_59 : i32 to index
      %swap3A_96 = arith.constant 112 : index
      %swap3A_97 = tpu.vector_load %arg12[%swap3A_95, %swap3A_96] {strides = array<i32>} : memref<96x128xf32, #tpu.memory_space<vmem>>, vector<16xf32>,
      tpu.vector_store %arg12[%swap3A_95, %swap3A_96], %broadcast_in_dim3A_94 {strides = array<i32>} : memref<96x128xf32, #tpu.memory_space<vmem>>, vector<16xf32>,
    }
    %scan3A_4 = arith.constant 96 : i32
    %scan3A_5 = arith.constant 0 : i32
    %scan3A_6 = arith.constant 80 : i32
    %scan3A_7 = arith.addi %scan3A_5, %scan3A_6 : i32
    %scan3A_8 = arith.constant 1 : i32
    scf.for %scan3A_55 = %scan3A_5 to %scan3A_7 step %scan3A_8  : i32 {
      %mul3A_56 = arith.constant 1 : i32
      %mul3A_57 = arith.muli %scan3A_55, %mul3A_56 : i32
      %add3A_58 = arith.constant 0 : i32
      %add3A_59 = arith.addi %add3A_58, %mul3A_57 : i32
      %broadcast_in_dim3A = arith.constant 0.000000e+00 : f32
      %broadcast_in_dim3A_60 = vector.broadcast %broadcast_in_dim3A : f32 to vector<16xf32>
      %swap3A = arith.index_cast %add3A_59 : i32 to index
      %swap3A_61 = arith.constant 0 : index
      %swap3A_62 = tpu.vector_load %arg15[%swap3A, %swap3A_61] {strides = array<i32>} : memref<80x128xf32, #tpu.memory_space<vmem>>, vector<16xf32>,
      tpu.vector_store %arg15[%swap3A, %swap3A_61], %broadcast_in_dim3A_60 {strides = array<i32>} : memref<80x128xf32, #tpu.memory_space<vmem>>, vector<16xf32>,
      %broadcast_in_dim3A_63 = arith.constant 0.000000e+00 : f32
      %broadcast_in_dim3A_64 = vector.broadcast %broadcast_in_dim3A_63 : f32 to vector<16xf32>
      %swap3A_65 = arith.index_cast %add3A_59 : i32 to index
      %swap3A_66 = arith.constant 16 : index
      %swap3A_67 = tpu.vector_load %arg15[%swap3A_65, %swap3A_66] {strides = array<i32>} : memref<80x128xf32, #tpu.memory_space<vmem>>, vector<16xf32>,
      tpu.vector_store %arg15[%swap3A_65, %swap3A_66], %broadcast_in_dim3A_64 {strides = array<i32>} : memref<80x128xf32, #tpu.memory_space<vmem>>, vector<16xf32>,
      %broadcast_in_dim3A_68 = arith.constant 0.000000e+00 : f32
      %broadcast_in_dim3A_69 = vector.broadcast %broadcast_in_dim3A_68 : f32 to vector<16xf32>
      %swap3A_70 = arith.index_cast %add3A_59 : i32 to index
      %swap3A_71 = arith.constant 32 : index
      %swap3A_72 = tpu.vector_load %arg15[%swap3A_70, %swap3A_71] {strides = array<i32>} : memref<80x128xf32, #tpu.memory_space<vmem>>, vector<16xf32>,
      tpu.vector_store %arg15[%swap3A_70, %swap3A_71], %broadcast_in_dim3A_69 {strides = array<i32>} : memref<80x128xf32, #tpu.memory_space<vmem>>, vector<16xf32>,
      %broadcast_in_dim3A_73 = arith.constant 0.000000e+00 : f32
      %broadcast_in_dim3A_74 = vector.broadcast %broadcast_in_dim3A_73 : f32 to vector<16xf32>
      %swap3A_75 = arith.index_cast %add3A_59 : i32 to index
      %swap3A_76 = arith.constant 48 : index
      %swap3A_77 = tpu.vector_load %arg15[%swap3A_75, %swap3A_76] {strides = array<i32>} : memref<80x128xf32, #tpu.memory_space<vmem>>, vector<16xf32>,
      tpu.vector_store %arg15[%swap3A_75, %swap3A_76], %broadcast_in_dim3A_74 {strides = array<i32>} : memref<80x128xf32, #tpu.memory_space<vmem>>, vector<16xf32>,
      %broadcast_in_dim3A_78 = arith.constant 0.000000e+00 : f32
      %broadcast_in_dim3A_79 = vector.broadcast %broadcast_in_dim3A_78 : f32 to vector<16xf32>
      %swap3A_80 = arith.index_cast %add3A_59 : i32 to index
      %swap3A_81 = arith.constant 64 : index
      %swap3A_82 = tpu.vector_load %arg15[%swap3A_80, %swap3A_81] {strides = array<i32>} : memref<80x128xf32, #tpu.memory_space<vmem>>, vector<16xf32>,
      tpu.vector_store %arg15[%swap3A_80, %swap3A_81], %broadcast_in_dim3A_79 {strides = array<i32>} : memref<80x128xf32, #tpu.memory_space<vmem>>, vector<16xf32>,
      %broadcast_in_dim3A_83 = arith.constant 0.000000e+00 : f32
      %broadcast_in_dim3A_84 = vector.broadcast %broadcast_in_dim3A_83 : f32 to vector<16xf32>
      %swap3A_85 = arith.index_cast %add3A_59 : i32 to index
      %swap3A_86 = arith.constant 80 : index
      %swap3A_87 = tpu.vector_load %arg15[%swap3A_85, %swap3A_86] {strides = array<i32>} : memref<80x128xf32, #tpu.memory_space<vmem>>, vector<16xf32>,
      tpu.vector_store %arg15[%swap3A_85, %swap3A_86], %broadcast_in_dim3A_84 {strides = array<i32>} : memref<80x128xf32, #tpu.memory_space<vmem>>, vector<16xf32>,
      %broadcast_in_dim3A_88 = arith.constant 0.000000e+00 : f32
      %broadcast_in_dim3A_89 = vector.broadcast %broadcast_in_dim3A_88 : f32 to vector<16xf32>
      %swap3A_90 = arith.index_cast %add3A_59 : i32 to index
      %swap3A_91 = arith.constant 96 : index
      %swap3A_92 = tpu.vector_load %arg15[%swap3A_90, %swap3A_91] {strides = array<i32>} : memref<80x128xf32, #tpu.memory_space<vmem>>, vector<16xf32>,
      tpu.vector_store %arg15[%swap3A_90, %swap3A_91], %broadcast_in_dim3A_89 {strides = array<i32>} : memref<80x128xf32, #tpu.memory_space<vmem>>, vector<16xf32>,
      %broadcast_in_dim3A_93 = arith.constant 0.000000e+00 : f32
      %broadcast_in_dim3A_94 = vector.broadcast %broadcast_in_dim3A_93 : f32 to vector<16xf32>
      %swap3A_95 = arith.index_cast %add3A_59 : i32 to index
      %swap3A_96 = arith.constant 112 : index
      %swap3A_97 = tpu.vector_load %arg15[%swap3A_95, %swap3A_96] {strides = array<i32>} : memref<80x128xf32, #tpu.memory_space<vmem>>, vector<16xf32>,
      tpu.vector_store %arg15[%swap3A_95, %swap3A_96], %broadcast_in_dim3A_94 {strides = array<i32>} : memref<80x128xf32, #tpu.memory_space<vmem>>, vector<16xf32>,
    }
    %scan3A_9 = arith.constant 80 : i32
    %mul3A_10 = arith.constant 640 : i32
    %mul3A_11 = arith.muli %arg1, %mul3A_10 : i32
    %scan3A_12 = arith.constant 0 : i32
    %scan3A_13 = arith.constant 6 : i32
    %scan3A_14 = arith.addi %scan3A_12, %scan3A_13 : i32
    %scan3A_15 = arith.constant 1 : i32
    scf.for %scan3A_55 = %scan3A_12 to %scan3A_14 step %scan3A_15  : i32 {
      %mul3A_56 = arith.constant 1 : i32
      %mul3A_57 = arith.muli %scan3A_55, %mul3A_56 : i32
      %add3A_58 = arith.constant 0 : i32
      %add3A_59 = arith.addi %add3A_58, %mul3A_57 : i32
      %mul3A_60 = arith.constant 96 : i32
      %mul3A_61 = arith.muli %add3A_59, %mul3A_60 : i32
      %add3A_62 = arith.addi %mul3A_11, %mul3A_61 : i32
      "tpu.region"() ({
        %run_scoped3A = tpu.sem_alloc : memref<!tpu.dma_semaphore, #tpu.memory_space<semaphore_mem>>
        %dma_start3A_63 = arith.constant 0 : i32
        %dma_start3A_64 = tpu.memref_slice %arg16[%add3A_62, %dma_start3A_63] : memref<10240x128xf32, #tpu.memory_space<vmem_shared>> -> memref<96x128xf32, #tpu.memory_space<vmem_shared>>
        %dma_start3A_65 = arith.constant 0 : i32
        %dma_start3A_66 = tpu.memref_slice %arg16[%add3A_62, %dma_start3A_65] : memref<10240x128xf32, #tpu.memory_space<vmem_shared>> -> memref<96x128xf32, #tpu.memory_space<vmem_shared>>
        tpu.enqueue_dma source(%arg12 : memref<96x128xf32, #tpu.memory_space<vmem>>) target(%dma_start3A_66 : memref<96x128xf32, #tpu.memory_space<vmem_shared>>) target_semaphore(%run_scoped3A : memref<!tpu.dma_semaphore, #tpu.memory_space<semaphore_mem>>)
        %dma_wait3A_67 = arith.constant 0 : i32
        %dma_wait3A_68 = tpu.memref_slice %arg16[%add3A_62, %dma_wait3A_67] : memref<10240x128xf32, #tpu.memory_space<vmem_shared>> -> memref<96x128xf32, #tpu.memory_space<vmem_shared>>
        %dma_wait3A_69 = arith.constant 0 : i32
        %dma_wait3A_70 = tpu.memref_slice %arg16[%add3A_62, %dma_wait3A_69] : memref<10240x128xf32, #tpu.memory_space<vmem_shared>> -> memref<96x128xf32, #tpu.memory_space<vmem_shared>>
        tpu.wait_dma2 semaphore(%run_scoped3A : memref<!tpu.dma_semaphore, #tpu.memory_space<semaphore_mem>>) src(%arg12 : memref<96x128xf32, #tpu.memory_space<vmem>>) dst(%dma_wait3A_70 : memref<96x128xf32, #tpu.memory_space<vmem_shared>>)
        tpu.yield
      }) : () -> ()
    }
    %scan3A_16 = arith.constant 6 : i32
    %add3A_17 = arith.constant 576 : i32
    %add3A_18 = arith.addi %mul3A_11, %add3A_17 : i32
    "tpu.region"() ({
      %run_scoped3A = tpu.sem_alloc : memref<!tpu.dma_semaphore, #tpu.memory_space<semaphore_mem>>
      %dma_start3A_55 = arith.constant 0 : i32
      %dma_start3A_56 = arith.constant 0 : i32
      %dma_start3A_57 = tpu.memref_slice %arg12[%dma_start3A_55, %dma_start3A_56] : memref<96x128xf32, #tpu.memory_space<vmem>> -> memref<64x128xf32, #tpu.memory_space<vmem>>
      %dma_start3A_58 = arith.constant 0 : i32
      %dma_start3A_59 = tpu.memref_slice %arg16[%add3A_18, %dma_start3A_58] : memref<10240x128xf32, #tpu.memory_space<vmem_shared>> -> memref<64x128xf32, #tpu.memory_space<vmem_shared>>
      %dma_start3A_60 = arith.constant 0 : i32
      %dma_start3A_61 = tpu.memref_slice %arg16[%add3A_18, %dma_start3A_60] : memref<10240x128xf32, #tpu.memory_space<vmem_shared>> -> memref<64x128xf32, #tpu.memory_space<vmem_shared>>
      %dma_start3A_62 = arith.constant 0 : i32
      %dma_start3A_63 = arith.constant 0 : i32
      %dma_start3A_64 = tpu.memref_slice %arg12[%dma_start3A_62, %dma_start3A_63] : memref<96x128xf32, #tpu.memory_space<vmem>> -> memref<64x128xf32, #tpu.memory_space<vmem>>
      tpu.enqueue_dma source(%dma_start3A_64 : memref<64x128xf32, #tpu.memory_space<vmem>>) target(%dma_start3A_61 : memref<64x128xf32, #tpu.memory_space<vmem_shared>>) target_semaphore(%run_scoped3A : memref<!tpu.dma_semaphore, #tpu.memory_space<semaphore_mem>>)
      %dma_wait3A_65 = arith.constant 0 : i32
      %dma_wait3A_66 = arith.constant 0 : i32
      %dma_wait3A_67 = tpu.memref_slice %arg12[%dma_wait3A_65, %dma_wait3A_66] : memref<96x128xf32, #tpu.memory_space<vmem>> -> memref<64x128xf32, #tpu.memory_space<vmem>>
      %dma_wait3A_68 = arith.constant 0 : i32
      %dma_wait3A_69 = tpu.memref_slice %arg16[%add3A_18, %dma_wait3A_68] : memref<10240x128xf32, #tpu.memory_space<vmem_shared>> -> memref<64x128xf32, #tpu.memory_space<vmem_shared>>
      %dma_wait3A_70 = arith.constant 0 : i32
      %dma_wait3A_71 = tpu.memref_slice %arg16[%add3A_18, %dma_wait3A_70] : memref<10240x128xf32, #tpu.memory_space<vmem_shared>> -> memref<64x128xf32, #tpu.memory_space<vmem_shared>>
      %dma_wait3A_72 = arith.constant 0 : i32
      %dma_wait3A_73 = arith.constant 0 : i32
      %dma_wait3A_74 = tpu.memref_slice %arg12[%dma_wait3A_72, %dma_wait3A_73] : memref<96x128xf32, #tpu.memory_space<vmem>> -> memref<64x128xf32, #tpu.memory_space<vmem>>
      tpu.wait_dma2 semaphore(%run_scoped3A : memref<!tpu.dma_semaphore, #tpu.memory_space<semaphore_mem>>) src(%dma_wait3A_74 : memref<64x128xf32, #tpu.memory_space<vmem>>) dst(%dma_wait3A_71 : memref<64x128xf32, #tpu.memory_space<vmem_shared>>)
      tpu.yield
    }) : () -> ()
    %mul3A_19 = arith.constant 105 : i32
    %mul3A_20 = arith.muli %add3A, %mul3A_19 : i32
    %mul3A_21 = arith.constant 288 : i32
    %mul3A_22 = arith.muli %mul3A_20, %mul3A_21 : i32
    %dma_start3A = tpu.memref_slice %arg3[%mul3A_22] : memref<967680xi32, #tpu.memory_space<hbm>> -> memref<288xi32, #tpu.memory_space<hbm>>
    %dma_start3A_23 = tpu.memref_slice %arg3[%mul3A_22] : memref<967680xi32, #tpu.memory_space<hbm>> -> memref<288xi32, #tpu.memory_space<hbm>>
    tpu.enqueue_dma source(%dma_start3A_23 : memref<288xi32, #tpu.memory_space<hbm>>) target(%arg6 : memref<288xi32, #tpu.memory_space<vmem>>) target_semaphore(%arg17 : memref<!tpu.dma_semaphore, #tpu.memory_space<semaphore_mem>>)
    %add3A_24 = arith.constant 1 : i32
    %add3A_25 = arith.addi %mul3A_20, %add3A_24 : i32
    %mul3A_26 = arith.constant 288 : i32
    %mul3A_27 = arith.muli %add3A_25, %mul3A_26 : i32
    %dma_start3A_28 = tpu.memref_slice %arg3[%mul3A_27] : memref<967680xi32, #tpu.memory_space<hbm>> -> memref<288xi32, #tpu.memory_space<hbm>>
    %dma_start3A_29 = tpu.memref_slice %arg3[%mul3A_27] : memref<967680xi32, #tpu.memory_space<hbm>> -> memref<288xi32, #tpu.memory_space<hbm>>
    tpu.enqueue_dma source(%dma_start3A_29 : memref<288xi32, #tpu.memory_space<hbm>>) target(%arg7 : memref<288xi32, #tpu.memory_space<vmem>>) target_semaphore(%arg18 : memref<!tpu.dma_semaphore, #tpu.memory_space<semaphore_mem>>)
    %dma_wait3A = arith.constant 0 : i32
    %dma_wait3A_30 = tpu.memref_slice %arg3[%dma_wait3A] : memref<967680xi32, #tpu.memory_space<hbm>> -> memref<288xi32, #tpu.memory_space<hbm>>
    %dma_wait3A_31 = arith.constant 0 : i32
    %dma_wait3A_32 = tpu.memref_slice %arg3[%dma_wait3A_31] : memref<967680xi32, #tpu.memory_space<hbm>> -> memref<288xi32, #tpu.memory_space<hbm>>
    tpu.wait_dma2 semaphore(%arg17 : memref<!tpu.dma_semaphore, #tpu.memory_space<semaphore_mem>>) src(%dma_wait3A_32 : memref<288xi32, #tpu.memory_space<hbm>>) dst(%arg6 : memref<288xi32, #tpu.memory_space<vmem>>)
    %dma_start3A_33 = arith.constant 0 : i32
    %dma_start3A_34 = tpu.memref_slice %arg6[%dma_start3A_33] : memref<288xi32, #tpu.memory_space<vmem>> -> memref<96xi32, #tpu.memory_space<vmem>>
    %dma_start3A_35 = arith.constant 0 : i32
    %dma_start3A_36 = arith.constant 0 : i32
    %dma_start3A_37 = tpu.memref_slice %arg2[%dma_start3A_35, %dma_start3A_36] : memref<10000x128xf32, #tpu.memory_space<hbm>> -> memref<10000x128xf32, #tpu.memory_space<hbm>>
    tpu.enqueue_indirect_dma source(%dma_start3A_37 : memref<10000x128xf32, #tpu.memory_space<hbm>>) target(%arg12 : memref<96x128xf32, #tpu.memory_space<vmem>>) offsets(%dma_start3A_34 : memref<96xi32, #tpu.memory_space<vmem>>) semaphore(%arg20 : memref<!tpu.dma_semaphore, #tpu.memory_space<semaphore_mem>>)
    %barrier3A = arith.constant 0 : index
    tpu.barrier barrier_id(%barrier3A)
    %scan3A_38 = arith.constant 0 : i32
    %scan3A_39 = arith.constant 35 : i32
    %scan3A_40 = arith.addi %scan3A_38, %scan3A_39 : i32
    %scan3A_41 = arith.constant 1 : i32
    scf.for %scan3A_55 = %scan3A_38 to %scan3A_40 step %scan3A_41  : i32 {
      %mul3A_56 = arith.constant 1 : i32
      %mul3A_57 = arith.muli %scan3A_55, %mul3A_56 : i32
      %add3A_58 = arith.constant 0 : i32
      %add3A_59 = arith.addi %add3A_58, %mul3A_57 : i32
      %mul3A_60 = arith.constant 3 : i32
      %mul3A_61 = arith.muli %add3A_59, %mul3A_60 : i32
      %add3A_62 = arith.constant 0 : i32
      %add3A_63 = arith.addi %mul3A_61, %add3A_62 : i32
      %ge3A = arith.constant 2 : i32
      %ge3A_64 = arith.cmpi sge, %add3A_63, %ge3A : i32
      %convert_element_type3A = arith.extui %ge3A_64 : i1 to i32
      %cond3A = arith.constant 0 : i32
      %cond3A_65 = arith.cmpi ne, %convert_element_type3A, %cond3A : i32
      scf.if %cond3A_65 {
        %dma_wait3A_152 = arith.constant 0 : i32
        %dma_wait3A_153 = arith.constant 0 : i32
        %dma_wait3A_154 = tpu.memref_slice %arg16[%dma_wait3A_152, %dma_wait3A_153] : memref<10240x128xf32, #tpu.memory_space<vmem_shared>> -> memref<10240x128xf32, #tpu.memory_space<vmem_shared>>
        tpu.wait_indirect_dma semaphore(%arg24 : memref<!tpu.dma_semaphore, #tpu.memory_space<semaphore_mem>>) src(%arg13 : memref<96x128xf32, #tpu.memory_space<vmem>>) dst(%dma_wait3A_154 : memref<10240x128xf32, #tpu.memory_space<vmem_shared>>)
      } else {
      }
      %le3A = arith.constant 102 : i32
      %le3A_66 = arith.cmpi sle, %add3A_63, %le3A : i32
      %convert_element_type3A_67 = arith.extui %le3A_66 : i1 to i32
      %cond3A_68 = arith.constant 0 : i32
      %cond3A_69 = arith.cmpi ne, %convert_element_type3A_67, %cond3A_68 : i32
      scf.if %cond3A_69 {
        %add3A_152 = arith.addi %mul3A_20, %add3A_63 : i32
        %add3A_153 = arith.constant 2 : i32
        %add3A_154 = arith.addi %add3A_152, %add3A_153 : i32
        %mul3A_155 = arith.constant 288 : i32
        %mul3A_156 = arith.muli %add3A_154, %mul3A_155 : i32
        %dma_start3A_157 = tpu.memref_slice %arg3[%mul3A_156] : memref<967680xi32, #tpu.memory_space<hbm>> -> memref<288xi32, #tpu.memory_space<hbm>>
        %dma_start3A_158 = tpu.memref_slice %arg3[%mul3A_156] : memref<967680xi32, #tpu.memory_space<hbm>> -> memref<288xi32, #tpu.memory_space<hbm>>
        tpu.enqueue_dma source(%dma_start3A_158 : memref<288xi32, #tpu.memory_space<hbm>>) target(%arg8 : memref<288xi32, #tpu.memory_space<vmem>>) target_semaphore(%arg19 : memref<!tpu.dma_semaphore, #tpu.memory_space<semaphore_mem>>)
      } else {
      }
      %le3A_70 = arith.constant 103 : i32
      %le3A_71 = arith.cmpi sle, %add3A_63, %le3A_70 : i32
      %convert_element_type3A_72 = arith.extui %le3A_71 : i1 to i32
      %cond3A_73 = arith.constant 0 : i32
      %cond3A_74 = arith.cmpi ne, %convert_element_type3A_72, %cond3A_73 : i32
      scf.if %cond3A_74 {
        %dma_wait3A_152 = arith.constant 0 : i32
        %dma_wait3A_153 = tpu.memref_slice %arg3[%dma_wait3A_152] : memref<967680xi32, #tpu.memory_space<hbm>> -> memref<288xi32, #tpu.memory_space<hbm>>
        %dma_wait3A_154 = arith.constant 0 : i32
        %dma_wait3A_155 = tpu.memref_slice %arg3[%dma_wait3A_154] : memref<967680xi32, #tpu.memory_space<hbm>> -> memref<288xi32, #tpu.memory_space<hbm>>
        tpu.wait_dma2 semaphore(%arg18 : memref<!tpu.dma_semaphore, #tpu.memory_space<semaphore_mem>>) src(%dma_wait3A_155 : memref<288xi32, #tpu.memory_space<hbm>>) dst(%arg7 : memref<288xi32, #tpu.memory_space<vmem>>)
        %dma_start3A_156 = arith.constant 0 : i32
        %dma_start3A_157 = tpu.memref_slice %arg7[%dma_start3A_156] : memref<288xi32, #tpu.memory_space<vmem>> -> memref<96xi32, #tpu.memory_space<vmem>>
        %dma_start3A_158 = arith.constant 0 : i32
        %dma_start3A_159 = arith.constant 0 : i32
        %dma_start3A_160 = tpu.memref_slice %arg2[%dma_start3A_158, %dma_start3A_159] : memref<10000x128xf32, #tpu.memory_space<hbm>> -> memref<10000x128xf32, #tpu.memory_space<hbm>>
        tpu.enqueue_indirect_dma source(%dma_start3A_160 : memref<10000x128xf32, #tpu.memory_space<hbm>>) target(%arg13 : memref<96x128xf32, #tpu.memory_space<vmem>>) offsets(%dma_start3A_157 : memref<96xi32, #tpu.memory_space<vmem>>) semaphore(%arg21 : memref<!tpu.dma_semaphore, #tpu.memory_space<semaphore_mem>>)
      } else {
      }
      %dma_wait3A_75 = arith.constant 0 : i32
      %dma_wait3A_76 = tpu.memref_slice %arg6[%dma_wait3A_75] : memref<288xi32, #tpu.memory_space<vmem>> -> memref<96xi32, #tpu.memory_space<vmem>>
      %dma_wait3A_77 = arith.constant 0 : i32
      %dma_wait3A_78 = arith.constant 0 : i32
      %dma_wait3A_79 = tpu.memref_slice %arg2[%dma_wait3A_77, %dma_wait3A_78] : memref<10000x128xf32, #tpu.memory_space<hbm>> -> memref<10000x128xf32, #tpu.memory_space<hbm>>
      tpu.wait_indirect_dma semaphore(%arg20 : memref<!tpu.dma_semaphore, #tpu.memory_space<semaphore_mem>>) src(%dma_wait3A_79 : memref<10000x128xf32, #tpu.memory_space<hbm>>) dst(%arg12 : memref<96x128xf32, #tpu.memory_space<vmem>>)
      %scan3A_80 = arith.constant 0 : i32
      %scan3A_81 = arith.constant 6 : i32
      %scan3A_82 = arith.addi %scan3A_80, %scan3A_81 : i32
      %scan3A_83 = arith.constant 1 : i32
      scf.for %scan3A_152 = %scan3A_80 to %scan3A_82 step %scan3A_83  : i32 {
        %mul3A_153 = arith.constant 1 : i32
        %mul3A_154 = arith.muli %scan3A_152, %mul3A_153 : i32
        %add3A_155 = arith.constant 0 : i32
        %add3A_156 = arith.addi %add3A_155, %mul3A_154 : i32
        %mul3A_157 = arith.constant 16 : i32
        %mul3A_158 = arith.muli %add3A_156, %mul3A_157 : i32
        %add3A_159 = arith.constant 96 : i32
        %add3A_160 = arith.addi %add3A_159, %mul3A_158 : i32
        %get3A = arith.index_cast %add3A_160 : i32 to index
        %get3A_161 = tpu.vector_load %arg6[%get3A] {strides = array<i32>} : memref<288xi32, #tpu.memory_space<vmem>>, vector<16xi32>,
        %mul3A_162 = arith.constant 16 : i32
        %mul3A_163 = arith.muli %add3A_156, %mul3A_162 : i32
        %swap3A = arith.index_cast %mul3A_163 : i32 to index
        %swap3A_164 = tpu.vector_load %arg9[%swap3A] {strides = array<i32>} : memref<96xi32, #tpu.memory_space<vmem>>, vector<16xi32>,
        tpu.vector_store %arg9[%swap3A], %get3A_161 {strides = array<i32>} : memref<96xi32, #tpu.memory_space<vmem>>, vector<16xi32>,
        %mul3A_165 = arith.constant 16 : i32
        %mul3A_166 = arith.muli %add3A_156, %mul3A_165 : i32
        %add3A_167 = arith.constant 192 : i32
        %add3A_168 = arith.addi %add3A_167, %mul3A_166 : i32
        %get3A_169 = arith.index_cast %add3A_168 : i32 to index
        %get3A_170 = tpu.vector_load %arg6[%get3A_169] {strides = array<i32>} : memref<288xi32, #tpu.memory_space<vmem>>, vector<16xi32>,
        %bitcast3A = vector.bitcast %get3A_170 : vector<16xi32> to vector<16xf32>
        %exp3A = math.exp %bitcast3A : vector<16xf32>
        %shift_right_logical3A = arith.constant 7 : i32
        %shift_right_logical3A_171 = vector.broadcast %shift_right_logical3A : i32 to vector<16xi32>
        %shift_right_logical3A_172 = arith.shrui %get3A_161, %shift_right_logical3A_171 : vector<16xi32>
        %and3A = arith.constant 127 : i32
        %and3A_173 = vector.broadcast %and3A : i32 to vector<16xi32>
        %and3A_174 = arith.andi %get3A_161, %and3A_173 : vector<16xi32>
        tpu.vector_store_idx %arg15[%shift_right_logical3A_172, %and3A_174], %exp3A {add = true} : memref<80x128xf32, #tpu.memory_space<vmem>>[vector<16xi32>, vector<16xi32>], vector<16xf32>,
        %mul3A_175 = arith.constant 16 : i32
        %mul3A_176 = arith.muli %add3A_156, %mul3A_175 : i32
        %add3A_177 = arith.constant 0 : i32
        %add3A_178 = arith.addi %mul3A_176, %add3A_177 : i32
        %slice3A = vector.extract_strided_slice %exp3A {offsets = [0], sizes = [1], strides = [1]} : vector<16xf32> to vector<1xf32>
        %squeeze3A = vector.extract %slice3A[0] : f32 from vector<1xf32>
        %broadcast_in_dim3A = vector.broadcast %squeeze3A : f32 to vector<16xf32>
        %get3A_179 = arith.index_cast %add3A_178 : i32 to index
        %get3A_180 = arith.constant 0 : index
        %get3A_181 = tpu.vector_load %arg12[%get3A_179, %get3A_180] {strides = array<i32>} : memref<96x128xf32, #tpu.memory_space<vmem>>, vector<16xf32>,
        %mul3A_182 = arith.mulf %get3A_181, %broadcast_in_dim3A : vector<16xf32>
        %swap3A_183 = arith.index_cast %add3A_178 : i32 to index
        %swap3A_184 = arith.constant 0 : index
        %swap3A_185 = tpu.vector_load %arg12[%swap3A_183, %swap3A_184] {strides = array<i32>} : memref<96x128xf32, #tpu.memory_space<vmem>>, vector<16xf32>,
        tpu.vector_store %arg12[%swap3A_183, %swap3A_184], %mul3A_182 {strides = array<i32>} : memref<96x128xf32, #tpu.memory_space<vmem>>, vector<16xf32>,
        %get3A_186 = arith.index_cast %add3A_178 : i32 to index
        %get3A_187 = arith.constant 16 : index
        %get3A_188 = tpu.vector_load %arg12[%get3A_186, %get3A_187] {strides = array<i32>} : memref<96x128xf32, #tpu.memory_space<vmem>>, vector<16xf32>,
        %mul3A_189 = arith.mulf %get3A_188, %broadcast_in_dim3A : vector<16xf32>
        %swap3A_190 = arith.index_cast %add3A_178 : i32 to index
        %swap3A_191 = arith.constant 16 : index
        %swap3A_192 = tpu.vector_load %arg12[%swap3A_190, %swap3A_191] {strides = array<i32>} : memref<96x128xf32, #tpu.memory_space<vmem>>, vector<16xf32>,
        tpu.vector_store %arg12[%swap3A_190, %swap3A_191], %mul3A_189 {strides = array<i32>} : memref<96x128xf32, #tpu.memory_space<vmem>>, vector<16xf32>,
        %get3A_193 = arith.index_cast %add3A_178 : i32 to index
        %get3A_194 = arith.constant 32 : index
        %get3A_195 = tpu.vector_load %arg12[%get3A_193, %get3A_194] {strides = array<i32>} : memref<96x128xf32, #tpu.memory_space<vmem>>, vector<16xf32>,
        %mul3A_196 = arith.mulf %get3A_195, %broadcast_in_dim3A : vector<16xf32>
        %swap3A_197 = arith.index_cast %add3A_178 : i32 to index
        %swap3A_198 = arith.constant 32 : index
        %swap3A_199 = tpu.vector_load %arg12[%swap3A_197, %swap3A_198] {strides = array<i32>} : memref<96x128xf32, #tpu.memory_space<vmem>>, vector<16xf32>,
        tpu.vector_store %arg12[%swap3A_197, %swap3A_198], %mul3A_196 {strides = array<i32>} : memref<96x128xf32, #tpu.memory_space<vmem>>, vector<16xf32>,
        %get3A_200 = arith.index_cast %add3A_178 : i32 to index
        %get3A_201 = arith.constant 48 : index
        %get3A_202 = tpu.vector_load %arg12[%get3A_200, %get3A_201] {strides = array<i32>} : memref<96x128xf32, #tpu.memory_space<vmem>>, vector<16xf32>,
        %mul3A_203 = arith.mulf %get3A_202, %broadcast_in_dim3A : vector<16xf32>
        %swap3A_204 = arith.index_cast %add3A_178 : i32 to index
        %swap3A_205 = arith.constant 48 : index
        %swap3A_206 = tpu.vector_load %arg12[%swap3A_204, %swap3A_205] {strides = array<i32>} : memref<96x128xf32, #tpu.memory_space<vmem>>, vector<16xf32>,
        tpu.vector_store %arg12[%swap3A_204, %swap3A_205], %mul3A_203 {strides = array<i32>} : memref<96x128xf32, #tpu.memory_space<vmem>>, vector<16xf32>,
        %get3A_207 = arith.index_cast %add3A_178 : i32 to index
        %get3A_208 = arith.constant 64 : index
        %get3A_209 = tpu.vector_load %arg12[%get3A_207, %get3A_208] {strides = array<i32>} : memref<96x128xf32, #tpu.memory_space<vmem>>, vector<16xf32>,
        %mul3A_210 = arith.mulf %get3A_209, %broadcast_in_dim3A : vector<16xf32>
        %swap3A_211 = arith.index_cast %add3A_178 : i32 to index
        %swap3A_212 = arith.constant 64 : index
        %swap3A_213 = tpu.vector_load %arg12[%swap3A_211, %swap3A_212] {strides = array<i32>} : memref<96x128xf32, #tpu.memory_space<vmem>>, vector<16xf32>,
        tpu.vector_store %arg12[%swap3A_211, %swap3A_212], %mul3A_210 {strides = array<i32>} : memref<96x128xf32, #tpu.memory_space<vmem>>, vector<16xf32>,
        %get3A_214 = arith.index_cast %add3A_178 : i32 to index
        %get3A_215 = arith.constant 80 : index
        %get3A_216 = tpu.vector_load %arg12[%get3A_214, %get3A_215] {strides = array<i32>} : memref<96x128xf32, #tpu.memory_space<vmem>>, vector<16xf32>,
        %mul3A_217 = arith.mulf %get3A_216, %broadcast_in_dim3A : vector<16xf32>
        %swap3A_218 = arith.index_cast %add3A_178 : i32 to index
        %swap3A_219 = arith.constant 80 : index
        %swap3A_220 = tpu.vector_load %arg12[%swap3A_218, %swap3A_219] {strides = array<i32>} : memref<96x128xf32, #tpu.memory_space<vmem>>, vector<16xf32>,
        tpu.vector_store %arg12[%swap3A_218, %swap3A_219], %mul3A_217 {strides = array<i32>} : memref<96x128xf32, #tpu.memory_space<vmem>>, vector<16xf32>,
        %get3A_221 = arith.index_cast %add3A_178 : i32 to index
        %get3A_222 = arith.constant 96 : index
        %get3A_223 = tpu.vector_load %arg12[%get3A_221, %get3A_222] {strides = array<i32>} : memref<96x128xf32, #tpu.memory_space<vmem>>, vector<16xf32>,
        %mul3A_224 = arith.mulf %get3A_223, %broadcast_in_dim3A : vector<16xf32>
        %swap3A_225 = arith.index_cast %add3A_178 : i32 to index
        %swap3A_226 = arith.constant 96 : index
        %swap3A_227 = tpu.vector_load %arg12[%swap3A_225, %swap3A_226] {strides = array<i32>} : memref<96x128xf32, #tpu.memory_space<vmem>>, vector<16xf32>,
        tpu.vector_store %arg12[%swap3A_225, %swap3A_226], %mul3A_224 {strides = array<i32>} : memref<96x128xf32, #tpu.memory_space<vmem>>, vector<16xf32>,
        %get3A_228 = arith.index_cast %add3A_178 : i32 to index
        %get3A_229 = arith.constant 112 : index
        %get3A_230 = tpu.vector_load %arg12[%get3A_228, %get3A_229] {strides = array<i32>} : memref<96x128xf32, #tpu.memory_space<vmem>>, vector<16xf32>,
        %mul3A_231 = arith.mulf %get3A_230, %broadcast_in_dim3A : vector<16xf32>
        %swap3A_232 = arith.index_cast %add3A_178 : i32 to index
        %swap3A_233 = arith.constant 112 : index
        %swap3A_234 = tpu.vector_load %arg12[%swap3A_232, %swap3A_233] {strides = array<i32>} : memref<96x128xf32, #tpu.memory_space<vmem>>, vector<16xf32>,
        tpu.vector_store %arg12[%swap3A_232, %swap3A_233], %mul3A_231 {strides = array<i32>} : memref<96x128xf32, #tpu.memory_space<vmem>>, vector<16xf32>,
        %mul3A_235 = arith.constant 16 : i32
        %mul3A_236 = arith.muli %add3A_156, %mul3A_235 : i32
        %add3A_237 = arith.constant 1 : i32
        %add3A_238 = arith.addi %mul3A_236, %add3A_237 : i32
        %slice3A_239 = vector.extract_strided_slice %exp3A {offsets = [1], sizes = [1], strides = [1]} : vector<16xf32> to vector<1xf32>
        %squeeze3A_240 = vector.extract %slice3A_239[0] : f32 from vector<1xf32>
        %broadcast_in_dim3A_241 = vector.broadcast %squeeze3A_240 : f32 to vector<16xf32>
        %get3A_242 = arith.index_cast %add3A_238 : i32 to index
        %get3A_243 = arith.constant 0 : index
        %get3A_244 = tpu.vector_load %arg12[%get3A_242, %get3A_243] {strides = array<i32>} : memref<96x128xf32, #tpu.memory_space<vmem>>, vector<16xf32>,
        %mul3A_245 = arith.mulf %get3A_244, %broadcast_in_dim3A_241 : vector<16xf32>
        %swap3A_246 = arith.index_cast %add3A_238 : i32 to index
        %swap3A_247 = arith.constant 0 : index
        %swap3A_248 = tpu.vector_load %arg12[%swap3A_246, %swap3A_247] {strides = array<i32>} : memref<96x128xf32, #tpu.memory_space<vmem>>, vector<16xf32>,
        tpu.vector_store %arg12[%swap3A_246, %swap3A_247], %mul3A_245 {strides = array<i32>} : memref<96x128xf32, #tpu.memory_space<vmem>>, vector<16xf32>,
        %get3A_249 = arith.index_cast %add3A_238 : i32 to index
        %get3A_250 = arith.constant 16 : index
        %get3A_251 = tpu.vector_load %arg12[%get3A_249, %get3A_250] {strides = array<i32>} : memref<96x128xf32, #tpu.memory_space<vmem>>, vector<16xf32>,
        %mul3A_252 = arith.mulf %get3A_251, %broadcast_in_dim3A_241 : vector<16xf32>
        %swap3A_253 = arith.index_cast %add3A_238 : i32 to index
        %swap3A_254 = arith.constant 16 : index
        %swap3A_255 = tpu.vector_load %arg12[%swap3A_253, %swap3A_254] {strides = array<i32>} : memref<96x128xf32, #tpu.memory_space<vmem>>, vector<16xf32>,
        tpu.vector_store %arg12[%swap3A_253, %swap3A_254], %mul3A_252 {strides = array<i32>} : memref<96x128xf32, #tpu.memory_space<vmem>>, vector<16xf32>,
        %get3A_256 = arith.index_cast %add3A_238 : i32 to index
        %get3A_257 = arith.constant 32 : index
        %get3A_258 = tpu.vector_load %arg12[%get3A_256, %get3A_257] {strides = array<i32>} : memref<96x128xf32, #tpu.memory_space<vmem>>, vector<16xf32>,
        %mul3A_259 = arith.mulf %get3A_258, %broadcast_in_dim3A_241 : vector<16xf32>
        %swap3A_260 = arith.index_cast %add3A_238 : i32 to index
        %swap3A_261 = arith.constant 32 : index
        %swap3A_262 = tpu.vector_load %arg12[%swap3A_260, %swap3A_261] {strides = array<i32>} : memref<96x128xf32, #tpu.memory_space<vmem>>, vector<16xf32>,
        tpu.vector_store %arg12[%swap3A_260, %swap3A_261], %mul3A_259 {strides = array<i32>} : memref<96x128xf32, #tpu.memory_space<vmem>>, vector<16xf32>,
        %get3A_263 = arith.index_cast %add3A_238 : i32 to index
        %get3A_264 = arith.constant 48 : index
        %get3A_265 = tpu.vector_load %arg12[%get3A_263, %get3A_264] {strides = array<i32>} : memref<96x128xf32, #tpu.memory_space<vmem>>, vector<16xf32>,
        %mul3A_266 = arith.mulf %get3A_265, %broadcast_in_dim3A_241 : vector<16xf32>
        %swap3A_267 = arith.index_cast %add3A_238 : i32 to index
        %swap3A_268 = arith.constant 48 : index
        %swap3A_269 = tpu.vector_load %arg12[%swap3A_267, %swap3A_268] {strides = array<i32>} : memref<96x128xf32, #tpu.memory_space<vmem>>, vector<16xf32>,
        tpu.vector_store %arg12[%swap3A_267, %swap3A_268], %mul3A_266 {strides = array<i32>} : memref<96x128xf32, #tpu.memory_space<vmem>>, vector<16xf32>,
        %get3A_270 = arith.index_cast %add3A_238 : i32 to index
        %get3A_271 = arith.constant 64 : index
        %get3A_272 = tpu.vector_load %arg12[%get3A_270, %get3A_271] {strides = array<i32>} : memref<96x128xf32, #tpu.memory_space<vmem>>, vector<16xf32>,
        %mul3A_273 = arith.mulf %get3A_272, %broadcast_in_dim3A_241 : vector<16xf32>
        %swap3A_274 = arith.index_cast %add3A_238 : i32 to index
        %swap3A_275 = arith.constant 64 : index
        %swap3A_276 = tpu.vector_load %arg12[%swap3A_274, %swap3A_275] {strides = array<i32>} : memref<96x128xf32, #tpu.memory_space<vmem>>, vector<16xf32>,
        tpu.vector_store %arg12[%swap3A_274, %swap3A_275], %mul3A_273 {strides = array<i32>} : memref<96x128xf32, #tpu.memory_space<vmem>>, vector<16xf32>,
        %get3A_277 = arith.index_cast %add3A_238 : i32 to index
        %get3A_278 = arith.constant 80 : index
        %get3A_279 = tpu.vector_load %arg12[%get3A_277, %get3A_278] {strides = array<i32>} : memref<96x128xf32, #tpu.memory_space<vmem>>, vector<16xf32>,
        %mul3A_280 = arith.mulf %get3A_279, %broadcast_in_dim3A_241 : vector<16xf32>
        %swap3A_281 = arith.index_cast %add3A_238 : i32 to index
        %swap3A_282 = arith.constant 80 : index
        %swap3A_283 = tpu.vector_load %arg12[%swap3A_281, %swap3A_282] {strides = array<i32>} : memref<96x128xf32, #tpu.memory_space<vmem>>, vector<16xf32>,
        tpu.vector_store %arg12[%swap3A_281, %swap3A_282], %mul3A_280 {strides = array<i32>} : memref<96x128xf32, #tpu.memory_space<vmem>>, vector<16xf32>,
        %get3A_284 = arith.index_cast %add3A_238 : i32 to index
        %get3A_285 = arith.constant 96 : index
        %get3A_286 = tpu.vector_load %arg12[%get3A_284, %get3A_285] {strides = array<i32>} : memref<96x128xf32, #tpu.memory_space<vmem>>, vector<16xf32>,
        %mul3A_287 = arith.mulf %get3A_286, %broadcast_in_dim3A_241 : vector<16xf32>
        %swap3A_288 = arith.index_cast %add3A_238 : i32 to index
        %swap3A_289 = arith.constant 96 : index
        %swap3A_290 = tpu.vector_load %arg12[%swap3A_288, %swap3A_289] {strides = array<i32>} : memref<96x128xf32, #tpu.memory_space<vmem>>, vector<16xf32>,
        tpu.vector_store %arg12[%swap3A_288, %swap3A_289], %mul3A_287 {strides = array<i32>} : memref<96x128xf32, #tpu.memory_space<vmem>>, vector<16xf32>,
        %get3A_291 = arith.index_cast %add3A_238 : i32 to index
        %get3A_292 = arith.constant 112 : index
        %get3A_293 = tpu.vector_load %arg12[%get3A_291, %get3A_292] {strides = array<i32>} : memref<96x128xf32, #tpu.memory_space<vmem>>, vector<16xf32>,
        %mul3A_294 = arith.mulf %get3A_293, %broadcast_in_dim3A_241 : vector<16xf32>
        %swap3A_295 = arith.index_cast %add3A_238 : i32 to index
        %swap3A_296 = arith.constant 112 : index
        %swap3A_297 = tpu.vector_load %arg12[%swap3A_295, %swap3A_296] {strides = array<i32>} : memref<96x128xf32, #tpu.memory_space<vmem>>, vector<16xf32>,
        tpu.vector_store %arg12[%swap3A_295, %swap3A_296], %mul3A_294 {strides = array<i32>} : memref<96x128xf32, #tpu.memory_space<vmem>>, vector<16xf32>,
        %mul3A_298 = arith.constant 16 : i32
        %mul3A_299 = arith.muli %add3A_156, %mul3A_298 : i32
        %add3A_300 = arith.constant 2 : i32
        %add3A_301 = arith.addi %mul3A_299, %add3A_300 : i32
        %slice3A_302 = vector.extract_strided_slice %exp3A {offsets = [2], sizes = [1], strides = [1]} : vector<16xf32> to vector<1xf32>
        %squeeze3A_303 = vector.extract %slice3A_302[0] : f32 from vector<1xf32>
        %broadcast_in_dim3A_304 = vector.broadcast %squeeze3A_303 : f32 to vector<16xf32>
        %get3A_305 = arith.index_cast %add3A_301 : i32 to index
        %get3A_306 = arith.constant 0 : index
        %get3A_307 = tpu.vector_load %arg12[%get3A_305, %get3A_306] {strides = array<i32>} : memref<96x128xf32, #tpu.memory_space<vmem>>, vector<16xf32>,
        %mul3A_308 = arith.mulf %get3A_307, %broadcast_in_dim3A_304 : vector<16xf32>
        %swap3A_309 = arith.index_cast %add3A_301 : i32 to index
        %swap3A_310 = arith.constant 0 : index
        %swap3A_311 = tpu.vector_load %arg12[%swap3A_309, %swap3A_310] {strides = array<i32>} : memref<96x128xf32, #tpu.memory_space<vmem>>, vector<16xf32>,
        tpu.vector_store %arg12[%swap3A_309, %swap3A_310], %mul3A_308 {strides = array<i32>} : memref<96x128xf32, #tpu.memory_space<vmem>>, vector<16xf32>,
        %get3A_312 = arith.index_cast %add3A_301 : i32 to index
        %get3A_313 = arith.constant 16 : index
        %get3A_314 = tpu.vector_load %arg12[%get3A_312, %get3A_313] {strides = array<i32>} : memref<96x128xf32, #tpu.memory_space<vmem>>, vector<16xf32>,
        %mul3A_315 = arith.mulf %get3A_314, %broadcast_in_dim3A_304 : vector<16xf32>
        %swap3A_316 = arith.index_cast %add3A_301 : i32 to index
        %swap3A_317 = arith.constant 16 : index
        %swap3A_318 = tpu.vector_load %arg12[%swap3A_316, %swap3A_317] {strides = array<i32>} : memref<96x128xf32, #tpu.memory_space<vmem>>, vector<16xf32>,
        tpu.vector_store %arg12[%swap3A_316, %swap3A_317], %mul3A_315 {strides = array<i32>} : memref<96x128xf32, #tpu.memory_space<vmem>>, vector<16xf32>,
        %get3A_319 = arith.index_cast %add3A_301 : i32 to index
        %get3A_320 = arith.constant 32 : index
        %get3A_321 = tpu.vector_load %arg12[%get3A_319, %get3A_320] {strides = array<i32>} : memref<96x128xf32, #tpu.memory_space<vmem>>, vector<16xf32>,
        %mul3A_322 = arith.mulf %get3A_321, %broadcast_in_dim3A_304 : vector<16xf32>
        %swap3A_323 = arith.index_cast %add3A_301 : i32 to index
        %swap3A_324 = arith.constant 32 : index
        %swap3A_325 = tpu.vector_load %arg12[%swap3A_323, %swap3A_324] {strides = array<i32>} : memref<96x128xf32, #tpu.memory_space<vmem>>, vector<16xf32>,
        tpu.vector_store %arg12[%swap3A_323, %swap3A_324], %mul3A_322 {strides = array<i32>} : memref<96x128xf32, #tpu.memory_space<vmem>>, vector<16xf32>,
        %get3A_326 = arith.index_cast %add3A_301 : i32 to index
        %get3A_327 = arith.constant 48 : index
        %get3A_328 = tpu.vector_load %arg12[%get3A_326, %get3A_327] {strides = array<i32>} : memref<96x128xf32, #tpu.memory_space<vmem>>, vector<16xf32>,
        %mul3A_329 = arith.mulf %get3A_328, %broadcast_in_dim3A_304 : vector<16xf32>
        %swap3A_330 = arith.index_cast %add3A_301 : i32 to index
        %swap3A_331 = arith.constant 48 : index
        %swap3A_332 = tpu.vector_load %arg12[%swap3A_330, %swap3A_331] {strides = array<i32>} : memref<96x128xf32, #tpu.memory_space<vmem>>, vector<16xf32>,
        tpu.vector_store %arg12[%swap3A_330, %swap3A_331], %mul3A_329 {strides = array<i32>} : memref<96x128xf32, #tpu.memory_space<vmem>>, vector<16xf32>,
        %get3A_333 = arith.index_cast %add3A_301 : i32 to index
        %get3A_334 = arith.constant 64 : index
        %get3A_335 = tpu.vector_load %arg12[%get3A_333, %get3A_334] {strides = array<i32>} : memref<96x128xf32, #tpu.memory_space<vmem>>, vector<16xf32>,
        %mul3A_336 = arith.mulf %get3A_335, %broadcast_in_dim3A_304 : vector<16xf32>
        %swap3A_337 = arith.index_cast %add3A_301 : i32 to index
        %swap3A_338 = arith.constant 64 : index
        %swap3A_339 = tpu.vector_load %arg12[%swap3A_337, %swap3A_338] {strides = array<i32>} : memref<96x128xf32, #tpu.memory_space<vmem>>, vector<16xf32>,
        tpu.vector_store %arg12[%swap3A_337, %swap3A_338], %mul3A_336 {strides = array<i32>} : memref<96x128xf32, #tpu.memory_space<vmem>>, vector<16xf32>,
        %get3A_340 = arith.index_cast %add3A_301 : i32 to index
        %get3A_341 = arith.constant 80 : index
        %get3A_342 = tpu.vector_load %arg12[%get3A_340, %get3A_341] {strides = array<i32>} : memref<96x128xf32, #tpu.memory_space<vmem>>, vector<16xf32>,
        %mul3A_343 = arith.mulf %get3A_342, %broadcast_in_dim3A_304 : vector<16xf32>
        %swap3A_344 = arith.index_cast %add3A_301 : i32 to index
        %swap3A_345 = arith.constant 80 : index
        %swap3A_346 = tpu.vector_load %arg12[%swap3A_344, %swap3A_345] {strides = array<i32>} : memref<96x128xf32, #tpu.memory_space<vmem>>, vector<16xf32>,
        tpu.vector_store %arg12[%swap3A_344, %swap3A_345], %mul3A_343 {strides = array<i32>} : memref<96x128xf32, #tpu.memory_space<vmem>>, vector<16xf32>,
        %get3A_347 = arith.index_cast %add3A_301 : i32 to index
        %get3A_348 = arith.constant 96 : index
        %get3A_349 = tpu.vector_load %arg12[%get3A_347, %get3A_348] {strides = array<i32>} : memref<96x128xf32, #tpu.memory_space<vmem>>, vector<16xf32>,
        %mul3A_350 = arith.mulf %get3A_349, %broadcast_in_dim3A_304 : vector<16xf32>
        %swap3A_351 = arith.index_cast %add3A_301 : i32 to index
        %swap3A_352 = arith.constant 96 : index
        %swap3A_353 = tpu.vector_load %arg12[%swap3A_351, %swap3A_352] {strides = array<i32>} : memref<96x128xf32, #tpu.memory_space<vmem>>, vector<16xf32>,
        tpu.vector_store %arg12[%swap3A_351, %swap3A_352], %mul3A_350 {strides = array<i32>} : memref<96x128xf32, #tpu.memory_space<vmem>>, vector<16xf32>,
        %get3A_354 = arith.index_cast %add3A_301 : i32 to index
        %get3A_355 = arith.constant 112 : index
        %get3A_356 = tpu.vector_load %arg12[%get3A_354, %get3A_355] {strides = array<i32>} : memref<96x128xf32, #tpu.memory_space<vmem>>, vector<16xf32>,
        %mul3A_357 = arith.mulf %get3A_356, %broadcast_in_dim3A_304 : vector<16xf32>
        %swap3A_358 = arith.index_cast %add3A_301 : i32 to index
        %swap3A_359 = arith.constant 112 : index
        %swap3A_360 = tpu.vector_load %arg12[%swap3A_358, %swap3A_359] {strides = array<i32>} : memref<96x128xf32, #tpu.memory_space<vmem>>, vector<16xf32>,
        tpu.vector_store %arg12[%swap3A_358, %swap3A_359], %mul3A_357 {strides = array<i32>} : memref<96x128xf32, #tpu.memory_space<vmem>>, vector<16xf32>,
        %mul3A_361 = arith.constant 16 : i32
        %mul3A_362 = arith.muli %add3A_156, %mul3A_361 : i32
        %add3A_363 = arith.constant 3 : i32
        %add3A_364 = arith.addi %mul3A_362, %add3A_363 : i32
        %slice3A_365 = vector.extract_strided_slice %exp3A {offsets = [3], sizes = [1], strides = [1]} : vector<16xf32> to vector<1xf32>
        %squeeze3A_366 = vector.extract %slice3A_365[0] : f32 from vector<1xf32>
        %broadcast_in_dim3A_367 = vector.broadcast %squeeze3A_366 : f32 to vector<16xf32>
        %get3A_368 = arith.index_cast %add3A_364 : i32 to index
        %get3A_369 = arith.constant 0 : index
        %get3A_370 = tpu.vector_load %arg12[%get3A_368, %get3A_369] {strides = array<i32>} : memref<96x128xf32, #tpu.memory_space<vmem>>, vector<16xf32>,
        %mul3A_371 = arith.mulf %get3A_370, %broadcast_in_dim3A_367 : vector<16xf32>
        %swap3A_372 = arith.index_cast %add3A_364 : i32 to index
        %swap3A_373 = arith.constant 0 : index
        %swap3A_374 = tpu.vector_load %arg12[%swap3A_372, %swap3A_373] {strides = array<i32>} : memref<96x128xf32, #tpu.memory_space<vmem>>, vector<16xf32>,
        tpu.vector_store %arg12[%swap3A_372, %swap3A_373], %mul3A_371 {strides = array<i32>} : memref<96x128xf32, #tpu.memory_space<vmem>>, vector<16xf32>,
        %get3A_375 = arith.index_cast %add3A_364 : i32 to index
        %get3A_376 = arith.constant 16 : index
        %get3A_377 = tpu.vector_load %arg12[%get3A_375, %get3A_376] {strides = array<i32>} : memref<96x128xf32, #tpu.memory_space<vmem>>, vector<16xf32>,
        %mul3A_378 = arith.mulf %get3A_377, %broadcast_in_dim3A_367 : vector<16xf32>
        %swap3A_379 = arith.index_cast %add3A_364 : i32 to index
        %swap3A_380 = arith.constant 16 : index
        %swap3A_381 = tpu.vector_load %arg12[%swap3A_379, %swap3A_380] {strides = array<i32>} : memref<96x128xf32, #tpu.memory_space<vmem>>, vector<16xf32>,
        tpu.vector_store %arg12[%swap3A_379, %swap3A_380], %mul3A_378 {strides = array<i32>} : memref<96x128xf32, #tpu.memory_space<vmem>>, vector<16xf32>,
        %get3A_382 = arith.index_cast %add3A_364 : i32 to index
        %get3A_383 = arith.constant 32 : index
        %get3A_384 = tpu.vector_load %arg12[%get3A_382, %get3A_383] {strides = array<i32>} : memref<96x128xf32, #tpu.memory_space<vmem>>, vector<16xf32>,
        %mul3A_385 = arith.mulf %get3A_384, %broadcast_in_dim3A_367 : vector<16xf32>
        %swap3A_386 = arith.index_cast %add3A_364 : i32 to index
        %swap3A_387 = arith.constant 32 : index
        %swap3A_388 = tpu.vector_load %arg12[%swap3A_386, %swap3A_387] {strides = array<i32>} : memref<96x128xf32, #tpu.memory_space<vmem>>, vector<16xf32>,
        tpu.vector_store %arg12[%swap3A_386, %swap3A_387], %mul3A_385 {strides = array<i32>} : memref<96x128xf32, #tpu.memory_space<vmem>>, vector<16xf32>,
        %get3A_389 = arith.index_cast %add3A_364 : i32 to index
        %get3A_390 = arith.constant 48 : index
        %get3A_391 = tpu.vector_load %arg12[%get3A_389, %get3A_390] {strides = array<i32>} : memref<96x128xf32, #tpu.memory_space<vmem>>, vector<16xf32>,
        %mul3A_392 = arith.mulf %get3A_391, %broadcast_in_dim3A_367 : vector<16xf32>
        %swap3A_393 = arith.index_cast %add3A_364 : i32 to index
        %swap3A_394 = arith.constant 48 : index
        %swap3A_395 = tpu.vector_load %arg12[%swap3A_393, %swap3A_394] {strides = array<i32>} : memref<96x128xf32, #tpu.memory_space<vmem>>, vector<16xf32>,
        tpu.vector_store %arg12[%swap3A_393, %swap3A_394], %mul3A_392 {strides = array<i32>} : memref<96x128xf32, #tpu.memory_space<vmem>>, vector<16xf32>,
        %get3A_396 = arith.index_cast %add3A_364 : i32 to index
        %get3A_397 = arith.constant 64 : index
        %get3A_398 = tpu.vector_load %arg12[%get3A_396, %get3A_397] {strides = array<i32>} : memref<96x128xf32, #tpu.memory_space<vmem>>, vector<16xf32>,
        %mul3A_399 = arith.mulf %get3A_398, %broadcast_in_dim3A_367 : vector<16xf32>
        %swap3A_400 = arith.index_cast %add3A_364 : i32 to index
        %swap3A_401 = arith.constant 64 : index
        %swap3A_402 = tpu.vector_load %arg12[%swap3A_400, %swap3A_401] {strides = array<i32>} : memref<96x128xf32, #tpu.memory_space<vmem>>, vector<16xf32>,
        tpu.vector_store %arg12[%swap3A_400, %swap3A_401], %mul3A_399 {strides = array<i32>} : memref<96x128xf32, #tpu.memory_space<vmem>>, vector<16xf32>,
        %get3A_403 = arith.index_cast %add3A_364 : i32 to index
        %get3A_404 = arith.constant 80 : index
        %get3A_405 = tpu.vector_load %arg12[%get3A_403, %get3A_404] {strides = array<i32>} : memref<96x128xf32, #tpu.memory_space<vmem>>, vector<16xf32>,
        %mul3A_406 = arith.mulf %get3A_405, %broadcast_in_dim3A_367 : vector<16xf32>
        %swap3A_407 = arith.index_cast %add3A_364 : i32 to index
        %swap3A_408 = arith.constant 80 : index
        %swap3A_409 = tpu.vector_load %arg12[%swap3A_407, %swap3A_408] {strides = array<i32>} : memref<96x128xf32, #tpu.memory_space<vmem>>, vector<16xf32>,
        tpu.vector_store %arg12[%swap3A_407, %swap3A_408], %mul3A_406 {strides = array<i32>} : memref<96x128xf32, #tpu.memory_space<vmem>>, vector<16xf32>,
        %get3A_410 = arith.index_cast %add3A_364 : i32 to index
        %get3A_411 = arith.constant 96 : index
        %get3A_412 = tpu.vector_load %arg12[%get3A_410, %get3A_411] {strides = array<i32>} : memref<96x128xf32, #tpu.memory_space<vmem>>, vector<16xf32>,
        %mul3A_413 = arith.mulf %get3A_412, %broadcast_in_dim3A_367 : vector<16xf32>
        %swap3A_414 = arith.index_cast %add3A_364 : i32 to index
        %swap3A_415 = arith.constant 96 : index
        %swap3A_416 = tpu.vector_load %arg12[%swap3A_414, %swap3A_415] {strides = array<i32>} : memref<96x128xf32, #tpu.memory_space<vmem>>, vector<16xf32>,
        tpu.vector_store %arg12[%swap3A_414, %swap3A_415], %mul3A_413 {strides = array<i32>} : memref<96x128xf32, #tpu.memory_space<vmem>>, vector<16xf32>,
        %get3A_417 = arith.index_cast %add3A_364 : i32 to index
        %get3A_418 = arith.constant 112 : index
        %get3A_419 = tpu.vector_load %arg12[%get3A_417, %get3A_418] {strides = array<i32>} : memref<96x128xf32, #tpu.memory_space<vmem>>, vector<16xf32>,
        %mul3A_420 = arith.mulf %get3A_419, %broadcast_in_dim3A_367 : vector<16xf32>
        %swap3A_421 = arith.index_cast %add3A_364 : i32 to index
        %swap3A_422 = arith.constant 112 : index
        %swap3A_423 = tpu.vector_load %arg12[%swap3A_421, %swap3A_422] {strides = array<i32>} : memref<96x128xf32, #tpu.memory_space<vmem>>, vector<16xf32>,
        tpu.vector_store %arg12[%swap3A_421, %swap3A_422], %mul3A_420 {strides = array<i32>} : memref<96x128xf32, #tpu.memory_space<vmem>>, vector<16xf32>,
        %mul3A_424 = arith.constant 16 : i32
        %mul3A_425 = arith.muli %add3A_156, %mul3A_424 : i32
        %add3A_426 = arith.constant 4 : i32
        %add3A_427 = arith.addi %mul3A_425, %add3A_426 : i32
        %slice3A_428 = vector.extract_strided_slice %exp3A {offsets = [4], sizes = [1], strides = [1]} : vector<16xf32> to vector<1xf32>
        %squeeze3A_429 = vector.extract %slice3A_428[0] : f32 from vector<1xf32>
        %broadcast_in_dim3A_430 = vector.broadcast %squeeze3A_429 : f32 to vector<16xf32>
        %get3A_431 = arith.index_cast %add3A_427 : i32 to index
        %get3A_432 = arith.constant 0 : index
        %get3A_433 = tpu.vector_load %arg12[%get3A_431, %get3A_432] {strides = array<i32>} : memref<96x128xf32, #tpu.memory_space<vmem>>, vector<16xf32>,
        %mul3A_434 = arith.mulf %get3A_433, %broadcast_in_dim3A_430 : vector<16xf32>
        %swap3A_435 = arith.index_cast %add3A_427 : i32 to index
        %swap3A_436 = arith.constant 0 : index
        %swap3A_437 = tpu.vector_load %arg12[%swap3A_435, %swap3A_436] {strides = array<i32>} : memref<96x128xf32, #tpu.memory_space<vmem>>, vector<16xf32>,
        tpu.vector_store %arg12[%swap3A_435, %swap3A_436], %mul3A_434 {strides = array<i32>} : memref<96x128xf32, #tpu.memory_space<vmem>>, vector<16xf32>,
        %get3A_438 = arith.index_cast %add3A_427 : i32 to index
        %get3A_439 = arith.constant 16 : index
        %get3A_440 = tpu.vector_load %arg12[%get3A_438, %get3A_439] {strides = array<i32>} : memref<96x128xf32, #tpu.memory_space<vmem>>, vector<16xf32>,
        %mul3A_441 = arith.mulf %get3A_440, %broadcast_in_dim3A_430 : vector<16xf32>
        %swap3A_442 = arith.index_cast %add3A_427 : i32 to index
        %swap3A_443 = arith.constant 16 : index
        %swap3A_444 = tpu.vector_load %arg12[%swap3A_442, %swap3A_443] {strides = array<i32>} : memref<96x128xf32, #tpu.memory_space<vmem>>, vector<16xf32>,
        tpu.vector_store %arg12[%swap3A_442, %swap3A_443], %mul3A_441 {strides = array<i32>} : memref<96x128xf32, #tpu.memory_space<vmem>>, vector<16xf32>,
        %get3A_445 = arith.index_cast %add3A_427 : i32 to index
        %get3A_446 = arith.constant 32 : index
        %get3A_447 = tpu.vector_load %arg12[%get3A_445, %get3A_446] {strides = array<i32>} : memref<96x128xf32, #tpu.memory_space<vmem>>, vector<16xf32>,
        %mul3A_448 = arith.mulf %get3A_447, %broadcast_in_dim3A_430 : vector<16xf32>
        %swap3A_449 = arith.index_cast %add3A_427 : i32 to index
        %swap3A_450 = arith.constant 32 : index
        %swap3A_451 = tpu.vector_load %arg12[%swap3A_449, %swap3A_450] {strides = array<i32>} : memref<96x128xf32, #tpu.memory_space<vmem>>, vector<16xf32>,
        tpu.vector_store %arg12[%swap3A_449, %swap3A_450], %mul3A_448 {strides = array<i32>} : memref<96x128xf32, #tpu.memory_space<vmem>>, vector<16xf32>,
        %get3A_452 = arith.index_cast %add3A_427 : i32 to index
        %get3A_453 = arith.constant 48 : index
        %get3A_454 = tpu.vector_load %arg12[%get3A_452, %get3A_453] {strides = array<i32>} : memref<96x128xf32, #tpu.memory_space<vmem>>, vector<16xf32>,
        %mul3A_455 = arith.mulf %get3A_454, %broadcast_in_dim3A_430 : vector<16xf32>
        %swap3A_456 = arith.index_cast %add3A_427 : i32 to index
        %swap3A_457 = arith.constant 48 : index
        %swap3A_458 = tpu.vector_load %arg12[%swap3A_456, %swap3A_457] {strides = array<i32>} : memref<96x128xf32, #tpu.memory_space<vmem>>, vector<16xf32>,
        tpu.vector_store %arg12[%swap3A_456, %swap3A_457], %mul3A_455 {strides = array<i32>} : memref<96x128xf32, #tpu.memory_space<vmem>>, vector<16xf32>,
        %get3A_459 = arith.index_cast %add3A_427 : i32 to index
        %get3A_460 = arith.constant 64 : index
        %get3A_461 = tpu.vector_load %arg12[%get3A_459, %get3A_460] {strides = array<i32>} : memref<96x128xf32, #tpu.memory_space<vmem>>, vector<16xf32>,
        %mul3A_462 = arith.mulf %get3A_461, %broadcast_in_dim3A_430 : vector<16xf32>
        %swap3A_463 = arith.index_cast %add3A_427 : i32 to index
        %swap3A_464 = arith.constant 64 : index
        %swap3A_465 = tpu.vector_load %arg12[%swap3A_463, %swap3A_464] {strides = array<i32>} : memref<96x128xf32, #tpu.memory_space<vmem>>, vector<16xf32>,
        tpu.vector_store %arg12[%swap3A_463, %swap3A_464], %mul3A_462 {strides = array<i32>} : memref<96x128xf32, #tpu.memory_space<vmem>>, vector<16xf32>,
        %get3A_466 = arith.index_cast %add3A_427 : i32 to index
        %get3A_467 = arith.constant 80 : index
        %get3A_468 = tpu.vector_load %arg12[%get3A_466, %get3A_467] {strides = array<i32>} : memref<96x128xf32, #tpu.memory_space<vmem>>, vector<16xf32>,
        %mul3A_469 = arith.mulf %get3A_468, %broadcast_in_dim3A_430 : vector<16xf32>
        %swap3A_470 = arith.index_cast %add3A_427 : i32 to index
        %swap3A_471 = arith.constant 80 : index
        %swap3A_472 = tpu.vector_load %arg12[%swap3A_470, %swap3A_471] {strides = array<i32>} : memref<96x128xf32, #tpu.memory_space<vmem>>, vector<16xf32>,
        tpu.vector_store %arg12[%swap3A_470, %swap3A_471], %mul3A_469 {strides = array<i32>} : memref<96x128xf32, #tpu.memory_space<vmem>>, vector<16xf32>,
        %get3A_473 = arith.index_cast %add3A_427 : i32 to index
        %get3A_474 = arith.constant 96 : index
        %get3A_475 = tpu.vector_load %arg12[%get3A_473, %get3A_474] {strides = array<i32>} : memref<96x128xf32, #tpu.memory_space<vmem>>, vector<16xf32>,
        %mul3A_476 = arith.mulf %get3A_475, %broadcast_in_dim3A_430 : vector<16xf32>
        %swap3A_477 = arith.index_cast %add3A_427 : i32 to index
        %swap3A_478 = arith.constant 96 : index
        %swap3A_479 = tpu.vector_load %arg12[%swap3A_477, %swap3A_478] {strides = array<i32>} : memref<96x128xf32, #tpu.memory_space<vmem>>, vector<16xf32>,
        tpu.vector_store %arg12[%swap3A_477, %swap3A_478], %mul3A_476 {strides = array<i32>} : memref<96x128xf32, #tpu.memory_space<vmem>>, vector<16xf32>,
        %get3A_480 = arith.index_cast %add3A_427 : i32 to index
        %get3A_481 = arith.constant 112 : index
        %get3A_482 = tpu.vector_load %arg12[%get3A_480, %get3A_481] {strides = array<i32>} : memref<96x128xf32, #tpu.memory_space<vmem>>, vector<16xf32>,
        %mul3A_483 = arith.mulf %get3A_482, %broadcast_in_dim3A_430 : vector<16xf32>
        %swap3A_484 = arith.index_cast %add3A_427 : i32 to index
        %swap3A_485 = arith.constant 112 : index
        %swap3A_486 = tpu.vector_load %arg12[%swap3A_484, %swap3A_485] {strides = array<i32>} : memref<96x128xf32, #tpu.memory_space<vmem>>, vector<16xf32>,
        tpu.vector_store %arg12[%swap3A_484, %swap3A_485], %mul3A_483 {strides = array<i32>} : memref<96x128xf32, #tpu.memory_space<vmem>>, vector<16xf32>,
        %mul3A_487 = arith.constant 16 : i32
        %mul3A_488 = arith.muli %add3A_156, %mul3A_487 : i32
        %add3A_489 = arith.constant 5 : i32
        %add3A_490 = arith.addi %mul3A_488, %add3A_489 : i32
        %slice3A_491 = vector.extract_strided_slice %exp3A {offsets = [5], sizes = [1], strides = [1]} : vector<16xf32> to vector<1xf32>
        %squeeze3A_492 = vector.extract %slice3A_491[0] : f32 from vector<1xf32>
        %broadcast_in_dim3A_493 = vector.broadcast %squeeze3A_492 : f32 to vector<16xf32>
        %get3A_494 = arith.index_cast %add3A_490 : i32 to index
        %get3A_495 = arith.constant 0 : index
        %get3A_496 = tpu.vector_load %arg12[%get3A_494, %get3A_495] {strides = array<i32>} : memref<96x128xf32, #tpu.memory_space<vmem>>, vector<16xf32>,
        %mul3A_497 = arith.mulf %get3A_496, %broadcast_in_dim3A_493 : vector<16xf32>
        %swap3A_498 = arith.index_cast %add3A_490 : i32 to index
        %swap3A_499 = arith.constant 0 : index
        %swap3A_500 = tpu.vector_load %arg12[%swap3A_498, %swap3A_499] {strides = array<i32>} : memref<96x128xf32, #tpu.memory_space<vmem>>, vector<16xf32>,
        tpu.vector_store %arg12[%swap3A_498, %swap3A_499], %mul3A_497 {strides = array<i32>} : memref<96x128xf32, #tpu.memory_space<vmem>>, vector<16xf32>,
        %get3A_501 = arith.index_cast %add3A_490 : i32 to index
        %get3A_502 = arith.constant 16 : index
        %get3A_503 = tpu.vector_load %arg12[%get3A_501, %get3A_502] {strides = array<i32>} : memref<96x128xf32, #tpu.memory_space<vmem>>, vector<16xf32>,
        %mul3A_504 = arith.mulf %get3A_503, %broadcast_in_dim3A_493 : vector<16xf32>
        %swap3A_505 = arith.index_cast %add3A_490 : i32 to index
        %swap3A_506 = arith.constant 16 : index
        %swap3A_507 = tpu.vector_load %arg12[%swap3A_505, %swap3A_506] {strides = array<i32>} : memref<96x128xf32, #tpu.memory_space<vmem>>, vector<16xf32>,
        tpu.vector_store %arg12[%swap3A_505, %swap3A_506], %mul3A_504 {strides = array<i32>} : memref<96x128xf32, #tpu.memory_space<vmem>>, vector<16xf32>,
        %get3A_508 = arith.index_cast %add3A_490 : i32 to index
        %get3A_509 = arith.constant 32 : index
        %get3A_510 = tpu.vector_load %arg12[%get3A_508, %get3A_509] {strides = array<i32>} : memref<96x128xf32, #tpu.memory_space<vmem>>, vector<16xf32>,
        %mul3A_511 = arith.mulf %get3A_510, %broadcast_in_dim3A_493 : vector<16xf32>
        %swap3A_512 = arith.index_cast %add3A_490 : i32 to index
        %swap3A_513 = arith.constant 32 : index
        %swap3A_514 = tpu.vector_load %arg12[%swap3A_512, %swap3A_513] {strides = array<i32>} : memref<96x128xf32, #tpu.memory_space<vmem>>, vector<16xf32>,
        tpu.vector_store %arg12[%swap3A_512, %swap3A_513], %mul3A_511 {strides = array<i32>} : memref<96x128xf32, #tpu.memory_space<vmem>>, vector<16xf32>,
        %get3A_515 = arith.index_cast %add3A_490 : i32 to index
        %get3A_516 = arith.constant 48 : index
        %get3A_517 = tpu.vector_load %arg12[%get3A_515, %get3A_516] {strides = array<i32>} : memref<96x128xf32, #tpu.memory_space<vmem>>, vector<16xf32>,
        %mul3A_518 = arith.mulf %get3A_517, %broadcast_in_dim3A_493 : vector<16xf32>
        %swap3A_519 = arith.index_cast %add3A_490 : i32 to index
        %swap3A_520 = arith.constant 48 : index
        %swap3A_521 = tpu.vector_load %arg12[%swap3A_519, %swap3A_520] {strides = array<i32>} : memref<96x128xf32, #tpu.memory_space<vmem>>, vector<16xf32>,
        tpu.vector_store %arg12[%swap3A_519, %swap3A_520], %mul3A_518 {strides = array<i32>} : memref<96x128xf32, #tpu.memory_space<vmem>>, vector<16xf32>,
        %get3A_522 = arith.index_cast %add3A_490 : i32 to index
        %get3A_523 = arith.constant 64 : index
        %get3A_524 = tpu.vector_load %arg12[%get3A_522, %get3A_523] {strides = array<i32>} : memref<96x128xf32, #tpu.memory_space<vmem>>, vector<16xf32>,
        %mul3A_525 = arith.mulf %get3A_524, %broadcast_in_dim3A_493 : vector<16xf32>
        %swap3A_526 = arith.index_cast %add3A_490 : i32 to index
        %swap3A_527 = arith.constant 64 : index
        %swap3A_528 = tpu.vector_load %arg12[%swap3A_526, %swap3A_527] {strides = array<i32>} : memref<96x128xf32, #tpu.memory_space<vmem>>, vector<16xf32>,
        tpu.vector_store %arg12[%swap3A_526, %swap3A_527], %mul3A_525 {strides = array<i32>} : memref<96x128xf32, #tpu.memory_space<vmem>>, vector<16xf32>,
        %get3A_529 = arith.index_cast %add3A_490 : i32 to index
        %get3A_530 = arith.constant 80 : index
        %get3A_531 = tpu.vector_load %arg12[%get3A_529, %get3A_530] {strides = array<i32>} : memref<96x128xf32, #tpu.memory_space<vmem>>, vector<16xf32>,
        %mul3A_532 = arith.mulf %get3A_531, %broadcast_in_dim3A_493 : vector<16xf32>
        %swap3A_533 = arith.index_cast %add3A_490 : i32 to index
        %swap3A_534 = arith.constant 80 : index
        %swap3A_535 = tpu.vector_load %arg12[%swap3A_533, %swap3A_534] {strides = array<i32>} : memref<96x128xf32, #tpu.memory_space<vmem>>, vector<16xf32>,
        tpu.vector_store %arg12[%swap3A_533, %swap3A_534], %mul3A_532 {strides = array<i32>} : memref<96x128xf32, #tpu.memory_space<vmem>>, vector<16xf32>,
        %get3A_536 = arith.index_cast %add3A_490 : i32 to index
        %get3A_537 = arith.constant 96 : index
        %get3A_538 = tpu.vector_load %arg12[%get3A_536, %get3A_537] {strides = array<i32>} : memref<96x128xf32, #tpu.memory_space<vmem>>, vector<16xf32>,
        %mul3A_539 = arith.mulf %get3A_538, %broadcast_in_dim3A_493 : vector<16xf32>
        %swap3A_540 = arith.index_cast %add3A_490 : i32 to index
        %swap3A_541 = arith.constant 96 : index
        %swap3A_542 = tpu.vector_load %arg12[%swap3A_540, %swap3A_541] {strides = array<i32>} : memref<96x128xf32, #tpu.memory_space<vmem>>, vector<16xf32>,
        tpu.vector_store %arg12[%swap3A_540, %swap3A_541], %mul3A_539 {strides = array<i32>} : memref<96x128xf32, #tpu.memory_space<vmem>>, vector<16xf32>,
        %get3A_543 = arith.index_cast %add3A_490 : i32 to index
        %get3A_544 = arith.constant 112 : index
        %get3A_545 = tpu.vector_load %arg12[%get3A_543, %get3A_544] {strides = array<i32>} : memref<96x128xf32, #tpu.memory_space<vmem>>, vector<16xf32>,
        %mul3A_546 = arith.mulf %get3A_545, %broadcast_in_dim3A_493 : vector<16xf32>
        %swap3A_547 = arith.index_cast %add3A_490 : i32 to index
        %swap3A_548 = arith.constant 112 : index
        %swap3A_549 = tpu.vector_load %arg12[%swap3A_547, %swap3A_548] {strides = array<i32>} : memref<96x128xf32, #tpu.memory_space<vmem>>, vector<16xf32>,
        tpu.vector_store %arg12[%swap3A_547, %swap3A_548], %mul3A_546 {strides = array<i32>} : memref<96x128xf32, #tpu.memory_space<vmem>>, vector<16xf32>,
        %mul3A_550 = arith.constant 16 : i32
        %mul3A_551 = arith.muli %add3A_156, %mul3A_550 : i32
        %add3A_552 = arith.constant 6 : i32
        %add3A_553 = arith.addi %mul3A_551, %add3A_552 : i32
        %slice3A_554 = vector.extract_strided_slice %exp3A {offsets = [6], sizes = [1], strides = [1]} : vector<16xf32> to vector<1xf32>
        %squeeze3A_555 = vector.extract %slice3A_554[0] : f32 from vector<1xf32>
        %broadcast_in_dim3A_556 = vector.broadcast %squeeze3A_555 : f32 to vector<16xf32>
        %get3A_557 = arith.index_cast %add3A_553 : i32 to index
        %get3A_558 = arith.constant 0 : index
        %get3A_559 = tpu.vector_load %arg12[%get3A_557, %get3A_558] {strides = array<i32>} : memref<96x128xf32, #tpu.memory_space<vmem>>, vector<16xf32>,
        %mul3A_560 = arith.mulf %get3A_559, %broadcast_in_dim3A_556 : vector<16xf32>
        %swap3A_561 = arith.index_cast %add3A_553 : i32 to index
        %swap3A_562 = arith.constant 0 : index
        %swap3A_563 = tpu.vector_load %arg12[%swap3A_561, %swap3A_562] {strides = array<i32>} : memref<96x128xf32, #tpu.memory_space<vmem>>, vector<16xf32>,
        tpu.vector_store %arg12[%swap3A_561, %swap3A_562], %mul3A_560 {strides = array<i32>} : memref<96x128xf32, #tpu.memory_space<vmem>>, vector<16xf32>,
        %get3A_564 = arith.index_cast %add3A_553 : i32 to index
        %get3A_565 = arith.constant 16 : index
        %get3A_566 = tpu.vector_load %arg12[%get3A_564, %get3A_565] {strides = array<i32>} : memref<96x128xf32, #tpu.memory_space<vmem>>, vector<16xf32>,
        %mul3A_567 = arith.mulf %get3A_566, %broadcast_in_dim3A_556 : vector<16xf32>
        %swap3A_568 = arith.index_cast %add3A_553 : i32 to index
        %swap3A_569 = arith.constant 16 : index
        %swap3A_570 = tpu.vector_load %arg12[%swap3A_568, %swap3A_569] {strides = array<i32>} : memref<96x128xf32, #tpu.memory_space<vmem>>, vector<16xf32>,
        tpu.vector_store %arg12[%swap3A_568, %swap3A_569], %mul3A_567 {strides = array<i32>} : memref<96x128xf32, #tpu.memory_space<vmem>>, vector<16xf32>,
        %get3A_571 = arith.index_cast %add3A_553 : i32 to index
        %get3A_572 = arith.constant 32 : index
        %get3A_573 = tpu.vector_load %arg12[%get3A_571, %get3A_572] {strides = array<i32>} : memref<96x128xf32, #tpu.memory_space<vmem>>, vector<16xf32>,
        %mul3A_574 = arith.mulf %get3A_573, %broadcast_in_dim3A_556 : vector<16xf32>
        %swap3A_575 = arith.index_cast %add3A_553 : i32 to index
        %swap3A_576 = arith.constant 32 : index
        %swap3A_577 = tpu.vector_load %arg12[%swap3A_575, %swap3A_576] {strides = array<i32>} : memref<96x128xf32, #tpu.memory_space<vmem>>, vector<16xf32>,
        tpu.vector_store %arg12[%swap3A_575, %swap3A_576], %mul3A_574 {strides = array<i32>} : memref<96x128xf32, #tpu.memory_space<vmem>>, vector<16xf32>,
        %get3A_578 = arith.index_cast %add3A_553 : i32 to index
        %get3A_579 = arith.constant 48 : index
        %get3A_580 = tpu.vector_load %arg12[%get3A_578, %get3A_579] {strides = array<i32>} : memref<96x128xf32, #tpu.memory_space<vmem>>, vector<16xf32>,
        %mul3A_581 = arith.mulf %get3A_580, %broadcast_in_dim3A_556 : vector<16xf32>
        %swap3A_582 = arith.index_cast %add3A_553 : i32 to index
        %swap3A_583 = arith.constant 48 : index
        %swap3A_584 = tpu.vector_load %arg12[%swap3A_582, %swap3A_583] {strides = array<i32>} : memref<96x128xf32, #tpu.memory_space<vmem>>, vector<16xf32>,
        tpu.vector_store %arg12[%swap3A_582, %swap3A_583], %mul3A_581 {strides = array<i32>} : memref<96x128xf32, #tpu.memory_space<vmem>>, vector<16xf32>,
        %get3A_585 = arith.index_cast %add3A_553 : i32 to index
        %get3A_586 = arith.constant 64 : index
        %get3A_587 = tpu.vector_load %arg12[%get3A_585, %get3A_586] {strides = array<i32>} : memref<96x128xf32, #tpu.memory_space<vmem>>, vector<16xf32>,
        %mul3A_588 = arith.mulf %get3A_587, %broadcast_in_dim3A_556 : vector<16xf32>
        %swap3A_589 = arith.index_cast %add3A_553 : i32 to index
        %swap3A_590 = arith.constant 64 : index
        %swap3A_591 = tpu.vector_load %arg12[%swap3A_589, %swap3A_590] {strides = array<i32>} : memref<96x128xf32, #tpu.memory_space<vmem>>, vector<16xf32>,
        tpu.vector_store %arg12[%swap3A_589, %swap3A_590], %mul3A_588 {strides = array<i32>} : memref<96x128xf32, #tpu.memory_space<vmem>>, vector<16xf32>,
        %get3A_592 = arith.index_cast %add3A_553 : i32 to index
        %get3A_593 = arith.constant 80 : index
        %get3A_594 = tpu.vector_load %arg12[%get3A_592, %get3A_593] {strides = array<i32>} : memref<96x128xf32, #tpu.memory_space<vmem>>, vector<16xf32>,
        %mul3A_595 = arith.mulf %get3A_594, %broadcast_in_dim3A_556 : vector<16xf32>
        %swap3A_596 = arith.index_cast %add3A_553 : i32 to index
        %swap3A_597 = arith.constant 80 : index
        %swap3A_598 = tpu.vector_load %arg12[%swap3A_596, %swap3A_597] {strides = array<i32>} : memref<96x128xf32, #tpu.memory_space<vmem>>, vector<16xf32>,
        tpu.vector_store %arg12[%swap3A_596, %swap3A_597], %mul3A_595 {strides = array<i32>} : memref<96x128xf32, #tpu.memory_space<vmem>>, vector<16xf32>,
        %get3A_599 = arith.index_cast %add3A_553 : i32 to index
        %get3A_600 = arith.constant 96 : index
        %get3A_601 = tpu.vector_load %arg12[%get3A_599, %get3A_600] {strides = array<i32>} : memref<96x128xf32, #tpu.memory_space<vmem>>, vector<16xf32>,
        %mul3A_602 = arith.mulf %get3A_601, %broadcast_in_dim3A_556 : vector<16xf32>
        %swap3A_603 = arith.index_cast %add3A_553 : i32 to index
        %swap3A_604 = arith.constant 96 : index
        %swap3A_605 = tpu.vector_load %arg12[%swap3A_603, %swap3A_604] {strides = array<i32>} : memref<96x128xf32, #tpu.memory_space<vmem>>, vector<16xf32>,
        tpu.vector_store %arg12[%swap3A_603, %swap3A_604], %mul3A_602 {strides = array<i32>} : memref<96x128xf32, #tpu.memory_space<vmem>>, vector<16xf32>,
        %get3A_606 = arith.index_cast %add3A_553 : i32 to index
        %get3A_607 = arith.constant 112 : index
        %get3A_608 = tpu.vector_load %arg12[%get3A_606, %get3A_607] {strides = array<i32>} : memref<96x128xf32, #tpu.memory_space<vmem>>, vector<16xf32>,
        %mul3A_609 = arith.mulf %get3A_608, %broadcast_in_dim3A_556 : vector<16xf32>
        %swap3A_610 = arith.index_cast %add3A_553 : i32 to index
        %swap3A_611 = arith.constant 112 : index
        %swap3A_612 = tpu.vector_load %arg12[%swap3A_610, %swap3A_611] {strides = array<i32>} : memref<96x128xf32, #tpu.memory_space<vmem>>, vector<16xf32>,
        tpu.vector_store %arg12[%swap3A_610, %swap3A_611], %mul3A_609 {strides = array<i32>} : memref<96x128xf32, #tpu.memory_space<vmem>>, vector<16xf32>,
        %mul3A_613 = arith.constant 16 : i32
        %mul3A_614 = arith.muli %add3A_156, %mul3A_613 : i32
        %add3A_615 = arith.constant 7 : i32
        %add3A_616 = arith.addi %mul3A_614, %add3A_615 : i32
        %slice3A_617 = vector.extract_strided_slice %exp3A {offsets = [7], sizes = [1], strides = [1]} : vector<16xf32> to vector<1xf32>
        %squeeze3A_618 = vector.extract %slice3A_617[0] : f32 from vector<1xf32>
        %broadcast_in_dim3A_619 = vector.broadcast %squeeze3A_618 : f32 to vector<16xf32>
        %get3A_620 = arith.index_cast %add3A_616 : i32 to index
        %get3A_621 = arith.constant 0 : index
        %get3A_622 = tpu.vector_load %arg12[%get3A_620, %get3A_621] {strides = array<i32>} : memref<96x128xf32, #tpu.memory_space<vmem>>, vector<16xf32>,
        %mul3A_623 = arith.mulf %get3A_622, %broadcast_in_dim3A_619 : vector<16xf32>
        %swap3A_624 = arith.index_cast %add3A_616 : i32 to index
        %swap3A_625 = arith.constant 0 : index
        %swap3A_626 = tpu.vector_load %arg12[%swap3A_624, %swap3A_625] {strides = array<i32>} : memref<96x128xf32, #tpu.memory_space<vmem>>, vector<16xf32>,
        tpu.vector_store %arg12[%swap3A_624, %swap3A_625], %mul3A_623 {strides = array<i32>} : memref<96x128xf32, #tpu.memory_space<vmem>>, vector<16xf32>,
        %get3A_627 = arith.index_cast %add3A_616 : i32 to index
        %get3A_628 = arith.constant 16 : index
        %get3A_629 = tpu.vector_load %arg12[%get3A_627, %get3A_628] {strides = array<i32>} : memref<96x128xf32, #tpu.memory_space<vmem>>, vector<16xf32>,
        %mul3A_630 = arith.mulf %get3A_629, %broadcast_in_dim3A_619 : vector<16xf32>
        %swap3A_631 = arith.index_cast %add3A_616 : i32 to index
        %swap3A_632 = arith.constant 16 : index
        %swap3A_633 = tpu.vector_load %arg12[%swap3A_631, %swap3A_632] {strides = array<i32>} : memref<96x128xf32, #tpu.memory_space<vmem>>, vector<16xf32>,
        tpu.vector_store %arg12[%swap3A_631, %swap3A_632], %mul3A_630 {strides = array<i32>} : memref<96x128xf32, #tpu.memory_space<vmem>>, vector<16xf32>,
        %get3A_634 = arith.index_cast %add3A_616 : i32 to index
        %get3A_635 = arith.constant 32 : index
        %get3A_636 = tpu.vector_load %arg12[%get3A_634, %get3A_635] {strides = array<i32>} : memref<96x128xf32, #tpu.memory_space<vmem>>, vector<16xf32>,
        %mul3A_637 = arith.mulf %get3A_636, %broadcast_in_dim3A_619 : vector<16xf32>
        %swap3A_638 = arith.index_cast %add3A_616 : i32 to index
        %swap3A_639 = arith.constant 32 : index
        %swap3A_640 = tpu.vector_load %arg12[%swap3A_638, %swap3A_639] {strides = array<i32>} : memref<96x128xf32, #tpu.memory_space<vmem>>, vector<16xf32>,
        tpu.vector_store %arg12[%swap3A_638, %swap3A_639], %mul3A_637 {strides = array<i32>} : memref<96x128xf32, #tpu.memory_space<vmem>>, vector<16xf32>,
        %get3A_641 = arith.index_cast %add3A_616 : i32 to index
        %get3A_642 = arith.constant 48 : index
        %get3A_643 = tpu.vector_load %arg12[%get3A_641, %get3A_642] {strides = array<i32>} : memref<96x128xf32, #tpu.memory_space<vmem>>, vector<16xf32>,
        %mul3A_644 = arith.mulf %get3A_643, %broadcast_in_dim3A_619 : vector<16xf32>
        %swap3A_645 = arith.index_cast %add3A_616 : i32 to index
        %swap3A_646 = arith.constant 48 : index
        %swap3A_647 = tpu.vector_load %arg12[%swap3A_645, %swap3A_646] {strides = array<i32>} : memref<96x128xf32, #tpu.memory_space<vmem>>, vector<16xf32>,
        tpu.vector_store %arg12[%swap3A_645, %swap3A_646], %mul3A_644 {strides = array<i32>} : memref<96x128xf32, #tpu.memory_space<vmem>>, vector<16xf32>,
        %get3A_648 = arith.index_cast %add3A_616 : i32 to index
        %get3A_649 = arith.constant 64 : index
        %get3A_650 = tpu.vector_load %arg12[%get3A_648, %get3A_649] {strides = array<i32>} : memref<96x128xf32, #tpu.memory_space<vmem>>, vector<16xf32>,
        %mul3A_651 = arith.mulf %get3A_650, %broadcast_in_dim3A_619 : vector<16xf32>
        %swap3A_652 = arith.index_cast %add3A_616 : i32 to index
        %swap3A_653 = arith.constant 64 : index
        %swap3A_654 = tpu.vector_load %arg12[%swap3A_652, %swap3A_653] {strides = array<i32>} : memref<96x128xf32, #tpu.memory_space<vmem>>, vector<16xf32>,
        tpu.vector_store %arg12[%swap3A_652, %swap3A_653], %mul3A_651 {strides = array<i32>} : memref<96x128xf32, #tpu.memory_space<vmem>>, vector<16xf32>,
        %get3A_655 = arith.index_cast %add3A_616 : i32 to index
        %get3A_656 = arith.constant 80 : index
        %get3A_657 = tpu.vector_load %arg12[%get3A_655, %get3A_656] {strides = array<i32>} : memref<96x128xf32, #tpu.memory_space<vmem>>, vector<16xf32>,
        %mul3A_658 = arith.mulf %get3A_657, %broadcast_in_dim3A_619 : vector<16xf32>
        %swap3A_659 = arith.index_cast %add3A_616 : i32 to index
        %swap3A_660 = arith.constant 80 : index
        %swap3A_661 = tpu.vector_load %arg12[%swap3A_659, %swap3A_660] {strides = array<i32>} : memref<96x128xf32, #tpu.memory_space<vmem>>, vector<16xf32>,
        tpu.vector_store %arg12[%swap3A_659, %swap3A_660], %mul3A_658 {strides = array<i32>} : memref<96x128xf32, #tpu.memory_space<vmem>>, vector<16xf32>,
        %get3A_662 = arith.index_cast %add3A_616 : i32 to index
        %get3A_663 = arith.constant 96 : index
        %get3A_664 = tpu.vector_load %arg12[%get3A_662, %get3A_663] {strides = array<i32>} : memref<96x128xf32, #tpu.memory_space<vmem>>, vector<16xf32>,
        %mul3A_665 = arith.mulf %get3A_664, %broadcast_in_dim3A_619 : vector<16xf32>
        %swap3A_666 = arith.index_cast %add3A_616 : i32 to index
        %swap3A_667 = arith.constant 96 : index
        %swap3A_668 = tpu.vector_load %arg12[%swap3A_666, %swap3A_667] {strides = array<i32>} : memref<96x128xf32, #tpu.memory_space<vmem>>, vector<16xf32>,
        tpu.vector_store %arg12[%swap3A_666, %swap3A_667], %mul3A_665 {strides = array<i32>} : memref<96x128xf32, #tpu.memory_space<vmem>>, vector<16xf32>,
        %get3A_669 = arith.index_cast %add3A_616 : i32 to index
        %get3A_670 = arith.constant 112 : index
        %get3A_671 = tpu.vector_load %arg12[%get3A_669, %get3A_670] {strides = array<i32>} : memref<96x128xf32, #tpu.memory_space<vmem>>, vector<16xf32>,
        %mul3A_672 = arith.mulf %get3A_671, %broadcast_in_dim3A_619 : vector<16xf32>
        %swap3A_673 = arith.index_cast %add3A_616 : i32 to index
        %swap3A_674 = arith.constant 112 : index
        %swap3A_675 = tpu.vector_load %arg12[%swap3A_673, %swap3A_674] {strides = array<i32>} : memref<96x128xf32, #tpu.memory_space<vmem>>, vector<16xf32>,
        tpu.vector_store %arg12[%swap3A_673, %swap3A_674], %mul3A_672 {strides = array<i32>} : memref<96x128xf32, #tpu.memory_space<vmem>>, vector<16xf32>,
        %mul3A_676 = arith.constant 16 : i32
        %mul3A_677 = arith.muli %add3A_156, %mul3A_676 : i32
        %add3A_678 = arith.constant 8 : i32
        %add3A_679 = arith.addi %mul3A_677, %add3A_678 : i32
        %slice3A_680 = vector.extract_strided_slice %exp3A {offsets = [8], sizes = [1], strides = [1]} : vector<16xf32> to vector<1xf32>
        %squeeze3A_681 = vector.extract %slice3A_680[0] : f32 from vector<1xf32>
        %broadcast_in_dim3A_682 = vector.broadcast %squeeze3A_681 : f32 to vector<16xf32>
        %get3A_683 = arith.index_cast %add3A_679 : i32 to index
        %get3A_684 = arith.constant 0 : index
        %get3A_685 = tpu.vector_load %arg12[%get3A_683, %get3A_684] {strides = array<i32>} : memref<96x128xf32, #tpu.memory_space<vmem>>, vector<16xf32>,
        %mul3A_686 = arith.mulf %get3A_685, %broadcast_in_dim3A_682 : vector<16xf32>
        %swap3A_687 = arith.index_cast %add3A_679 : i32 to index
        %swap3A_688 = arith.constant 0 : index
        %swap3A_689 = tpu.vector_load %arg12[%swap3A_687, %swap3A_688] {strides = array<i32>} : memref<96x128xf32, #tpu.memory_space<vmem>>, vector<16xf32>,
        tpu.vector_store %arg12[%swap3A_687, %swap3A_688], %mul3A_686 {strides = array<i32>} : memref<96x128xf32, #tpu.memory_space<vmem>>, vector<16xf32>,
        %get3A_690 = arith.index_cast %add3A_679 : i32 to index
        %get3A_691 = arith.constant 16 : index
        %get3A_692 = tpu.vector_load %arg12[%get3A_690, %get3A_691] {strides = array<i32>} : memref<96x128xf32, #tpu.memory_space<vmem>>, vector<16xf32>,
        %mul3A_693 = arith.mulf %get3A_692, %broadcast_in_dim3A_682 : vector<16xf32>
        %swap3A_694 = arith.index_cast %add3A_679 : i32 to index
        %swap3A_695 = arith.constant 16 : index
        %swap3A_696 = tpu.vector_load %arg12[%swap3A_694, %swap3A_695] {strides = array<i32>} : memref<96x128xf32, #tpu.memory_space<vmem>>, vector<16xf32>,
        tpu.vector_store %arg12[%swap3A_694, %swap3A_695], %mul3A_693 {strides = array<i32>} : memref<96x128xf32, #tpu.memory_space<vmem>>, vector<16xf32>,
        %get3A_697 = arith.index_cast %add3A_679 : i32 to index
        %get3A_698 = arith.constant 32 : index
        %get3A_699 = tpu.vector_load %arg12[%get3A_697, %get3A_698] {strides = array<i32>} : memref<96x128xf32, #tpu.memory_space<vmem>>, vector<16xf32>,
        %mul3A_700 = arith.mulf %get3A_699, %broadcast_in_dim3A_682 : vector<16xf32>
        %swap3A_701 = arith.index_cast %add3A_679 : i32 to index
        %swap3A_702 = arith.constant 32 : index
        %swap3A_703 = tpu.vector_load %arg12[%swap3A_701, %swap3A_702] {strides = array<i32>} : memref<96x128xf32, #tpu.memory_space<vmem>>, vector<16xf32>,
        tpu.vector_store %arg12[%swap3A_701, %swap3A_702], %mul3A_700 {strides = array<i32>} : memref<96x128xf32, #tpu.memory_space<vmem>>, vector<16xf32>,
        %get3A_704 = arith.index_cast %add3A_679 : i32 to index
        %get3A_705 = arith.constant 48 : index
        %get3A_706 = tpu.vector_load %arg12[%get3A_704, %get3A_705] {strides = array<i32>} : memref<96x128xf32, #tpu.memory_space<vmem>>, vector<16xf32>,
        %mul3A_707 = arith.mulf %get3A_706, %broadcast_in_dim3A_682 : vector<16xf32>
        %swap3A_708 = arith.index_cast %add3A_679 : i32 to index
        %swap3A_709 = arith.constant 48 : index
        %swap3A_710 = tpu.vector_load %arg12[%swap3A_708, %swap3A_709] {strides = array<i32>} : memref<96x128xf32, #tpu.memory_space<vmem>>, vector<16xf32>,
        tpu.vector_store %arg12[%swap3A_708, %swap3A_709], %mul3A_707 {strides = array<i32>} : memref<96x128xf32, #tpu.memory_space<vmem>>, vector<16xf32>,
        %get3A_711 = arith.index_cast %add3A_679 : i32 to index
        %get3A_712 = arith.constant 64 : index
        %get3A_713 = tpu.vector_load %arg12[%get3A_711, %get3A_712] {strides = array<i32>} : memref<96x128xf32, #tpu.memory_space<vmem>>, vector<16xf32>,
        %mul3A_714 = arith.mulf %get3A_713, %broadcast_in_dim3A_682 : vector<16xf32>
        %swap3A_715 = arith.index_cast %add3A_679 : i32 to index
        %swap3A_716 = arith.constant 64 : index
        %swap3A_717 = tpu.vector_load %arg12[%swap3A_715, %swap3A_716] {strides = array<i32>} : memref<96x128xf32, #tpu.memory_space<vmem>>, vector<16xf32>,
        tpu.vector_store %arg12[%swap3A_715, %swap3A_716], %mul3A_714 {strides = array<i32>} : memref<96x128xf32, #tpu.memory_space<vmem>>, vector<16xf32>,
        %get3A_718 = arith.index_cast %add3A_679 : i32 to index
        %get3A_719 = arith.constant 80 : index
        %get3A_720 = tpu.vector_load %arg12[%get3A_718, %get3A_719] {strides = array<i32>} : memref<96x128xf32, #tpu.memory_space<vmem>>, vector<16xf32>,
        %mul3A_721 = arith.mulf %get3A_720, %broadcast_in_dim3A_682 : vector<16xf32>
        %swap3A_722 = arith.index_cast %add3A_679 : i32 to index
        %swap3A_723 = arith.constant 80 : index
        %swap3A_724 = tpu.vector_load %arg12[%swap3A_722, %swap3A_723] {strides = array<i32>} : memref<96x128xf32, #tpu.memory_space<vmem>>, vector<16xf32>,
        tpu.vector_store %arg12[%swap3A_722, %swap3A_723], %mul3A_721 {strides = array<i32>} : memref<96x128xf32, #tpu.memory_space<vmem>>, vector<16xf32>,
        %get3A_725 = arith.index_cast %add3A_679 : i32 to index
        %get3A_726 = arith.constant 96 : index
        %get3A_727 = tpu.vector_load %arg12[%get3A_725, %get3A_726] {strides = array<i32>} : memref<96x128xf32, #tpu.memory_space<vmem>>, vector<16xf32>,
        %mul3A_728 = arith.mulf %get3A_727, %broadcast_in_dim3A_682 : vector<16xf32>
        %swap3A_729 = arith.index_cast %add3A_679 : i32 to index
        %swap3A_730 = arith.constant 96 : index
        %swap3A_731 = tpu.vector_load %arg12[%swap3A_729, %swap3A_730] {strides = array<i32>} : memref<96x128xf32, #tpu.memory_space<vmem>>, vector<16xf32>,
        tpu.vector_store %arg12[%swap3A_729, %swap3A_730], %mul3A_728 {strides = array<i32>} : memref<96x128xf32, #tpu.memory_space<vmem>>, vector<16xf32>,
        %get3A_732 = arith.index_cast %add3A_679 : i32 to index
        %get3A_733 = arith.constant 112 : index
        %get3A_734 = tpu.vector_load %arg12[%get3A_732, %get3A_733] {strides = array<i32>} : memref<96x128xf32, #tpu.memory_space<vmem>>, vector<16xf32>,
        %mul3A_735 = arith.mulf %get3A_734, %broadcast_in_dim3A_682 : vector<16xf32>
        %swap3A_736 = arith.index_cast %add3A_679 : i32 to index
        %swap3A_737 = arith.constant 112 : index
        %swap3A_738 = tpu.vector_load %arg12[%swap3A_736, %swap3A_737] {strides = array<i32>} : memref<96x128xf32, #tpu.memory_space<vmem>>, vector<16xf32>,
        tpu.vector_store %arg12[%swap3A_736, %swap3A_737], %mul3A_735 {strides = array<i32>} : memref<96x128xf32, #tpu.memory_space<vmem>>, vector<16xf32>,
        %mul3A_739 = arith.constant 16 : i32
        %mul3A_740 = arith.muli %add3A_156, %mul3A_739 : i32
        %add3A_741 = arith.constant 9 : i32
        %add3A_742 = arith.addi %mul3A_740, %add3A_741 : i32
        %slice3A_743 = vector.extract_strided_slice %exp3A {offsets = [9], sizes = [1], strides = [1]} : vector<16xf32> to vector<1xf32>
        %squeeze3A_744 = vector.extract %slice3A_743[0] : f32 from vector<1xf32>
        %broadcast_in_dim3A_745 = vector.broadcast %squeeze3A_744 : f32 to vector<16xf32>
        %get3A_746 = arith.index_cast %add3A_742 : i32 to index
        %get3A_747 = arith.constant 0 : index
        %get3A_748 = tpu.vector_load %arg12[%get3A_746, %get3A_747] {strides = array<i32>} : memref<96x128xf32, #tpu.memory_space<vmem>>, vector<16xf32>,
        %mul3A_749 = arith.mulf %get3A_748, %broadcast_in_dim3A_745 : vector<16xf32>
        %swap3A_750 = arith.index_cast %add3A_742 : i32 to index
        %swap3A_751 = arith.constant 0 : index
        %swap3A_752 = tpu.vector_load %arg12[%swap3A_750, %swap3A_751] {strides = array<i32>} : memref<96x128xf32, #tpu.memory_space<vmem>>, vector<16xf32>,
        tpu.vector_store %arg12[%swap3A_750, %swap3A_751], %mul3A_749 {strides = array<i32>} : memref<96x128xf32, #tpu.memory_space<vmem>>, vector<16xf32>,
        %get3A_753 = arith.index_cast %add3A_742 : i32 to index
        %get3A_754 = arith.constant 16 : index
        %get3A_755 = tpu.vector_load %arg12[%get3A_753, %get3A_754] {strides = array<i32>} : memref<96x128xf32, #tpu.memory_space<vmem>>, vector<16xf32>,
        %mul3A_756 = arith.mulf %get3A_755, %broadcast_in_dim3A_745 : vector<16xf32>
        %swap3A_757 = arith.index_cast %add3A_742 : i32 to index
        %swap3A_758 = arith.constant 16 : index
        %swap3A_759 = tpu.vector_load %arg12[%swap3A_757, %swap3A_758] {strides = array<i32>} : memref<96x128xf32, #tpu.memory_space<vmem>>, vector<16xf32>,
        tpu.vector_store %arg12[%swap3A_757, %swap3A_758], %mul3A_756 {strides = array<i32>} : memref<96x128xf32, #tpu.memory_space<vmem>>, vector<16xf32>,
        %get3A_760 = arith.index_cast %add3A_742 : i32 to index
        %get3A_761 = arith.constant 32 : index
        %get3A_762 = tpu.vector_load %arg12[%get3A_760, %get3A_761] {strides = array<i32>} : memref<96x128xf32, #tpu.memory_space<vmem>>, vector<16xf32>,
        %mul3A_763 = arith.mulf %get3A_762, %broadcast_in_dim3A_745 : vector<16xf32>
        %swap3A_764 = arith.index_cast %add3A_742 : i32 to index
        %swap3A_765 = arith.constant 32 : index
        %swap3A_766 = tpu.vector_load %arg12[%swap3A_764, %swap3A_765] {strides = array<i32>} : memref<96x128xf32, #tpu.memory_space<vmem>>, vector<16xf32>,
        tpu.vector_store %arg12[%swap3A_764, %swap3A_765], %mul3A_763 {strides = array<i32>} : memref<96x128xf32, #tpu.memory_space<vmem>>, vector<16xf32>,
        %get3A_767 = arith.index_cast %add3A_742 : i32 to index
        %get3A_768 = arith.constant 48 : index
        %get3A_769 = tpu.vector_load %arg12[%get3A_767, %get3A_768] {strides = array<i32>} : memref<96x128xf32, #tpu.memory_space<vmem>>, vector<16xf32>,
        %mul3A_770 = arith.mulf %get3A_769, %broadcast_in_dim3A_745 : vector<16xf32>
        %swap3A_771 = arith.index_cast %add3A_742 : i32 to index
        %swap3A_772 = arith.constant 48 : index
        %swap3A_773 = tpu.vector_load %arg12[%swap3A_771, %swap3A_772] {strides = array<i32>} : memref<96x128xf32, #tpu.memory_space<vmem>>, vector<16xf32>,
        tpu.vector_store %arg12[%swap3A_771, %swap3A_772], %mul3A_770 {strides = array<i32>} : memref<96x128xf32, #tpu.memory_space<vmem>>, vector<16xf32>,
        %get3A_774 = arith.index_cast %add3A_742 : i32 to index
        %get3A_775 = arith.constant 64 : index
        %get3A_776 = tpu.vector_load %arg12[%get3A_774, %get3A_775] {strides = array<i32>} : memref<96x128xf32, #tpu.memory_space<vmem>>, vector<16xf32>,
        %mul3A_777 = arith.mulf %get3A_776, %broadcast_in_dim3A_745 : vector<16xf32>
        %swap3A_778 = arith.index_cast %add3A_742 : i32 to index
        %swap3A_779 = arith.constant 64 : index
        %swap3A_780 = tpu.vector_load %arg12[%swap3A_778, %swap3A_779] {strides = array<i32>} : memref<96x128xf32, #tpu.memory_space<vmem>>, vector<16xf32>,
        tpu.vector_store %arg12[%swap3A_778, %swap3A_779], %mul3A_777 {strides = array<i32>} : memref<96x128xf32, #tpu.memory_space<vmem>>, vector<16xf32>,
        %get3A_781 = arith.index_cast %add3A_742 : i32 to index
        %get3A_782 = arith.constant 80 : index
        %get3A_783 = tpu.vector_load %arg12[%get3A_781, %get3A_782] {strides = array<i32>} : memref<96x128xf32, #tpu.memory_space<vmem>>, vector<16xf32>,
        %mul3A_784 = arith.mulf %get3A_783, %broadcast_in_dim3A_745 : vector<16xf32>
        %swap3A_785 = arith.index_cast %add3A_742 : i32 to index
        %swap3A_786 = arith.constant 80 : index
        %swap3A_787 = tpu.vector_load %arg12[%swap3A_785, %swap3A_786] {strides = array<i32>} : memref<96x128xf32, #tpu.memory_space<vmem>>, vector<16xf32>,
        tpu.vector_store %arg12[%swap3A_785, %swap3A_786], %mul3A_784 {strides = array<i32>} : memref<96x128xf32, #tpu.memory_space<vmem>>, vector<16xf32>,
        %get3A_788 = arith.index_cast %add3A_742 : i32 to index
        %get3A_789 = arith.constant 96 : index
        %get3A_790 = tpu.vector_load %arg12[%get3A_788, %get3A_789] {strides = array<i32>} : memref<96x128xf32, #tpu.memory_space<vmem>>, vector<16xf32>,
        %mul3A_791 = arith.mulf %get3A_790, %broadcast_in_dim3A_745 : vector<16xf32>
        %swap3A_792 = arith.index_cast %add3A_742 : i32 to index
        %swap3A_793 = arith.constant 96 : index
        %swap3A_794 = tpu.vector_load %arg12[%swap3A_792, %swap3A_793] {strides = array<i32>} : memref<96x128xf32, #tpu.memory_space<vmem>>, vector<16xf32>,
        tpu.vector_store %arg12[%swap3A_792, %swap3A_793], %mul3A_791 {strides = array<i32>} : memref<96x128xf32, #tpu.memory_space<vmem>>, vector<16xf32>,
        %get3A_795 = arith.index_cast %add3A_742 : i32 to index
        %get3A_796 = arith.constant 112 : index
        %get3A_797 = tpu.vector_load %arg12[%get3A_795, %get3A_796] {strides = array<i32>} : memref<96x128xf32, #tpu.memory_space<vmem>>, vector<16xf32>,
        %mul3A_798 = arith.mulf %get3A_797, %broadcast_in_dim3A_745 : vector<16xf32>
        %swap3A_799 = arith.index_cast %add3A_742 : i32 to index
        %swap3A_800 = arith.constant 112 : index
        %swap3A_801 = tpu.vector_load %arg12[%swap3A_799, %swap3A_800] {strides = array<i32>} : memref<96x128xf32, #tpu.memory_space<vmem>>, vector<16xf32>,
        tpu.vector_store %arg12[%swap3A_799, %swap3A_800], %mul3A_798 {strides = array<i32>} : memref<96x128xf32, #tpu.memory_space<vmem>>, vector<16xf32>,
        %mul3A_802 = arith.constant 16 : i32
        %mul3A_803 = arith.muli %add3A_156, %mul3A_802 : i32
        %add3A_804 = arith.constant 10 : i32
        %add3A_805 = arith.addi %mul3A_803, %add3A_804 : i32
        %slice3A_806 = vector.extract_strided_slice %exp3A {offsets = [10], sizes = [1], strides = [1]} : vector<16xf32> to vector<1xf32>
        %squeeze3A_807 = vector.extract %slice3A_806[0] : f32 from vector<1xf32>
        %broadcast_in_dim3A_808 = vector.broadcast %squeeze3A_807 : f32 to vector<16xf32>
        %get3A_809 = arith.index_cast %add3A_805 : i32 to index
        %get3A_810 = arith.constant 0 : index
        %get3A_811 = tpu.vector_load %arg12[%get3A_809, %get3A_810] {strides = array<i32>} : memref<96x128xf32, #tpu.memory_space<vmem>>, vector<16xf32>,
        %mul3A_812 = arith.mulf %get3A_811, %broadcast_in_dim3A_808 : vector<16xf32>
        %swap3A_813 = arith.index_cast %add3A_805 : i32 to index
        %swap3A_814 = arith.constant 0 : index
        %swap3A_815 = tpu.vector_load %arg12[%swap3A_813, %swap3A_814] {strides = array<i32>} : memref<96x128xf32, #tpu.memory_space<vmem>>, vector<16xf32>,
        tpu.vector_store %arg12[%swap3A_813, %swap3A_814], %mul3A_812 {strides = array<i32>} : memref<96x128xf32, #tpu.memory_space<vmem>>, vector<16xf32>,
        %get3A_816 = arith.index_cast %add3A_805 : i32 to index
        %get3A_817 = arith.constant 16 : index
        %get3A_818 = tpu.vector_load %arg12[%get3A_816, %get3A_817] {strides = array<i32>} : memref<96x128xf32, #tpu.memory_space<vmem>>, vector<16xf32>,
        %mul3A_819 = arith.mulf %get3A_818, %broadcast_in_dim3A_808 : vector<16xf32>
        %swap3A_820 = arith.index_cast %add3A_805 : i32 to index
        %swap3A_821 = arith.constant 16 : index
        %swap3A_822 = tpu.vector_load %arg12[%swap3A_820, %swap3A_821] {strides = array<i32>} : memref<96x128xf32, #tpu.memory_space<vmem>>, vector<16xf32>,
        tpu.vector_store %arg12[%swap3A_820, %swap3A_821], %mul3A_819 {strides = array<i32>} : memref<96x128xf32, #tpu.memory_space<vmem>>, vector<16xf32>,
        %get3A_823 = arith.index_cast %add3A_805 : i32 to index
        %get3A_824 = arith.constant 32 : index
        %get3A_825 = tpu.vector_load %arg12[%get3A_823, %get3A_824] {strides = array<i32>} : memref<96x128xf32, #tpu.memory_space<vmem>>, vector<16xf32>,
        %mul3A_826 = arith.mulf %get3A_825, %broadcast_in_dim3A_808 : vector<16xf32>
        %swap3A_827 = arith.index_cast %add3A_805 : i32 to index
        %swap3A_828 = arith.constant 32 : index
        %swap3A_829 = tpu.vector_load %arg12[%swap3A_827, %swap3A_828] {strides = array<i32>} : memref<96x128xf32, #tpu.memory_space<vmem>>, vector<16xf32>,
        tpu.vector_store %arg12[%swap3A_827, %swap3A_828], %mul3A_826 {strides = array<i32>} : memref<96x128xf32, #tpu.memory_space<vmem>>, vector<16xf32>,
        %get3A_830 = arith.index_cast %add3A_805 : i32 to index
        %get3A_831 = arith.constant 48 : index
        %get3A_832 = tpu.vector_load %arg12[%get3A_830, %get3A_831] {strides = array<i32>} : memref<96x128xf32, #tpu.memory_space<vmem>>, vector<16xf32>,
        %mul3A_833 = arith.mulf %get3A_832, %broadcast_in_dim3A_808 : vector<16xf32>
        %swap3A_834 = arith.index_cast %add3A_805 : i32 to index
        %swap3A_835 = arith.constant 48 : index
        %swap3A_836 = tpu.vector_load %arg12[%swap3A_834, %swap3A_835] {strides = array<i32>} : memref<96x128xf32, #tpu.memory_space<vmem>>, vector<16xf32>,
        tpu.vector_store %arg12[%swap3A_834, %swap3A_835], %mul3A_833 {strides = array<i32>} : memref<96x128xf32, #tpu.memory_space<vmem>>, vector<16xf32>,
        %get3A_837 = arith.index_cast %add3A_805 : i32 to index
        %get3A_838 = arith.constant 64 : index
        %get3A_839 = tpu.vector_load %arg12[%get3A_837, %get3A_838] {strides = array<i32>} : memref<96x128xf32, #tpu.memory_space<vmem>>, vector<16xf32>,
        %mul3A_840 = arith.mulf %get3A_839, %broadcast_in_dim3A_808 : vector<16xf32>
        %swap3A_841 = arith.index_cast %add3A_805 : i32 to index
        %swap3A_842 = arith.constant 64 : index
        %swap3A_843 = tpu.vector_load %arg12[%swap3A_841, %swap3A_842] {strides = array<i32>} : memref<96x128xf32, #tpu.memory_space<vmem>>, vector<16xf32>,
        tpu.vector_store %arg12[%swap3A_841, %swap3A_842], %mul3A_840 {strides = array<i32>} : memref<96x128xf32, #tpu.memory_space<vmem>>, vector<16xf32>,
        %get3A_844 = arith.index_cast %add3A_805 : i32 to index
        %get3A_845 = arith.constant 80 : index
        %get3A_846 = tpu.vector_load %arg12[%get3A_844, %get3A_845] {strides = array<i32>} : memref<96x128xf32, #tpu.memory_space<vmem>>, vector<16xf32>,
        %mul3A_847 = arith.mulf %get3A_846, %broadcast_in_dim3A_808 : vector<16xf32>
        %swap3A_848 = arith.index_cast %add3A_805 : i32 to index
        %swap3A_849 = arith.constant 80 : index
        %swap3A_850 = tpu.vector_load %arg12[%swap3A_848, %swap3A_849] {strides = array<i32>} : memref<96x128xf32, #tpu.memory_space<vmem>>, vector<16xf32>,
        tpu.vector_store %arg12[%swap3A_848, %swap3A_849], %mul3A_847 {strides = array<i32>} : memref<96x128xf32, #tpu.memory_space<vmem>>, vector<16xf32>,
        %get3A_851 = arith.index_cast %add3A_805 : i32 to index
        %get3A_852 = arith.constant 96 : index
        %get3A_853 = tpu.vector_load %arg12[%get3A_851, %get3A_852] {strides = array<i32>} : memref<96x128xf32, #tpu.memory_space<vmem>>, vector<16xf32>,
        %mul3A_854 = arith.mulf %get3A_853, %broadcast_in_dim3A_808 : vector<16xf32>
        %swap3A_855 = arith.index_cast %add3A_805 : i32 to index
        %swap3A_856 = arith.constant 96 : index
        %swap3A_857 = tpu.vector_load %arg12[%swap3A_855, %swap3A_856] {strides = array<i32>} : memref<96x128xf32, #tpu.memory_space<vmem>>, vector<16xf32>,
        tpu.vector_store %arg12[%swap3A_855, %swap3A_856], %mul3A_854 {strides = array<i32>} : memref<96x128xf32, #tpu.memory_space<vmem>>, vector<16xf32>,
        %get3A_858 = arith.index_cast %add3A_805 : i32 to index
        %get3A_859 = arith.constant 112 : index
        %get3A_860 = tpu.vector_load %arg12[%get3A_858, %get3A_859] {strides = array<i32>} : memref<96x128xf32, #tpu.memory_space<vmem>>, vector<16xf32>,
        %mul3A_861 = arith.mulf %get3A_860, %broadcast_in_dim3A_808 : vector<16xf32>
        %swap3A_862 = arith.index_cast %add3A_805 : i32 to index
        %swap3A_863 = arith.constant 112 : index
        %swap3A_864 = tpu.vector_load %arg12[%swap3A_862, %swap3A_863] {strides = array<i32>} : memref<96x128xf32, #tpu.memory_space<vmem>>, vector<16xf32>,
        tpu.vector_store %arg12[%swap3A_862, %swap3A_863], %mul3A_861 {strides = array<i32>} : memref<96x128xf32, #tpu.memory_space<vmem>>, vector<16xf32>,
        %mul3A_865 = arith.constant 16 : i32
        %mul3A_866 = arith.muli %add3A_156, %mul3A_865 : i32
        %add3A_867 = arith.constant 11 : i32
        %add3A_868 = arith.addi %mul3A_866, %add3A_867 : i32
        %slice3A_869 = vector.extract_strided_slice %exp3A {offsets = [11], sizes = [1], strides = [1]} : vector<16xf32> to vector<1xf32>
        %squeeze3A_870 = vector.extract %slice3A_869[0] : f32 from vector<1xf32>
        %broadcast_in_dim3A_871 = vector.broadcast %squeeze3A_870 : f32 to vector<16xf32>
        %get3A_872 = arith.index_cast %add3A_868 : i32 to index
        %get3A_873 = arith.constant 0 : index
        %get3A_874 = tpu.vector_load %arg12[%get3A_872, %get3A_873] {strides = array<i32>} : memref<96x128xf32, #tpu.memory_space<vmem>>, vector<16xf32>,
        %mul3A_875 = arith.mulf %get3A_874, %broadcast_in_dim3A_871 : vector<16xf32>
        %swap3A_876 = arith.index_cast %add3A_868 : i32 to index
        %swap3A_877 = arith.constant 0 : index
        %swap3A_878 = tpu.vector_load %arg12[%swap3A_876, %swap3A_877] {strides = array<i32>} : memref<96x128xf32, #tpu.memory_space<vmem>>, vector<16xf32>,
        tpu.vector_store %arg12[%swap3A_876, %swap3A_877], %mul3A_875 {strides = array<i32>} : memref<96x128xf32, #tpu.memory_space<vmem>>, vector<16xf32>,
        %get3A_879 = arith.index_cast %add3A_868 : i32 to index
        %get3A_880 = arith.constant 16 : index
        %get3A_881 = tpu.vector_load %arg12[%get3A_879, %get3A_880] {strides = array<i32>} : memref<96x128xf32, #tpu.memory_space<vmem>>, vector<16xf32>,
        %mul3A_882 = arith.mulf %get3A_881, %broadcast_in_dim3A_871 : vector<16xf32>
        %swap3A_883 = arith.index_cast %add3A_868 : i32 to index
        %swap3A_884 = arith.constant 16 : index
        %swap3A_885 = tpu.vector_load %arg12[%swap3A_883, %swap3A_884] {strides = array<i32>} : memref<96x128xf32, #tpu.memory_space<vmem>>, vector<16xf32>,
        tpu.vector_store %arg12[%swap3A_883, %swap3A_884], %mul3A_882 {strides = array<i32>} : memref<96x128xf32, #tpu.memory_space<vmem>>, vector<16xf32>,
        %get3A_886 = arith.index_cast %add3A_868 : i32 to index
        %get3A_887 = arith.constant 32 : index
        %get3A_888 = tpu.vector_load %arg12[%get3A_886, %get3A_887] {strides = array<i32>} : memref<96x128xf32, #tpu.memory_space<vmem>>, vector<16xf32>,
        %mul3A_889 = arith.mulf %get3A_888, %broadcast_in_dim3A_871 : vector<16xf32>
        %swap3A_890 = arith.index_cast %add3A_868 : i32 to index
        %swap3A_891 = arith.constant 32 : index
        %swap3A_892 = tpu.vector_load %arg12[%swap3A_890, %swap3A_891] {strides = array<i32>} : memref<96x128xf32, #tpu.memory_space<vmem>>, vector<16xf32>,
        tpu.vector_store %arg12[%swap3A_890, %swap3A_891], %mul3A_889 {strides = array<i32>} : memref<96x128xf32, #tpu.memory_space<vmem>>, vector<16xf32>,
        %get3A_893 = arith.index_cast %add3A_868 : i32 to index
        %get3A_894 = arith.constant 48 : index
        %get3A_895 = tpu.vector_load %arg12[%get3A_893, %get3A_894] {strides = array<i32>} : memref<96x128xf32, #tpu.memory_space<vmem>>, vector<16xf32>,
        %mul3A_896 = arith.mulf %get3A_895, %broadcast_in_dim3A_871 : vector<16xf32>
        %swap3A_897 = arith.index_cast %add3A_868 : i32 to index
        %swap3A_898 = arith.constant 48 : index
        %swap3A_899 = tpu.vector_load %arg12[%swap3A_897, %swap3A_898] {strides = array<i32>} : memref<96x128xf32, #tpu.memory_space<vmem>>, vector<16xf32>,
        tpu.vector_store %arg12[%swap3A_897, %swap3A_898], %mul3A_896 {strides = array<i32>} : memref<96x128xf32, #tpu.memory_space<vmem>>, vector<16xf32>,
        %get3A_900 = arith.index_cast %add3A_868 : i32 to index
        %get3A_901 = arith.constant 64 : index
        %get3A_902 = tpu.vector_load %arg12[%get3A_900, %get3A_901] {strides = array<i32>} : memref<96x128xf32, #tpu.memory_space<vmem>>, vector<16xf32>,
        %mul3A_903 = arith.mulf %get3A_902, %broadcast_in_dim3A_871 : vector<16xf32>
        %swap3A_904 = arith.index_cast %add3A_868 : i32 to index
        %swap3A_905 = arith.constant 64 : index
        %swap3A_906 = tpu.vector_load %arg12[%swap3A_904, %swap3A_905] {strides = array<i32>} : memref<96x128xf32, #tpu.memory_space<vmem>>, vector<16xf32>,
        tpu.vector_store %arg12[%swap3A_904, %swap3A_905], %mul3A_903 {strides = array<i32>} : memref<96x128xf32, #tpu.memory_space<vmem>>, vector<16xf32>,
        %get3A_907 = arith.index_cast %add3A_868 : i32 to index
        %get3A_908 = arith.constant 80 : index
        %get3A_909 = tpu.vector_load %arg12[%get3A_907, %get3A_908] {strides = array<i32>} : memref<96x128xf32, #tpu.memory_space<vmem>>, vector<16xf32>,
        %mul3A_910 = arith.mulf %get3A_909, %broadcast_in_dim3A_871 : vector<16xf32>
        %swap3A_911 = arith.index_cast %add3A_868 : i32 to index
        %swap3A_912 = arith.constant 80 : index
        %swap3A_913 = tpu.vector_load %arg12[%swap3A_911, %swap3A_912] {strides = array<i32>} : memref<96x128xf32, #tpu.memory_space<vmem>>, vector<16xf32>,
        tpu.vector_store %arg12[%swap3A_911, %swap3A_912], %mul3A_910 {strides = array<i32>} : memref<96x128xf32, #tpu.memory_space<vmem>>, vector<16xf32>,
        %get3A_914 = arith.index_cast %add3A_868 : i32 to index
        %get3A_915 = arith.constant 96 : index
        %get3A_916 = tpu.vector_load %arg12[%get3A_914, %get3A_915] {strides = array<i32>} : memref<96x128xf32, #tpu.memory_space<vmem>>, vector<16xf32>,
        %mul3A_917 = arith.mulf %get3A_916, %broadcast_in_dim3A_871 : vector<16xf32>
        %swap3A_918 = arith.index_cast %add3A_868 : i32 to index
        %swap3A_919 = arith.constant 96 : index
        %swap3A_920 = tpu.vector_load %arg12[%swap3A_918, %swap3A_919] {strides = array<i32>} : memref<96x128xf32, #tpu.memory_space<vmem>>, vector<16xf32>,
        tpu.vector_store %arg12[%swap3A_918, %swap3A_919], %mul3A_917 {strides = array<i32>} : memref<96x128xf32, #tpu.memory_space<vmem>>, vector<16xf32>,
        %get3A_921 = arith.index_cast %add3A_868 : i32 to index
        %get3A_922 = arith.constant 112 : index
        %get3A_923 = tpu.vector_load %arg12[%get3A_921, %get3A_922] {strides = array<i32>} : memref<96x128xf32, #tpu.memory_space<vmem>>, vector<16xf32>,
        %mul3A_924 = arith.mulf %get3A_923, %broadcast_in_dim3A_871 : vector<16xf32>
        %swap3A_925 = arith.index_cast %add3A_868 : i32 to index
        %swap3A_926 = arith.constant 112 : index
        %swap3A_927 = tpu.vector_load %arg12[%swap3A_925, %swap3A_926] {strides = array<i32>} : memref<96x128xf32, #tpu.memory_space<vmem>>, vector<16xf32>,
        tpu.vector_store %arg12[%swap3A_925, %swap3A_926], %mul3A_924 {strides = array<i32>} : memref<96x128xf32, #tpu.memory_space<vmem>>, vector<16xf32>,
        %mul3A_928 = arith.constant 16 : i32
        %mul3A_929 = arith.muli %add3A_156, %mul3A_928 : i32
        %add3A_930 = arith.constant 12 : i32
        %add3A_931 = arith.addi %mul3A_929, %add3A_930 : i32
        %slice3A_932 = vector.extract_strided_slice %exp3A {offsets = [12], sizes = [1], strides = [1]} : vector<16xf32> to vector<1xf32>
        %squeeze3A_933 = vector.extract %slice3A_932[0] : f32 from vector<1xf32>
        %broadcast_in_dim3A_934 = vector.broadcast %squeeze3A_933 : f32 to vector<16xf32>
        %get3A_935 = arith.index_cast %add3A_931 : i32 to index
        %get3A_936 = arith.constant 0 : index
        %get3A_937 = tpu.vector_load %arg12[%get3A_935, %get3A_936] {strides = array<i32>} : memref<96x128xf32, #tpu.memory_space<vmem>>, vector<16xf32>,
        %mul3A_938 = arith.mulf %get3A_937, %broadcast_in_dim3A_934 : vector<16xf32>
        %swap3A_939 = arith.index_cast %add3A_931 : i32 to index
        %swap3A_940 = arith.constant 0 : index
        %swap3A_941 = tpu.vector_load %arg12[%swap3A_939, %swap3A_940] {strides = array<i32>} : memref<96x128xf32, #tpu.memory_space<vmem>>, vector<16xf32>,
        tpu.vector_store %arg12[%swap3A_939, %swap3A_940], %mul3A_938 {strides = array<i32>} : memref<96x128xf32, #tpu.memory_space<vmem>>, vector<16xf32>,
        %get3A_942 = arith.index_cast %add3A_931 : i32 to index
        %get3A_943 = arith.constant 16 : index
        %get3A_944 = tpu.vector_load %arg12[%get3A_942, %get3A_943] {strides = array<i32>} : memref<96x128xf32, #tpu.memory_space<vmem>>, vector<16xf32>,
        %mul3A_945 = arith.mulf %get3A_944, %broadcast_in_dim3A_934 : vector<16xf32>
        %swap3A_946 = arith.index_cast %add3A_931 : i32 to index
        %swap3A_947 = arith.constant 16 : index
        %swap3A_948 = tpu.vector_load %arg12[%swap3A_946, %swap3A_947] {strides = array<i32>} : memref<96x128xf32, #tpu.memory_space<vmem>>, vector<16xf32>,
        tpu.vector_store %arg12[%swap3A_946, %swap3A_947], %mul3A_945 {strides = array<i32>} : memref<96x128xf32, #tpu.memory_space<vmem>>, vector<16xf32>,
        %get3A_949 = arith.index_cast %add3A_931 : i32 to index
        %get3A_950 = arith.constant 32 : index
        %get3A_951 = tpu.vector_load %arg12[%get3A_949, %get3A_950] {strides = array<i32>} : memref<96x128xf32, #tpu.memory_space<vmem>>, vector<16xf32>,
        %mul3A_952 = arith.mulf %get3A_951, %broadcast_in_dim3A_934 : vector<16xf32>
        %swap3A_953 = arith.index_cast %add3A_931 : i32 to index
        %swap3A_954 = arith.constant 32 : index
        %swap3A_955 = tpu.vector_load %arg12[%swap3A_953, %swap3A_954] {strides = array<i32>} : memref<96x128xf32, #tpu.memory_space<vmem>>, vector<16xf32>,
        tpu.vector_store %arg12[%swap3A_953, %swap3A_954], %mul3A_952 {strides = array<i32>} : memref<96x128xf32, #tpu.memory_space<vmem>>, vector<16xf32>,
        %get3A_956 = arith.index_cast %add3A_931 : i32 to index
        %get3A_957 = arith.constant 48 : index
        %get3A_958 = tpu.vector_load %arg12[%get3A_956, %get3A_957] {strides = array<i32>} : memref<96x128xf32, #tpu.memory_space<vmem>>, vector<16xf32>,
        %mul3A_959 = arith.mulf %get3A_958, %broadcast_in_dim3A_934 : vector<16xf32>
        %swap3A_960 = arith.index_cast %add3A_931 : i32 to index
        %swap3A_961 = arith.constant 48 : index
        %swap3A_962 = tpu.vector_load %arg12[%swap3A_960, %swap3A_961] {strides = array<i32>} : memref<96x128xf32, #tpu.memory_space<vmem>>, vector<16xf32>,
        tpu.vector_store %arg12[%swap3A_960, %swap3A_961], %mul3A_959 {strides = array<i32>} : memref<96x128xf32, #tpu.memory_space<vmem>>, vector<16xf32>,
        %get3A_963 = arith.index_cast %add3A_931 : i32 to index
        %get3A_964 = arith.constant 64 : index
        %get3A_965 = tpu.vector_load %arg12[%get3A_963, %get3A_964] {strides = array<i32>} : memref<96x128xf32, #tpu.memory_space<vmem>>, vector<16xf32>,
        %mul3A_966 = arith.mulf %get3A_965, %broadcast_in_dim3A_934 : vector<16xf32>
        %swap3A_967 = arith.index_cast %add3A_931 : i32 to index
        %swap3A_968 = arith.constant 64 : index
        %swap3A_969 = tpu.vector_load %arg12[%swap3A_967, %swap3A_968] {strides = array<i32>} : memref<96x128xf32, #tpu.memory_space<vmem>>, vector<16xf32>,
        tpu.vector_store %arg12[%swap3A_967, %swap3A_968], %mul3A_966 {strides = array<i32>} : memref<96x128xf32, #tpu.memory_space<vmem>>, vector<16xf32>,
        %get3A_970 = arith.index_cast %add3A_931 : i32 to index
        %get3A_971 = arith.constant 80 : index
        %get3A_972 = tpu.vector_load %arg12[%get3A_970, %get3A_971] {strides = array<i32>} : memref<96x128xf32, #tpu.memory_space<vmem>>, vector<16xf32>,
        %mul3A_973 = arith.mulf %get3A_972, %broadcast_in_dim3A_934 : vector<16xf32>
        %swap3A_974 = arith.index_cast %add3A_931 : i32 to index
        %swap3A_975 = arith.constant 80 : index
        %swap3A_976 = tpu.vector_load %arg12[%swap3A_974, %swap3A_975] {strides = array<i32>} : memref<96x128xf32, #tpu.memory_space<vmem>>, vector<16xf32>,
        tpu.vector_store %arg12[%swap3A_974, %swap3A_975], %mul3A_973 {strides = array<i32>} : memref<96x128xf32, #tpu.memory_space<vmem>>, vector<16xf32>,
        %get3A_977 = arith.index_cast %add3A_931 : i32 to index
        %get3A_978 = arith.constant 96 : index
        %get3A_979 = tpu.vector_load %arg12[%get3A_977, %get3A_978] {strides = array<i32>} : memref<96x128xf32, #tpu.memory_space<vmem>>, vector<16xf32>,
        %mul3A_980 = arith.mulf %get3A_979, %broadcast_in_dim3A_934 : vector<16xf32>
        %swap3A_981 = arith.index_cast %add3A_931 : i32 to index
        %swap3A_982 = arith.constant 96 : index
        %swap3A_983 = tpu.vector_load %arg12[%swap3A_981, %swap3A_982] {strides = array<i32>} : memref<96x128xf32, #tpu.memory_space<vmem>>, vector<16xf32>,
        tpu.vector_store %arg12[%swap3A_981, %swap3A_982], %mul3A_980 {strides = array<i32>} : memref<96x128xf32, #tpu.memory_space<vmem>>, vector<16xf32>,
        %get3A_984 = arith.index_cast %add3A_931 : i32 to index
        %get3A_985 = arith.constant 112 : index
        %get3A_986 = tpu.vector_load %arg12[%get3A_984, %get3A_985] {strides = array<i32>} : memref<96x128xf32, #tpu.memory_space<vmem>>, vector<16xf32>,
        %mul3A_987 = arith.mulf %get3A_986, %broadcast_in_dim3A_934 : vector<16xf32>
        %swap3A_988 = arith.index_cast %add3A_931 : i32 to index
        %swap3A_989 = arith.constant 112 : index
        %swap3A_990 = tpu.vector_load %arg12[%swap3A_988, %swap3A_989] {strides = array<i32>} : memref<96x128xf32, #tpu.memory_space<vmem>>, vector<16xf32>,
        tpu.vector_store %arg12[%swap3A_988, %swap3A_989], %mul3A_987 {strides = array<i32>} : memref<96x128xf32, #tpu.memory_space<vmem>>, vector<16xf32>,
        %mul3A_991 = arith.constant 16 : i32
        %mul3A_992 = arith.muli %add3A_156, %mul3A_991 : i32
        %add3A_993 = arith.constant 13 : i32
        %add3A_994 = arith.addi %mul3A_992, %add3A_993 : i32
        %slice3A_995 = vector.extract_strided_slice %exp3A {offsets = [13], sizes = [1], strides = [1]} : vector<16xf32> to vector<1xf32>
        %squeeze3A_996 = vector.extract %slice3A_995[0] : f32 from vector<1xf32>
        %broadcast_in_dim3A_997 = vector.broadcast %squeeze3A_996 : f32 to vector<16xf32>
        %get3A_998 = arith.index_cast %add3A_994 : i32 to index
        %get3A_999 = arith.constant 0 : index
        %get3A_1000 = tpu.vector_load %arg12[%get3A_998, %get3A_999] {strides = array<i32>} : memref<96x128xf32, #tpu.memory_space<vmem>>, vector<16xf32>,
        %mul3A_1001 = arith.mulf %get3A_1000, %broadcast_in_dim3A_997 : vector<16xf32>
        %swap3A_1002 = arith.index_cast %add3A_994 : i32 to index
        %swap3A_1003 = arith.constant 0 : index
        %swap3A_1004 = tpu.vector_load %arg12[%swap3A_1002, %swap3A_1003] {strides = array<i32>} : memref<96x128xf32, #tpu.memory_space<vmem>>, vector<16xf32>,
        tpu.vector_store %arg12[%swap3A_1002, %swap3A_1003], %mul3A_1001 {strides = array<i32>} : memref<96x128xf32, #tpu.memory_space<vmem>>, vector<16xf32>,
        %get3A_1005 = arith.index_cast %add3A_994 : i32 to index
        %get3A_1006 = arith.constant 16 : index
        %get3A_1007 = tpu.vector_load %arg12[%get3A_1005, %get3A_1006] {strides = array<i32>} : memref<96x128xf32, #tpu.memory_space<vmem>>, vector<16xf32>,
        %mul3A_1008 = arith.mulf %get3A_1007, %broadcast_in_dim3A_997 : vector<16xf32>
        %swap3A_1009 = arith.index_cast %add3A_994 : i32 to index
        %swap3A_1010 = arith.constant 16 : index
        %swap3A_1011 = tpu.vector_load %arg12[%swap3A_1009, %swap3A_1010] {strides = array<i32>} : memref<96x128xf32, #tpu.memory_space<vmem>>, vector<16xf32>,
        tpu.vector_store %arg12[%swap3A_1009, %swap3A_1010], %mul3A_1008 {strides = array<i32>} : memref<96x128xf32, #tpu.memory_space<vmem>>, vector<16xf32>,
        %get3A_1012 = arith.index_cast %add3A_994 : i32 to index
        %get3A_1013 = arith.constant 32 : index
        %get3A_1014 = tpu.vector_load %arg12[%get3A_1012, %get3A_1013] {strides = array<i32>} : memref<96x128xf32, #tpu.memory_space<vmem>>, vector<16xf32>,
        %mul3A_1015 = arith.mulf %get3A_1014, %broadcast_in_dim3A_997 : vector<16xf32>
        %swap3A_1016 = arith.index_cast %add3A_994 : i32 to index
        %swap3A_1017 = arith.constant 32 : index
        %swap3A_1018 = tpu.vector_load %arg12[%swap3A_1016, %swap3A_1017] {strides = array<i32>} : memref<96x128xf32, #tpu.memory_space<vmem>>, vector<16xf32>,
        tpu.vector_store %arg12[%swap3A_1016, %swap3A_1017], %mul3A_1015 {strides = array<i32>} : memref<96x128xf32, #tpu.memory_space<vmem>>, vector<16xf32>,
        %get3A_1019 = arith.index_cast %add3A_994 : i32 to index
        %get3A_1020 = arith.constant 48 : index
        %get3A_1021 = tpu.vector_load %arg12[%get3A_1019, %get3A_1020] {strides = array<i32>} : memref<96x128xf32, #tpu.memory_space<vmem>>, vector<16xf32>,
        %mul3A_1022 = arith.mulf %get3A_1021, %broadcast_in_dim3A_997 : vector<16xf32>
        %swap3A_1023 = arith.index_cast %add3A_994 : i32 to index
        %swap3A_1024 = arith.constant 48 : index
        %swap3A_1025 = tpu.vector_load %arg12[%swap3A_1023, %swap3A_1024] {strides = array<i32>} : memref<96x128xf32, #tpu.memory_space<vmem>>, vector<16xf32>,
        tpu.vector_store %arg12[%swap3A_1023, %swap3A_1024], %mul3A_1022 {strides = array<i32>} : memref<96x128xf32, #tpu.memory_space<vmem>>, vector<16xf32>,
        %get3A_1026 = arith.index_cast %add3A_994 : i32 to index
        %get3A_1027 = arith.constant 64 : index
        %get3A_1028 = tpu.vector_load %arg12[%get3A_1026, %get3A_1027] {strides = array<i32>} : memref<96x128xf32, #tpu.memory_space<vmem>>, vector<16xf32>,
        %mul3A_1029 = arith.mulf %get3A_1028, %broadcast_in_dim3A_997 : vector<16xf32>
        %swap3A_1030 = arith.index_cast %add3A_994 : i32 to index
        %swap3A_1031 = arith.constant 64 : index
        %swap3A_1032 = tpu.vector_load %arg12[%swap3A_1030, %swap3A_1031] {strides = array<i32>} : memref<96x128xf32, #tpu.memory_space<vmem>>, vector<16xf32>,
        tpu.vector_store %arg12[%swap3A_1030, %swap3A_1031], %mul3A_1029 {strides = array<i32>} : memref<96x128xf32, #tpu.memory_space<vmem>>, vector<16xf32>,
        %get3A_1033 = arith.index_cast %add3A_994 : i32 to index
        %get3A_1034 = arith.constant 80 : index
        %get3A_1035 = tpu.vector_load %arg12[%get3A_1033, %get3A_1034] {strides = array<i32>} : memref<96x128xf32, #tpu.memory_space<vmem>>, vector<16xf32>,
        %mul3A_1036 = arith.mulf %get3A_1035, %broadcast_in_dim3A_997 : vector<16xf32>
        %swap3A_1037 = arith.index_cast %add3A_994 : i32 to index
        %swap3A_1038 = arith.constant 80 : index
        %swap3A_1039 = tpu.vector_load %arg12[%swap3A_1037, %swap3A_1038] {strides = array<i32>} : memref<96x128xf32, #tpu.memory_space<vmem>>, vector<16xf32>,
        tpu.vector_store %arg12[%swap3A_1037, %swap3A_1038], %mul3A_1036 {strides = array<i32>} : memref<96x128xf32, #tpu.memory_space<vmem>>, vector<16xf32>,
        %get3A_1040 = arith.index_cast %add3A_994 : i32 to index
        %get3A_1041 = arith.constant 96 : index
        %get3A_1042 = tpu.vector_load %arg12[%get3A_1040, %get3A_1041] {strides = array<i32>} : memref<96x128xf32, #tpu.memory_space<vmem>>, vector<16xf32>,
        %mul3A_1043 = arith.mulf %get3A_1042, %broadcast_in_dim3A_997 : vector<16xf32>
        %swap3A_1044 = arith.index_cast %add3A_994 : i32 to index
        %swap3A_1045 = arith.constant 96 : index
        %swap3A_1046 = tpu.vector_load %arg12[%swap3A_1044, %swap3A_1045] {strides = array<i32>} : memref<96x128xf32, #tpu.memory_space<vmem>>, vector<16xf32>,
        tpu.vector_store %arg12[%swap3A_1044, %swap3A_1045], %mul3A_1043 {strides = array<i32>} : memref<96x128xf32, #tpu.memory_space<vmem>>, vector<16xf32>,
        %get3A_1047 = arith.index_cast %add3A_994 : i32 to index
        %get3A_1048 = arith.constant 112 : index
        %get3A_1049 = tpu.vector_load %arg12[%get3A_1047, %get3A_1048] {strides = array<i32>} : memref<96x128xf32, #tpu.memory_space<vmem>>, vector<16xf32>,
        %mul3A_1050 = arith.mulf %get3A_1049, %broadcast_in_dim3A_997 : vector<16xf32>
        %swap3A_1051 = arith.index_cast %add3A_994 : i32 to index
        %swap3A_1052 = arith.constant 112 : index
        %swap3A_1053 = tpu.vector_load %arg12[%swap3A_1051, %swap3A_1052] {strides = array<i32>} : memref<96x128xf32, #tpu.memory_space<vmem>>, vector<16xf32>,
        tpu.vector_store %arg12[%swap3A_1051, %swap3A_1052], %mul3A_1050 {strides = array<i32>} : memref<96x128xf32, #tpu.memory_space<vmem>>, vector<16xf32>,
        %mul3A_1054 = arith.constant 16 : i32
        %mul3A_1055 = arith.muli %add3A_156, %mul3A_1054 : i32
        %add3A_1056 = arith.constant 14 : i32
        %add3A_1057 = arith.addi %mul3A_1055, %add3A_1056 : i32
        %slice3A_1058 = vector.extract_strided_slice %exp3A {offsets = [14], sizes = [1], strides = [1]} : vector<16xf32> to vector<1xf32>
        %squeeze3A_1059 = vector.extract %slice3A_1058[0] : f32 from vector<1xf32>
        %broadcast_in_dim3A_1060 = vector.broadcast %squeeze3A_1059 : f32 to vector<16xf32>
        %get3A_1061 = arith.index_cast %add3A_1057 : i32 to index
        %get3A_1062 = arith.constant 0 : index
        %get3A_1063 = tpu.vector_load %arg12[%get3A_1061, %get3A_1062] {strides = array<i32>} : memref<96x128xf32, #tpu.memory_space<vmem>>, vector<16xf32>,
        %mul3A_1064 = arith.mulf %get3A_1063, %broadcast_in_dim3A_1060 : vector<16xf32>
        %swap3A_1065 = arith.index_cast %add3A_1057 : i32 to index
        %swap3A_1066 = arith.constant 0 : index
        %swap3A_1067 = tpu.vector_load %arg12[%swap3A_1065, %swap3A_1066] {strides = array<i32>} : memref<96x128xf32, #tpu.memory_space<vmem>>, vector<16xf32>,
        tpu.vector_store %arg12[%swap3A_1065, %swap3A_1066], %mul3A_1064 {strides = array<i32>} : memref<96x128xf32, #tpu.memory_space<vmem>>, vector<16xf32>,
        %get3A_1068 = arith.index_cast %add3A_1057 : i32 to index
        %get3A_1069 = arith.constant 16 : index
        %get3A_1070 = tpu.vector_load %arg12[%get3A_1068, %get3A_1069] {strides = array<i32>} : memref<96x128xf32, #tpu.memory_space<vmem>>, vector<16xf32>,
        %mul3A_1071 = arith.mulf %get3A_1070, %broadcast_in_dim3A_1060 : vector<16xf32>
        %swap3A_1072 = arith.index_cast %add3A_1057 : i32 to index
        %swap3A_1073 = arith.constant 16 : index
        %swap3A_1074 = tpu.vector_load %arg12[%swap3A_1072, %swap3A_1073] {strides = array<i32>} : memref<96x128xf32, #tpu.memory_space<vmem>>, vector<16xf32>,
        tpu.vector_store %arg12[%swap3A_1072, %swap3A_1073], %mul3A_1071 {strides = array<i32>} : memref<96x128xf32, #tpu.memory_space<vmem>>, vector<16xf32>,
        %get3A_1075 = arith.index_cast %add3A_1057 : i32 to index
        %get3A_1076 = arith.constant 32 : index
        %get3A_1077 = tpu.vector_load %arg12[%get3A_1075, %get3A_1076] {strides = array<i32>} : memref<96x128xf32, #tpu.memory_space<vmem>>, vector<16xf32>,
        %mul3A_1078 = arith.mulf %get3A_1077, %broadcast_in_dim3A_1060 : vector<16xf32>
        %swap3A_1079 = arith.index_cast %add3A_1057 : i32 to index
        %swap3A_1080 = arith.constant 32 : index
        %swap3A_1081 = tpu.vector_load %arg12[%swap3A_1079, %swap3A_1080] {strides = array<i32>} : memref<96x128xf32, #tpu.memory_space<vmem>>, vector<16xf32>,
        tpu.vector_store %arg12[%swap3A_1079, %swap3A_1080], %mul3A_1078 {strides = array<i32>} : memref<96x128xf32, #tpu.memory_space<vmem>>, vector<16xf32>,
        %get3A_1082 = arith.index_cast %add3A_1057 : i32 to index
        %get3A_1083 = arith.constant 48 : index
        %get3A_1084 = tpu.vector_load %arg12[%get3A_1082, %get3A_1083] {strides = array<i32>} : memref<96x128xf32, #tpu.memory_space<vmem>>, vector<16xf32>,
        %mul3A_1085 = arith.mulf %get3A_1084, %broadcast_in_dim3A_1060 : vector<16xf32>
        %swap3A_1086 = arith.index_cast %add3A_1057 : i32 to index
        %swap3A_1087 = arith.constant 48 : index
        %swap3A_1088 = tpu.vector_load %arg12[%swap3A_1086, %swap3A_1087] {strides = array<i32>} : memref<96x128xf32, #tpu.memory_space<vmem>>, vector<16xf32>,
        tpu.vector_store %arg12[%swap3A_1086, %swap3A_1087], %mul3A_1085 {strides = array<i32>} : memref<96x128xf32, #tpu.memory_space<vmem>>, vector<16xf32>,
        %get3A_1089 = arith.index_cast %add3A_1057 : i32 to index
        %get3A_1090 = arith.constant 64 : index
        %get3A_1091 = tpu.vector_load %arg12[%get3A_1089, %get3A_1090] {strides = array<i32>} : memref<96x128xf32, #tpu.memory_space<vmem>>, vector<16xf32>,
        %mul3A_1092 = arith.mulf %get3A_1091, %broadcast_in_dim3A_1060 : vector<16xf32>
        %swap3A_1093 = arith.index_cast %add3A_1057 : i32 to index
        %swap3A_1094 = arith.constant 64 : index
        %swap3A_1095 = tpu.vector_load %arg12[%swap3A_1093, %swap3A_1094] {strides = array<i32>} : memref<96x128xf32, #tpu.memory_space<vmem>>, vector<16xf32>,
        tpu.vector_store %arg12[%swap3A_1093, %swap3A_1094], %mul3A_1092 {strides = array<i32>} : memref<96x128xf32, #tpu.memory_space<vmem>>, vector<16xf32>,
        %get3A_1096 = arith.index_cast %add3A_1057 : i32 to index
        %get3A_1097 = arith.constant 80 : index
        %get3A_1098 = tpu.vector_load %arg12[%get3A_1096, %get3A_1097] {strides = array<i32>} : memref<96x128xf32, #tpu.memory_space<vmem>>, vector<16xf32>,
        %mul3A_1099 = arith.mulf %get3A_1098, %broadcast_in_dim3A_1060 : vector<16xf32>
        %swap3A_1100 = arith.index_cast %add3A_1057 : i32 to index
        %swap3A_1101 = arith.constant 80 : index
        %swap3A_1102 = tpu.vector_load %arg12[%swap3A_1100, %swap3A_1101] {strides = array<i32>} : memref<96x128xf32, #tpu.memory_space<vmem>>, vector<16xf32>,
        tpu.vector_store %arg12[%swap3A_1100, %swap3A_1101], %mul3A_1099 {strides = array<i32>} : memref<96x128xf32, #tpu.memory_space<vmem>>, vector<16xf32>,
        %get3A_1103 = arith.index_cast %add3A_1057 : i32 to index
        %get3A_1104 = arith.constant 96 : index
        %get3A_1105 = tpu.vector_load %arg12[%get3A_1103, %get3A_1104] {strides = array<i32>} : memref<96x128xf32, #tpu.memory_space<vmem>>, vector<16xf32>,
        %mul3A_1106 = arith.mulf %get3A_1105, %broadcast_in_dim3A_1060 : vector<16xf32>
        %swap3A_1107 = arith.index_cast %add3A_1057 : i32 to index
        %swap3A_1108 = arith.constant 96 : index
        %swap3A_1109 = tpu.vector_load %arg12[%swap3A_1107, %swap3A_1108] {strides = array<i32>} : memref<96x128xf32, #tpu.memory_space<vmem>>, vector<16xf32>,
        tpu.vector_store %arg12[%swap3A_1107, %swap3A_1108], %mul3A_1106 {strides = array<i32>} : memref<96x128xf32, #tpu.memory_space<vmem>>, vector<16xf32>,
        %get3A_1110 = arith.index_cast %add3A_1057 : i32 to index
        %get3A_1111 = arith.constant 112 : index
        %get3A_1112 = tpu.vector_load %arg12[%get3A_1110, %get3A_1111] {strides = array<i32>} : memref<96x128xf32, #tpu.memory_space<vmem>>, vector<16xf32>,
        %mul3A_1113 = arith.mulf %get3A_1112, %broadcast_in_dim3A_1060 : vector<16xf32>
        %swap3A_1114 = arith.index_cast %add3A_1057 : i32 to index
        %swap3A_1115 = arith.constant 112 : index
        %swap3A_1116 = tpu.vector_load %arg12[%swap3A_1114, %swap3A_1115] {strides = array<i32>} : memref<96x128xf32, #tpu.memory_space<vmem>>, vector<16xf32>,
        tpu.vector_store %arg12[%swap3A_1114, %swap3A_1115], %mul3A_1113 {strides = array<i32>} : memref<96x128xf32, #tpu.memory_space<vmem>>, vector<16xf32>,
        %mul3A_1117 = arith.constant 16 : i32
        %mul3A_1118 = arith.muli %add3A_156, %mul3A_1117 : i32
        %add3A_1119 = arith.constant 15 : i32
        %add3A_1120 = arith.addi %mul3A_1118, %add3A_1119 : i32
        %slice3A_1121 = vector.extract_strided_slice %exp3A {offsets = [15], sizes = [1], strides = [1]} : vector<16xf32> to vector<1xf32>
        %squeeze3A_1122 = vector.extract %slice3A_1121[0] : f32 from vector<1xf32>
        %broadcast_in_dim3A_1123 = vector.broadcast %squeeze3A_1122 : f32 to vector<16xf32>
        %get3A_1124 = arith.index_cast %add3A_1120 : i32 to index
        %get3A_1125 = arith.constant 0 : index
        %get3A_1126 = tpu.vector_load %arg12[%get3A_1124, %get3A_1125] {strides = array<i32>} : memref<96x128xf32, #tpu.memory_space<vmem>>, vector<16xf32>,
        %mul3A_1127 = arith.mulf %get3A_1126, %broadcast_in_dim3A_1123 : vector<16xf32>
        %swap3A_1128 = arith.index_cast %add3A_1120 : i32 to index
        %swap3A_1129 = arith.constant 0 : index
        %swap3A_1130 = tpu.vector_load %arg12[%swap3A_1128, %swap3A_1129] {strides = array<i32>} : memref<96x128xf32, #tpu.memory_space<vmem>>, vector<16xf32>,
        tpu.vector_store %arg12[%swap3A_1128, %swap3A_1129], %mul3A_1127 {strides = array<i32>} : memref<96x128xf32, #tpu.memory_space<vmem>>, vector<16xf32>,
        %get3A_1131 = arith.index_cast %add3A_1120 : i32 to index
        %get3A_1132 = arith.constant 16 : index
        %get3A_1133 = tpu.vector_load %arg12[%get3A_1131, %get3A_1132] {strides = array<i32>} : memref<96x128xf32, #tpu.memory_space<vmem>>, vector<16xf32>,
        %mul3A_1134 = arith.mulf %get3A_1133, %broadcast_in_dim3A_1123 : vector<16xf32>
        %swap3A_1135 = arith.index_cast %add3A_1120 : i32 to index
        %swap3A_1136 = arith.constant 16 : index
        %swap3A_1137 = tpu.vector_load %arg12[%swap3A_1135, %swap3A_1136] {strides = array<i32>} : memref<96x128xf32, #tpu.memory_space<vmem>>, vector<16xf32>,
        tpu.vector_store %arg12[%swap3A_1135, %swap3A_1136], %mul3A_1134 {strides = array<i32>} : memref<96x128xf32, #tpu.memory_space<vmem>>, vector<16xf32>,
        %get3A_1138 = arith.index_cast %add3A_1120 : i32 to index
        %get3A_1139 = arith.constant 32 : index
        %get3A_1140 = tpu.vector_load %arg12[%get3A_1138, %get3A_1139] {strides = array<i32>} : memref<96x128xf32, #tpu.memory_space<vmem>>, vector<16xf32>,
        %mul3A_1141 = arith.mulf %get3A_1140, %broadcast_in_dim3A_1123 : vector<16xf32>
        %swap3A_1142 = arith.index_cast %add3A_1120 : i32 to index
        %swap3A_1143 = arith.constant 32 : index
        %swap3A_1144 = tpu.vector_load %arg12[%swap3A_1142, %swap3A_1143] {strides = array<i32>} : memref<96x128xf32, #tpu.memory_space<vmem>>, vector<16xf32>,
        tpu.vector_store %arg12[%swap3A_1142, %swap3A_1143], %mul3A_1141 {strides = array<i32>} : memref<96x128xf32, #tpu.memory_space<vmem>>, vector<16xf32>,
        %get3A_1145 = arith.index_cast %add3A_1120 : i32 to index
        %get3A_1146 = arith.constant 48 : index
        %get3A_1147 = tpu.vector_load %arg12[%get3A_1145, %get3A_1146] {strides = array<i32>} : memref<96x128xf32, #tpu.memory_space<vmem>>, vector<16xf32>,
        %mul3A_1148 = arith.mulf %get3A_1147, %broadcast_in_dim3A_1123 : vector<16xf32>
        %swap3A_1149 = arith.index_cast %add3A_1120 : i32 to index
        %swap3A_1150 = arith.constant 48 : index
        %swap3A_1151 = tpu.vector_load %arg12[%swap3A_1149, %swap3A_1150] {strides = array<i32>} : memref<96x128xf32, #tpu.memory_space<vmem>>, vector<16xf32>,
        tpu.vector_store %arg12[%swap3A_1149, %swap3A_1150], %mul3A_1148 {strides = array<i32>} : memref<96x128xf32, #tpu.memory_space<vmem>>, vector<16xf32>,
        %get3A_1152 = arith.index_cast %add3A_1120 : i32 to index
        %get3A_1153 = arith.constant 64 : index
        %get3A_1154 = tpu.vector_load %arg12[%get3A_1152, %get3A_1153] {strides = array<i32>} : memref<96x128xf32, #tpu.memory_space<vmem>>, vector<16xf32>,
        %mul3A_1155 = arith.mulf %get3A_1154, %broadcast_in_dim3A_1123 : vector<16xf32>
        %swap3A_1156 = arith.index_cast %add3A_1120 : i32 to index
        %swap3A_1157 = arith.constant 64 : index
        %swap3A_1158 = tpu.vector_load %arg12[%swap3A_1156, %swap3A_1157] {strides = array<i32>} : memref<96x128xf32, #tpu.memory_space<vmem>>, vector<16xf32>,
        tpu.vector_store %arg12[%swap3A_1156, %swap3A_1157], %mul3A_1155 {strides = array<i32>} : memref<96x128xf32, #tpu.memory_space<vmem>>, vector<16xf32>,
        %get3A_1159 = arith.index_cast %add3A_1120 : i32 to index
        %get3A_1160 = arith.constant 80 : index
        %get3A_1161 = tpu.vector_load %arg12[%get3A_1159, %get3A_1160] {strides = array<i32>} : memref<96x128xf32, #tpu.memory_space<vmem>>, vector<16xf32>,
        %mul3A_1162 = arith.mulf %get3A_1161, %broadcast_in_dim3A_1123 : vector<16xf32>
        %swap3A_1163 = arith.index_cast %add3A_1120 : i32 to index
        %swap3A_1164 = arith.constant 80 : index
        %swap3A_1165 = tpu.vector_load %arg12[%swap3A_1163, %swap3A_1164] {strides = array<i32>} : memref<96x128xf32, #tpu.memory_space<vmem>>, vector<16xf32>,
        tpu.vector_store %arg12[%swap3A_1163, %swap3A_1164], %mul3A_1162 {strides = array<i32>} : memref<96x128xf32, #tpu.memory_space<vmem>>, vector<16xf32>,
        %get3A_1166 = arith.index_cast %add3A_1120 : i32 to index
        %get3A_1167 = arith.constant 96 : index
        %get3A_1168 = tpu.vector_load %arg12[%get3A_1166, %get3A_1167] {strides = array<i32>} : memref<96x128xf32, #tpu.memory_space<vmem>>, vector<16xf32>,
        %mul3A_1169 = arith.mulf %get3A_1168, %broadcast_in_dim3A_1123 : vector<16xf32>
        %swap3A_1170 = arith.index_cast %add3A_1120 : i32 to index
        %swap3A_1171 = arith.constant 96 : index
        %swap3A_1172 = tpu.vector_load %arg12[%swap3A_1170, %swap3A_1171] {strides = array<i32>} : memref<96x128xf32, #tpu.memory_space<vmem>>, vector<16xf32>,
        tpu.vector_store %arg12[%swap3A_1170, %swap3A_1171], %mul3A_1169 {strides = array<i32>} : memref<96x128xf32, #tpu.memory_space<vmem>>, vector<16xf32>,
        %get3A_1173 = arith.index_cast %add3A_1120 : i32 to index
        %get3A_1174 = arith.constant 112 : index
        %get3A_1175 = tpu.vector_load %arg12[%get3A_1173, %get3A_1174] {strides = array<i32>} : memref<96x128xf32, #tpu.memory_space<vmem>>, vector<16xf32>,
        %mul3A_1176 = arith.mulf %get3A_1175, %broadcast_in_dim3A_1123 : vector<16xf32>
        %swap3A_1177 = arith.index_cast %add3A_1120 : i32 to index
        %swap3A_1178 = arith.constant 112 : index
        %swap3A_1179 = tpu.vector_load %arg12[%swap3A_1177, %swap3A_1178] {strides = array<i32>} : memref<96x128xf32, #tpu.memory_space<vmem>>, vector<16xf32>,
        tpu.vector_store %arg12[%swap3A_1177, %swap3A_1178], %mul3A_1176 {strides = array<i32>} : memref<96x128xf32, #tpu.memory_space<vmem>>, vector<16xf32>,
      }
      %scan3A_84 = arith.constant 6 : i32
      %dma_start3A_85 = arith.constant 0 : i32
      %dma_start3A_86 = arith.constant 0 : i32
      %dma_start3A_87 = tpu.memref_slice %arg16[%dma_start3A_85, %dma_start3A_86] : memref<10240x128xf32, #tpu.memory_space<vmem_shared>> -> memref<10240x128xf32, #tpu.memory_space<vmem_shared>>
      tpu.enqueue_indirect_dma source(%arg12 : memref<96x128xf32, #tpu.memory_space<vmem>>) target(%dma_start3A_87 : memref<10240x128xf32, #tpu.memory_space<vmem_shared>>) offsets(%arg9 : memref<96xi32, #tpu.memory_space<vmem>>) semaphore(%arg23 : memref<!tpu.dma_semaphore, #tpu.memory_space<semaphore_mem>>) {add = true}
      %mul3A_88 = arith.constant 3 : i32
      %mul3A_89 = arith.muli %add3A_59, %mul3A_88 : i32
      %add3A_90 = arith.constant 1 : i32
      %add3A_91 = arith.addi %mul3A_89, %add3A_90 : i32
      %ge3A_92 = arith.constant 2 : i32
      %ge3A_93 = arith.cmpi sge, %add3A_91, %ge3A_92 : i32
      %convert_element_type3A_94 = arith.extui %ge3A_93 : i1 to i32
      %cond3A_95 = arith.constant 0 : i32
      %cond3A_96 = arith.cmpi ne, %convert_element_type3A_94, %cond3A_95 : i32
      scf.if %cond3A_96 {
        %dma_wait3A_152 = arith.constant 0 : i32
        %dma_wait3A_153 = arith.constant 0 : i32
        %dma_wait3A_154 = tpu.memref_slice %arg16[%dma_wait3A_152, %dma_wait3A_153] : memref<10240x128xf32, #tpu.memory_space<vmem_shared>> -> memref<10240x128xf32, #tpu.memory_space<vmem_shared>>
        tpu.wait_indirect_dma semaphore(%arg25 : memref<!tpu.dma_semaphore, #tpu.memory_space<semaphore_mem>>) src(%arg14 : memref<96x128xf32, #tpu.memory_space<vmem>>) dst(%dma_wait3A_154 : memref<10240x128xf32, #tpu.memory_space<vmem_shared>>)
      } else {
      }
      %le3A_97 = arith.constant 102 : i32
      %le3A_98 = arith.cmpi sle, %add3A_91, %le3A_97 : i32
      %convert_element_type3A_99 = arith.extui %le3A_98 : i1 to i32
      %cond3A_100 = arith.constant 0 : i32
      %cond3A_101 = arith.cmpi ne, %convert_element_type3A_99, %cond3A_100 : i32
      scf.if %cond3A_101 {
        %add3A_152 = arith.addi %mul3A_20, %add3A_91 : i32
        %add3A_153 = arith.constant 2 : i32
        %add3A_154 = arith.addi %add3A_152, %add3A_153 : i32
        %mul3A_155 = arith.constant 288 : i32
        %mul3A_156 = arith.muli %add3A_154, %mul3A_155 : i32
        %dma_start3A_157 = tpu.memref_slice %arg3[%mul3A_156] : memref<967680xi32, #tpu.memory_space<hbm>> -> memref<288xi32, #tpu.memory_space<hbm>>
        %dma_start3A_158 = tpu.memref_slice %arg3[%mul3A_156] : memref<967680xi32, #tpu.memory_space<hbm>> -> memref<288xi32, #tpu.memory_space<hbm>>
        tpu.enqueue_dma source(%dma_start3A_158 : memref<288xi32, #tpu.memory_space<hbm>>) target(%arg6 : memref<288xi32, #tpu.memory_space<vmem>>) target_semaphore(%arg17 : memref<!tpu.dma_semaphore, #tpu.memory_space<semaphore_mem>>)
      } else {
      }
      %le3A_102 = arith.constant 103 : i32
      %le3A_103 = arith.cmpi sle, %add3A_91, %le3A_102 : i32
      %convert_element_type3A_104 = arith.extui %le3A_103 : i1 to i32
      %cond3A_105 = arith.constant 0 : i32
      %cond3A_106 = arith.cmpi ne, %convert_element_type3A_104, %cond3A_105 : i32
      scf.if %cond3A_106 {
        %dma_wait3A_152 = arith.constant 0 : i32
        %dma_wait3A_153 = tpu.memref_slice %arg3[%dma_wait3A_152] : memref<967680xi32, #tpu.memory_space<hbm>> -> memref<288xi32, #tpu.memory_space<hbm>>
        %dma_wait3A_154 = arith.constant 0 : i32
        %dma_wait3A_155 = tpu.memref_slice %arg3[%dma_wait3A_154] : memref<967680xi32, #tpu.memory_space<hbm>> -> memref<288xi32, #tpu.memory_space<hbm>>
        tpu.wait_dma2 semaphore(%arg19 : memref<!tpu.dma_semaphore, #tpu.memory_space<semaphore_mem>>) src(%dma_wait3A_155 : memref<288xi32, #tpu.memory_space<hbm>>) dst(%arg8 : memref<288xi32, #tpu.memory_space<vmem>>)
        %dma_start3A_156 = arith.constant 0 : i32
        %dma_start3A_157 = tpu.memref_slice %arg8[%dma_start3A_156] : memref<288xi32, #tpu.memory_space<vmem>> -> memref<96xi32, #tpu.memory_space<vmem>>
        %dma_start3A_158 = arith.constant 0 : i32
        %dma_start3A_159 = arith.constant 0 : i32
        %dma_start3A_160 = tpu.memref_slice %arg2[%dma_start3A_158, %dma_start3A_159] : memref<10000x128xf32, #tpu.memory_space<hbm>> -> memref<10000x128xf32, #tpu.memory_space<hbm>>
        tpu.enqueue_indirect_dma source(%dma_start3A_160 : memref<10000x128xf32, #tpu.memory_space<hbm>>) target(%arg14 : memref<96x128xf32, #tpu.memory_space<vmem>>) offsets(%dma_start3A_157 : memref<96xi32, #tpu.memory_space<vmem>>) semaphore(%arg22 : memref<!tpu.dma_semaphore, #tpu.memory_space<semaphore_mem>>)
      } else {
      }
      %dma_wait3A_107 = arith.constant 0 : i32
      %dma_wait3A_108 = tpu.memref_slice %arg7[%dma_wait3A_107] : memref<288xi32, #tpu.memory_space<vmem>> -> memref<96xi32, #tpu.memory_space<vmem>>
      %dma_wait3A_109 = arith.constant 0 : i32
      %dma_wait3A_110 = arith.constant 0 : i32
      %dma_wait3A_111 = tpu.memref_slice %arg2[%dma_wait3A_109, %dma_wait3A_110] : memref<10000x128xf32, #tpu.memory_space<hbm>> -> memref<10000x128xf32, #tpu.memory_space<hbm>>
      tpu.wait_indirect_dma semaphore(%arg21 : memref<!tpu.dma_semaphore, #tpu.memory_space<semaphore_mem>>) src(%dma_wait3A_111 : memref<10000x128xf32, #tpu.memory_space<hbm>>) dst(%arg13 : memref<96x128xf32, #tpu.memory_space<vmem>>)
      %scan3A_112 = arith.constant 0 : i32
      %scan3A_113 = arith.constant 6 : i32
      %scan3A_114 = arith.addi %scan3A_112, %scan3A_113 : i32
      %scan3A_115 = arith.constant 1 : i32
      scf.for %scan3A_152 = %scan3A_112 to %scan3A_114 step %scan3A_115  : i32 {
        %mul3A_153 = arith.constant 1 : i32
        %mul3A_154 = arith.muli %scan3A_152, %mul3A_153 : i32
        %add3A_155 = arith.constant 0 : i32
        %add3A_156 = arith.addi %add3A_155, %mul3A_154 : i32
        %mul3A_157 = arith.constant 16 : i32
        %mul3A_158 = arith.muli %add3A_156, %mul3A_157 : i32
        %add3A_159 = arith.constant 96 : i32
        %add3A_160 = arith.addi %add3A_159, %mul3A_158 : i32
        %get3A = arith.index_cast %add3A_160 : i32 to index
        %get3A_161 = tpu.vector_load %arg7[%get3A] {strides = array<i32>} : memref<288xi32, #tpu.memory_space<vmem>>, vector<16xi32>,
        %mul3A_162 = arith.constant 16 : i32
        %mul3A_163 = arith.muli %add3A_156, %mul3A_162 : i32
        %swap3A = arith.index_cast %mul3A_163 : i32 to index
        %swap3A_164 = tpu.vector_load %arg10[%swap3A] {strides = array<i32>} : memref<96xi32, #tpu.memory_space<vmem>>, vector<16xi32>,
        tpu.vector_store %arg10[%swap3A], %get3A_161 {strides = array<i32>} : memref<96xi32, #tpu.memory_space<vmem>>, vector<16xi32>,
        %mul3A_165 = arith.constant 16 : i32
        %mul3A_166 = arith.muli %add3A_156, %mul3A_165 : i32
        %add3A_167 = arith.constant 192 : i32
        %add3A_168 = arith.addi %add3A_167, %mul3A_166 : i32
        %get3A_169 = arith.index_cast %add3A_168 : i32 to index
        %get3A_170 = tpu.vector_load %arg7[%get3A_169] {strides = array<i32>} : memref<288xi32, #tpu.memory_space<vmem>>, vector<16xi32>,
        %bitcast3A = vector.bitcast %get3A_170 : vector<16xi32> to vector<16xf32>
        %exp3A = math.exp %bitcast3A : vector<16xf32>
        %shift_right_logical3A = arith.constant 7 : i32
        %shift_right_logical3A_171 = vector.broadcast %shift_right_logical3A : i32 to vector<16xi32>
        %shift_right_logical3A_172 = arith.shrui %get3A_161, %shift_right_logical3A_171 : vector<16xi32>
        %and3A = arith.constant 127 : i32
        %and3A_173 = vector.broadcast %and3A : i32 to vector<16xi32>
        %and3A_174 = arith.andi %get3A_161, %and3A_173 : vector<16xi32>
        tpu.vector_store_idx %arg15[%shift_right_logical3A_172, %and3A_174], %exp3A {add = true} : memref<80x128xf32, #tpu.memory_space<vmem>>[vector<16xi32>, vector<16xi32>], vector<16xf32>,
        %mul3A_175 = arith.constant 16 : i32
        %mul3A_176 = arith.muli %add3A_156, %mul3A_175 : i32
        %add3A_177 = arith.constant 0 : i32
        %add3A_178 = arith.addi %mul3A_176, %add3A_177 : i32
        %slice3A = vector.extract_strided_slice %exp3A {offsets = [0], sizes = [1], strides = [1]} : vector<16xf32> to vector<1xf32>
        %squeeze3A = vector.extract %slice3A[0] : f32 from vector<1xf32>
        %broadcast_in_dim3A = vector.broadcast %squeeze3A : f32 to vector<16xf32>
        %get3A_179 = arith.index_cast %add3A_178 : i32 to index
        %get3A_180 = arith.constant 0 : index
        %get3A_181 = tpu.vector_load %arg13[%get3A_179, %get3A_180] {strides = array<i32>} : memref<96x128xf32, #tpu.memory_space<vmem>>, vector<16xf32>,
        %mul3A_182 = arith.mulf %get3A_181, %broadcast_in_dim3A : vector<16xf32>
        %swap3A_183 = arith.index_cast %add3A_178 : i32 to index
        %swap3A_184 = arith.constant 0 : index
        %swap3A_185 = tpu.vector_load %arg13[%swap3A_183, %swap3A_184] {strides = array<i32>} : memref<96x128xf32, #tpu.memory_space<vmem>>, vector<16xf32>,
        tpu.vector_store %arg13[%swap3A_183, %swap3A_184], %mul3A_182 {strides = array<i32>} : memref<96x128xf32, #tpu.memory_space<vmem>>, vector<16xf32>,
        %get3A_186 = arith.index_cast %add3A_178 : i32 to index
        %get3A_187 = arith.constant 16 : index
        %get3A_188 = tpu.vector_load %arg13[%get3A_186, %get3A_187] {strides = array<i32>} : memref<96x128xf32, #tpu.memory_space<vmem>>, vector<16xf32>,
        %mul3A_189 = arith.mulf %get3A_188, %broadcast_in_dim3A : vector<16xf32>
        %swap3A_190 = arith.index_cast %add3A_178 : i32 to index
        %swap3A_191 = arith.constant 16 : index
        %swap3A_192 = tpu.vector_load %arg13[%swap3A_190, %swap3A_191] {strides = array<i32>} : memref<96x128xf32, #tpu.memory_space<vmem>>, vector<16xf32>,
        tpu.vector_store %arg13[%swap3A_190, %swap3A_191], %mul3A_189 {strides = array<i32>} : memref<96x128xf32, #tpu.memory_space<vmem>>, vector<16xf32>,
        %get3A_193 = arith.index_cast %add3A_178 : i32 to index
        %get3A_194 = arith.constant 32 : index
        %get3A_195 = tpu.vector_load %arg13[%get3A_193, %get3A_194] {strides = array<i32>} : memref<96x128xf32, #tpu.memory_space<vmem>>, vector<16xf32>,
        %mul3A_196 = arith.mulf %get3A_195, %broadcast_in_dim3A : vector<16xf32>
        %swap3A_197 = arith.index_cast %add3A_178 : i32 to index
        %swap3A_198 = arith.constant 32 : index
        %swap3A_199 = tpu.vector_load %arg13[%swap3A_197, %swap3A_198] {strides = array<i32>} : memref<96x128xf32, #tpu.memory_space<vmem>>, vector<16xf32>,
        tpu.vector_store %arg13[%swap3A_197, %swap3A_198], %mul3A_196 {strides = array<i32>} : memref<96x128xf32, #tpu.memory_space<vmem>>, vector<16xf32>,
        %get3A_200 = arith.index_cast %add3A_178 : i32 to index
        %get3A_201 = arith.constant 48 : index
        %get3A_202 = tpu.vector_load %arg13[%get3A_200, %get3A_201] {strides = array<i32>} : memref<96x128xf32, #tpu.memory_space<vmem>>, vector<16xf32>,
        %mul3A_203 = arith.mulf %get3A_202, %broadcast_in_dim3A : vector<16xf32>
        %swap3A_204 = arith.index_cast %add3A_178 : i32 to index
        %swap3A_205 = arith.constant 48 : index
        %swap3A_206 = tpu.vector_load %arg13[%swap3A_204, %swap3A_205] {strides = array<i32>} : memref<96x128xf32, #tpu.memory_space<vmem>>, vector<16xf32>,
        tpu.vector_store %arg13[%swap3A_204, %swap3A_205], %mul3A_203 {strides = array<i32>} : memref<96x128xf32, #tpu.memory_space<vmem>>, vector<16xf32>,
        %get3A_207 = arith.index_cast %add3A_178 : i32 to index
        %get3A_208 = arith.constant 64 : index
        %get3A_209 = tpu.vector_load %arg13[%get3A_207, %get3A_208] {strides = array<i32>} : memref<96x128xf32, #tpu.memory_space<vmem>>, vector<16xf32>,
        %mul3A_210 = arith.mulf %get3A_209, %broadcast_in_dim3A : vector<16xf32>
        %swap3A_211 = arith.index_cast %add3A_178 : i32 to index
        %swap3A_212 = arith.constant 64 : index
        %swap3A_213 = tpu.vector_load %arg13[%swap3A_211, %swap3A_212] {strides = array<i32>} : memref<96x128xf32, #tpu.memory_space<vmem>>, vector<16xf32>,
        tpu.vector_store %arg13[%swap3A_211, %swap3A_212], %mul3A_210 {strides = array<i32>} : memref<96x128xf32, #tpu.memory_space<vmem>>, vector<16xf32>,
        %get3A_214 = arith.index_cast %add3A_178 : i32 to index
        %get3A_215 = arith.constant 80 : index
        %get3A_216 = tpu.vector_load %arg13[%get3A_214, %get3A_215] {strides = array<i32>} : memref<96x128xf32, #tpu.memory_space<vmem>>, vector<16xf32>,
        %mul3A_217 = arith.mulf %get3A_216, %broadcast_in_dim3A : vector<16xf32>
        %swap3A_218 = arith.index_cast %add3A_178 : i32 to index
        %swap3A_219 = arith.constant 80 : index
        %swap3A_220 = tpu.vector_load %arg13[%swap3A_218, %swap3A_219] {strides = array<i32>} : memref<96x128xf32, #tpu.memory_space<vmem>>, vector<16xf32>,
        tpu.vector_store %arg13[%swap3A_218, %swap3A_219], %mul3A_217 {strides = array<i32>} : memref<96x128xf32, #tpu.memory_space<vmem>>, vector<16xf32>,
        %get3A_221 = arith.index_cast %add3A_178 : i32 to index
        %get3A_222 = arith.constant 96 : index
        %get3A_223 = tpu.vector_load %arg13[%get3A_221, %get3A_222] {strides = array<i32>} : memref<96x128xf32, #tpu.memory_space<vmem>>, vector<16xf32>,
        %mul3A_224 = arith.mulf %get3A_223, %broadcast_in_dim3A : vector<16xf32>
        %swap3A_225 = arith.index_cast %add3A_178 : i32 to index
        %swap3A_226 = arith.constant 96 : index
        %swap3A_227 = tpu.vector_load %arg13[%swap3A_225, %swap3A_226] {strides = array<i32>} : memref<96x128xf32, #tpu.memory_space<vmem>>, vector<16xf32>,
        tpu.vector_store %arg13[%swap3A_225, %swap3A_226], %mul3A_224 {strides = array<i32>} : memref<96x128xf32, #tpu.memory_space<vmem>>, vector<16xf32>,
        %get3A_228 = arith.index_cast %add3A_178 : i32 to index
        %get3A_229 = arith.constant 112 : index
        %get3A_230 = tpu.vector_load %arg13[%get3A_228, %get3A_229] {strides = array<i32>} : memref<96x128xf32, #tpu.memory_space<vmem>>, vector<16xf32>,
        %mul3A_231 = arith.mulf %get3A_230, %broadcast_in_dim3A : vector<16xf32>
        %swap3A_232 = arith.index_cast %add3A_178 : i32 to index
        %swap3A_233 = arith.constant 112 : index
        %swap3A_234 = tpu.vector_load %arg13[%swap3A_232, %swap3A_233] {strides = array<i32>} : memref<96x128xf32, #tpu.memory_space<vmem>>, vector<16xf32>,
        tpu.vector_store %arg13[%swap3A_232, %swap3A_233], %mul3A_231 {strides = array<i32>} : memref<96x128xf32, #tpu.memory_space<vmem>>, vector<16xf32>,
        %mul3A_235 = arith.constant 16 : i32
        %mul3A_236 = arith.muli %add3A_156, %mul3A_235 : i32
        %add3A_237 = arith.constant 1 : i32
        %add3A_238 = arith.addi %mul3A_236, %add3A_237 : i32
        %slice3A_239 = vector.extract_strided_slice %exp3A {offsets = [1], sizes = [1], strides = [1]} : vector<16xf32> to vector<1xf32>
        %squeeze3A_240 = vector.extract %slice3A_239[0] : f32 from vector<1xf32>
        %broadcast_in_dim3A_241 = vector.broadcast %squeeze3A_240 : f32 to vector<16xf32>
        %get3A_242 = arith.index_cast %add3A_238 : i32 to index
        %get3A_243 = arith.constant 0 : index
        %get3A_244 = tpu.vector_load %arg13[%get3A_242, %get3A_243] {strides = array<i32>} : memref<96x128xf32, #tpu.memory_space<vmem>>, vector<16xf32>,
        %mul3A_245 = arith.mulf %get3A_244, %broadcast_in_dim3A_241 : vector<16xf32>
        %swap3A_246 = arith.index_cast %add3A_238 : i32 to index
        %swap3A_247 = arith.constant 0 : index
        %swap3A_248 = tpu.vector_load %arg13[%swap3A_246, %swap3A_247] {strides = array<i32>} : memref<96x128xf32, #tpu.memory_space<vmem>>, vector<16xf32>,
        tpu.vector_store %arg13[%swap3A_246, %swap3A_247], %mul3A_245 {strides = array<i32>} : memref<96x128xf32, #tpu.memory_space<vmem>>, vector<16xf32>,
        %get3A_249 = arith.index_cast %add3A_238 : i32 to index
        %get3A_250 = arith.constant 16 : index
        %get3A_251 = tpu.vector_load %arg13[%get3A_249, %get3A_250] {strides = array<i32>} : memref<96x128xf32, #tpu.memory_space<vmem>>, vector<16xf32>,
        %mul3A_252 = arith.mulf %get3A_251, %broadcast_in_dim3A_241 : vector<16xf32>
        %swap3A_253 = arith.index_cast %add3A_238 : i32 to index
        %swap3A_254 = arith.constant 16 : index
        %swap3A_255 = tpu.vector_load %arg13[%swap3A_253, %swap3A_254] {strides = array<i32>} : memref<96x128xf32, #tpu.memory_space<vmem>>, vector<16xf32>,
        tpu.vector_store %arg13[%swap3A_253, %swap3A_254], %mul3A_252 {strides = array<i32>} : memref<96x128xf32, #tpu.memory_space<vmem>>, vector<16xf32>,
        %get3A_256 = arith.index_cast %add3A_238 : i32 to index
        %get3A_257 = arith.constant 32 : index
        %get3A_258 = tpu.vector_load %arg13[%get3A_256, %get3A_257] {strides = array<i32>} : memref<96x128xf32, #tpu.memory_space<vmem>>, vector<16xf32>,
        %mul3A_259 = arith.mulf %get3A_258, %broadcast_in_dim3A_241 : vector<16xf32>
        %swap3A_260 = arith.index_cast %add3A_238 : i32 to index
        %swap3A_261 = arith.constant 32 : index
        %swap3A_262 = tpu.vector_load %arg13[%swap3A_260, %swap3A_261] {strides = array<i32>} : memref<96x128xf32, #tpu.memory_space<vmem>>, vector<16xf32>,
        tpu.vector_store %arg13[%swap3A_260, %swap3A_261], %mul3A_259 {strides = array<i32>} : memref<96x128xf32, #tpu.memory_space<vmem>>, vector<16xf32>,
        %get3A_263 = arith.index_cast %add3A_238 : i32 to index
        %get3A_264 = arith.constant 48 : index
        %get3A_265 = tpu.vector_load %arg13[%get3A_263, %get3A_264] {strides = array<i32>} : memref<96x128xf32, #tpu.memory_space<vmem>>, vector<16xf32>,
        %mul3A_266 = arith.mulf %get3A_265, %broadcast_in_dim3A_241 : vector<16xf32>
        %swap3A_267 = arith.index_cast %add3A_238 : i32 to index
        %swap3A_268 = arith.constant 48 : index
        %swap3A_269 = tpu.vector_load %arg13[%swap3A_267, %swap3A_268] {strides = array<i32>} : memref<96x128xf32, #tpu.memory_space<vmem>>, vector<16xf32>,
        tpu.vector_store %arg13[%swap3A_267, %swap3A_268], %mul3A_266 {strides = array<i32>} : memref<96x128xf32, #tpu.memory_space<vmem>>, vector<16xf32>,
        %get3A_270 = arith.index_cast %add3A_238 : i32 to index
        %get3A_271 = arith.constant 64 : index
        %get3A_272 = tpu.vector_load %arg13[%get3A_270, %get3A_271] {strides = array<i32>} : memref<96x128xf32, #tpu.memory_space<vmem>>, vector<16xf32>,
        %mul3A_273 = arith.mulf %get3A_272, %broadcast_in_dim3A_241 : vector<16xf32>
        %swap3A_274 = arith.index_cast %add3A_238 : i32 to index
        %swap3A_275 = arith.constant 64 : index
        %swap3A_276 = tpu.vector_load %arg13[%swap3A_274, %swap3A_275] {strides = array<i32>} : memref<96x128xf32, #tpu.memory_space<vmem>>, vector<16xf32>,
        tpu.vector_store %arg13[%swap3A_274, %swap3A_275], %mul3A_273 {strides = array<i32>} : memref<96x128xf32, #tpu.memory_space<vmem>>, vector<16xf32>,
        %get3A_277 = arith.index_cast %add3A_238 : i32 to index
        %get3A_278 = arith.constant 80 : index
        %get3A_279 = tpu.vector_load %arg13[%get3A_277, %get3A_278] {strides = array<i32>} : memref<96x128xf32, #tpu.memory_space<vmem>>, vector<16xf32>,
        %mul3A_280 = arith.mulf %get3A_279, %broadcast_in_dim3A_241 : vector<16xf32>
        %swap3A_281 = arith.index_cast %add3A_238 : i32 to index
        %swap3A_282 = arith.constant 80 : index
        %swap3A_283 = tpu.vector_load %arg13[%swap3A_281, %swap3A_282] {strides = array<i32>} : memref<96x128xf32, #tpu.memory_space<vmem>>, vector<16xf32>,
        tpu.vector_store %arg13[%swap3A_281, %swap3A_282], %mul3A_280 {strides = array<i32>} : memref<96x128xf32, #tpu.memory_space<vmem>>, vector<16xf32>,
        %get3A_284 = arith.index_cast %add3A_238 : i32 to index
        %get3A_285 = arith.constant 96 : index
        %get3A_286 = tpu.vector_load %arg13[%get3A_284, %get3A_285] {strides = array<i32>} : memref<96x128xf32, #tpu.memory_space<vmem>>, vector<16xf32>,
        %mul3A_287 = arith.mulf %get3A_286, %broadcast_in_dim3A_241 : vector<16xf32>
        %swap3A_288 = arith.index_cast %add3A_238 : i32 to index
        %swap3A_289 = arith.constant 96 : index
        %swap3A_290 = tpu.vector_load %arg13[%swap3A_288, %swap3A_289] {strides = array<i32>} : memref<96x128xf32, #tpu.memory_space<vmem>>, vector<16xf32>,
        tpu.vector_store %arg13[%swap3A_288, %swap3A_289], %mul3A_287 {strides = array<i32>} : memref<96x128xf32, #tpu.memory_space<vmem>>, vector<16xf32>,
        %get3A_291 = arith.index_cast %add3A_238 : i32 to index
        %get3A_292 = arith.constant 112 : index
        %get3A_293 = tpu.vector_load %arg13[%get3A_291, %get3A_292] {strides = array<i32>} : memref<96x128xf32, #tpu.memory_space<vmem>>, vector<16xf32>,
        %mul3A_294 = arith.mulf %get3A_293, %broadcast_in_dim3A_241 : vector<16xf32>
        %swap3A_295 = arith.index_cast %add3A_238 : i32 to index
        %swap3A_296 = arith.constant 112 : index
        %swap3A_297 = tpu.vector_load %arg13[%swap3A_295, %swap3A_296] {strides = array<i32>} : memref<96x128xf32, #tpu.memory_space<vmem>>, vector<16xf32>,
        tpu.vector_store %arg13[%swap3A_295, %swap3A_296], %mul3A_294 {strides = array<i32>} : memref<96x128xf32, #tpu.memory_space<vmem>>, vector<16xf32>,
        %mul3A_298 = arith.constant 16 : i32
        %mul3A_299 = arith.muli %add3A_156, %mul3A_298 : i32
        %add3A_300 = arith.constant 2 : i32
        %add3A_301 = arith.addi %mul3A_299, %add3A_300 : i32
        %slice3A_302 = vector.extract_strided_slice %exp3A {offsets = [2], sizes = [1], strides = [1]} : vector<16xf32> to vector<1xf32>
        %squeeze3A_303 = vector.extract %slice3A_302[0] : f32 from vector<1xf32>
        %broadcast_in_dim3A_304 = vector.broadcast %squeeze3A_303 : f32 to vector<16xf32>
        %get3A_305 = arith.index_cast %add3A_301 : i32 to index
        %get3A_306 = arith.constant 0 : index
        %get3A_307 = tpu.vector_load %arg13[%get3A_305, %get3A_306] {strides = array<i32>} : memref<96x128xf32, #tpu.memory_space<vmem>>, vector<16xf32>,
        %mul3A_308 = arith.mulf %get3A_307, %broadcast_in_dim3A_304 : vector<16xf32>
        %swap3A_309 = arith.index_cast %add3A_301 : i32 to index
        %swap3A_310 = arith.constant 0 : index
        %swap3A_311 = tpu.vector_load %arg13[%swap3A_309, %swap3A_310] {strides = array<i32>} : memref<96x128xf32, #tpu.memory_space<vmem>>, vector<16xf32>,
        tpu.vector_store %arg13[%swap3A_309, %swap3A_310], %mul3A_308 {strides = array<i32>} : memref<96x128xf32, #tpu.memory_space<vmem>>, vector<16xf32>,
        %get3A_312 = arith.index_cast %add3A_301 : i32 to index
        %get3A_313 = arith.constant 16 : index
        %get3A_314 = tpu.vector_load %arg13[%get3A_312, %get3A_313] {strides = array<i32>} : memref<96x128xf32, #tpu.memory_space<vmem>>, vector<16xf32>,
        %mul3A_315 = arith.mulf %get3A_314, %broadcast_in_dim3A_304 : vector<16xf32>
        %swap3A_316 = arith.index_cast %add3A_301 : i32 to index
        %swap3A_317 = arith.constant 16 : index
        %swap3A_318 = tpu.vector_load %arg13[%swap3A_316, %swap3A_317] {strides = array<i32>} : memref<96x128xf32, #tpu.memory_space<vmem>>, vector<16xf32>,
        tpu.vector_store %arg13[%swap3A_316, %swap3A_317], %mul3A_315 {strides = array<i32>} : memref<96x128xf32, #tpu.memory_space<vmem>>, vector<16xf32>,
        %get3A_319 = arith.index_cast %add3A_301 : i32 to index
        %get3A_320 = arith.constant 32 : index
        %get3A_321 = tpu.vector_load %arg13[%get3A_319, %get3A_320] {strides = array<i32>} : memref<96x128xf32, #tpu.memory_space<vmem>>, vector<16xf32>,
        %mul3A_322 = arith.mulf %get3A_321, %broadcast_in_dim3A_304 : vector<16xf32>
        %swap3A_323 = arith.index_cast %add3A_301 : i32 to index
        %swap3A_324 = arith.constant 32 : index
        %swap3A_325 = tpu.vector_load %arg13[%swap3A_323, %swap3A_324] {strides = array<i32>} : memref<96x128xf32, #tpu.memory_space<vmem>>, vector<16xf32>,
        tpu.vector_store %arg13[%swap3A_323, %swap3A_324], %mul3A_322 {strides = array<i32>} : memref<96x128xf32, #tpu.memory_space<vmem>>, vector<16xf32>,
        %get3A_326 = arith.index_cast %add3A_301 : i32 to index
        %get3A_327 = arith.constant 48 : index
        %get3A_328 = tpu.vector_load %arg13[%get3A_326, %get3A_327] {strides = array<i32>} : memref<96x128xf32, #tpu.memory_space<vmem>>, vector<16xf32>,
        %mul3A_329 = arith.mulf %get3A_328, %broadcast_in_dim3A_304 : vector<16xf32>
        %swap3A_330 = arith.index_cast %add3A_301 : i32 to index
        %swap3A_331 = arith.constant 48 : index
        %swap3A_332 = tpu.vector_load %arg13[%swap3A_330, %swap3A_331] {strides = array<i32>} : memref<96x128xf32, #tpu.memory_space<vmem>>, vector<16xf32>,
        tpu.vector_store %arg13[%swap3A_330, %swap3A_331], %mul3A_329 {strides = array<i32>} : memref<96x128xf32, #tpu.memory_space<vmem>>, vector<16xf32>,
        %get3A_333 = arith.index_cast %add3A_301 : i32 to index
        %get3A_334 = arith.constant 64 : index
        %get3A_335 = tpu.vector_load %arg13[%get3A_333, %get3A_334] {strides = array<i32>} : memref<96x128xf32, #tpu.memory_space<vmem>>, vector<16xf32>,
        %mul3A_336 = arith.mulf %get3A_335, %broadcast_in_dim3A_304 : vector<16xf32>
        %swap3A_337 = arith.index_cast %add3A_301 : i32 to index
        %swap3A_338 = arith.constant 64 : index
        %swap3A_339 = tpu.vector_load %arg13[%swap3A_337, %swap3A_338] {strides = array<i32>} : memref<96x128xf32, #tpu.memory_space<vmem>>, vector<16xf32>,
        tpu.vector_store %arg13[%swap3A_337, %swap3A_338], %mul3A_336 {strides = array<i32>} : memref<96x128xf32, #tpu.memory_space<vmem>>, vector<16xf32>,
        %get3A_340 = arith.index_cast %add3A_301 : i32 to index
        %get3A_341 = arith.constant 80 : index
        %get3A_342 = tpu.vector_load %arg13[%get3A_340, %get3A_341] {strides = array<i32>} : memref<96x128xf32, #tpu.memory_space<vmem>>, vector<16xf32>,
        %mul3A_343 = arith.mulf %get3A_342, %broadcast_in_dim3A_304 : vector<16xf32>
        %swap3A_344 = arith.index_cast %add3A_301 : i32 to index
        %swap3A_345 = arith.constant 80 : index
        %swap3A_346 = tpu.vector_load %arg13[%swap3A_344, %swap3A_345] {strides = array<i32>} : memref<96x128xf32, #tpu.memory_space<vmem>>, vector<16xf32>,
        tpu.vector_store %arg13[%swap3A_344, %swap3A_345], %mul3A_343 {strides = array<i32>} : memref<96x128xf32, #tpu.memory_space<vmem>>, vector<16xf32>,
        %get3A_347 = arith.index_cast %add3A_301 : i32 to index
        %get3A_348 = arith.constant 96 : index
        %get3A_349 = tpu.vector_load %arg13[%get3A_347, %get3A_348] {strides = array<i32>} : memref<96x128xf32, #tpu.memory_space<vmem>>, vector<16xf32>,
        %mul3A_350 = arith.mulf %get3A_349, %broadcast_in_dim3A_304 : vector<16xf32>
        %swap3A_351 = arith.index_cast %add3A_301 : i32 to index
        %swap3A_352 = arith.constant 96 : index
        %swap3A_353 = tpu.vector_load %arg13[%swap3A_351, %swap3A_352] {strides = array<i32>} : memref<96x128xf32, #tpu.memory_space<vmem>>, vector<16xf32>,
        tpu.vector_store %arg13[%swap3A_351, %swap3A_352], %mul3A_350 {strides = array<i32>} : memref<96x128xf32, #tpu.memory_space<vmem>>, vector<16xf32>,
        %get3A_354 = arith.index_cast %add3A_301 : i32 to index
        %get3A_355 = arith.constant 112 : index
        %get3A_356 = tpu.vector_load %arg13[%get3A_354, %get3A_355] {strides = array<i32>} : memref<96x128xf32, #tpu.memory_space<vmem>>, vector<16xf32>,
        %mul3A_357 = arith.mulf %get3A_356, %broadcast_in_dim3A_304 : vector<16xf32>
        %swap3A_358 = arith.index_cast %add3A_301 : i32 to index
        %swap3A_359 = arith.constant 112 : index
        %swap3A_360 = tpu.vector_load %arg13[%swap3A_358, %swap3A_359] {strides = array<i32>} : memref<96x128xf32, #tpu.memory_space<vmem>>, vector<16xf32>,
        tpu.vector_store %arg13[%swap3A_358, %swap3A_359], %mul3A_357 {strides = array<i32>} : memref<96x128xf32, #tpu.memory_space<vmem>>, vector<16xf32>,
        %mul3A_361 = arith.constant 16 : i32
        %mul3A_362 = arith.muli %add3A_156, %mul3A_361 : i32
        %add3A_363 = arith.constant 3 : i32
        %add3A_364 = arith.addi %mul3A_362, %add3A_363 : i32
        %slice3A_365 = vector.extract_strided_slice %exp3A {offsets = [3], sizes = [1], strides = [1]} : vector<16xf32> to vector<1xf32>
        %squeeze3A_366 = vector.extract %slice3A_365[0] : f32 from vector<1xf32>
        %broadcast_in_dim3A_367 = vector.broadcast %squeeze3A_366 : f32 to vector<16xf32>
        %get3A_368 = arith.index_cast %add3A_364 : i32 to index
        %get3A_369 = arith.constant 0 : index
        %get3A_370 = tpu.vector_load %arg13[%get3A_368, %get3A_369] {strides = array<i32>} : memref<96x128xf32, #tpu.memory_space<vmem>>, vector<16xf32>,
        %mul3A_371 = arith.mulf %get3A_370, %broadcast_in_dim3A_367 : vector<16xf32>
        %swap3A_372 = arith.index_cast %add3A_364 : i32 to index
        %swap3A_373 = arith.constant 0 : index
        %swap3A_374 = tpu.vector_load %arg13[%swap3A_372, %swap3A_373] {strides = array<i32>} : memref<96x128xf32, #tpu.memory_space<vmem>>, vector<16xf32>,
        tpu.vector_store %arg13[%swap3A_372, %swap3A_373], %mul3A_371 {strides = array<i32>} : memref<96x128xf32, #tpu.memory_space<vmem>>, vector<16xf32>,
        %get3A_375 = arith.index_cast %add3A_364 : i32 to index
        %get3A_376 = arith.constant 16 : index
        %get3A_377 = tpu.vector_load %arg13[%get3A_375, %get3A_376] {strides = array<i32>} : memref<96x128xf32, #tpu.memory_space<vmem>>, vector<16xf32>,
        %mul3A_378 = arith.mulf %get3A_377, %broadcast_in_dim3A_367 : vector<16xf32>
        %swap3A_379 = arith.index_cast %add3A_364 : i32 to index
        %swap3A_380 = arith.constant 16 : index
        %swap3A_381 = tpu.vector_load %arg13[%swap3A_379, %swap3A_380] {strides = array<i32>} : memref<96x128xf32, #tpu.memory_space<vmem>>, vector<16xf32>,
        tpu.vector_store %arg13[%swap3A_379, %swap3A_380], %mul3A_378 {strides = array<i32>} : memref<96x128xf32, #tpu.memory_space<vmem>>, vector<16xf32>,
        %get3A_382 = arith.index_cast %add3A_364 : i32 to index
        %get3A_383 = arith.constant 32 : index
        %get3A_384 = tpu.vector_load %arg13[%get3A_382, %get3A_383] {strides = array<i32>} : memref<96x128xf32, #tpu.memory_space<vmem>>, vector<16xf32>,
        %mul3A_385 = arith.mulf %get3A_384, %broadcast_in_dim3A_367 : vector<16xf32>
        %swap3A_386 = arith.index_cast %add3A_364 : i32 to index
        %swap3A_387 = arith.constant 32 : index
        %swap3A_388 = tpu.vector_load %arg13[%swap3A_386, %swap3A_387] {strides = array<i32>} : memref<96x128xf32, #tpu.memory_space<vmem>>, vector<16xf32>,
        tpu.vector_store %arg13[%swap3A_386, %swap3A_387], %mul3A_385 {strides = array<i32>} : memref<96x128xf32, #tpu.memory_space<vmem>>, vector<16xf32>,
        %get3A_389 = arith.index_cast %add3A_364 : i32 to index
        %get3A_390 = arith.constant 48 : index
        %get3A_391 = tpu.vector_load %arg13[%get3A_389, %get3A_390] {strides = array<i32>} : memref<96x128xf32, #tpu.memory_space<vmem>>, vector<16xf32>,
        %mul3A_392 = arith.mulf %get3A_391, %broadcast_in_dim3A_367 : vector<16xf32>
        %swap3A_393 = arith.index_cast %add3A_364 : i32 to index
        %swap3A_394 = arith.constant 48 : index
        %swap3A_395 = tpu.vector_load %arg13[%swap3A_393, %swap3A_394] {strides = array<i32>} : memref<96x128xf32, #tpu.memory_space<vmem>>, vector<16xf32>,
        tpu.vector_store %arg13[%swap3A_393, %swap3A_394], %mul3A_392 {strides = array<i32>} : memref<96x128xf32, #tpu.memory_space<vmem>>, vector<16xf32>,
        %get3A_396 = arith.index_cast %add3A_364 : i32 to index
        %get3A_397 = arith.constant 64 : index
        %get3A_398 = tpu.vector_load %arg13[%get3A_396, %get3A_397] {strides = array<i32>} : memref<96x128xf32, #tpu.memory_space<vmem>>, vector<16xf32>,
        %mul3A_399 = arith.mulf %get3A_398, %broadcast_in_dim3A_367 : vector<16xf32>
        %swap3A_400 = arith.index_cast %add3A_364 : i32 to index
        %swap3A_401 = arith.constant 64 : index
        %swap3A_402 = tpu.vector_load %arg13[%swap3A_400, %swap3A_401] {strides = array<i32>} : memref<96x128xf32, #tpu.memory_space<vmem>>, vector<16xf32>,
        tpu.vector_store %arg13[%swap3A_400, %swap3A_401], %mul3A_399 {strides = array<i32>} : memref<96x128xf32, #tpu.memory_space<vmem>>, vector<16xf32>,
        %get3A_403 = arith.index_cast %add3A_364 : i32 to index
        %get3A_404 = arith.constant 80 : index
        %get3A_405 = tpu.vector_load %arg13[%get3A_403, %get3A_404] {strides = array<i32>} : memref<96x128xf32, #tpu.memory_space<vmem>>, vector<16xf32>,
        %mul3A_406 = arith.mulf %get3A_405, %broadcast_in_dim3A_367 : vector<16xf32>
        %swap3A_407 = arith.index_cast %add3A_364 : i32 to index
        %swap3A_408 = arith.constant 80 : index
        %swap3A_409 = tpu.vector_load %arg13[%swap3A_407, %swap3A_408] {strides = array<i32>} : memref<96x128xf32, #tpu.memory_space<vmem>>, vector<16xf32>,
        tpu.vector_store %arg13[%swap3A_407, %swap3A_408], %mul3A_406 {strides = array<i32>} : memref<96x128xf32, #tpu.memory_space<vmem>>, vector<16xf32>,
        %get3A_410 = arith.index_cast %add3A_364 : i32 to index
        %get3A_411 = arith.constant 96 : index
        %get3A_412 = tpu.vector_load %arg13[%get3A_410, %get3A_411] {strides = array<i32>} : memref<96x128xf32, #tpu.memory_space<vmem>>, vector<16xf32>,
        %mul3A_413 = arith.mulf %get3A_412, %broadcast_in_dim3A_367 : vector<16xf32>
        %swap3A_414 = arith.index_cast %add3A_364 : i32 to index
        %swap3A_415 = arith.constant 96 : index
        %swap3A_416 = tpu.vector_load %arg13[%swap3A_414, %swap3A_415] {strides = array<i32>} : memref<96x128xf32, #tpu.memory_space<vmem>>, vector<16xf32>,
        tpu.vector_store %arg13[%swap3A_414, %swap3A_415], %mul3A_413 {strides = array<i32>} : memref<96x128xf32, #tpu.memory_space<vmem>>, vector<16xf32>,
        %get3A_417 = arith.index_cast %add3A_364 : i32 to index
        %get3A_418 = arith.constant 112 : index
        %get3A_419 = tpu.vector_load %arg13[%get3A_417, %get3A_418] {strides = array<i32>} : memref<96x128xf32, #tpu.memory_space<vmem>>, vector<16xf32>,
        %mul3A_420 = arith.mulf %get3A_419, %broadcast_in_dim3A_367 : vector<16xf32>
        %swap3A_421 = arith.index_cast %add3A_364 : i32 to index
        %swap3A_422 = arith.constant 112 : index
        %swap3A_423 = tpu.vector_load %arg13[%swap3A_421, %swap3A_422] {strides = array<i32>} : memref<96x128xf32, #tpu.memory_space<vmem>>, vector<16xf32>,
        tpu.vector_store %arg13[%swap3A_421, %swap3A_422], %mul3A_420 {strides = array<i32>} : memref<96x128xf32, #tpu.memory_space<vmem>>, vector<16xf32>,
        %mul3A_424 = arith.constant 16 : i32
        %mul3A_425 = arith.muli %add3A_156, %mul3A_424 : i32
        %add3A_426 = arith.constant 4 : i32
        %add3A_427 = arith.addi %mul3A_425, %add3A_426 : i32
        %slice3A_428 = vector.extract_strided_slice %exp3A {offsets = [4], sizes = [1], strides = [1]} : vector<16xf32> to vector<1xf32>
        %squeeze3A_429 = vector.extract %slice3A_428[0] : f32 from vector<1xf32>
        %broadcast_in_dim3A_430 = vector.broadcast %squeeze3A_429 : f32 to vector<16xf32>
        %get3A_431 = arith.index_cast %add3A_427 : i32 to index
        %get3A_432 = arith.constant 0 : index
        %get3A_433 = tpu.vector_load %arg13[%get3A_431, %get3A_432] {strides = array<i32>} : memref<96x128xf32, #tpu.memory_space<vmem>>, vector<16xf32>,
        %mul3A_434 = arith.mulf %get3A_433, %broadcast_in_dim3A_430 : vector<16xf32>
        %swap3A_435 = arith.index_cast %add3A_427 : i32 to index
        %swap3A_436 = arith.constant 0 : index
        %swap3A_437 = tpu.vector_load %arg13[%swap3A_435, %swap3A_436] {strides = array<i32>} : memref<96x128xf32, #tpu.memory_space<vmem>>, vector<16xf32>,
        tpu.vector_store %arg13[%swap3A_435, %swap3A_436], %mul3A_434 {strides = array<i32>} : memref<96x128xf32, #tpu.memory_space<vmem>>, vector<16xf32>,
        %get3A_438 = arith.index_cast %add3A_427 : i32 to index
        %get3A_439 = arith.constant 16 : index
        %get3A_440 = tpu.vector_load %arg13[%get3A_438, %get3A_439] {strides = array<i32>} : memref<96x128xf32, #tpu.memory_space<vmem>>, vector<16xf32>,
        %mul3A_441 = arith.mulf %get3A_440, %broadcast_in_dim3A_430 : vector<16xf32>
        %swap3A_442 = arith.index_cast %add3A_427 : i32 to index
        %swap3A_443 = arith.constant 16 : index
        %swap3A_444 = tpu.vector_load %arg13[%swap3A_442, %swap3A_443] {strides = array<i32>} : memref<96x128xf32, #tpu.memory_space<vmem>>, vector<16xf32>,
        tpu.vector_store %arg13[%swap3A_442, %swap3A_443], %mul3A_441 {strides = array<i32>} : memref<96x128xf32, #tpu.memory_space<vmem>>, vector<16xf32>,
        %get3A_445 = arith.index_cast %add3A_427 : i32 to index
        %get3A_446 = arith.constant 32 : index
        %get3A_447 = tpu.vector_load %arg13[%get3A_445, %get3A_446] {strides = array<i32>} : memref<96x128xf32, #tpu.memory_space<vmem>>, vector<16xf32>,
        %mul3A_448 = arith.mulf %get3A_447, %broadcast_in_dim3A_430 : vector<16xf32>
        %swap3A_449 = arith.index_cast %add3A_427 : i32 to index
        %swap3A_450 = arith.constant 32 : index
        %swap3A_451 = tpu.vector_load %arg13[%swap3A_449, %swap3A_450] {strides = array<i32>} : memref<96x128xf32, #tpu.memory_space<vmem>>, vector<16xf32>,
        tpu.vector_store %arg13[%swap3A_449, %swap3A_450], %mul3A_448 {strides = array<i32>} : memref<96x128xf32, #tpu.memory_space<vmem>>, vector<16xf32>,
        %get3A_452 = arith.index_cast %add3A_427 : i32 to index
        %get3A_453 = arith.constant 48 : index
        %get3A_454 = tpu.vector_load %arg13[%get3A_452, %get3A_453] {strides = array<i32>} : memref<96x128xf32, #tpu.memory_space<vmem>>, vector<16xf32>,
        %mul3A_455 = arith.mulf %get3A_454, %broadcast_in_dim3A_430 : vector<16xf32>
        %swap3A_456 = arith.index_cast %add3A_427 : i32 to index
        %swap3A_457 = arith.constant 48 : index
        %swap3A_458 = tpu.vector_load %arg13[%swap3A_456, %swap3A_457] {strides = array<i32>} : memref<96x128xf32, #tpu.memory_space<vmem>>, vector<16xf32>,
        tpu.vector_store %arg13[%swap3A_456, %swap3A_457], %mul3A_455 {strides = array<i32>} : memref<96x128xf32, #tpu.memory_space<vmem>>, vector<16xf32>,
        %get3A_459 = arith.index_cast %add3A_427 : i32 to index
        %get3A_460 = arith.constant 64 : index
        %get3A_461 = tpu.vector_load %arg13[%get3A_459, %get3A_460] {strides = array<i32>} : memref<96x128xf32, #tpu.memory_space<vmem>>, vector<16xf32>,
        %mul3A_462 = arith.mulf %get3A_461, %broadcast_in_dim3A_430 : vector<16xf32>
        %swap3A_463 = arith.index_cast %add3A_427 : i32 to index
        %swap3A_464 = arith.constant 64 : index
        %swap3A_465 = tpu.vector_load %arg13[%swap3A_463, %swap3A_464] {strides = array<i32>} : memref<96x128xf32, #tpu.memory_space<vmem>>, vector<16xf32>,
        tpu.vector_store %arg13[%swap3A_463, %swap3A_464], %mul3A_462 {strides = array<i32>} : memref<96x128xf32, #tpu.memory_space<vmem>>, vector<16xf32>,
        %get3A_466 = arith.index_cast %add3A_427 : i32 to index
        %get3A_467 = arith.constant 80 : index
        %get3A_468 = tpu.vector_load %arg13[%get3A_466, %get3A_467] {strides = array<i32>} : memref<96x128xf32, #tpu.memory_space<vmem>>, vector<16xf32>,
        %mul3A_469 = arith.mulf %get3A_468, %broadcast_in_dim3A_430 : vector<16xf32>
        %swap3A_470 = arith.index_cast %add3A_427 : i32 to index
        %swap3A_471 = arith.constant 80 : index
        %swap3A_472 = tpu.vector_load %arg13[%swap3A_470, %swap3A_471] {strides = array<i32>} : memref<96x128xf32, #tpu.memory_space<vmem>>, vector<16xf32>,
        tpu.vector_store %arg13[%swap3A_470, %swap3A_471], %mul3A_469 {strides = array<i32>} : memref<96x128xf32, #tpu.memory_space<vmem>>, vector<16xf32>,
        %get3A_473 = arith.index_cast %add3A_427 : i32 to index
        %get3A_474 = arith.constant 96 : index
        %get3A_475 = tpu.vector_load %arg13[%get3A_473, %get3A_474] {strides = array<i32>} : memref<96x128xf32, #tpu.memory_space<vmem>>, vector<16xf32>,
        %mul3A_476 = arith.mulf %get3A_475, %broadcast_in_dim3A_430 : vector<16xf32>
        %swap3A_477 = arith.index_cast %add3A_427 : i32 to index
        %swap3A_478 = arith.constant 96 : index
        %swap3A_479 = tpu.vector_load %arg13[%swap3A_477, %swap3A_478] {strides = array<i32>} : memref<96x128xf32, #tpu.memory_space<vmem>>, vector<16xf32>,
        tpu.vector_store %arg13[%swap3A_477, %swap3A_478], %mul3A_476 {strides = array<i32>} : memref<96x128xf32, #tpu.memory_space<vmem>>, vector<16xf32>,
        %get3A_480 = arith.index_cast %add3A_427 : i32 to index
        %get3A_481 = arith.constant 112 : index
        %get3A_482 = tpu.vector_load %arg13[%get3A_480, %get3A_481] {strides = array<i32>} : memref<96x128xf32, #tpu.memory_space<vmem>>, vector<16xf32>,
        %mul3A_483 = arith.mulf %get3A_482, %broadcast_in_dim3A_430 : vector<16xf32>
        %swap3A_484 = arith.index_cast %add3A_427 : i32 to index
        %swap3A_485 = arith.constant 112 : index
        %swap3A_486 = tpu.vector_load %arg13[%swap3A_484, %swap3A_485] {strides = array<i32>} : memref<96x128xf32, #tpu.memory_space<vmem>>, vector<16xf32>,
        tpu.vector_store %arg13[%swap3A_484, %swap3A_485], %mul3A_483 {strides = array<i32>} : memref<96x128xf32, #tpu.memory_space<vmem>>, vector<16xf32>,
        %mul3A_487 = arith.constant 16 : i32
        %mul3A_488 = arith.muli %add3A_156, %mul3A_487 : i32
        %add3A_489 = arith.constant 5 : i32
        %add3A_490 = arith.addi %mul3A_488, %add3A_489 : i32
        %slice3A_491 = vector.extract_strided_slice %exp3A {offsets = [5], sizes = [1], strides = [1]} : vector<16xf32> to vector<1xf32>
        %squeeze3A_492 = vector.extract %slice3A_491[0] : f32 from vector<1xf32>
        %broadcast_in_dim3A_493 = vector.broadcast %squeeze3A_492 : f32 to vector<16xf32>
        %get3A_494 = arith.index_cast %add3A_490 : i32 to index
        %get3A_495 = arith.constant 0 : index
        %get3A_496 = tpu.vector_load %arg13[%get3A_494, %get3A_495] {strides = array<i32>} : memref<96x128xf32, #tpu.memory_space<vmem>>, vector<16xf32>,
        %mul3A_497 = arith.mulf %get3A_496, %broadcast_in_dim3A_493 : vector<16xf32>
        %swap3A_498 = arith.index_cast %add3A_490 : i32 to index
        %swap3A_499 = arith.constant 0 : index
        %swap3A_500 = tpu.vector_load %arg13[%swap3A_498, %swap3A_499] {strides = array<i32>} : memref<96x128xf32, #tpu.memory_space<vmem>>, vector<16xf32>,
        tpu.vector_store %arg13[%swap3A_498, %swap3A_499], %mul3A_497 {strides = array<i32>} : memref<96x128xf32, #tpu.memory_space<vmem>>, vector<16xf32>,
        %get3A_501 = arith.index_cast %add3A_490 : i32 to index
        %get3A_502 = arith.constant 16 : index
        %get3A_503 = tpu.vector_load %arg13[%get3A_501, %get3A_502] {strides = array<i32>} : memref<96x128xf32, #tpu.memory_space<vmem>>, vector<16xf32>,
        %mul3A_504 = arith.mulf %get3A_503, %broadcast_in_dim3A_493 : vector<16xf32>
        %swap3A_505 = arith.index_cast %add3A_490 : i32 to index
        %swap3A_506 = arith.constant 16 : index
        %swap3A_507 = tpu.vector_load %arg13[%swap3A_505, %swap3A_506] {strides = array<i32>} : memref<96x128xf32, #tpu.memory_space<vmem>>, vector<16xf32>,
        tpu.vector_store %arg13[%swap3A_505, %swap3A_506], %mul3A_504 {strides = array<i32>} : memref<96x128xf32, #tpu.memory_space<vmem>>, vector<16xf32>,
        %get3A_508 = arith.index_cast %add3A_490 : i32 to index
        %get3A_509 = arith.constant 32 : index
        %get3A_510 = tpu.vector_load %arg13[%get3A_508, %get3A_509] {strides = array<i32>} : memref<96x128xf32, #tpu.memory_space<vmem>>, vector<16xf32>,
        %mul3A_511 = arith.mulf %get3A_510, %broadcast_in_dim3A_493 : vector<16xf32>
        %swap3A_512 = arith.index_cast %add3A_490 : i32 to index
        %swap3A_513 = arith.constant 32 : index
        %swap3A_514 = tpu.vector_load %arg13[%swap3A_512, %swap3A_513] {strides = array<i32>} : memref<96x128xf32, #tpu.memory_space<vmem>>, vector<16xf32>,
        tpu.vector_store %arg13[%swap3A_512, %swap3A_513], %mul3A_511 {strides = array<i32>} : memref<96x128xf32, #tpu.memory_space<vmem>>, vector<16xf32>,
        %get3A_515 = arith.index_cast %add3A_490 : i32 to index
        %get3A_516 = arith.constant 48 : index
        %get3A_517 = tpu.vector_load %arg13[%get3A_515, %get3A_516] {strides = array<i32>} : memref<96x128xf32, #tpu.memory_space<vmem>>, vector<16xf32>,
        %mul3A_518 = arith.mulf %get3A_517, %broadcast_in_dim3A_493 : vector<16xf32>
        %swap3A_519 = arith.index_cast %add3A_490 : i32 to index
        %swap3A_520 = arith.constant 48 : index
        %swap3A_521 = tpu.vector_load %arg13[%swap3A_519, %swap3A_520] {strides = array<i32>} : memref<96x128xf32, #tpu.memory_space<vmem>>, vector<16xf32>,
        tpu.vector_store %arg13[%swap3A_519, %swap3A_520], %mul3A_518 {strides = array<i32>} : memref<96x128xf32, #tpu.memory_space<vmem>>, vector<16xf32>,
        %get3A_522 = arith.index_cast %add3A_490 : i32 to index
        %get3A_523 = arith.constant 64 : index
        %get3A_524 = tpu.vector_load %arg13[%get3A_522, %get3A_523] {strides = array<i32>} : memref<96x128xf32, #tpu.memory_space<vmem>>, vector<16xf32>,
        %mul3A_525 = arith.mulf %get3A_524, %broadcast_in_dim3A_493 : vector<16xf32>
        %swap3A_526 = arith.index_cast %add3A_490 : i32 to index
        %swap3A_527 = arith.constant 64 : index
        %swap3A_528 = tpu.vector_load %arg13[%swap3A_526, %swap3A_527] {strides = array<i32>} : memref<96x128xf32, #tpu.memory_space<vmem>>, vector<16xf32>,
        tpu.vector_store %arg13[%swap3A_526, %swap3A_527], %mul3A_525 {strides = array<i32>} : memref<96x128xf32, #tpu.memory_space<vmem>>, vector<16xf32>,
        %get3A_529 = arith.index_cast %add3A_490 : i32 to index
        %get3A_530 = arith.constant 80 : index
        %get3A_531 = tpu.vector_load %arg13[%get3A_529, %get3A_530] {strides = array<i32>} : memref<96x128xf32, #tpu.memory_space<vmem>>, vector<16xf32>,
        %mul3A_532 = arith.mulf %get3A_531, %broadcast_in_dim3A_493 : vector<16xf32>
        %swap3A_533 = arith.index_cast %add3A_490 : i32 to index
        %swap3A_534 = arith.constant 80 : index
        %swap3A_535 = tpu.vector_load %arg13[%swap3A_533, %swap3A_534] {strides = array<i32>} : memref<96x128xf32, #tpu.memory_space<vmem>>, vector<16xf32>,
        tpu.vector_store %arg13[%swap3A_533, %swap3A_534], %mul3A_532 {strides = array<i32>} : memref<96x128xf32, #tpu.memory_space<vmem>>, vector<16xf32>,
        %get3A_536 = arith.index_cast %add3A_490 : i32 to index
        %get3A_537 = arith.constant 96 : index
        %get3A_538 = tpu.vector_load %arg13[%get3A_536, %get3A_537] {strides = array<i32>} : memref<96x128xf32, #tpu.memory_space<vmem>>, vector<16xf32>,
        %mul3A_539 = arith.mulf %get3A_538, %broadcast_in_dim3A_493 : vector<16xf32>
        %swap3A_540 = arith.index_cast %add3A_490 : i32 to index
        %swap3A_541 = arith.constant 96 : index
        %swap3A_542 = tpu.vector_load %arg13[%swap3A_540, %swap3A_541] {strides = array<i32>} : memref<96x128xf32, #tpu.memory_space<vmem>>, vector<16xf32>,
        tpu.vector_store %arg13[%swap3A_540, %swap3A_541], %mul3A_539 {strides = array<i32>} : memref<96x128xf32, #tpu.memory_space<vmem>>, vector<16xf32>,
        %get3A_543 = arith.index_cast %add3A_490 : i32 to index
        %get3A_544 = arith.constant 112 : index
        %get3A_545 = tpu.vector_load %arg13[%get3A_543, %get3A_544] {strides = array<i32>} : memref<96x128xf32, #tpu.memory_space<vmem>>, vector<16xf32>,
        %mul3A_546 = arith.mulf %get3A_545, %broadcast_in_dim3A_493 : vector<16xf32>
        %swap3A_547 = arith.index_cast %add3A_490 : i32 to index
        %swap3A_548 = arith.constant 112 : index
        %swap3A_549 = tpu.vector_load %arg13[%swap3A_547, %swap3A_548] {strides = array<i32>} : memref<96x128xf32, #tpu.memory_space<vmem>>, vector<16xf32>,
        tpu.vector_store %arg13[%swap3A_547, %swap3A_548], %mul3A_546 {strides = array<i32>} : memref<96x128xf32, #tpu.memory_space<vmem>>, vector<16xf32>,
        %mul3A_550 = arith.constant 16 : i32
        %mul3A_551 = arith.muli %add3A_156, %mul3A_550 : i32
        %add3A_552 = arith.constant 6 : i32
        %add3A_553 = arith.addi %mul3A_551, %add3A_552 : i32
        %slice3A_554 = vector.extract_strided_slice %exp3A {offsets = [6], sizes = [1], strides = [1]} : vector<16xf32> to vector<1xf32>
        %squeeze3A_555 = vector.extract %slice3A_554[0] : f32 from vector<1xf32>
        %broadcast_in_dim3A_556 = vector.broadcast %squeeze3A_555 : f32 to vector<16xf32>
        %get3A_557 = arith.index_cast %add3A_553 : i32 to index
        %get3A_558 = arith.constant 0 : index
        %get3A_559 = tpu.vector_load %arg13[%get3A_557, %get3A_558] {strides = array<i32>} : memref<96x128xf32, #tpu.memory_space<vmem>>, vector<16xf32>,
        %mul3A_560 = arith.mulf %get3A_559, %broadcast_in_dim3A_556 : vector<16xf32>
        %swap3A_561 = arith.index_cast %add3A_553 : i32 to index
        %swap3A_562 = arith.constant 0 : index
        %swap3A_563 = tpu.vector_load %arg13[%swap3A_561, %swap3A_562] {strides = array<i32>} : memref<96x128xf32, #tpu.memory_space<vmem>>, vector<16xf32>,
        tpu.vector_store %arg13[%swap3A_561, %swap3A_562], %mul3A_560 {strides = array<i32>} : memref<96x128xf32, #tpu.memory_space<vmem>>, vector<16xf32>,
        %get3A_564 = arith.index_cast %add3A_553 : i32 to index
        %get3A_565 = arith.constant 16 : index
        %get3A_566 = tpu.vector_load %arg13[%get3A_564, %get3A_565] {strides = array<i32>} : memref<96x128xf32, #tpu.memory_space<vmem>>, vector<16xf32>,
        %mul3A_567 = arith.mulf %get3A_566, %broadcast_in_dim3A_556 : vector<16xf32>
        %swap3A_568 = arith.index_cast %add3A_553 : i32 to index
        %swap3A_569 = arith.constant 16 : index
        %swap3A_570 = tpu.vector_load %arg13[%swap3A_568, %swap3A_569] {strides = array<i32>} : memref<96x128xf32, #tpu.memory_space<vmem>>, vector<16xf32>,
        tpu.vector_store %arg13[%swap3A_568, %swap3A_569], %mul3A_567 {strides = array<i32>} : memref<96x128xf32, #tpu.memory_space<vmem>>, vector<16xf32>,
        %get3A_571 = arith.index_cast %add3A_553 : i32 to index
        %get3A_572 = arith.constant 32 : index
        %get3A_573 = tpu.vector_load %arg13[%get3A_571, %get3A_572] {strides = array<i32>} : memref<96x128xf32, #tpu.memory_space<vmem>>, vector<16xf32>,
        %mul3A_574 = arith.mulf %get3A_573, %broadcast_in_dim3A_556 : vector<16xf32>
        %swap3A_575 = arith.index_cast %add3A_553 : i32 to index
        %swap3A_576 = arith.constant 32 : index
        %swap3A_577 = tpu.vector_load %arg13[%swap3A_575, %swap3A_576] {strides = array<i32>} : memref<96x128xf32, #tpu.memory_space<vmem>>, vector<16xf32>,
        tpu.vector_store %arg13[%swap3A_575, %swap3A_576], %mul3A_574 {strides = array<i32>} : memref<96x128xf32, #tpu.memory_space<vmem>>, vector<16xf32>,
        %get3A_578 = arith.index_cast %add3A_553 : i32 to index
        %get3A_579 = arith.constant 48 : index
        %get3A_580 = tpu.vector_load %arg13[%get3A_578, %get3A_579] {strides = array<i32>} : memref<96x128xf32, #tpu.memory_space<vmem>>, vector<16xf32>,
        %mul3A_581 = arith.mulf %get3A_580, %broadcast_in_dim3A_556 : vector<16xf32>
        %swap3A_582 = arith.index_cast %add3A_553 : i32 to index
        %swap3A_583 = arith.constant 48 : index
        %swap3A_584 = tpu.vector_load %arg13[%swap3A_582, %swap3A_583] {strides = array<i32>} : memref<96x128xf32, #tpu.memory_space<vmem>>, vector<16xf32>,
        tpu.vector_store %arg13[%swap3A_582, %swap3A_583], %mul3A_581 {strides = array<i32>} : memref<96x128xf32, #tpu.memory_space<vmem>>, vector<16xf32>,
        %get3A_585 = arith.index_cast %add3A_553 : i32 to index
        %get3A_586 = arith.constant 64 : index
        %get3A_587 = tpu.vector_load %arg13[%get3A_585, %get3A_586] {strides = array<i32>} : memref<96x128xf32, #tpu.memory_space<vmem>>, vector<16xf32>,
        %mul3A_588 = arith.mulf %get3A_587, %broadcast_in_dim3A_556 : vector<16xf32>
        %swap3A_589 = arith.index_cast %add3A_553 : i32 to index
        %swap3A_590 = arith.constant 64 : index
        %swap3A_591 = tpu.vector_load %arg13[%swap3A_589, %swap3A_590] {strides = array<i32>} : memref<96x128xf32, #tpu.memory_space<vmem>>, vector<16xf32>,
        tpu.vector_store %arg13[%swap3A_589, %swap3A_590], %mul3A_588 {strides = array<i32>} : memref<96x128xf32, #tpu.memory_space<vmem>>, vector<16xf32>,
        %get3A_592 = arith.index_cast %add3A_553 : i32 to index
        %get3A_593 = arith.constant 80 : index
        %get3A_594 = tpu.vector_load %arg13[%get3A_592, %get3A_593] {strides = array<i32>} : memref<96x128xf32, #tpu.memory_space<vmem>>, vector<16xf32>,
        %mul3A_595 = arith.mulf %get3A_594, %broadcast_in_dim3A_556 : vector<16xf32>
        %swap3A_596 = arith.index_cast %add3A_553 : i32 to index
        %swap3A_597 = arith.constant 80 : index
        %swap3A_598 = tpu.vector_load %arg13[%swap3A_596, %swap3A_597] {strides = array<i32>} : memref<96x128xf32, #tpu.memory_space<vmem>>, vector<16xf32>,
        tpu.vector_store %arg13[%swap3A_596, %swap3A_597], %mul3A_595 {strides = array<i32>} : memref<96x128xf32, #tpu.memory_space<vmem>>, vector<16xf32>,
        %get3A_599 = arith.index_cast %add3A_553 : i32 to index
        %get3A_600 = arith.constant 96 : index
        %get3A_601 = tpu.vector_load %arg13[%get3A_599, %get3A_600] {strides = array<i32>} : memref<96x128xf32, #tpu.memory_space<vmem>>, vector<16xf32>,
        %mul3A_602 = arith.mulf %get3A_601, %broadcast_in_dim3A_556 : vector<16xf32>
        %swap3A_603 = arith.index_cast %add3A_553 : i32 to index
        %swap3A_604 = arith.constant 96 : index
        %swap3A_605 = tpu.vector_load %arg13[%swap3A_603, %swap3A_604] {strides = array<i32>} : memref<96x128xf32, #tpu.memory_space<vmem>>, vector<16xf32>,
        tpu.vector_store %arg13[%swap3A_603, %swap3A_604], %mul3A_602 {strides = array<i32>} : memref<96x128xf32, #tpu.memory_space<vmem>>, vector<16xf32>,
        %get3A_606 = arith.index_cast %add3A_553 : i32 to index
        %get3A_607 = arith.constant 112 : index
        %get3A_608 = tpu.vector_load %arg13[%get3A_606, %get3A_607] {strides = array<i32>} : memref<96x128xf32, #tpu.memory_space<vmem>>, vector<16xf32>,
        %mul3A_609 = arith.mulf %get3A_608, %broadcast_in_dim3A_556 : vector<16xf32>
        %swap3A_610 = arith.index_cast %add3A_553 : i32 to index
        %swap3A_611 = arith.constant 112 : index
        %swap3A_612 = tpu.vector_load %arg13[%swap3A_610, %swap3A_611] {strides = array<i32>} : memref<96x128xf32, #tpu.memory_space<vmem>>, vector<16xf32>,
        tpu.vector_store %arg13[%swap3A_610, %swap3A_611], %mul3A_609 {strides = array<i32>} : memref<96x128xf32, #tpu.memory_space<vmem>>, vector<16xf32>,
        %mul3A_613 = arith.constant 16 : i32
        %mul3A_614 = arith.muli %add3A_156, %mul3A_613 : i32
        %add3A_615 = arith.constant 7 : i32
        %add3A_616 = arith.addi %mul3A_614, %add3A_615 : i32
        %slice3A_617 = vector.extract_strided_slice %exp3A {offsets = [7], sizes = [1], strides = [1]} : vector<16xf32> to vector<1xf32>
        %squeeze3A_618 = vector.extract %slice3A_617[0] : f32 from vector<1xf32>
        %broadcast_in_dim3A_619 = vector.broadcast %squeeze3A_618 : f32 to vector<16xf32>
        %get3A_620 = arith.index_cast %add3A_616 : i32 to index
        %get3A_621 = arith.constant 0 : index
        %get3A_622 = tpu.vector_load %arg13[%get3A_620, %get3A_621] {strides = array<i32>} : memref<96x128xf32, #tpu.memory_space<vmem>>, vector<16xf32>,
        %mul3A_623 = arith.mulf %get3A_622, %broadcast_in_dim3A_619 : vector<16xf32>
        %swap3A_624 = arith.index_cast %add3A_616 : i32 to index
        %swap3A_625 = arith.constant 0 : index
        %swap3A_626 = tpu.vector_load %arg13[%swap3A_624, %swap3A_625] {strides = array<i32>} : memref<96x128xf32, #tpu.memory_space<vmem>>, vector<16xf32>,
        tpu.vector_store %arg13[%swap3A_624, %swap3A_625], %mul3A_623 {strides = array<i32>} : memref<96x128xf32, #tpu.memory_space<vmem>>, vector<16xf32>,
        %get3A_627 = arith.index_cast %add3A_616 : i32 to index
        %get3A_628 = arith.constant 16 : index
        %get3A_629 = tpu.vector_load %arg13[%get3A_627, %get3A_628] {strides = array<i32>} : memref<96x128xf32, #tpu.memory_space<vmem>>, vector<16xf32>,
        %mul3A_630 = arith.mulf %get3A_629, %broadcast_in_dim3A_619 : vector<16xf32>
        %swap3A_631 = arith.index_cast %add3A_616 : i32 to index
        %swap3A_632 = arith.constant 16 : index
        %swap3A_633 = tpu.vector_load %arg13[%swap3A_631, %swap3A_632] {strides = array<i32>} : memref<96x128xf32, #tpu.memory_space<vmem>>, vector<16xf32>,
        tpu.vector_store %arg13[%swap3A_631, %swap3A_632], %mul3A_630 {strides = array<i32>} : memref<96x128xf32, #tpu.memory_space<vmem>>, vector<16xf32>,
        %get3A_634 = arith.index_cast %add3A_616 : i32 to index
        %get3A_635 = arith.constant 32 : index
        %get3A_636 = tpu.vector_load %arg13[%get3A_634, %get3A_635] {strides = array<i32>} : memref<96x128xf32, #tpu.memory_space<vmem>>, vector<16xf32>,
        %mul3A_637 = arith.mulf %get3A_636, %broadcast_in_dim3A_619 : vector<16xf32>
        %swap3A_638 = arith.index_cast %add3A_616 : i32 to index
        %swap3A_639 = arith.constant 32 : index
        %swap3A_640 = tpu.vector_load %arg13[%swap3A_638, %swap3A_639] {strides = array<i32>} : memref<96x128xf32, #tpu.memory_space<vmem>>, vector<16xf32>,
        tpu.vector_store %arg13[%swap3A_638, %swap3A_639], %mul3A_637 {strides = array<i32>} : memref<96x128xf32, #tpu.memory_space<vmem>>, vector<16xf32>,
        %get3A_641 = arith.index_cast %add3A_616 : i32 to index
        %get3A_642 = arith.constant 48 : index
        %get3A_643 = tpu.vector_load %arg13[%get3A_641, %get3A_642] {strides = array<i32>} : memref<96x128xf32, #tpu.memory_space<vmem>>, vector<16xf32>,
        %mul3A_644 = arith.mulf %get3A_643, %broadcast_in_dim3A_619 : vector<16xf32>
        %swap3A_645 = arith.index_cast %add3A_616 : i32 to index
        %swap3A_646 = arith.constant 48 : index
        %swap3A_647 = tpu.vector_load %arg13[%swap3A_645, %swap3A_646] {strides = array<i32>} : memref<96x128xf32, #tpu.memory_space<vmem>>, vector<16xf32>,
        tpu.vector_store %arg13[%swap3A_645, %swap3A_646], %mul3A_644 {strides = array<i32>} : memref<96x128xf32, #tpu.memory_space<vmem>>, vector<16xf32>,
        %get3A_648 = arith.index_cast %add3A_616 : i32 to index
        %get3A_649 = arith.constant 64 : index
        %get3A_650 = tpu.vector_load %arg13[%get3A_648, %get3A_649] {strides = array<i32>} : memref<96x128xf32, #tpu.memory_space<vmem>>, vector<16xf32>,
        %mul3A_651 = arith.mulf %get3A_650, %broadcast_in_dim3A_619 : vector<16xf32>
        %swap3A_652 = arith.index_cast %add3A_616 : i32 to index
        %swap3A_653 = arith.constant 64 : index
        %swap3A_654 = tpu.vector_load %arg13[%swap3A_652, %swap3A_653] {strides = array<i32>} : memref<96x128xf32, #tpu.memory_space<vmem>>, vector<16xf32>,
        tpu.vector_store %arg13[%swap3A_652, %swap3A_653], %mul3A_651 {strides = array<i32>} : memref<96x128xf32, #tpu.memory_space<vmem>>, vector<16xf32>,
        %get3A_655 = arith.index_cast %add3A_616 : i32 to index
        %get3A_656 = arith.constant 80 : index
        %get3A_657 = tpu.vector_load %arg13[%get3A_655, %get3A_656] {strides = array<i32>} : memref<96x128xf32, #tpu.memory_space<vmem>>, vector<16xf32>,
        %mul3A_658 = arith.mulf %get3A_657, %broadcast_in_dim3A_619 : vector<16xf32>
        %swap3A_659 = arith.index_cast %add3A_616 : i32 to index
        %swap3A_660 = arith.constant 80 : index
        %swap3A_661 = tpu.vector_load %arg13[%swap3A_659, %swap3A_660] {strides = array<i32>} : memref<96x128xf32, #tpu.memory_space<vmem>>, vector<16xf32>,
        tpu.vector_store %arg13[%swap3A_659, %swap3A_660], %mul3A_658 {strides = array<i32>} : memref<96x128xf32, #tpu.memory_space<vmem>>, vector<16xf32>,
        %get3A_662 = arith.index_cast %add3A_616 : i32 to index
        %get3A_663 = arith.constant 96 : index
        %get3A_664 = tpu.vector_load %arg13[%get3A_662, %get3A_663] {strides = array<i32>} : memref<96x128xf32, #tpu.memory_space<vmem>>, vector<16xf32>,
        %mul3A_665 = arith.mulf %get3A_664, %broadcast_in_dim3A_619 : vector<16xf32>
        %swap3A_666 = arith.index_cast %add3A_616 : i32 to index
        %swap3A_667 = arith.constant 96 : index
        %swap3A_668 = tpu.vector_load %arg13[%swap3A_666, %swap3A_667] {strides = array<i32>} : memref<96x128xf32, #tpu.memory_space<vmem>>, vector<16xf32>,
        tpu.vector_store %arg13[%swap3A_666, %swap3A_667], %mul3A_665 {strides = array<i32>} : memref<96x128xf32, #tpu.memory_space<vmem>>, vector<16xf32>,
        %get3A_669 = arith.index_cast %add3A_616 : i32 to index
        %get3A_670 = arith.constant 112 : index
        %get3A_671 = tpu.vector_load %arg13[%get3A_669, %get3A_670] {strides = array<i32>} : memref<96x128xf32, #tpu.memory_space<vmem>>, vector<16xf32>,
        %mul3A_672 = arith.mulf %get3A_671, %broadcast_in_dim3A_619 : vector<16xf32>
        %swap3A_673 = arith.index_cast %add3A_616 : i32 to index
        %swap3A_674 = arith.constant 112 : index
        %swap3A_675 = tpu.vector_load %arg13[%swap3A_673, %swap3A_674] {strides = array<i32>} : memref<96x128xf32, #tpu.memory_space<vmem>>, vector<16xf32>,
        tpu.vector_store %arg13[%swap3A_673, %swap3A_674], %mul3A_672 {strides = array<i32>} : memref<96x128xf32, #tpu.memory_space<vmem>>, vector<16xf32>,
        %mul3A_676 = arith.constant 16 : i32
        %mul3A_677 = arith.muli %add3A_156, %mul3A_676 : i32
        %add3A_678 = arith.constant 8 : i32
        %add3A_679 = arith.addi %mul3A_677, %add3A_678 : i32
        %slice3A_680 = vector.extract_strided_slice %exp3A {offsets = [8], sizes = [1], strides = [1]} : vector<16xf32> to vector<1xf32>
        %squeeze3A_681 = vector.extract %slice3A_680[0] : f32 from vector<1xf32>
        %broadcast_in_dim3A_682 = vector.broadcast %squeeze3A_681 : f32 to vector<16xf32>
        %get3A_683 = arith.index_cast %add3A_679 : i32 to index
        %get3A_684 = arith.constant 0 : index
        %get3A_685 = tpu.vector_load %arg13[%get3A_683, %get3A_684] {strides = array<i32>} : memref<96x128xf32, #tpu.memory_space<vmem>>, vector<16xf32>,
        %mul3A_686 = arith.mulf %get3A_685, %broadcast_in_dim3A_682 : vector<16xf32>
        %swap3A_687 = arith.index_cast %add3A_679 : i32 to index
        %swap3A_688 = arith.constant 0 : index
        %swap3A_689 = tpu.vector_load %arg13[%swap3A_687, %swap3A_688] {strides = array<i32>} : memref<96x128xf32, #tpu.memory_space<vmem>>, vector<16xf32>,
        tpu.vector_store %arg13[%swap3A_687, %swap3A_688], %mul3A_686 {strides = array<i32>} : memref<96x128xf32, #tpu.memory_space<vmem>>, vector<16xf32>,
        %get3A_690 = arith.index_cast %add3A_679 : i32 to index
        %get3A_691 = arith.constant 16 : index
        %get3A_692 = tpu.vector_load %arg13[%get3A_690, %get3A_691] {strides = array<i32>} : memref<96x128xf32, #tpu.memory_space<vmem>>, vector<16xf32>,
        %mul3A_693 = arith.mulf %get3A_692, %broadcast_in_dim3A_682 : vector<16xf32>
        %swap3A_694 = arith.index_cast %add3A_679 : i32 to index
        %swap3A_695 = arith.constant 16 : index
        %swap3A_696 = tpu.vector_load %arg13[%swap3A_694, %swap3A_695] {strides = array<i32>} : memref<96x128xf32, #tpu.memory_space<vmem>>, vector<16xf32>,
        tpu.vector_store %arg13[%swap3A_694, %swap3A_695], %mul3A_693 {strides = array<i32>} : memref<96x128xf32, #tpu.memory_space<vmem>>, vector<16xf32>,
        %get3A_697 = arith.index_cast %add3A_679 : i32 to index
        %get3A_698 = arith.constant 32 : index
        %get3A_699 = tpu.vector_load %arg13[%get3A_697, %get3A_698] {strides = array<i32>} : memref<96x128xf32, #tpu.memory_space<vmem>>, vector<16xf32>,
        %mul3A_700 = arith.mulf %get3A_699, %broadcast_in_dim3A_682 : vector<16xf32>
        %swap3A_701 = arith.index_cast %add3A_679 : i32 to index
        %swap3A_702 = arith.constant 32 : index
        %swap3A_703 = tpu.vector_load %arg13[%swap3A_701, %swap3A_702] {strides = array<i32>} : memref<96x128xf32, #tpu.memory_space<vmem>>, vector<16xf32>,
        tpu.vector_store %arg13[%swap3A_701, %swap3A_702], %mul3A_700 {strides = array<i32>} : memref<96x128xf32, #tpu.memory_space<vmem>>, vector<16xf32>,
        %get3A_704 = arith.index_cast %add3A_679 : i32 to index
        %get3A_705 = arith.constant 48 : index
        %get3A_706 = tpu.vector_load %arg13[%get3A_704, %get3A_705] {strides = array<i32>} : memref<96x128xf32, #tpu.memory_space<vmem>>, vector<16xf32>,
        %mul3A_707 = arith.mulf %get3A_706, %broadcast_in_dim3A_682 : vector<16xf32>
        %swap3A_708 = arith.index_cast %add3A_679 : i32 to index
        %swap3A_709 = arith.constant 48 : index
        %swap3A_710 = tpu.vector_load %arg13[%swap3A_708, %swap3A_709] {strides = array<i32>} : memref<96x128xf32, #tpu.memory_space<vmem>>, vector<16xf32>,
        tpu.vector_store %arg13[%swap3A_708, %swap3A_709], %mul3A_707 {strides = array<i32>} : memref<96x128xf32, #tpu.memory_space<vmem>>, vector<16xf32>,
        %get3A_711 = arith.index_cast %add3A_679 : i32 to index
        %get3A_712 = arith.constant 64 : index
        %get3A_713 = tpu.vector_load %arg13[%get3A_711, %get3A_712] {strides = array<i32>} : memref<96x128xf32, #tpu.memory_space<vmem>>, vector<16xf32>,
        %mul3A_714 = arith.mulf %get3A_713, %broadcast_in_dim3A_682 : vector<16xf32>
        %swap3A_715 = arith.index_cast %add3A_679 : i32 to index
        %swap3A_716 = arith.constant 64 : index
        %swap3A_717 = tpu.vector_load %arg13[%swap3A_715, %swap3A_716] {strides = array<i32>} : memref<96x128xf32, #tpu.memory_space<vmem>>, vector<16xf32>,
        tpu.vector_store %arg13[%swap3A_715, %swap3A_716], %mul3A_714 {strides = array<i32>} : memref<96x128xf32, #tpu.memory_space<vmem>>, vector<16xf32>,
        %get3A_718 = arith.index_cast %add3A_679 : i32 to index
        %get3A_719 = arith.constant 80 : index
        %get3A_720 = tpu.vector_load %arg13[%get3A_718, %get3A_719] {strides = array<i32>} : memref<96x128xf32, #tpu.memory_space<vmem>>, vector<16xf32>,
        %mul3A_721 = arith.mulf %get3A_720, %broadcast_in_dim3A_682 : vector<16xf32>
        %swap3A_722 = arith.index_cast %add3A_679 : i32 to index
        %swap3A_723 = arith.constant 80 : index
        %swap3A_724 = tpu.vector_load %arg13[%swap3A_722, %swap3A_723] {strides = array<i32>} : memref<96x128xf32, #tpu.memory_space<vmem>>, vector<16xf32>,
        tpu.vector_store %arg13[%swap3A_722, %swap3A_723], %mul3A_721 {strides = array<i32>} : memref<96x128xf32, #tpu.memory_space<vmem>>, vector<16xf32>,
        %get3A_725 = arith.index_cast %add3A_679 : i32 to index
        %get3A_726 = arith.constant 96 : index
        %get3A_727 = tpu.vector_load %arg13[%get3A_725, %get3A_726] {strides = array<i32>} : memref<96x128xf32, #tpu.memory_space<vmem>>, vector<16xf32>,
        %mul3A_728 = arith.mulf %get3A_727, %broadcast_in_dim3A_682 : vector<16xf32>
        %swap3A_729 = arith.index_cast %add3A_679 : i32 to index
        %swap3A_730 = arith.constant 96 : index
        %swap3A_731 = tpu.vector_load %arg13[%swap3A_729, %swap3A_730] {strides = array<i32>} : memref<96x128xf32, #tpu.memory_space<vmem>>, vector<16xf32>,
        tpu.vector_store %arg13[%swap3A_729, %swap3A_730], %mul3A_728 {strides = array<i32>} : memref<96x128xf32, #tpu.memory_space<vmem>>, vector<16xf32>,
        %get3A_732 = arith.index_cast %add3A_679 : i32 to index
        %get3A_733 = arith.constant 112 : index
        %get3A_734 = tpu.vector_load %arg13[%get3A_732, %get3A_733] {strides = array<i32>} : memref<96x128xf32, #tpu.memory_space<vmem>>, vector<16xf32>,
        %mul3A_735 = arith.mulf %get3A_734, %broadcast_in_dim3A_682 : vector<16xf32>
        %swap3A_736 = arith.index_cast %add3A_679 : i32 to index
        %swap3A_737 = arith.constant 112 : index
        %swap3A_738 = tpu.vector_load %arg13[%swap3A_736, %swap3A_737] {strides = array<i32>} : memref<96x128xf32, #tpu.memory_space<vmem>>, vector<16xf32>,
        tpu.vector_store %arg13[%swap3A_736, %swap3A_737], %mul3A_735 {strides = array<i32>} : memref<96x128xf32, #tpu.memory_space<vmem>>, vector<16xf32>,
        %mul3A_739 = arith.constant 16 : i32
        %mul3A_740 = arith.muli %add3A_156, %mul3A_739 : i32
        %add3A_741 = arith.constant 9 : i32
        %add3A_742 = arith.addi %mul3A_740, %add3A_741 : i32
        %slice3A_743 = vector.extract_strided_slice %exp3A {offsets = [9], sizes = [1], strides = [1]} : vector<16xf32> to vector<1xf32>
        %squeeze3A_744 = vector.extract %slice3A_743[0] : f32 from vector<1xf32>
        %broadcast_in_dim3A_745 = vector.broadcast %squeeze3A_744 : f32 to vector<16xf32>
        %get3A_746 = arith.index_cast %add3A_742 : i32 to index
        %get3A_747 = arith.constant 0 : index
        %get3A_748 = tpu.vector_load %arg13[%get3A_746, %get3A_747] {strides = array<i32>} : memref<96x128xf32, #tpu.memory_space<vmem>>, vector<16xf32>,
        %mul3A_749 = arith.mulf %get3A_748, %broadcast_in_dim3A_745 : vector<16xf32>
        %swap3A_750 = arith.index_cast %add3A_742 : i32 to index
        %swap3A_751 = arith.constant 0 : index
        %swap3A_752 = tpu.vector_load %arg13[%swap3A_750, %swap3A_751] {strides = array<i32>} : memref<96x128xf32, #tpu.memory_space<vmem>>, vector<16xf32>,
        tpu.vector_store %arg13[%swap3A_750, %swap3A_751], %mul3A_749 {strides = array<i32>} : memref<96x128xf32, #tpu.memory_space<vmem>>, vector<16xf32>,
        %get3A_753 = arith.index_cast %add3A_742 : i32 to index
        %get3A_754 = arith.constant 16 : index
        %get3A_755 = tpu.vector_load %arg13[%get3A_753, %get3A_754] {strides = array<i32>} : memref<96x128xf32, #tpu.memory_space<vmem>>, vector<16xf32>,
        %mul3A_756 = arith.mulf %get3A_755, %broadcast_in_dim3A_745 : vector<16xf32>
        %swap3A_757 = arith.index_cast %add3A_742 : i32 to index
        %swap3A_758 = arith.constant 16 : index
        %swap3A_759 = tpu.vector_load %arg13[%swap3A_757, %swap3A_758] {strides = array<i32>} : memref<96x128xf32, #tpu.memory_space<vmem>>, vector<16xf32>,
        tpu.vector_store %arg13[%swap3A_757, %swap3A_758], %mul3A_756 {strides = array<i32>} : memref<96x128xf32, #tpu.memory_space<vmem>>, vector<16xf32>,
        %get3A_760 = arith.index_cast %add3A_742 : i32 to index
        %get3A_761 = arith.constant 32 : index
        %get3A_762 = tpu.vector_load %arg13[%get3A_760, %get3A_761] {strides = array<i32>} : memref<96x128xf32, #tpu.memory_space<vmem>>, vector<16xf32>,
        %mul3A_763 = arith.mulf %get3A_762, %broadcast_in_dim3A_745 : vector<16xf32>
        %swap3A_764 = arith.index_cast %add3A_742 : i32 to index
        %swap3A_765 = arith.constant 32 : index
        %swap3A_766 = tpu.vector_load %arg13[%swap3A_764, %swap3A_765] {strides = array<i32>} : memref<96x128xf32, #tpu.memory_space<vmem>>, vector<16xf32>,
        tpu.vector_store %arg13[%swap3A_764, %swap3A_765], %mul3A_763 {strides = array<i32>} : memref<96x128xf32, #tpu.memory_space<vmem>>, vector<16xf32>,
        %get3A_767 = arith.index_cast %add3A_742 : i32 to index
        %get3A_768 = arith.constant 48 : index
        %get3A_769 = tpu.vector_load %arg13[%get3A_767, %get3A_768] {strides = array<i32>} : memref<96x128xf32, #tpu.memory_space<vmem>>, vector<16xf32>,
        %mul3A_770 = arith.mulf %get3A_769, %broadcast_in_dim3A_745 : vector<16xf32>
        %swap3A_771 = arith.index_cast %add3A_742 : i32 to index
        %swap3A_772 = arith.constant 48 : index
        %swap3A_773 = tpu.vector_load %arg13[%swap3A_771, %swap3A_772] {strides = array<i32>} : memref<96x128xf32, #tpu.memory_space<vmem>>, vector<16xf32>,
        tpu.vector_store %arg13[%swap3A_771, %swap3A_772], %mul3A_770 {strides = array<i32>} : memref<96x128xf32, #tpu.memory_space<vmem>>, vector<16xf32>,
        %get3A_774 = arith.index_cast %add3A_742 : i32 to index
        %get3A_775 = arith.constant 64 : index
        %get3A_776 = tpu.vector_load %arg13[%get3A_774, %get3A_775] {strides = array<i32>} : memref<96x128xf32, #tpu.memory_space<vmem>>, vector<16xf32>,
        %mul3A_777 = arith.mulf %get3A_776, %broadcast_in_dim3A_745 : vector<16xf32>
        %swap3A_778 = arith.index_cast %add3A_742 : i32 to index
        %swap3A_779 = arith.constant 64 : index
        %swap3A_780 = tpu.vector_load %arg13[%swap3A_778, %swap3A_779] {strides = array<i32>} : memref<96x128xf32, #tpu.memory_space<vmem>>, vector<16xf32>,
        tpu.vector_store %arg13[%swap3A_778, %swap3A_779], %mul3A_777 {strides = array<i32>} : memref<96x128xf32, #tpu.memory_space<vmem>>, vector<16xf32>,
        %get3A_781 = arith.index_cast %add3A_742 : i32 to index
        %get3A_782 = arith.constant 80 : index
        %get3A_783 = tpu.vector_load %arg13[%get3A_781, %get3A_782] {strides = array<i32>} : memref<96x128xf32, #tpu.memory_space<vmem>>, vector<16xf32>,
        %mul3A_784 = arith.mulf %get3A_783, %broadcast_in_dim3A_745 : vector<16xf32>
        %swap3A_785 = arith.index_cast %add3A_742 : i32 to index
        %swap3A_786 = arith.constant 80 : index
        %swap3A_787 = tpu.vector_load %arg13[%swap3A_785, %swap3A_786] {strides = array<i32>} : memref<96x128xf32, #tpu.memory_space<vmem>>, vector<16xf32>,
        tpu.vector_store %arg13[%swap3A_785, %swap3A_786], %mul3A_784 {strides = array<i32>} : memref<96x128xf32, #tpu.memory_space<vmem>>, vector<16xf32>,
        %get3A_788 = arith.index_cast %add3A_742 : i32 to index
        %get3A_789 = arith.constant 96 : index
        %get3A_790 = tpu.vector_load %arg13[%get3A_788, %get3A_789] {strides = array<i32>} : memref<96x128xf32, #tpu.memory_space<vmem>>, vector<16xf32>,
        %mul3A_791 = arith.mulf %get3A_790, %broadcast_in_dim3A_745 : vector<16xf32>
        %swap3A_792 = arith.index_cast %add3A_742 : i32 to index
        %swap3A_793 = arith.constant 96 : index
        %swap3A_794 = tpu.vector_load %arg13[%swap3A_792, %swap3A_793] {strides = array<i32>} : memref<96x128xf32, #tpu.memory_space<vmem>>, vector<16xf32>,
        tpu.vector_store %arg13[%swap3A_792, %swap3A_793], %mul3A_791 {strides = array<i32>} : memref<96x128xf32, #tpu.memory_space<vmem>>, vector<16xf32>,
        %get3A_795 = arith.index_cast %add3A_742 : i32 to index
        %get3A_796 = arith.constant 112 : index
        %get3A_797 = tpu.vector_load %arg13[%get3A_795, %get3A_796] {strides = array<i32>} : memref<96x128xf32, #tpu.memory_space<vmem>>, vector<16xf32>,
        %mul3A_798 = arith.mulf %get3A_797, %broadcast_in_dim3A_745 : vector<16xf32>
        %swap3A_799 = arith.index_cast %add3A_742 : i32 to index
        %swap3A_800 = arith.constant 112 : index
        %swap3A_801 = tpu.vector_load %arg13[%swap3A_799, %swap3A_800] {strides = array<i32>} : memref<96x128xf32, #tpu.memory_space<vmem>>, vector<16xf32>,
        tpu.vector_store %arg13[%swap3A_799, %swap3A_800], %mul3A_798 {strides = array<i32>} : memref<96x128xf32, #tpu.memory_space<vmem>>, vector<16xf32>,
        %mul3A_802 = arith.constant 16 : i32
        %mul3A_803 = arith.muli %add3A_156, %mul3A_802 : i32
        %add3A_804 = arith.constant 10 : i32
        %add3A_805 = arith.addi %mul3A_803, %add3A_804 : i32
        %slice3A_806 = vector.extract_strided_slice %exp3A {offsets = [10], sizes = [1], strides = [1]} : vector<16xf32> to vector<1xf32>
        %squeeze3A_807 = vector.extract %slice3A_806[0] : f32 from vector<1xf32>
        %broadcast_in_dim3A_808 = vector.broadcast %squeeze3A_807 : f32 to vector<16xf32>
        %get3A_809 = arith.index_cast %add3A_805 : i32 to index
        %get3A_810 = arith.constant 0 : index
        %get3A_811 = tpu.vector_load %arg13[%get3A_809, %get3A_810] {strides = array<i32>} : memref<96x128xf32, #tpu.memory_space<vmem>>, vector<16xf32>,
        %mul3A_812 = arith.mulf %get3A_811, %broadcast_in_dim3A_808 : vector<16xf32>
        %swap3A_813 = arith.index_cast %add3A_805 : i32 to index
        %swap3A_814 = arith.constant 0 : index
        %swap3A_815 = tpu.vector_load %arg13[%swap3A_813, %swap3A_814] {strides = array<i32>} : memref<96x128xf32, #tpu.memory_space<vmem>>, vector<16xf32>,
        tpu.vector_store %arg13[%swap3A_813, %swap3A_814], %mul3A_812 {strides = array<i32>} : memref<96x128xf32, #tpu.memory_space<vmem>>, vector<16xf32>,
        %get3A_816 = arith.index_cast %add3A_805 : i32 to index
        %get3A_817 = arith.constant 16 : index
        %get3A_818 = tpu.vector_load %arg13[%get3A_816, %get3A_817] {strides = array<i32>} : memref<96x128xf32, #tpu.memory_space<vmem>>, vector<16xf32>,
        %mul3A_819 = arith.mulf %get3A_818, %broadcast_in_dim3A_808 : vector<16xf32>
        %swap3A_820 = arith.index_cast %add3A_805 : i32 to index
        %swap3A_821 = arith.constant 16 : index
        %swap3A_822 = tpu.vector_load %arg13[%swap3A_820, %swap3A_821] {strides = array<i32>} : memref<96x128xf32, #tpu.memory_space<vmem>>, vector<16xf32>,
        tpu.vector_store %arg13[%swap3A_820, %swap3A_821], %mul3A_819 {strides = array<i32>} : memref<96x128xf32, #tpu.memory_space<vmem>>, vector<16xf32>,
        %get3A_823 = arith.index_cast %add3A_805 : i32 to index
        %get3A_824 = arith.constant 32 : index
        %get3A_825 = tpu.vector_load %arg13[%get3A_823, %get3A_824] {strides = array<i32>} : memref<96x128xf32, #tpu.memory_space<vmem>>, vector<16xf32>,
        %mul3A_826 = arith.mulf %get3A_825, %broadcast_in_dim3A_808 : vector<16xf32>
        %swap3A_827 = arith.index_cast %add3A_805 : i32 to index
        %swap3A_828 = arith.constant 32 : index
        %swap3A_829 = tpu.vector_load %arg13[%swap3A_827, %swap3A_828] {strides = array<i32>} : memref<96x128xf32, #tpu.memory_space<vmem>>, vector<16xf32>,
        tpu.vector_store %arg13[%swap3A_827, %swap3A_828], %mul3A_826 {strides = array<i32>} : memref<96x128xf32, #tpu.memory_space<vmem>>, vector<16xf32>,
        %get3A_830 = arith.index_cast %add3A_805 : i32 to index
        %get3A_831 = arith.constant 48 : index
        %get3A_832 = tpu.vector_load %arg13[%get3A_830, %get3A_831] {strides = array<i32>} : memref<96x128xf32, #tpu.memory_space<vmem>>, vector<16xf32>,
        %mul3A_833 = arith.mulf %get3A_832, %broadcast_in_dim3A_808 : vector<16xf32>
        %swap3A_834 = arith.index_cast %add3A_805 : i32 to index
        %swap3A_835 = arith.constant 48 : index
        %swap3A_836 = tpu.vector_load %arg13[%swap3A_834, %swap3A_835] {strides = array<i32>} : memref<96x128xf32, #tpu.memory_space<vmem>>, vector<16xf32>,
        tpu.vector_store %arg13[%swap3A_834, %swap3A_835], %mul3A_833 {strides = array<i32>} : memref<96x128xf32, #tpu.memory_space<vmem>>, vector<16xf32>,
        %get3A_837 = arith.index_cast %add3A_805 : i32 to index
        %get3A_838 = arith.constant 64 : index
        %get3A_839 = tpu.vector_load %arg13[%get3A_837, %get3A_838] {strides = array<i32>} : memref<96x128xf32, #tpu.memory_space<vmem>>, vector<16xf32>,
        %mul3A_840 = arith.mulf %get3A_839, %broadcast_in_dim3A_808 : vector<16xf32>
        %swap3A_841 = arith.index_cast %add3A_805 : i32 to index
        %swap3A_842 = arith.constant 64 : index
        %swap3A_843 = tpu.vector_load %arg13[%swap3A_841, %swap3A_842] {strides = array<i32>} : memref<96x128xf32, #tpu.memory_space<vmem>>, vector<16xf32>,
        tpu.vector_store %arg13[%swap3A_841, %swap3A_842], %mul3A_840 {strides = array<i32>} : memref<96x128xf32, #tpu.memory_space<vmem>>, vector<16xf32>,
        %get3A_844 = arith.index_cast %add3A_805 : i32 to index
        %get3A_845 = arith.constant 80 : index
        %get3A_846 = tpu.vector_load %arg13[%get3A_844, %get3A_845] {strides = array<i32>} : memref<96x128xf32, #tpu.memory_space<vmem>>, vector<16xf32>,
        %mul3A_847 = arith.mulf %get3A_846, %broadcast_in_dim3A_808 : vector<16xf32>
        %swap3A_848 = arith.index_cast %add3A_805 : i32 to index
        %swap3A_849 = arith.constant 80 : index
        %swap3A_850 = tpu.vector_load %arg13[%swap3A_848, %swap3A_849] {strides = array<i32>} : memref<96x128xf32, #tpu.memory_space<vmem>>, vector<16xf32>,
        tpu.vector_store %arg13[%swap3A_848, %swap3A_849], %mul3A_847 {strides = array<i32>} : memref<96x128xf32, #tpu.memory_space<vmem>>, vector<16xf32>,
        %get3A_851 = arith.index_cast %add3A_805 : i32 to index
        %get3A_852 = arith.constant 96 : index
        %get3A_853 = tpu.vector_load %arg13[%get3A_851, %get3A_852] {strides = array<i32>} : memref<96x128xf32, #tpu.memory_space<vmem>>, vector<16xf32>,
        %mul3A_854 = arith.mulf %get3A_853, %broadcast_in_dim3A_808 : vector<16xf32>
        %swap3A_855 = arith.index_cast %add3A_805 : i32 to index
        %swap3A_856 = arith.constant 96 : index
        %swap3A_857 = tpu.vector_load %arg13[%swap3A_855, %swap3A_856] {strides = array<i32>} : memref<96x128xf32, #tpu.memory_space<vmem>>, vector<16xf32>,
        tpu.vector_store %arg13[%swap3A_855, %swap3A_856], %mul3A_854 {strides = array<i32>} : memref<96x128xf32, #tpu.memory_space<vmem>>, vector<16xf32>,
        %get3A_858 = arith.index_cast %add3A_805 : i32 to index
        %get3A_859 = arith.constant 112 : index
        %get3A_860 = tpu.vector_load %arg13[%get3A_858, %get3A_859] {strides = array<i32>} : memref<96x128xf32, #tpu.memory_space<vmem>>, vector<16xf32>,
        %mul3A_861 = arith.mulf %get3A_860, %broadcast_in_dim3A_808 : vector<16xf32>
        %swap3A_862 = arith.index_cast %add3A_805 : i32 to index
        %swap3A_863 = arith.constant 112 : index
        %swap3A_864 = tpu.vector_load %arg13[%swap3A_862, %swap3A_863] {strides = array<i32>} : memref<96x128xf32, #tpu.memory_space<vmem>>, vector<16xf32>,
        tpu.vector_store %arg13[%swap3A_862, %swap3A_863], %mul3A_861 {strides = array<i32>} : memref<96x128xf32, #tpu.memory_space<vmem>>, vector<16xf32>,
        %mul3A_865 = arith.constant 16 : i32
        %mul3A_866 = arith.muli %add3A_156, %mul3A_865 : i32
        %add3A_867 = arith.constant 11 : i32
        %add3A_868 = arith.addi %mul3A_866, %add3A_867 : i32
        %slice3A_869 = vector.extract_strided_slice %exp3A {offsets = [11], sizes = [1], strides = [1]} : vector<16xf32> to vector<1xf32>
        %squeeze3A_870 = vector.extract %slice3A_869[0] : f32 from vector<1xf32>
        %broadcast_in_dim3A_871 = vector.broadcast %squeeze3A_870 : f32 to vector<16xf32>
        %get3A_872 = arith.index_cast %add3A_868 : i32 to index
        %get3A_873 = arith.constant 0 : index
        %get3A_874 = tpu.vector_load %arg13[%get3A_872, %get3A_873] {strides = array<i32>} : memref<96x128xf32, #tpu.memory_space<vmem>>, vector<16xf32>,
        %mul3A_875 = arith.mulf %get3A_874, %broadcast_in_dim3A_871 : vector<16xf32>
        %swap3A_876 = arith.index_cast %add3A_868 : i32 to index
        %swap3A_877 = arith.constant 0 : index
        %swap3A_878 = tpu.vector_load %arg13[%swap3A_876, %swap3A_877] {strides = array<i32>} : memref<96x128xf32, #tpu.memory_space<vmem>>, vector<16xf32>,
        tpu.vector_store %arg13[%swap3A_876, %swap3A_877], %mul3A_875 {strides = array<i32>} : memref<96x128xf32, #tpu.memory_space<vmem>>, vector<16xf32>,
        %get3A_879 = arith.index_cast %add3A_868 : i32 to index
        %get3A_880 = arith.constant 16 : index
        %get3A_881 = tpu.vector_load %arg13[%get3A_879, %get3A_880] {strides = array<i32>} : memref<96x128xf32, #tpu.memory_space<vmem>>, vector<16xf32>,
        %mul3A_882 = arith.mulf %get3A_881, %broadcast_in_dim3A_871 : vector<16xf32>
        %swap3A_883 = arith.index_cast %add3A_868 : i32 to index
        %swap3A_884 = arith.constant 16 : index
        %swap3A_885 = tpu.vector_load %arg13[%swap3A_883, %swap3A_884] {strides = array<i32>} : memref<96x128xf32, #tpu.memory_space<vmem>>, vector<16xf32>,
        tpu.vector_store %arg13[%swap3A_883, %swap3A_884], %mul3A_882 {strides = array<i32>} : memref<96x128xf32, #tpu.memory_space<vmem>>, vector<16xf32>,
        %get3A_886 = arith.index_cast %add3A_868 : i32 to index
        %get3A_887 = arith.constant 32 : index
        %get3A_888 = tpu.vector_load %arg13[%get3A_886, %get3A_887] {strides = array<i32>} : memref<96x128xf32, #tpu.memory_space<vmem>>, vector<16xf32>,
        %mul3A_889 = arith.mulf %get3A_888, %broadcast_in_dim3A_871 : vector<16xf32>
        %swap3A_890 = arith.index_cast %add3A_868 : i32 to index
        %swap3A_891 = arith.constant 32 : index
        %swap3A_892 = tpu.vector_load %arg13[%swap3A_890, %swap3A_891] {strides = array<i32>} : memref<96x128xf32, #tpu.memory_space<vmem>>, vector<16xf32>,
        tpu.vector_store %arg13[%swap3A_890, %swap3A_891], %mul3A_889 {strides = array<i32>} : memref<96x128xf32, #tpu.memory_space<vmem>>, vector<16xf32>,
        %get3A_893 = arith.index_cast %add3A_868 : i32 to index
        %get3A_894 = arith.constant 48 : index
        %get3A_895 = tpu.vector_load %arg13[%get3A_893, %get3A_894] {strides = array<i32>} : memref<96x128xf32, #tpu.memory_space<vmem>>, vector<16xf32>,
        %mul3A_896 = arith.mulf %get3A_895, %broadcast_in_dim3A_871 : vector<16xf32>
        %swap3A_897 = arith.index_cast %add3A_868 : i32 to index
        %swap3A_898 = arith.constant 48 : index
        %swap3A_899 = tpu.vector_load %arg13[%swap3A_897, %swap3A_898] {strides = array<i32>} : memref<96x128xf32, #tpu.memory_space<vmem>>, vector<16xf32>,
        tpu.vector_store %arg13[%swap3A_897, %swap3A_898], %mul3A_896 {strides = array<i32>} : memref<96x128xf32, #tpu.memory_space<vmem>>, vector<16xf32>,
        %get3A_900 = arith.index_cast %add3A_868 : i32 to index
        %get3A_901 = arith.constant 64 : index
        %get3A_902 = tpu.vector_load %arg13[%get3A_900, %get3A_901] {strides = array<i32>} : memref<96x128xf32, #tpu.memory_space<vmem>>, vector<16xf32>,
        %mul3A_903 = arith.mulf %get3A_902, %broadcast_in_dim3A_871 : vector<16xf32>
        %swap3A_904 = arith.index_cast %add3A_868 : i32 to index
        %swap3A_905 = arith.constant 64 : index
        %swap3A_906 = tpu.vector_load %arg13[%swap3A_904, %swap3A_905] {strides = array<i32>} : memref<96x128xf32, #tpu.memory_space<vmem>>, vector<16xf32>,
        tpu.vector_store %arg13[%swap3A_904, %swap3A_905], %mul3A_903 {strides = array<i32>} : memref<96x128xf32, #tpu.memory_space<vmem>>, vector<16xf32>,
        %get3A_907 = arith.index_cast %add3A_868 : i32 to index
        %get3A_908 = arith.constant 80 : index
        %get3A_909 = tpu.vector_load %arg13[%get3A_907, %get3A_908] {strides = array<i32>} : memref<96x128xf32, #tpu.memory_space<vmem>>, vector<16xf32>,
        %mul3A_910 = arith.mulf %get3A_909, %broadcast_in_dim3A_871 : vector<16xf32>
        %swap3A_911 = arith.index_cast %add3A_868 : i32 to index
        %swap3A_912 = arith.constant 80 : index
        %swap3A_913 = tpu.vector_load %arg13[%swap3A_911, %swap3A_912] {strides = array<i32>} : memref<96x128xf32, #tpu.memory_space<vmem>>, vector<16xf32>,
        tpu.vector_store %arg13[%swap3A_911, %swap3A_912], %mul3A_910 {strides = array<i32>} : memref<96x128xf32, #tpu.memory_space<vmem>>, vector<16xf32>,
        %get3A_914 = arith.index_cast %add3A_868 : i32 to index
        %get3A_915 = arith.constant 96 : index
        %get3A_916 = tpu.vector_load %arg13[%get3A_914, %get3A_915] {strides = array<i32>} : memref<96x128xf32, #tpu.memory_space<vmem>>, vector<16xf32>,
        %mul3A_917 = arith.mulf %get3A_916, %broadcast_in_dim3A_871 : vector<16xf32>
        %swap3A_918 = arith.index_cast %add3A_868 : i32 to index
        %swap3A_919 = arith.constant 96 : index
        %swap3A_920 = tpu.vector_load %arg13[%swap3A_918, %swap3A_919] {strides = array<i32>} : memref<96x128xf32, #tpu.memory_space<vmem>>, vector<16xf32>,
        tpu.vector_store %arg13[%swap3A_918, %swap3A_919], %mul3A_917 {strides = array<i32>} : memref<96x128xf32, #tpu.memory_space<vmem>>, vector<16xf32>,
        %get3A_921 = arith.index_cast %add3A_868 : i32 to index
        %get3A_922 = arith.constant 112 : index
        %get3A_923 = tpu.vector_load %arg13[%get3A_921, %get3A_922] {strides = array<i32>} : memref<96x128xf32, #tpu.memory_space<vmem>>, vector<16xf32>,
        %mul3A_924 = arith.mulf %get3A_923, %broadcast_in_dim3A_871 : vector<16xf32>
        %swap3A_925 = arith.index_cast %add3A_868 : i32 to index
        %swap3A_926 = arith.constant 112 : index
        %swap3A_927 = tpu.vector_load %arg13[%swap3A_925, %swap3A_926] {strides = array<i32>} : memref<96x128xf32, #tpu.memory_space<vmem>>, vector<16xf32>,
        tpu.vector_store %arg13[%swap3A_925, %swap3A_926], %mul3A_924 {strides = array<i32>} : memref<96x128xf32, #tpu.memory_space<vmem>>, vector<16xf32>,
        %mul3A_928 = arith.constant 16 : i32
        %mul3A_929 = arith.muli %add3A_156, %mul3A_928 : i32
        %add3A_930 = arith.constant 12 : i32
        %add3A_931 = arith.addi %mul3A_929, %add3A_930 : i32
        %slice3A_932 = vector.extract_strided_slice %exp3A {offsets = [12], sizes = [1], strides = [1]} : vector<16xf32> to vector<1xf32>
        %squeeze3A_933 = vector.extract %slice3A_932[0] : f32 from vector<1xf32>
        %broadcast_in_dim3A_934 = vector.broadcast %squeeze3A_933 : f32 to vector<16xf32>
        %get3A_935 = arith.index_cast %add3A_931 : i32 to index
        %get3A_936 = arith.constant 0 : index
        %get3A_937 = tpu.vector_load %arg13[%get3A_935, %get3A_936] {strides = array<i32>} : memref<96x128xf32, #tpu.memory_space<vmem>>, vector<16xf32>,
        %mul3A_938 = arith.mulf %get3A_937, %broadcast_in_dim3A_934 : vector<16xf32>
        %swap3A_939 = arith.index_cast %add3A_931 : i32 to index
        %swap3A_940 = arith.constant 0 : index
        %swap3A_941 = tpu.vector_load %arg13[%swap3A_939, %swap3A_940] {strides = array<i32>} : memref<96x128xf32, #tpu.memory_space<vmem>>, vector<16xf32>,
        tpu.vector_store %arg13[%swap3A_939, %swap3A_940], %mul3A_938 {strides = array<i32>} : memref<96x128xf32, #tpu.memory_space<vmem>>, vector<16xf32>,
        %get3A_942 = arith.index_cast %add3A_931 : i32 to index
        %get3A_943 = arith.constant 16 : index
        %get3A_944 = tpu.vector_load %arg13[%get3A_942, %get3A_943] {strides = array<i32>} : memref<96x128xf32, #tpu.memory_space<vmem>>, vector<16xf32>,
        %mul3A_945 = arith.mulf %get3A_944, %broadcast_in_dim3A_934 : vector<16xf32>
        %swap3A_946 = arith.index_cast %add3A_931 : i32 to index
        %swap3A_947 = arith.constant 16 : index
        %swap3A_948 = tpu.vector_load %arg13[%swap3A_946, %swap3A_947] {strides = array<i32>} : memref<96x128xf32, #tpu.memory_space<vmem>>, vector<16xf32>,
        tpu.vector_store %arg13[%swap3A_946, %swap3A_947], %mul3A_945 {strides = array<i32>} : memref<96x128xf32, #tpu.memory_space<vmem>>, vector<16xf32>,
        %get3A_949 = arith.index_cast %add3A_931 : i32 to index
        %get3A_950 = arith.constant 32 : index
        %get3A_951 = tpu.vector_load %arg13[%get3A_949, %get3A_950] {strides = array<i32>} : memref<96x128xf32, #tpu.memory_space<vmem>>, vector<16xf32>,
        %mul3A_952 = arith.mulf %get3A_951, %broadcast_in_dim3A_934 : vector<16xf32>
        %swap3A_953 = arith.index_cast %add3A_931 : i32 to index
        %swap3A_954 = arith.constant 32 : index
        %swap3A_955 = tpu.vector_load %arg13[%swap3A_953, %swap3A_954] {strides = array<i32>} : memref<96x128xf32, #tpu.memory_space<vmem>>, vector<16xf32>,
        tpu.vector_store %arg13[%swap3A_953, %swap3A_954], %mul3A_952 {strides = array<i32>} : memref<96x128xf32, #tpu.memory_space<vmem>>, vector<16xf32>,
        %get3A_956 = arith.index_cast %add3A_931 : i32 to index
        %get3A_957 = arith.constant 48 : index
        %get3A_958 = tpu.vector_load %arg13[%get3A_956, %get3A_957] {strides = array<i32>} : memref<96x128xf32, #tpu.memory_space<vmem>>, vector<16xf32>,
        %mul3A_959 = arith.mulf %get3A_958, %broadcast_in_dim3A_934 : vector<16xf32>
        %swap3A_960 = arith.index_cast %add3A_931 : i32 to index
        %swap3A_961 = arith.constant 48 : index
        %swap3A_962 = tpu.vector_load %arg13[%swap3A_960, %swap3A_961] {strides = array<i32>} : memref<96x128xf32, #tpu.memory_space<vmem>>, vector<16xf32>,
        tpu.vector_store %arg13[%swap3A_960, %swap3A_961], %mul3A_959 {strides = array<i32>} : memref<96x128xf32, #tpu.memory_space<vmem>>, vector<16xf32>,
        %get3A_963 = arith.index_cast %add3A_931 : i32 to index
        %get3A_964 = arith.constant 64 : index
        %get3A_965 = tpu.vector_load %arg13[%get3A_963, %get3A_964] {strides = array<i32>} : memref<96x128xf32, #tpu.memory_space<vmem>>, vector<16xf32>,
        %mul3A_966 = arith.mulf %get3A_965, %broadcast_in_dim3A_934 : vector<16xf32>
        %swap3A_967 = arith.index_cast %add3A_931 : i32 to index
        %swap3A_968 = arith.constant 64 : index
        %swap3A_969 = tpu.vector_load %arg13[%swap3A_967, %swap3A_968] {strides = array<i32>} : memref<96x128xf32, #tpu.memory_space<vmem>>, vector<16xf32>,
        tpu.vector_store %arg13[%swap3A_967, %swap3A_968], %mul3A_966 {strides = array<i32>} : memref<96x128xf32, #tpu.memory_space<vmem>>, vector<16xf32>,
        %get3A_970 = arith.index_cast %add3A_931 : i32 to index
        %get3A_971 = arith.constant 80 : index
        %get3A_972 = tpu.vector_load %arg13[%get3A_970, %get3A_971] {strides = array<i32>} : memref<96x128xf32, #tpu.memory_space<vmem>>, vector<16xf32>,
        %mul3A_973 = arith.mulf %get3A_972, %broadcast_in_dim3A_934 : vector<16xf32>
        %swap3A_974 = arith.index_cast %add3A_931 : i32 to index
        %swap3A_975 = arith.constant 80 : index
        %swap3A_976 = tpu.vector_load %arg13[%swap3A_974, %swap3A_975] {strides = array<i32>} : memref<96x128xf32, #tpu.memory_space<vmem>>, vector<16xf32>,
        tpu.vector_store %arg13[%swap3A_974, %swap3A_975], %mul3A_973 {strides = array<i32>} : memref<96x128xf32, #tpu.memory_space<vmem>>, vector<16xf32>,
        %get3A_977 = arith.index_cast %add3A_931 : i32 to index
        %get3A_978 = arith.constant 96 : index
        %get3A_979 = tpu.vector_load %arg13[%get3A_977, %get3A_978] {strides = array<i32>} : memref<96x128xf32, #tpu.memory_space<vmem>>, vector<16xf32>,
        %mul3A_980 = arith.mulf %get3A_979, %broadcast_in_dim3A_934 : vector<16xf32>
        %swap3A_981 = arith.index_cast %add3A_931 : i32 to index
        %swap3A_982 = arith.constant 96 : index
        %swap3A_983 = tpu.vector_load %arg13[%swap3A_981, %swap3A_982] {strides = array<i32>} : memref<96x128xf32, #tpu.memory_space<vmem>>, vector<16xf32>,
        tpu.vector_store %arg13[%swap3A_981, %swap3A_982], %mul3A_980 {strides = array<i32>} : memref<96x128xf32, #tpu.memory_space<vmem>>, vector<16xf32>,
        %get3A_984 = arith.index_cast %add3A_931 : i32 to index
        %get3A_985 = arith.constant 112 : index
        %get3A_986 = tpu.vector_load %arg13[%get3A_984, %get3A_985] {strides = array<i32>} : memref<96x128xf32, #tpu.memory_space<vmem>>, vector<16xf32>,
        %mul3A_987 = arith.mulf %get3A_986, %broadcast_in_dim3A_934 : vector<16xf32>
        %swap3A_988 = arith.index_cast %add3A_931 : i32 to index
        %swap3A_989 = arith.constant 112 : index
        %swap3A_990 = tpu.vector_load %arg13[%swap3A_988, %swap3A_989] {strides = array<i32>} : memref<96x128xf32, #tpu.memory_space<vmem>>, vector<16xf32>,
        tpu.vector_store %arg13[%swap3A_988, %swap3A_989], %mul3A_987 {strides = array<i32>} : memref<96x128xf32, #tpu.memory_space<vmem>>, vector<16xf32>,
        %mul3A_991 = arith.constant 16 : i32
        %mul3A_992 = arith.muli %add3A_156, %mul3A_991 : i32
        %add3A_993 = arith.constant 13 : i32
        %add3A_994 = arith.addi %mul3A_992, %add3A_993 : i32
        %slice3A_995 = vector.extract_strided_slice %exp3A {offsets = [13], sizes = [1], strides = [1]} : vector<16xf32> to vector<1xf32>
        %squeeze3A_996 = vector.extract %slice3A_995[0] : f32 from vector<1xf32>
        %broadcast_in_dim3A_997 = vector.broadcast %squeeze3A_996 : f32 to vector<16xf32>
        %get3A_998 = arith.index_cast %add3A_994 : i32 to index
        %get3A_999 = arith.constant 0 : index
        %get3A_1000 = tpu.vector_load %arg13[%get3A_998, %get3A_999] {strides = array<i32>} : memref<96x128xf32, #tpu.memory_space<vmem>>, vector<16xf32>,
        %mul3A_1001 = arith.mulf %get3A_1000, %broadcast_in_dim3A_997 : vector<16xf32>
        %swap3A_1002 = arith.index_cast %add3A_994 : i32 to index
        %swap3A_1003 = arith.constant 0 : index
        %swap3A_1004 = tpu.vector_load %arg13[%swap3A_1002, %swap3A_1003] {strides = array<i32>} : memref<96x128xf32, #tpu.memory_space<vmem>>, vector<16xf32>,
        tpu.vector_store %arg13[%swap3A_1002, %swap3A_1003], %mul3A_1001 {strides = array<i32>} : memref<96x128xf32, #tpu.memory_space<vmem>>, vector<16xf32>,
        %get3A_1005 = arith.index_cast %add3A_994 : i32 to index
        %get3A_1006 = arith.constant 16 : index
        %get3A_1007 = tpu.vector_load %arg13[%get3A_1005, %get3A_1006] {strides = array<i32>} : memref<96x128xf32, #tpu.memory_space<vmem>>, vector<16xf32>,
        %mul3A_1008 = arith.mulf %get3A_1007, %broadcast_in_dim3A_997 : vector<16xf32>
        %swap3A_1009 = arith.index_cast %add3A_994 : i32 to index
        %swap3A_1010 = arith.constant 16 : index
        %swap3A_1011 = tpu.vector_load %arg13[%swap3A_1009, %swap3A_1010] {strides = array<i32>} : memref<96x128xf32, #tpu.memory_space<vmem>>, vector<16xf32>,
        tpu.vector_store %arg13[%swap3A_1009, %swap3A_1010], %mul3A_1008 {strides = array<i32>} : memref<96x128xf32, #tpu.memory_space<vmem>>, vector<16xf32>,
        %get3A_1012 = arith.index_cast %add3A_994 : i32 to index
        %get3A_1013 = arith.constant 32 : index
        %get3A_1014 = tpu.vector_load %arg13[%get3A_1012, %get3A_1013] {strides = array<i32>} : memref<96x128xf32, #tpu.memory_space<vmem>>, vector<16xf32>,
        %mul3A_1015 = arith.mulf %get3A_1014, %broadcast_in_dim3A_997 : vector<16xf32>
        %swap3A_1016 = arith.index_cast %add3A_994 : i32 to index
        %swap3A_1017 = arith.constant 32 : index
        %swap3A_1018 = tpu.vector_load %arg13[%swap3A_1016, %swap3A_1017] {strides = array<i32>} : memref<96x128xf32, #tpu.memory_space<vmem>>, vector<16xf32>,
        tpu.vector_store %arg13[%swap3A_1016, %swap3A_1017], %mul3A_1015 {strides = array<i32>} : memref<96x128xf32, #tpu.memory_space<vmem>>, vector<16xf32>,
        %get3A_1019 = arith.index_cast %add3A_994 : i32 to index
        %get3A_1020 = arith.constant 48 : index
        %get3A_1021 = tpu.vector_load %arg13[%get3A_1019, %get3A_1020] {strides = array<i32>} : memref<96x128xf32, #tpu.memory_space<vmem>>, vector<16xf32>,
        %mul3A_1022 = arith.mulf %get3A_1021, %broadcast_in_dim3A_997 : vector<16xf32>
        %swap3A_1023 = arith.index_cast %add3A_994 : i32 to index
        %swap3A_1024 = arith.constant 48 : index
        %swap3A_1025 = tpu.vector_load %arg13[%swap3A_1023, %swap3A_1024] {strides = array<i32>} : memref<96x128xf32, #tpu.memory_space<vmem>>, vector<16xf32>,
        tpu.vector_store %arg13[%swap3A_1023, %swap3A_1024], %mul3A_1022 {strides = array<i32>} : memref<96x128xf32, #tpu.memory_space<vmem>>, vector<16xf32>,
        %get3A_1026 = arith.index_cast %add3A_994 : i32 to index
        %get3A_1027 = arith.constant 64 : index
        %get3A_1028 = tpu.vector_load %arg13[%get3A_1026, %get3A_1027] {strides = array<i32>} : memref<96x128xf32, #tpu.memory_space<vmem>>, vector<16xf32>,
        %mul3A_1029 = arith.mulf %get3A_1028, %broadcast_in_dim3A_997 : vector<16xf32>
        %swap3A_1030 = arith.index_cast %add3A_994 : i32 to index
        %swap3A_1031 = arith.constant 64 : index
        %swap3A_1032 = tpu.vector_load %arg13[%swap3A_1030, %swap3A_1031] {strides = array<i32>} : memref<96x128xf32, #tpu.memory_space<vmem>>, vector<16xf32>,
        tpu.vector_store %arg13[%swap3A_1030, %swap3A_1031], %mul3A_1029 {strides = array<i32>} : memref<96x128xf32, #tpu.memory_space<vmem>>, vector<16xf32>,
        %get3A_1033 = arith.index_cast %add3A_994 : i32 to index
        %get3A_1034 = arith.constant 80 : index
        %get3A_1035 = tpu.vector_load %arg13[%get3A_1033, %get3A_1034] {strides = array<i32>} : memref<96x128xf32, #tpu.memory_space<vmem>>, vector<16xf32>,
        %mul3A_1036 = arith.mulf %get3A_1035, %broadcast_in_dim3A_997 : vector<16xf32>
        %swap3A_1037 = arith.index_cast %add3A_994 : i32 to index
        %swap3A_1038 = arith.constant 80 : index
        %swap3A_1039 = tpu.vector_load %arg13[%swap3A_1037, %swap3A_1038] {strides = array<i32>} : memref<96x128xf32, #tpu.memory_space<vmem>>, vector<16xf32>,
        tpu.vector_store %arg13[%swap3A_1037, %swap3A_1038], %mul3A_1036 {strides = array<i32>} : memref<96x128xf32, #tpu.memory_space<vmem>>, vector<16xf32>,
        %get3A_1040 = arith.index_cast %add3A_994 : i32 to index
        %get3A_1041 = arith.constant 96 : index
        %get3A_1042 = tpu.vector_load %arg13[%get3A_1040, %get3A_1041] {strides = array<i32>} : memref<96x128xf32, #tpu.memory_space<vmem>>, vector<16xf32>,
        %mul3A_1043 = arith.mulf %get3A_1042, %broadcast_in_dim3A_997 : vector<16xf32>
        %swap3A_1044 = arith.index_cast %add3A_994 : i32 to index
        %swap3A_1045 = arith.constant 96 : index
        %swap3A_1046 = tpu.vector_load %arg13[%swap3A_1044, %swap3A_1045] {strides = array<i32>} : memref<96x128xf32, #tpu.memory_space<vmem>>, vector<16xf32>,
        tpu.vector_store %arg13[%swap3A_1044, %swap3A_1045], %mul3A_1043 {strides = array<i32>} : memref<96x128xf32, #tpu.memory_space<vmem>>, vector<16xf32>,
        %get3A_1047 = arith.index_cast %add3A_994 : i32 to index
        %get3A_1048 = arith.constant 112 : index
        %get3A_1049 = tpu.vector_load %arg13[%get3A_1047, %get3A_1048] {strides = array<i32>} : memref<96x128xf32, #tpu.memory_space<vmem>>, vector<16xf32>,
        %mul3A_1050 = arith.mulf %get3A_1049, %broadcast_in_dim3A_997 : vector<16xf32>
        %swap3A_1051 = arith.index_cast %add3A_994 : i32 to index
        %swap3A_1052 = arith.constant 112 : index
        %swap3A_1053 = tpu.vector_load %arg13[%swap3A_1051, %swap3A_1052] {strides = array<i32>} : memref<96x128xf32, #tpu.memory_space<vmem>>, vector<16xf32>,
        tpu.vector_store %arg13[%swap3A_1051, %swap3A_1052], %mul3A_1050 {strides = array<i32>} : memref<96x128xf32, #tpu.memory_space<vmem>>, vector<16xf32>,
        %mul3A_1054 = arith.constant 16 : i32
        %mul3A_1055 = arith.muli %add3A_156, %mul3A_1054 : i32
        %add3A_1056 = arith.constant 14 : i32
        %add3A_1057 = arith.addi %mul3A_1055, %add3A_1056 : i32
        %slice3A_1058 = vector.extract_strided_slice %exp3A {offsets = [14], sizes = [1], strides = [1]} : vector<16xf32> to vector<1xf32>
        %squeeze3A_1059 = vector.extract %slice3A_1058[0] : f32 from vector<1xf32>
        %broadcast_in_dim3A_1060 = vector.broadcast %squeeze3A_1059 : f32 to vector<16xf32>
        %get3A_1061 = arith.index_cast %add3A_1057 : i32 to index
        %get3A_1062 = arith.constant 0 : index
        %get3A_1063 = tpu.vector_load %arg13[%get3A_1061, %get3A_1062] {strides = array<i32>} : memref<96x128xf32, #tpu.memory_space<vmem>>, vector<16xf32>,
        %mul3A_1064 = arith.mulf %get3A_1063, %broadcast_in_dim3A_1060 : vector<16xf32>
        %swap3A_1065 = arith.index_cast %add3A_1057 : i32 to index
        %swap3A_1066 = arith.constant 0 : index
        %swap3A_1067 = tpu.vector_load %arg13[%swap3A_1065, %swap3A_1066] {strides = array<i32>} : memref<96x128xf32, #tpu.memory_space<vmem>>, vector<16xf32>,
        tpu.vector_store %arg13[%swap3A_1065, %swap3A_1066], %mul3A_1064 {strides = array<i32>} : memref<96x128xf32, #tpu.memory_space<vmem>>, vector<16xf32>,
        %get3A_1068 = arith.index_cast %add3A_1057 : i32 to index
        %get3A_1069 = arith.constant 16 : index
        %get3A_1070 = tpu.vector_load %arg13[%get3A_1068, %get3A_1069] {strides = array<i32>} : memref<96x128xf32, #tpu.memory_space<vmem>>, vector<16xf32>,
        %mul3A_1071 = arith.mulf %get3A_1070, %broadcast_in_dim3A_1060 : vector<16xf32>
        %swap3A_1072 = arith.index_cast %add3A_1057 : i32 to index
        %swap3A_1073 = arith.constant 16 : index
        %swap3A_1074 = tpu.vector_load %arg13[%swap3A_1072, %swap3A_1073] {strides = array<i32>} : memref<96x128xf32, #tpu.memory_space<vmem>>, vector<16xf32>,
        tpu.vector_store %arg13[%swap3A_1072, %swap3A_1073], %mul3A_1071 {strides = array<i32>} : memref<96x128xf32, #tpu.memory_space<vmem>>, vector<16xf32>,
        %get3A_1075 = arith.index_cast %add3A_1057 : i32 to index
        %get3A_1076 = arith.constant 32 : index
        %get3A_1077 = tpu.vector_load %arg13[%get3A_1075, %get3A_1076] {strides = array<i32>} : memref<96x128xf32, #tpu.memory_space<vmem>>, vector<16xf32>,
        %mul3A_1078 = arith.mulf %get3A_1077, %broadcast_in_dim3A_1060 : vector<16xf32>
        %swap3A_1079 = arith.index_cast %add3A_1057 : i32 to index
        %swap3A_1080 = arith.constant 32 : index
        %swap3A_1081 = tpu.vector_load %arg13[%swap3A_1079, %swap3A_1080] {strides = array<i32>} : memref<96x128xf32, #tpu.memory_space<vmem>>, vector<16xf32>,
        tpu.vector_store %arg13[%swap3A_1079, %swap3A_1080], %mul3A_1078 {strides = array<i32>} : memref<96x128xf32, #tpu.memory_space<vmem>>, vector<16xf32>,
        %get3A_1082 = arith.index_cast %add3A_1057 : i32 to index
        %get3A_1083 = arith.constant 48 : index
        %get3A_1084 = tpu.vector_load %arg13[%get3A_1082, %get3A_1083] {strides = array<i32>} : memref<96x128xf32, #tpu.memory_space<vmem>>, vector<16xf32>,
        %mul3A_1085 = arith.mulf %get3A_1084, %broadcast_in_dim3A_1060 : vector<16xf32>
        %swap3A_1086 = arith.index_cast %add3A_1057 : i32 to index
        %swap3A_1087 = arith.constant 48 : index
        %swap3A_1088 = tpu.vector_load %arg13[%swap3A_1086, %swap3A_1087] {strides = array<i32>} : memref<96x128xf32, #tpu.memory_space<vmem>>, vector<16xf32>,
        tpu.vector_store %arg13[%swap3A_1086, %swap3A_1087], %mul3A_1085 {strides = array<i32>} : memref<96x128xf32, #tpu.memory_space<vmem>>, vector<16xf32>,
        %get3A_1089 = arith.index_cast %add3A_1057 : i32 to index
        %get3A_1090 = arith.constant 64 : index
        %get3A_1091 = tpu.vector_load %arg13[%get3A_1089, %get3A_1090] {strides = array<i32>} : memref<96x128xf32, #tpu.memory_space<vmem>>, vector<16xf32>,
        %mul3A_1092 = arith.mulf %get3A_1091, %broadcast_in_dim3A_1060 : vector<16xf32>
        %swap3A_1093 = arith.index_cast %add3A_1057 : i32 to index
        %swap3A_1094 = arith.constant 64 : index
        %swap3A_1095 = tpu.vector_load %arg13[%swap3A_1093, %swap3A_1094] {strides = array<i32>} : memref<96x128xf32, #tpu.memory_space<vmem>>, vector<16xf32>,
        tpu.vector_store %arg13[%swap3A_1093, %swap3A_1094], %mul3A_1092 {strides = array<i32>} : memref<96x128xf32, #tpu.memory_space<vmem>>, vector<16xf32>,
        %get3A_1096 = arith.index_cast %add3A_1057 : i32 to index
        %get3A_1097 = arith.constant 80 : index
        %get3A_1098 = tpu.vector_load %arg13[%get3A_1096, %get3A_1097] {strides = array<i32>} : memref<96x128xf32, #tpu.memory_space<vmem>>, vector<16xf32>,
        %mul3A_1099 = arith.mulf %get3A_1098, %broadcast_in_dim3A_1060 : vector<16xf32>
        %swap3A_1100 = arith.index_cast %add3A_1057 : i32 to index
        %swap3A_1101 = arith.constant 80 : index
        %swap3A_1102 = tpu.vector_load %arg13[%swap3A_1100, %swap3A_1101] {strides = array<i32>} : memref<96x128xf32, #tpu.memory_space<vmem>>, vector<16xf32>,
        tpu.vector_store %arg13[%swap3A_1100, %swap3A_1101], %mul3A_1099 {strides = array<i32>} : memref<96x128xf32, #tpu.memory_space<vmem>>, vector<16xf32>,
        %get3A_1103 = arith.index_cast %add3A_1057 : i32 to index
        %get3A_1104 = arith.constant 96 : index
        %get3A_1105 = tpu.vector_load %arg13[%get3A_1103, %get3A_1104] {strides = array<i32>} : memref<96x128xf32, #tpu.memory_space<vmem>>, vector<16xf32>,
        %mul3A_1106 = arith.mulf %get3A_1105, %broadcast_in_dim3A_1060 : vector<16xf32>
        %swap3A_1107 = arith.index_cast %add3A_1057 : i32 to index
        %swap3A_1108 = arith.constant 96 : index
        %swap3A_1109 = tpu.vector_load %arg13[%swap3A_1107, %swap3A_1108] {strides = array<i32>} : memref<96x128xf32, #tpu.memory_space<vmem>>, vector<16xf32>,
        tpu.vector_store %arg13[%swap3A_1107, %swap3A_1108], %mul3A_1106 {strides = array<i32>} : memref<96x128xf32, #tpu.memory_space<vmem>>, vector<16xf32>,
        %get3A_1110 = arith.index_cast %add3A_1057 : i32 to index
        %get3A_1111 = arith.constant 112 : index
        %get3A_1112 = tpu.vector_load %arg13[%get3A_1110, %get3A_1111] {strides = array<i32>} : memref<96x128xf32, #tpu.memory_space<vmem>>, vector<16xf32>,
        %mul3A_1113 = arith.mulf %get3A_1112, %broadcast_in_dim3A_1060 : vector<16xf32>
        %swap3A_1114 = arith.index_cast %add3A_1057 : i32 to index
        %swap3A_1115 = arith.constant 112 : index
        %swap3A_1116 = tpu.vector_load %arg13[%swap3A_1114, %swap3A_1115] {strides = array<i32>} : memref<96x128xf32, #tpu.memory_space<vmem>>, vector<16xf32>,
        tpu.vector_store %arg13[%swap3A_1114, %swap3A_1115], %mul3A_1113 {strides = array<i32>} : memref<96x128xf32, #tpu.memory_space<vmem>>, vector<16xf32>,
        %mul3A_1117 = arith.constant 16 : i32
        %mul3A_1118 = arith.muli %add3A_156, %mul3A_1117 : i32
        %add3A_1119 = arith.constant 15 : i32
        %add3A_1120 = arith.addi %mul3A_1118, %add3A_1119 : i32
        %slice3A_1121 = vector.extract_strided_slice %exp3A {offsets = [15], sizes = [1], strides = [1]} : vector<16xf32> to vector<1xf32>
        %squeeze3A_1122 = vector.extract %slice3A_1121[0] : f32 from vector<1xf32>
        %broadcast_in_dim3A_1123 = vector.broadcast %squeeze3A_1122 : f32 to vector<16xf32>
        %get3A_1124 = arith.index_cast %add3A_1120 : i32 to index
        %get3A_1125 = arith.constant 0 : index
        %get3A_1126 = tpu.vector_load %arg13[%get3A_1124, %get3A_1125] {strides = array<i32>} : memref<96x128xf32, #tpu.memory_space<vmem>>, vector<16xf32>,
        %mul3A_1127 = arith.mulf %get3A_1126, %broadcast_in_dim3A_1123 : vector<16xf32>
        %swap3A_1128 = arith.index_cast %add3A_1120 : i32 to index
        %swap3A_1129 = arith.constant 0 : index
        %swap3A_1130 = tpu.vector_load %arg13[%swap3A_1128, %swap3A_1129] {strides = array<i32>} : memref<96x128xf32, #tpu.memory_space<vmem>>, vector<16xf32>,
        tpu.vector_store %arg13[%swap3A_1128, %swap3A_1129], %mul3A_1127 {strides = array<i32>} : memref<96x128xf32, #tpu.memory_space<vmem>>, vector<16xf32>,
        %get3A_1131 = arith.index_cast %add3A_1120 : i32 to index
        %get3A_1132 = arith.constant 16 : index
        %get3A_1133 = tpu.vector_load %arg13[%get3A_1131, %get3A_1132] {strides = array<i32>} : memref<96x128xf32, #tpu.memory_space<vmem>>, vector<16xf32>,
        %mul3A_1134 = arith.mulf %get3A_1133, %broadcast_in_dim3A_1123 : vector<16xf32>
        %swap3A_1135 = arith.index_cast %add3A_1120 : i32 to index
        %swap3A_1136 = arith.constant 16 : index
        %swap3A_1137 = tpu.vector_load %arg13[%swap3A_1135, %swap3A_1136] {strides = array<i32>} : memref<96x128xf32, #tpu.memory_space<vmem>>, vector<16xf32>,
        tpu.vector_store %arg13[%swap3A_1135, %swap3A_1136], %mul3A_1134 {strides = array<i32>} : memref<96x128xf32, #tpu.memory_space<vmem>>, vector<16xf32>,
        %get3A_1138 = arith.index_cast %add3A_1120 : i32 to index
        %get3A_1139 = arith.constant 32 : index
        %get3A_1140 = tpu.vector_load %arg13[%get3A_1138, %get3A_1139] {strides = array<i32>} : memref<96x128xf32, #tpu.memory_space<vmem>>, vector<16xf32>,
        %mul3A_1141 = arith.mulf %get3A_1140, %broadcast_in_dim3A_1123 : vector<16xf32>
        %swap3A_1142 = arith.index_cast %add3A_1120 : i32 to index
        %swap3A_1143 = arith.constant 32 : index
        %swap3A_1144 = tpu.vector_load %arg13[%swap3A_1142, %swap3A_1143] {strides = array<i32>} : memref<96x128xf32, #tpu.memory_space<vmem>>, vector<16xf32>,
        tpu.vector_store %arg13[%swap3A_1142, %swap3A_1143], %mul3A_1141 {strides = array<i32>} : memref<96x128xf32, #tpu.memory_space<vmem>>, vector<16xf32>,
        %get3A_1145 = arith.index_cast %add3A_1120 : i32 to index
        %get3A_1146 = arith.constant 48 : index
        %get3A_1147 = tpu.vector_load %arg13[%get3A_1145, %get3A_1146] {strides = array<i32>} : memref<96x128xf32, #tpu.memory_space<vmem>>, vector<16xf32>,
        %mul3A_1148 = arith.mulf %get3A_1147, %broadcast_in_dim3A_1123 : vector<16xf32>
        %swap3A_1149 = arith.index_cast %add3A_1120 : i32 to index
        %swap3A_1150 = arith.constant 48 : index
        %swap3A_1151 = tpu.vector_load %arg13[%swap3A_1149, %swap3A_1150] {strides = array<i32>} : memref<96x128xf32, #tpu.memory_space<vmem>>, vector<16xf32>,
        tpu.vector_store %arg13[%swap3A_1149, %swap3A_1150], %mul3A_1148 {strides = array<i32>} : memref<96x128xf32, #tpu.memory_space<vmem>>, vector<16xf32>,
        %get3A_1152 = arith.index_cast %add3A_1120 : i32 to index
        %get3A_1153 = arith.constant 64 : index
        %get3A_1154 = tpu.vector_load %arg13[%get3A_1152, %get3A_1153] {strides = array<i32>} : memref<96x128xf32, #tpu.memory_space<vmem>>, vector<16xf32>,
        %mul3A_1155 = arith.mulf %get3A_1154, %broadcast_in_dim3A_1123 : vector<16xf32>
        %swap3A_1156 = arith.index_cast %add3A_1120 : i32 to index
        %swap3A_1157 = arith.constant 64 : index
        %swap3A_1158 = tpu.vector_load %arg13[%swap3A_1156, %swap3A_1157] {strides = array<i32>} : memref<96x128xf32, #tpu.memory_space<vmem>>, vector<16xf32>,
        tpu.vector_store %arg13[%swap3A_1156, %swap3A_1157], %mul3A_1155 {strides = array<i32>} : memref<96x128xf32, #tpu.memory_space<vmem>>, vector<16xf32>,
        %get3A_1159 = arith.index_cast %add3A_1120 : i32 to index
        %get3A_1160 = arith.constant 80 : index
        %get3A_1161 = tpu.vector_load %arg13[%get3A_1159, %get3A_1160] {strides = array<i32>} : memref<96x128xf32, #tpu.memory_space<vmem>>, vector<16xf32>,
        %mul3A_1162 = arith.mulf %get3A_1161, %broadcast_in_dim3A_1123 : vector<16xf32>
        %swap3A_1163 = arith.index_cast %add3A_1120 : i32 to index
        %swap3A_1164 = arith.constant 80 : index
        %swap3A_1165 = tpu.vector_load %arg13[%swap3A_1163, %swap3A_1164] {strides = array<i32>} : memref<96x128xf32, #tpu.memory_space<vmem>>, vector<16xf32>,
        tpu.vector_store %arg13[%swap3A_1163, %swap3A_1164], %mul3A_1162 {strides = array<i32>} : memref<96x128xf32, #tpu.memory_space<vmem>>, vector<16xf32>,
        %get3A_1166 = arith.index_cast %add3A_1120 : i32 to index
        %get3A_1167 = arith.constant 96 : index
        %get3A_1168 = tpu.vector_load %arg13[%get3A_1166, %get3A_1167] {strides = array<i32>} : memref<96x128xf32, #tpu.memory_space<vmem>>, vector<16xf32>,
        %mul3A_1169 = arith.mulf %get3A_1168, %broadcast_in_dim3A_1123 : vector<16xf32>
        %swap3A_1170 = arith.index_cast %add3A_1120 : i32 to index
        %swap3A_1171 = arith.constant 96 : index
        %swap3A_1172 = tpu.vector_load %arg13[%swap3A_1170, %swap3A_1171] {strides = array<i32>} : memref<96x128xf32, #tpu.memory_space<vmem>>, vector<16xf32>,
        tpu.vector_store %arg13[%swap3A_1170, %swap3A_1171], %mul3A_1169 {strides = array<i32>} : memref<96x128xf32, #tpu.memory_space<vmem>>, vector<16xf32>,
        %get3A_1173 = arith.index_cast %add3A_1120 : i32 to index
        %get3A_1174 = arith.constant 112 : index
        %get3A_1175 = tpu.vector_load %arg13[%get3A_1173, %get3A_1174] {strides = array<i32>} : memref<96x128xf32, #tpu.memory_space<vmem>>, vector<16xf32>,
        %mul3A_1176 = arith.mulf %get3A_1175, %broadcast_in_dim3A_1123 : vector<16xf32>
        %swap3A_1177 = arith.index_cast %add3A_1120 : i32 to index
        %swap3A_1178 = arith.constant 112 : index
        %swap3A_1179 = tpu.vector_load %arg13[%swap3A_1177, %swap3A_1178] {strides = array<i32>} : memref<96x128xf32, #tpu.memory_space<vmem>>, vector<16xf32>,
        tpu.vector_store %arg13[%swap3A_1177, %swap3A_1178], %mul3A_1176 {strides = array<i32>} : memref<96x128xf32, #tpu.memory_space<vmem>>, vector<16xf32>,
      }
      %scan3A_116 = arith.constant 6 : i32
      %dma_start3A_117 = arith.constant 0 : i32
      %dma_start3A_118 = arith.constant 0 : i32
      %dma_start3A_119 = tpu.memref_slice %arg16[%dma_start3A_117, %dma_start3A_118] : memref<10240x128xf32, #tpu.memory_space<vmem_shared>> -> memref<10240x128xf32, #tpu.memory_space<vmem_shared>>
      tpu.enqueue_indirect_dma source(%arg13 : memref<96x128xf32, #tpu.memory_space<vmem>>) target(%dma_start3A_119 : memref<10240x128xf32, #tpu.memory_space<vmem_shared>>) offsets(%arg10 : memref<96xi32, #tpu.memory_space<vmem>>) semaphore(%arg24 : memref<!tpu.dma_semaphore, #tpu.memory_space<semaphore_mem>>) {add = true}
      %mul3A_120 = arith.constant 3 : i32
      %mul3A_121 = arith.muli %add3A_59, %mul3A_120 : i32
      %add3A_122 = arith.constant 2 : i32
      %add3A_123 = arith.addi %mul3A_121, %add3A_122 : i32
      %ge3A_124 = arith.constant 2 : i32
      %ge3A_125 = arith.cmpi sge, %add3A_123, %ge3A_124 : i32
      %convert_element_type3A_126 = arith.extui %ge3A_125 : i1 to i32
      %cond3A_127 = arith.constant 0 : i32
      %cond3A_128 = arith.cmpi ne, %convert_element_type3A_126, %cond3A_127 : i32
      scf.if %cond3A_128 {
        %dma_wait3A_152 = arith.constant 0 : i32
        %dma_wait3A_153 = arith.constant 0 : i32
        %dma_wait3A_154 = tpu.memref_slice %arg16[%dma_wait3A_152, %dma_wait3A_153] : memref<10240x128xf32, #tpu.memory_space<vmem_shared>> -> memref<10240x128xf32, #tpu.memory_space<vmem_shared>>
        tpu.wait_indirect_dma semaphore(%arg23 : memref<!tpu.dma_semaphore, #tpu.memory_space<semaphore_mem>>) src(%arg12 : memref<96x128xf32, #tpu.memory_space<vmem>>) dst(%dma_wait3A_154 : memref<10240x128xf32, #tpu.memory_space<vmem_shared>>)
      } else {
      }
      %le3A_129 = arith.constant 102 : i32
      %le3A_130 = arith.cmpi sle, %add3A_123, %le3A_129 : i32
      %convert_element_type3A_131 = arith.extui %le3A_130 : i1 to i32
      %cond3A_132 = arith.constant 0 : i32
      %cond3A_133 = arith.cmpi ne, %convert_element_type3A_131, %cond3A_132 : i32
      scf.if %cond3A_133 {
        %add3A_152 = arith.addi %mul3A_20, %add3A_123 : i32
        %add3A_153 = arith.constant 2 : i32
        %add3A_154 = arith.addi %add3A_152, %add3A_153 : i32
        %mul3A_155 = arith.constant 288 : i32
        %mul3A_156 = arith.muli %add3A_154, %mul3A_155 : i32
        %dma_start3A_157 = tpu.memref_slice %arg3[%mul3A_156] : memref<967680xi32, #tpu.memory_space<hbm>> -> memref<288xi32, #tpu.memory_space<hbm>>
        %dma_start3A_158 = tpu.memref_slice %arg3[%mul3A_156] : memref<967680xi32, #tpu.memory_space<hbm>> -> memref<288xi32, #tpu.memory_space<hbm>>
        tpu.enqueue_dma source(%dma_start3A_158 : memref<288xi32, #tpu.memory_space<hbm>>) target(%arg7 : memref<288xi32, #tpu.memory_space<vmem>>) target_semaphore(%arg18 : memref<!tpu.dma_semaphore, #tpu.memory_space<semaphore_mem>>)
      } else {
      }
      %le3A_134 = arith.constant 103 : i32
      %le3A_135 = arith.cmpi sle, %add3A_123, %le3A_134 : i32
      %convert_element_type3A_136 = arith.extui %le3A_135 : i1 to i32
      %cond3A_137 = arith.constant 0 : i32
      %cond3A_138 = arith.cmpi ne, %convert_element_type3A_136, %cond3A_137 : i32
      scf.if %cond3A_138 {
        %dma_wait3A_152 = arith.constant 0 : i32
        %dma_wait3A_153 = tpu.memref_slice %arg3[%dma_wait3A_152] : memref<967680xi32, #tpu.memory_space<hbm>> -> memref<288xi32, #tpu.memory_space<hbm>>
        %dma_wait3A_154 = arith.constant 0 : i32
        %dma_wait3A_155 = tpu.memref_slice %arg3[%dma_wait3A_154] : memref<967680xi32, #tpu.memory_space<hbm>> -> memref<288xi32, #tpu.memory_space<hbm>>
        tpu.wait_dma2 semaphore(%arg17 : memref<!tpu.dma_semaphore, #tpu.memory_space<semaphore_mem>>) src(%dma_wait3A_155 : memref<288xi32, #tpu.memory_space<hbm>>) dst(%arg6 : memref<288xi32, #tpu.memory_space<vmem>>)
        %dma_start3A_156 = arith.constant 0 : i32
        %dma_start3A_157 = tpu.memref_slice %arg6[%dma_start3A_156] : memref<288xi32, #tpu.memory_space<vmem>> -> memref<96xi32, #tpu.memory_space<vmem>>
        %dma_start3A_158 = arith.constant 0 : i32
        %dma_start3A_159 = arith.constant 0 : i32
        %dma_start3A_160 = tpu.memref_slice %arg2[%dma_start3A_158, %dma_start3A_159] : memref<10000x128xf32, #tpu.memory_space<hbm>> -> memref<10000x128xf32, #tpu.memory_space<hbm>>
        tpu.enqueue_indirect_dma source(%dma_start3A_160 : memref<10000x128xf32, #tpu.memory_space<hbm>>) target(%arg12 : memref<96x128xf32, #tpu.memory_space<vmem>>) offsets(%dma_start3A_157 : memref<96xi32, #tpu.memory_space<vmem>>) semaphore(%arg20 : memref<!tpu.dma_semaphore, #tpu.memory_space<semaphore_mem>>)
      } else {
      }
      %dma_wait3A_139 = arith.constant 0 : i32
      %dma_wait3A_140 = tpu.memref_slice %arg8[%dma_wait3A_139] : memref<288xi32, #tpu.memory_space<vmem>> -> memref<96xi32, #tpu.memory_space<vmem>>
      %dma_wait3A_141 = arith.constant 0 : i32
      %dma_wait3A_142 = arith.constant 0 : i32
      %dma_wait3A_143 = tpu.memref_slice %arg2[%dma_wait3A_141, %dma_wait3A_142] : memref<10000x128xf32, #tpu.memory_space<hbm>> -> memref<10000x128xf32, #tpu.memory_space<hbm>>
      tpu.wait_indirect_dma semaphore(%arg22 : memref<!tpu.dma_semaphore, #tpu.memory_space<semaphore_mem>>) src(%dma_wait3A_143 : memref<10000x128xf32, #tpu.memory_space<hbm>>) dst(%arg14 : memref<96x128xf32, #tpu.memory_space<vmem>>)
      %scan3A_144 = arith.constant 0 : i32
      %scan3A_145 = arith.constant 6 : i32
      %scan3A_146 = arith.addi %scan3A_144, %scan3A_145 : i32
      %scan3A_147 = arith.constant 1 : i32
      scf.for %scan3A_152 = %scan3A_144 to %scan3A_146 step %scan3A_147  : i32 {
        %mul3A_153 = arith.constant 1 : i32
        %mul3A_154 = arith.muli %scan3A_152, %mul3A_153 : i32
        %add3A_155 = arith.constant 0 : i32
        %add3A_156 = arith.addi %add3A_155, %mul3A_154 : i32
        %mul3A_157 = arith.constant 16 : i32
        %mul3A_158 = arith.muli %add3A_156, %mul3A_157 : i32
        %add3A_159 = arith.constant 96 : i32
        %add3A_160 = arith.addi %add3A_159, %mul3A_158 : i32
        %get3A = arith.index_cast %add3A_160 : i32 to index
        %get3A_161 = tpu.vector_load %arg8[%get3A] {strides = array<i32>} : memref<288xi32, #tpu.memory_space<vmem>>, vector<16xi32>,
        %mul3A_162 = arith.constant 16 : i32
        %mul3A_163 = arith.muli %add3A_156, %mul3A_162 : i32
        %swap3A = arith.index_cast %mul3A_163 : i32 to index
        %swap3A_164 = tpu.vector_load %arg11[%swap3A] {strides = array<i32>} : memref<96xi32, #tpu.memory_space<vmem>>, vector<16xi32>,
        tpu.vector_store %arg11[%swap3A], %get3A_161 {strides = array<i32>} : memref<96xi32, #tpu.memory_space<vmem>>, vector<16xi32>,
        %mul3A_165 = arith.constant 16 : i32
        %mul3A_166 = arith.muli %add3A_156, %mul3A_165 : i32
        %add3A_167 = arith.constant 192 : i32
        %add3A_168 = arith.addi %add3A_167, %mul3A_166 : i32
        %get3A_169 = arith.index_cast %add3A_168 : i32 to index
        %get3A_170 = tpu.vector_load %arg8[%get3A_169] {strides = array<i32>} : memref<288xi32, #tpu.memory_space<vmem>>, vector<16xi32>,
        %bitcast3A = vector.bitcast %get3A_170 : vector<16xi32> to vector<16xf32>
        %exp3A = math.exp %bitcast3A : vector<16xf32>
        %shift_right_logical3A = arith.constant 7 : i32
        %shift_right_logical3A_171 = vector.broadcast %shift_right_logical3A : i32 to vector<16xi32>
        %shift_right_logical3A_172 = arith.shrui %get3A_161, %shift_right_logical3A_171 : vector<16xi32>
        %and3A = arith.constant 127 : i32
        %and3A_173 = vector.broadcast %and3A : i32 to vector<16xi32>
        %and3A_174 = arith.andi %get3A_161, %and3A_173 : vector<16xi32>
        tpu.vector_store_idx %arg15[%shift_right_logical3A_172, %and3A_174], %exp3A {add = true} : memref<80x128xf32, #tpu.memory_space<vmem>>[vector<16xi32>, vector<16xi32>], vector<16xf32>,
        %mul3A_175 = arith.constant 16 : i32
        %mul3A_176 = arith.muli %add3A_156, %mul3A_175 : i32
        %add3A_177 = arith.constant 0 : i32
        %add3A_178 = arith.addi %mul3A_176, %add3A_177 : i32
        %slice3A = vector.extract_strided_slice %exp3A {offsets = [0], sizes = [1], strides = [1]} : vector<16xf32> to vector<1xf32>
        %squeeze3A = vector.extract %slice3A[0] : f32 from vector<1xf32>
        %broadcast_in_dim3A = vector.broadcast %squeeze3A : f32 to vector<16xf32>
        %get3A_179 = arith.index_cast %add3A_178 : i32 to index
        %get3A_180 = arith.constant 0 : index
        %get3A_181 = tpu.vector_load %arg14[%get3A_179, %get3A_180] {strides = array<i32>} : memref<96x128xf32, #tpu.memory_space<vmem>>, vector<16xf32>,
        %mul3A_182 = arith.mulf %get3A_181, %broadcast_in_dim3A : vector<16xf32>
        %swap3A_183 = arith.index_cast %add3A_178 : i32 to index
        %swap3A_184 = arith.constant 0 : index
        %swap3A_185 = tpu.vector_load %arg14[%swap3A_183, %swap3A_184] {strides = array<i32>} : memref<96x128xf32, #tpu.memory_space<vmem>>, vector<16xf32>,
        tpu.vector_store %arg14[%swap3A_183, %swap3A_184], %mul3A_182 {strides = array<i32>} : memref<96x128xf32, #tpu.memory_space<vmem>>, vector<16xf32>,
        %get3A_186 = arith.index_cast %add3A_178 : i32 to index
        %get3A_187 = arith.constant 16 : index
        %get3A_188 = tpu.vector_load %arg14[%get3A_186, %get3A_187] {strides = array<i32>} : memref<96x128xf32, #tpu.memory_space<vmem>>, vector<16xf32>,
        %mul3A_189 = arith.mulf %get3A_188, %broadcast_in_dim3A : vector<16xf32>
        %swap3A_190 = arith.index_cast %add3A_178 : i32 to index
        %swap3A_191 = arith.constant 16 : index
        %swap3A_192 = tpu.vector_load %arg14[%swap3A_190, %swap3A_191] {strides = array<i32>} : memref<96x128xf32, #tpu.memory_space<vmem>>, vector<16xf32>,
        tpu.vector_store %arg14[%swap3A_190, %swap3A_191], %mul3A_189 {strides = array<i32>} : memref<96x128xf32, #tpu.memory_space<vmem>>, vector<16xf32>,
        %get3A_193 = arith.index_cast %add3A_178 : i32 to index
        %get3A_194 = arith.constant 32 : index
        %get3A_195 = tpu.vector_load %arg14[%get3A_193, %get3A_194] {strides = array<i32>} : memref<96x128xf32, #tpu.memory_space<vmem>>, vector<16xf32>,
        %mul3A_196 = arith.mulf %get3A_195, %broadcast_in_dim3A : vector<16xf32>
        %swap3A_197 = arith.index_cast %add3A_178 : i32 to index
        %swap3A_198 = arith.constant 32 : index
        %swap3A_199 = tpu.vector_load %arg14[%swap3A_197, %swap3A_198] {strides = array<i32>} : memref<96x128xf32, #tpu.memory_space<vmem>>, vector<16xf32>,
        tpu.vector_store %arg14[%swap3A_197, %swap3A_198], %mul3A_196 {strides = array<i32>} : memref<96x128xf32, #tpu.memory_space<vmem>>, vector<16xf32>,
        %get3A_200 = arith.index_cast %add3A_178 : i32 to index
        %get3A_201 = arith.constant 48 : index
        %get3A_202 = tpu.vector_load %arg14[%get3A_200, %get3A_201] {strides = array<i32>} : memref<96x128xf32, #tpu.memory_space<vmem>>, vector<16xf32>,
        %mul3A_203 = arith.mulf %get3A_202, %broadcast_in_dim3A : vector<16xf32>
        %swap3A_204 = arith.index_cast %add3A_178 : i32 to index
        %swap3A_205 = arith.constant 48 : index
        %swap3A_206 = tpu.vector_load %arg14[%swap3A_204, %swap3A_205] {strides = array<i32>} : memref<96x128xf32, #tpu.memory_space<vmem>>, vector<16xf32>,
        tpu.vector_store %arg14[%swap3A_204, %swap3A_205], %mul3A_203 {strides = array<i32>} : memref<96x128xf32, #tpu.memory_space<vmem>>, vector<16xf32>,
        %get3A_207 = arith.index_cast %add3A_178 : i32 to index
        %get3A_208 = arith.constant 64 : index
        %get3A_209 = tpu.vector_load %arg14[%get3A_207, %get3A_208] {strides = array<i32>} : memref<96x128xf32, #tpu.memory_space<vmem>>, vector<16xf32>,
        %mul3A_210 = arith.mulf %get3A_209, %broadcast_in_dim3A : vector<16xf32>
        %swap3A_211 = arith.index_cast %add3A_178 : i32 to index
        %swap3A_212 = arith.constant 64 : index
        %swap3A_213 = tpu.vector_load %arg14[%swap3A_211, %swap3A_212] {strides = array<i32>} : memref<96x128xf32, #tpu.memory_space<vmem>>, vector<16xf32>,
        tpu.vector_store %arg14[%swap3A_211, %swap3A_212], %mul3A_210 {strides = array<i32>} : memref<96x128xf32, #tpu.memory_space<vmem>>, vector<16xf32>,
        %get3A_214 = arith.index_cast %add3A_178 : i32 to index
        %get3A_215 = arith.constant 80 : index
        %get3A_216 = tpu.vector_load %arg14[%get3A_214, %get3A_215] {strides = array<i32>} : memref<96x128xf32, #tpu.memory_space<vmem>>, vector<16xf32>,
        %mul3A_217 = arith.mulf %get3A_216, %broadcast_in_dim3A : vector<16xf32>
        %swap3A_218 = arith.index_cast %add3A_178 : i32 to index
        %swap3A_219 = arith.constant 80 : index
        %swap3A_220 = tpu.vector_load %arg14[%swap3A_218, %swap3A_219] {strides = array<i32>} : memref<96x128xf32, #tpu.memory_space<vmem>>, vector<16xf32>,
        tpu.vector_store %arg14[%swap3A_218, %swap3A_219], %mul3A_217 {strides = array<i32>} : memref<96x128xf32, #tpu.memory_space<vmem>>, vector<16xf32>,
        %get3A_221 = arith.index_cast %add3A_178 : i32 to index
        %get3A_222 = arith.constant 96 : index
        %get3A_223 = tpu.vector_load %arg14[%get3A_221, %get3A_222] {strides = array<i32>} : memref<96x128xf32, #tpu.memory_space<vmem>>, vector<16xf32>,
        %mul3A_224 = arith.mulf %get3A_223, %broadcast_in_dim3A : vector<16xf32>
        %swap3A_225 = arith.index_cast %add3A_178 : i32 to index
        %swap3A_226 = arith.constant 96 : index
        %swap3A_227 = tpu.vector_load %arg14[%swap3A_225, %swap3A_226] {strides = array<i32>} : memref<96x128xf32, #tpu.memory_space<vmem>>, vector<16xf32>,
        tpu.vector_store %arg14[%swap3A_225, %swap3A_226], %mul3A_224 {strides = array<i32>} : memref<96x128xf32, #tpu.memory_space<vmem>>, vector<16xf32>,
        %get3A_228 = arith.index_cast %add3A_178 : i32 to index
        %get3A_229 = arith.constant 112 : index
        %get3A_230 = tpu.vector_load %arg14[%get3A_228, %get3A_229] {strides = array<i32>} : memref<96x128xf32, #tpu.memory_space<vmem>>, vector<16xf32>,
        %mul3A_231 = arith.mulf %get3A_230, %broadcast_in_dim3A : vector<16xf32>
        %swap3A_232 = arith.index_cast %add3A_178 : i32 to index
        %swap3A_233 = arith.constant 112 : index
        %swap3A_234 = tpu.vector_load %arg14[%swap3A_232, %swap3A_233] {strides = array<i32>} : memref<96x128xf32, #tpu.memory_space<vmem>>, vector<16xf32>,
        tpu.vector_store %arg14[%swap3A_232, %swap3A_233], %mul3A_231 {strides = array<i32>} : memref<96x128xf32, #tpu.memory_space<vmem>>, vector<16xf32>,
        %mul3A_235 = arith.constant 16 : i32
        %mul3A_236 = arith.muli %add3A_156, %mul3A_235 : i32
        %add3A_237 = arith.constant 1 : i32
        %add3A_238 = arith.addi %mul3A_236, %add3A_237 : i32
        %slice3A_239 = vector.extract_strided_slice %exp3A {offsets = [1], sizes = [1], strides = [1]} : vector<16xf32> to vector<1xf32>
        %squeeze3A_240 = vector.extract %slice3A_239[0] : f32 from vector<1xf32>
        %broadcast_in_dim3A_241 = vector.broadcast %squeeze3A_240 : f32 to vector<16xf32>
        %get3A_242 = arith.index_cast %add3A_238 : i32 to index
        %get3A_243 = arith.constant 0 : index
        %get3A_244 = tpu.vector_load %arg14[%get3A_242, %get3A_243] {strides = array<i32>} : memref<96x128xf32, #tpu.memory_space<vmem>>, vector<16xf32>,
        %mul3A_245 = arith.mulf %get3A_244, %broadcast_in_dim3A_241 : vector<16xf32>
        %swap3A_246 = arith.index_cast %add3A_238 : i32 to index
        %swap3A_247 = arith.constant 0 : index
        %swap3A_248 = tpu.vector_load %arg14[%swap3A_246, %swap3A_247] {strides = array<i32>} : memref<96x128xf32, #tpu.memory_space<vmem>>, vector<16xf32>,
        tpu.vector_store %arg14[%swap3A_246, %swap3A_247], %mul3A_245 {strides = array<i32>} : memref<96x128xf32, #tpu.memory_space<vmem>>, vector<16xf32>,
        %get3A_249 = arith.index_cast %add3A_238 : i32 to index
        %get3A_250 = arith.constant 16 : index
        %get3A_251 = tpu.vector_load %arg14[%get3A_249, %get3A_250] {strides = array<i32>} : memref<96x128xf32, #tpu.memory_space<vmem>>, vector<16xf32>,
        %mul3A_252 = arith.mulf %get3A_251, %broadcast_in_dim3A_241 : vector<16xf32>
        %swap3A_253 = arith.index_cast %add3A_238 : i32 to index
        %swap3A_254 = arith.constant 16 : index
        %swap3A_255 = tpu.vector_load %arg14[%swap3A_253, %swap3A_254] {strides = array<i32>} : memref<96x128xf32, #tpu.memory_space<vmem>>, vector<16xf32>,
        tpu.vector_store %arg14[%swap3A_253, %swap3A_254], %mul3A_252 {strides = array<i32>} : memref<96x128xf32, #tpu.memory_space<vmem>>, vector<16xf32>,
        %get3A_256 = arith.index_cast %add3A_238 : i32 to index
        %get3A_257 = arith.constant 32 : index
        %get3A_258 = tpu.vector_load %arg14[%get3A_256, %get3A_257] {strides = array<i32>} : memref<96x128xf32, #tpu.memory_space<vmem>>, vector<16xf32>,
        %mul3A_259 = arith.mulf %get3A_258, %broadcast_in_dim3A_241 : vector<16xf32>
        %swap3A_260 = arith.index_cast %add3A_238 : i32 to index
        %swap3A_261 = arith.constant 32 : index
        %swap3A_262 = tpu.vector_load %arg14[%swap3A_260, %swap3A_261] {strides = array<i32>} : memref<96x128xf32, #tpu.memory_space<vmem>>, vector<16xf32>,
        tpu.vector_store %arg14[%swap3A_260, %swap3A_261], %mul3A_259 {strides = array<i32>} : memref<96x128xf32, #tpu.memory_space<vmem>>, vector<16xf32>,
        %get3A_263 = arith.index_cast %add3A_238 : i32 to index
        %get3A_264 = arith.constant 48 : index
        %get3A_265 = tpu.vector_load %arg14[%get3A_263, %get3A_264] {strides = array<i32>} : memref<96x128xf32, #tpu.memory_space<vmem>>, vector<16xf32>,
        %mul3A_266 = arith.mulf %get3A_265, %broadcast_in_dim3A_241 : vector<16xf32>
        %swap3A_267 = arith.index_cast %add3A_238 : i32 to index
        %swap3A_268 = arith.constant 48 : index
        %swap3A_269 = tpu.vector_load %arg14[%swap3A_267, %swap3A_268] {strides = array<i32>} : memref<96x128xf32, #tpu.memory_space<vmem>>, vector<16xf32>,
        tpu.vector_store %arg14[%swap3A_267, %swap3A_268], %mul3A_266 {strides = array<i32>} : memref<96x128xf32, #tpu.memory_space<vmem>>, vector<16xf32>,
        %get3A_270 = arith.index_cast %add3A_238 : i32 to index
        %get3A_271 = arith.constant 64 : index
        %get3A_272 = tpu.vector_load %arg14[%get3A_270, %get3A_271] {strides = array<i32>} : memref<96x128xf32, #tpu.memory_space<vmem>>, vector<16xf32>,
        %mul3A_273 = arith.mulf %get3A_272, %broadcast_in_dim3A_241 : vector<16xf32>
        %swap3A_274 = arith.index_cast %add3A_238 : i32 to index
        %swap3A_275 = arith.constant 64 : index
        %swap3A_276 = tpu.vector_load %arg14[%swap3A_274, %swap3A_275] {strides = array<i32>} : memref<96x128xf32, #tpu.memory_space<vmem>>, vector<16xf32>,
        tpu.vector_store %arg14[%swap3A_274, %swap3A_275], %mul3A_273 {strides = array<i32>} : memref<96x128xf32, #tpu.memory_space<vmem>>, vector<16xf32>,
        %get3A_277 = arith.index_cast %add3A_238 : i32 to index
        %get3A_278 = arith.constant 80 : index
        %get3A_279 = tpu.vector_load %arg14[%get3A_277, %get3A_278] {strides = array<i32>} : memref<96x128xf32, #tpu.memory_space<vmem>>, vector<16xf32>,
        %mul3A_280 = arith.mulf %get3A_279, %broadcast_in_dim3A_241 : vector<16xf32>
        %swap3A_281 = arith.index_cast %add3A_238 : i32 to index
        %swap3A_282 = arith.constant 80 : index
        %swap3A_283 = tpu.vector_load %arg14[%swap3A_281, %swap3A_282] {strides = array<i32>} : memref<96x128xf32, #tpu.memory_space<vmem>>, vector<16xf32>,
        tpu.vector_store %arg14[%swap3A_281, %swap3A_282], %mul3A_280 {strides = array<i32>} : memref<96x128xf32, #tpu.memory_space<vmem>>, vector<16xf32>,
        %get3A_284 = arith.index_cast %add3A_238 : i32 to index
        %get3A_285 = arith.constant 96 : index
        %get3A_286 = tpu.vector_load %arg14[%get3A_284, %get3A_285] {strides = array<i32>} : memref<96x128xf32, #tpu.memory_space<vmem>>, vector<16xf32>,
        %mul3A_287 = arith.mulf %get3A_286, %broadcast_in_dim3A_241 : vector<16xf32>
        %swap3A_288 = arith.index_cast %add3A_238 : i32 to index
        %swap3A_289 = arith.constant 96 : index
        %swap3A_290 = tpu.vector_load %arg14[%swap3A_288, %swap3A_289] {strides = array<i32>} : memref<96x128xf32, #tpu.memory_space<vmem>>, vector<16xf32>,
        tpu.vector_store %arg14[%swap3A_288, %swap3A_289], %mul3A_287 {strides = array<i32>} : memref<96x128xf32, #tpu.memory_space<vmem>>, vector<16xf32>,
        %get3A_291 = arith.index_cast %add3A_238 : i32 to index
        %get3A_292 = arith.constant 112 : index
        %get3A_293 = tpu.vector_load %arg14[%get3A_291, %get3A_292] {strides = array<i32>} : memref<96x128xf32, #tpu.memory_space<vmem>>, vector<16xf32>,
        %mul3A_294 = arith.mulf %get3A_293, %broadcast_in_dim3A_241 : vector<16xf32>
        %swap3A_295 = arith.index_cast %add3A_238 : i32 to index
        %swap3A_296 = arith.constant 112 : index
        %swap3A_297 = tpu.vector_load %arg14[%swap3A_295, %swap3A_296] {strides = array<i32>} : memref<96x128xf32, #tpu.memory_space<vmem>>, vector<16xf32>,
        tpu.vector_store %arg14[%swap3A_295, %swap3A_296], %mul3A_294 {strides = array<i32>} : memref<96x128xf32, #tpu.memory_space<vmem>>, vector<16xf32>,
        %mul3A_298 = arith.constant 16 : i32
        %mul3A_299 = arith.muli %add3A_156, %mul3A_298 : i32
        %add3A_300 = arith.constant 2 : i32
        %add3A_301 = arith.addi %mul3A_299, %add3A_300 : i32
        %slice3A_302 = vector.extract_strided_slice %exp3A {offsets = [2], sizes = [1], strides = [1]} : vector<16xf32> to vector<1xf32>
        %squeeze3A_303 = vector.extract %slice3A_302[0] : f32 from vector<1xf32>
        %broadcast_in_dim3A_304 = vector.broadcast %squeeze3A_303 : f32 to vector<16xf32>
        %get3A_305 = arith.index_cast %add3A_301 : i32 to index
        %get3A_306 = arith.constant 0 : index
        %get3A_307 = tpu.vector_load %arg14[%get3A_305, %get3A_306] {strides = array<i32>} : memref<96x128xf32, #tpu.memory_space<vmem>>, vector<16xf32>,
        %mul3A_308 = arith.mulf %get3A_307, %broadcast_in_dim3A_304 : vector<16xf32>
        %swap3A_309 = arith.index_cast %add3A_301 : i32 to index
        %swap3A_310 = arith.constant 0 : index
        %swap3A_311 = tpu.vector_load %arg14[%swap3A_309, %swap3A_310] {strides = array<i32>} : memref<96x128xf32, #tpu.memory_space<vmem>>, vector<16xf32>,
        tpu.vector_store %arg14[%swap3A_309, %swap3A_310], %mul3A_308 {strides = array<i32>} : memref<96x128xf32, #tpu.memory_space<vmem>>, vector<16xf32>,
        %get3A_312 = arith.index_cast %add3A_301 : i32 to index
        %get3A_313 = arith.constant 16 : index
        %get3A_314 = tpu.vector_load %arg14[%get3A_312, %get3A_313] {strides = array<i32>} : memref<96x128xf32, #tpu.memory_space<vmem>>, vector<16xf32>,
        %mul3A_315 = arith.mulf %get3A_314, %broadcast_in_dim3A_304 : vector<16xf32>
        %swap3A_316 = arith.index_cast %add3A_301 : i32 to index
        %swap3A_317 = arith.constant 16 : index
        %swap3A_318 = tpu.vector_load %arg14[%swap3A_316, %swap3A_317] {strides = array<i32>} : memref<96x128xf32, #tpu.memory_space<vmem>>, vector<16xf32>,
        tpu.vector_store %arg14[%swap3A_316, %swap3A_317], %mul3A_315 {strides = array<i32>} : memref<96x128xf32, #tpu.memory_space<vmem>>, vector<16xf32>,
        %get3A_319 = arith.index_cast %add3A_301 : i32 to index
        %get3A_320 = arith.constant 32 : index
        %get3A_321 = tpu.vector_load %arg14[%get3A_319, %get3A_320] {strides = array<i32>} : memref<96x128xf32, #tpu.memory_space<vmem>>, vector<16xf32>,
        %mul3A_322 = arith.mulf %get3A_321, %broadcast_in_dim3A_304 : vector<16xf32>
        %swap3A_323 = arith.index_cast %add3A_301 : i32 to index
        %swap3A_324 = arith.constant 32 : index
        %swap3A_325 = tpu.vector_load %arg14[%swap3A_323, %swap3A_324] {strides = array<i32>} : memref<96x128xf32, #tpu.memory_space<vmem>>, vector<16xf32>,
        tpu.vector_store %arg14[%swap3A_323, %swap3A_324], %mul3A_322 {strides = array<i32>} : memref<96x128xf32, #tpu.memory_space<vmem>>, vector<16xf32>,
        %get3A_326 = arith.index_cast %add3A_301 : i32 to index
        %get3A_327 = arith.constant 48 : index
        %get3A_328 = tpu.vector_load %arg14[%get3A_326, %get3A_327] {strides = array<i32>} : memref<96x128xf32, #tpu.memory_space<vmem>>, vector<16xf32>,
        %mul3A_329 = arith.mulf %get3A_328, %broadcast_in_dim3A_304 : vector<16xf32>
        %swap3A_330 = arith.index_cast %add3A_301 : i32 to index
        %swap3A_331 = arith.constant 48 : index
        %swap3A_332 = tpu.vector_load %arg14[%swap3A_330, %swap3A_331] {strides = array<i32>} : memref<96x128xf32, #tpu.memory_space<vmem>>, vector<16xf32>,
        tpu.vector_store %arg14[%swap3A_330, %swap3A_331], %mul3A_329 {strides = array<i32>} : memref<96x128xf32, #tpu.memory_space<vmem>>, vector<16xf32>,
        %get3A_333 = arith.index_cast %add3A_301 : i32 to index
        %get3A_334 = arith.constant 64 : index
        %get3A_335 = tpu.vector_load %arg14[%get3A_333, %get3A_334] {strides = array<i32>} : memref<96x128xf32, #tpu.memory_space<vmem>>, vector<16xf32>,
        %mul3A_336 = arith.mulf %get3A_335, %broadcast_in_dim3A_304 : vector<16xf32>
        %swap3A_337 = arith.index_cast %add3A_301 : i32 to index
        %swap3A_338 = arith.constant 64 : index
        %swap3A_339 = tpu.vector_load %arg14[%swap3A_337, %swap3A_338] {strides = array<i32>} : memref<96x128xf32, #tpu.memory_space<vmem>>, vector<16xf32>,
        tpu.vector_store %arg14[%swap3A_337, %swap3A_338], %mul3A_336 {strides = array<i32>} : memref<96x128xf32, #tpu.memory_space<vmem>>, vector<16xf32>,
        %get3A_340 = arith.index_cast %add3A_301 : i32 to index
        %get3A_341 = arith.constant 80 : index
        %get3A_342 = tpu.vector_load %arg14[%get3A_340, %get3A_341] {strides = array<i32>} : memref<96x128xf32, #tpu.memory_space<vmem>>, vector<16xf32>,
        %mul3A_343 = arith.mulf %get3A_342, %broadcast_in_dim3A_304 : vector<16xf32>
        %swap3A_344 = arith.index_cast %add3A_301 : i32 to index
        %swap3A_345 = arith.constant 80 : index
        %swap3A_346 = tpu.vector_load %arg14[%swap3A_344, %swap3A_345] {strides = array<i32>} : memref<96x128xf32, #tpu.memory_space<vmem>>, vector<16xf32>,
        tpu.vector_store %arg14[%swap3A_344, %swap3A_345], %mul3A_343 {strides = array<i32>} : memref<96x128xf32, #tpu.memory_space<vmem>>, vector<16xf32>,
        %get3A_347 = arith.index_cast %add3A_301 : i32 to index
        %get3A_348 = arith.constant 96 : index
        %get3A_349 = tpu.vector_load %arg14[%get3A_347, %get3A_348] {strides = array<i32>} : memref<96x128xf32, #tpu.memory_space<vmem>>, vector<16xf32>,
        %mul3A_350 = arith.mulf %get3A_349, %broadcast_in_dim3A_304 : vector<16xf32>
        %swap3A_351 = arith.index_cast %add3A_301 : i32 to index
        %swap3A_352 = arith.constant 96 : index
        %swap3A_353 = tpu.vector_load %arg14[%swap3A_351, %swap3A_352] {strides = array<i32>} : memref<96x128xf32, #tpu.memory_space<vmem>>, vector<16xf32>,
        tpu.vector_store %arg14[%swap3A_351, %swap3A_352], %mul3A_350 {strides = array<i32>} : memref<96x128xf32, #tpu.memory_space<vmem>>, vector<16xf32>,
        %get3A_354 = arith.index_cast %add3A_301 : i32 to index
        %get3A_355 = arith.constant 112 : index
        %get3A_356 = tpu.vector_load %arg14[%get3A_354, %get3A_355] {strides = array<i32>} : memref<96x128xf32, #tpu.memory_space<vmem>>, vector<16xf32>,
        %mul3A_357 = arith.mulf %get3A_356, %broadcast_in_dim3A_304 : vector<16xf32>
        %swap3A_358 = arith.index_cast %add3A_301 : i32 to index
        %swap3A_359 = arith.constant 112 : index
        %swap3A_360 = tpu.vector_load %arg14[%swap3A_358, %swap3A_359] {strides = array<i32>} : memref<96x128xf32, #tpu.memory_space<vmem>>, vector<16xf32>,
        tpu.vector_store %arg14[%swap3A_358, %swap3A_359], %mul3A_357 {strides = array<i32>} : memref<96x128xf32, #tpu.memory_space<vmem>>, vector<16xf32>,
        %mul3A_361 = arith.constant 16 : i32
        %mul3A_362 = arith.muli %add3A_156, %mul3A_361 : i32
        %add3A_363 = arith.constant 3 : i32
        %add3A_364 = arith.addi %mul3A_362, %add3A_363 : i32
        %slice3A_365 = vector.extract_strided_slice %exp3A {offsets = [3], sizes = [1], strides = [1]} : vector<16xf32> to vector<1xf32>
        %squeeze3A_366 = vector.extract %slice3A_365[0] : f32 from vector<1xf32>
        %broadcast_in_dim3A_367 = vector.broadcast %squeeze3A_366 : f32 to vector<16xf32>
        %get3A_368 = arith.index_cast %add3A_364 : i32 to index
        %get3A_369 = arith.constant 0 : index
        %get3A_370 = tpu.vector_load %arg14[%get3A_368, %get3A_369] {strides = array<i32>} : memref<96x128xf32, #tpu.memory_space<vmem>>, vector<16xf32>,
        %mul3A_371 = arith.mulf %get3A_370, %broadcast_in_dim3A_367 : vector<16xf32>
        %swap3A_372 = arith.index_cast %add3A_364 : i32 to index
        %swap3A_373 = arith.constant 0 : index
        %swap3A_374 = tpu.vector_load %arg14[%swap3A_372, %swap3A_373] {strides = array<i32>} : memref<96x128xf32, #tpu.memory_space<vmem>>, vector<16xf32>,
        tpu.vector_store %arg14[%swap3A_372, %swap3A_373], %mul3A_371 {strides = array<i32>} : memref<96x128xf32, #tpu.memory_space<vmem>>, vector<16xf32>,
        %get3A_375 = arith.index_cast %add3A_364 : i32 to index
        %get3A_376 = arith.constant 16 : index
        %get3A_377 = tpu.vector_load %arg14[%get3A_375, %get3A_376] {strides = array<i32>} : memref<96x128xf32, #tpu.memory_space<vmem>>, vector<16xf32>,
        %mul3A_378 = arith.mulf %get3A_377, %broadcast_in_dim3A_367 : vector<16xf32>
        %swap3A_379 = arith.index_cast %add3A_364 : i32 to index
        %swap3A_380 = arith.constant 16 : index
        %swap3A_381 = tpu.vector_load %arg14[%swap3A_379, %swap3A_380] {strides = array<i32>} : memref<96x128xf32, #tpu.memory_space<vmem>>, vector<16xf32>,
        tpu.vector_store %arg14[%swap3A_379, %swap3A_380], %mul3A_378 {strides = array<i32>} : memref<96x128xf32, #tpu.memory_space<vmem>>, vector<16xf32>,
        %get3A_382 = arith.index_cast %add3A_364 : i32 to index
        %get3A_383 = arith.constant 32 : index
        %get3A_384 = tpu.vector_load %arg14[%get3A_382, %get3A_383] {strides = array<i32>} : memref<96x128xf32, #tpu.memory_space<vmem>>, vector<16xf32>,
        %mul3A_385 = arith.mulf %get3A_384, %broadcast_in_dim3A_367 : vector<16xf32>
        %swap3A_386 = arith.index_cast %add3A_364 : i32 to index
        %swap3A_387 = arith.constant 32 : index
        %swap3A_388 = tpu.vector_load %arg14[%swap3A_386, %swap3A_387] {strides = array<i32>} : memref<96x128xf32, #tpu.memory_space<vmem>>, vector<16xf32>,
        tpu.vector_store %arg14[%swap3A_386, %swap3A_387], %mul3A_385 {strides = array<i32>} : memref<96x128xf32, #tpu.memory_space<vmem>>, vector<16xf32>,
        %get3A_389 = arith.index_cast %add3A_364 : i32 to index
        %get3A_390 = arith.constant 48 : index
        %get3A_391 = tpu.vector_load %arg14[%get3A_389, %get3A_390] {strides = array<i32>} : memref<96x128xf32, #tpu.memory_space<vmem>>, vector<16xf32>,
        %mul3A_392 = arith.mulf %get3A_391, %broadcast_in_dim3A_367 : vector<16xf32>
        %swap3A_393 = arith.index_cast %add3A_364 : i32 to index
        %swap3A_394 = arith.constant 48 : index
        %swap3A_395 = tpu.vector_load %arg14[%swap3A_393, %swap3A_394] {strides = array<i32>} : memref<96x128xf32, #tpu.memory_space<vmem>>, vector<16xf32>,
        tpu.vector_store %arg14[%swap3A_393, %swap3A_394], %mul3A_392 {strides = array<i32>} : memref<96x128xf32, #tpu.memory_space<vmem>>, vector<16xf32>,
        %get3A_396 = arith.index_cast %add3A_364 : i32 to index
        %get3A_397 = arith.constant 64 : index
        %get3A_398 = tpu.vector_load %arg14[%get3A_396, %get3A_397] {strides = array<i32>} : memref<96x128xf32, #tpu.memory_space<vmem>>, vector<16xf32>,
        %mul3A_399 = arith.mulf %get3A_398, %broadcast_in_dim3A_367 : vector<16xf32>
        %swap3A_400 = arith.index_cast %add3A_364 : i32 to index
        %swap3A_401 = arith.constant 64 : index
        %swap3A_402 = tpu.vector_load %arg14[%swap3A_400, %swap3A_401] {strides = array<i32>} : memref<96x128xf32, #tpu.memory_space<vmem>>, vector<16xf32>,
        tpu.vector_store %arg14[%swap3A_400, %swap3A_401], %mul3A_399 {strides = array<i32>} : memref<96x128xf32, #tpu.memory_space<vmem>>, vector<16xf32>,
        %get3A_403 = arith.index_cast %add3A_364 : i32 to index
        %get3A_404 = arith.constant 80 : index
        %get3A_405 = tpu.vector_load %arg14[%get3A_403, %get3A_404] {strides = array<i32>} : memref<96x128xf32, #tpu.memory_space<vmem>>, vector<16xf32>,
        %mul3A_406 = arith.mulf %get3A_405, %broadcast_in_dim3A_367 : vector<16xf32>
        %swap3A_407 = arith.index_cast %add3A_364 : i32 to index
        %swap3A_408 = arith.constant 80 : index
        %swap3A_409 = tpu.vector_load %arg14[%swap3A_407, %swap3A_408] {strides = array<i32>} : memref<96x128xf32, #tpu.memory_space<vmem>>, vector<16xf32>,
        tpu.vector_store %arg14[%swap3A_407, %swap3A_408], %mul3A_406 {strides = array<i32>} : memref<96x128xf32, #tpu.memory_space<vmem>>, vector<16xf32>,
        %get3A_410 = arith.index_cast %add3A_364 : i32 to index
        %get3A_411 = arith.constant 96 : index
        %get3A_412 = tpu.vector_load %arg14[%get3A_410, %get3A_411] {strides = array<i32>} : memref<96x128xf32, #tpu.memory_space<vmem>>, vector<16xf32>,
        %mul3A_413 = arith.mulf %get3A_412, %broadcast_in_dim3A_367 : vector<16xf32>
        %swap3A_414 = arith.index_cast %add3A_364 : i32 to index
        %swap3A_415 = arith.constant 96 : index
        %swap3A_416 = tpu.vector_load %arg14[%swap3A_414, %swap3A_415] {strides = array<i32>} : memref<96x128xf32, #tpu.memory_space<vmem>>, vector<16xf32>,
        tpu.vector_store %arg14[%swap3A_414, %swap3A_415], %mul3A_413 {strides = array<i32>} : memref<96x128xf32, #tpu.memory_space<vmem>>, vector<16xf32>,
        %get3A_417 = arith.index_cast %add3A_364 : i32 to index
        %get3A_418 = arith.constant 112 : index
        %get3A_419 = tpu.vector_load %arg14[%get3A_417, %get3A_418] {strides = array<i32>} : memref<96x128xf32, #tpu.memory_space<vmem>>, vector<16xf32>,
        %mul3A_420 = arith.mulf %get3A_419, %broadcast_in_dim3A_367 : vector<16xf32>
        %swap3A_421 = arith.index_cast %add3A_364 : i32 to index
        %swap3A_422 = arith.constant 112 : index
        %swap3A_423 = tpu.vector_load %arg14[%swap3A_421, %swap3A_422] {strides = array<i32>} : memref<96x128xf32, #tpu.memory_space<vmem>>, vector<16xf32>,
        tpu.vector_store %arg14[%swap3A_421, %swap3A_422], %mul3A_420 {strides = array<i32>} : memref<96x128xf32, #tpu.memory_space<vmem>>, vector<16xf32>,
        %mul3A_424 = arith.constant 16 : i32
        %mul3A_425 = arith.muli %add3A_156, %mul3A_424 : i32
        %add3A_426 = arith.constant 4 : i32
        %add3A_427 = arith.addi %mul3A_425, %add3A_426 : i32
        %slice3A_428 = vector.extract_strided_slice %exp3A {offsets = [4], sizes = [1], strides = [1]} : vector<16xf32> to vector<1xf32>
        %squeeze3A_429 = vector.extract %slice3A_428[0] : f32 from vector<1xf32>
        %broadcast_in_dim3A_430 = vector.broadcast %squeeze3A_429 : f32 to vector<16xf32>
        %get3A_431 = arith.index_cast %add3A_427 : i32 to index
        %get3A_432 = arith.constant 0 : index
        %get3A_433 = tpu.vector_load %arg14[%get3A_431, %get3A_432] {strides = array<i32>} : memref<96x128xf32, #tpu.memory_space<vmem>>, vector<16xf32>,
        %mul3A_434 = arith.mulf %get3A_433, %broadcast_in_dim3A_430 : vector<16xf32>
        %swap3A_435 = arith.index_cast %add3A_427 : i32 to index
        %swap3A_436 = arith.constant 0 : index
        %swap3A_437 = tpu.vector_load %arg14[%swap3A_435, %swap3A_436] {strides = array<i32>} : memref<96x128xf32, #tpu.memory_space<vmem>>, vector<16xf32>,
        tpu.vector_store %arg14[%swap3A_435, %swap3A_436], %mul3A_434 {strides = array<i32>} : memref<96x128xf32, #tpu.memory_space<vmem>>, vector<16xf32>,
        %get3A_438 = arith.index_cast %add3A_427 : i32 to index
        %get3A_439 = arith.constant 16 : index
        %get3A_440 = tpu.vector_load %arg14[%get3A_438, %get3A_439] {strides = array<i32>} : memref<96x128xf32, #tpu.memory_space<vmem>>, vector<16xf32>,
        %mul3A_441 = arith.mulf %get3A_440, %broadcast_in_dim3A_430 : vector<16xf32>
        %swap3A_442 = arith.index_cast %add3A_427 : i32 to index
        %swap3A_443 = arith.constant 16 : index
        %swap3A_444 = tpu.vector_load %arg14[%swap3A_442, %swap3A_443] {strides = array<i32>} : memref<96x128xf32, #tpu.memory_space<vmem>>, vector<16xf32>,
        tpu.vector_store %arg14[%swap3A_442, %swap3A_443], %mul3A_441 {strides = array<i32>} : memref<96x128xf32, #tpu.memory_space<vmem>>, vector<16xf32>,
        %get3A_445 = arith.index_cast %add3A_427 : i32 to index
        %get3A_446 = arith.constant 32 : index
        %get3A_447 = tpu.vector_load %arg14[%get3A_445, %get3A_446] {strides = array<i32>} : memref<96x128xf32, #tpu.memory_space<vmem>>, vector<16xf32>,
        %mul3A_448 = arith.mulf %get3A_447, %broadcast_in_dim3A_430 : vector<16xf32>
        %swap3A_449 = arith.index_cast %add3A_427 : i32 to index
        %swap3A_450 = arith.constant 32 : index
        %swap3A_451 = tpu.vector_load %arg14[%swap3A_449, %swap3A_450] {strides = array<i32>} : memref<96x128xf32, #tpu.memory_space<vmem>>, vector<16xf32>,
        tpu.vector_store %arg14[%swap3A_449, %swap3A_450], %mul3A_448 {strides = array<i32>} : memref<96x128xf32, #tpu.memory_space<vmem>>, vector<16xf32>,
        %get3A_452 = arith.index_cast %add3A_427 : i32 to index
        %get3A_453 = arith.constant 48 : index
        %get3A_454 = tpu.vector_load %arg14[%get3A_452, %get3A_453] {strides = array<i32>} : memref<96x128xf32, #tpu.memory_space<vmem>>, vector<16xf32>,
        %mul3A_455 = arith.mulf %get3A_454, %broadcast_in_dim3A_430 : vector<16xf32>
        %swap3A_456 = arith.index_cast %add3A_427 : i32 to index
        %swap3A_457 = arith.constant 48 : index
        %swap3A_458 = tpu.vector_load %arg14[%swap3A_456, %swap3A_457] {strides = array<i32>} : memref<96x128xf32, #tpu.memory_space<vmem>>, vector<16xf32>,
        tpu.vector_store %arg14[%swap3A_456, %swap3A_457], %mul3A_455 {strides = array<i32>} : memref<96x128xf32, #tpu.memory_space<vmem>>, vector<16xf32>,
        %get3A_459 = arith.index_cast %add3A_427 : i32 to index
        %get3A_460 = arith.constant 64 : index
        %get3A_461 = tpu.vector_load %arg14[%get3A_459, %get3A_460] {strides = array<i32>} : memref<96x128xf32, #tpu.memory_space<vmem>>, vector<16xf32>,
        %mul3A_462 = arith.mulf %get3A_461, %broadcast_in_dim3A_430 : vector<16xf32>
        %swap3A_463 = arith.index_cast %add3A_427 : i32 to index
        %swap3A_464 = arith.constant 64 : index
        %swap3A_465 = tpu.vector_load %arg14[%swap3A_463, %swap3A_464] {strides = array<i32>} : memref<96x128xf32, #tpu.memory_space<vmem>>, vector<16xf32>,
        tpu.vector_store %arg14[%swap3A_463, %swap3A_464], %mul3A_462 {strides = array<i32>} : memref<96x128xf32, #tpu.memory_space<vmem>>, vector<16xf32>,
        %get3A_466 = arith.index_cast %add3A_427 : i32 to index
        %get3A_467 = arith.constant 80 : index
        %get3A_468 = tpu.vector_load %arg14[%get3A_466, %get3A_467] {strides = array<i32>} : memref<96x128xf32, #tpu.memory_space<vmem>>, vector<16xf32>,
        %mul3A_469 = arith.mulf %get3A_468, %broadcast_in_dim3A_430 : vector<16xf32>
        %swap3A_470 = arith.index_cast %add3A_427 : i32 to index
        %swap3A_471 = arith.constant 80 : index
        %swap3A_472 = tpu.vector_load %arg14[%swap3A_470, %swap3A_471] {strides = array<i32>} : memref<96x128xf32, #tpu.memory_space<vmem>>, vector<16xf32>,
        tpu.vector_store %arg14[%swap3A_470, %swap3A_471], %mul3A_469 {strides = array<i32>} : memref<96x128xf32, #tpu.memory_space<vmem>>, vector<16xf32>,
        %get3A_473 = arith.index_cast %add3A_427 : i32 to index
        %get3A_474 = arith.constant 96 : index
        %get3A_475 = tpu.vector_load %arg14[%get3A_473, %get3A_474] {strides = array<i32>} : memref<96x128xf32, #tpu.memory_space<vmem>>, vector<16xf32>,
        %mul3A_476 = arith.mulf %get3A_475, %broadcast_in_dim3A_430 : vector<16xf32>
        %swap3A_477 = arith.index_cast %add3A_427 : i32 to index
        %swap3A_478 = arith.constant 96 : index
        %swap3A_479 = tpu.vector_load %arg14[%swap3A_477, %swap3A_478] {strides = array<i32>} : memref<96x128xf32, #tpu.memory_space<vmem>>, vector<16xf32>,
        tpu.vector_store %arg14[%swap3A_477, %swap3A_478], %mul3A_476 {strides = array<i32>} : memref<96x128xf32, #tpu.memory_space<vmem>>, vector<16xf32>,
        %get3A_480 = arith.index_cast %add3A_427 : i32 to index
        %get3A_481 = arith.constant 112 : index
        %get3A_482 = tpu.vector_load %arg14[%get3A_480, %get3A_481] {strides = array<i32>} : memref<96x128xf32, #tpu.memory_space<vmem>>, vector<16xf32>,
        %mul3A_483 = arith.mulf %get3A_482, %broadcast_in_dim3A_430 : vector<16xf32>
        %swap3A_484 = arith.index_cast %add3A_427 : i32 to index
        %swap3A_485 = arith.constant 112 : index
        %swap3A_486 = tpu.vector_load %arg14[%swap3A_484, %swap3A_485] {strides = array<i32>} : memref<96x128xf32, #tpu.memory_space<vmem>>, vector<16xf32>,
        tpu.vector_store %arg14[%swap3A_484, %swap3A_485], %mul3A_483 {strides = array<i32>} : memref<96x128xf32, #tpu.memory_space<vmem>>, vector<16xf32>,
        %mul3A_487 = arith.constant 16 : i32
        %mul3A_488 = arith.muli %add3A_156, %mul3A_487 : i32
        %add3A_489 = arith.constant 5 : i32
        %add3A_490 = arith.addi %mul3A_488, %add3A_489 : i32
        %slice3A_491 = vector.extract_strided_slice %exp3A {offsets = [5], sizes = [1], strides = [1]} : vector<16xf32> to vector<1xf32>
        %squeeze3A_492 = vector.extract %slice3A_491[0] : f32 from vector<1xf32>
        %broadcast_in_dim3A_493 = vector.broadcast %squeeze3A_492 : f32 to vector<16xf32>
        %get3A_494 = arith.index_cast %add3A_490 : i32 to index
        %get3A_495 = arith.constant 0 : index
        %get3A_496 = tpu.vector_load %arg14[%get3A_494, %get3A_495] {strides = array<i32>} : memref<96x128xf32, #tpu.memory_space<vmem>>, vector<16xf32>,
        %mul3A_497 = arith.mulf %get3A_496, %broadcast_in_dim3A_493 : vector<16xf32>
        %swap3A_498 = arith.index_cast %add3A_490 : i32 to index
        %swap3A_499 = arith.constant 0 : index
        %swap3A_500 = tpu.vector_load %arg14[%swap3A_498, %swap3A_499] {strides = array<i32>} : memref<96x128xf32, #tpu.memory_space<vmem>>, vector<16xf32>,
        tpu.vector_store %arg14[%swap3A_498, %swap3A_499], %mul3A_497 {strides = array<i32>} : memref<96x128xf32, #tpu.memory_space<vmem>>, vector<16xf32>,
        %get3A_501 = arith.index_cast %add3A_490 : i32 to index
        %get3A_502 = arith.constant 16 : index
        %get3A_503 = tpu.vector_load %arg14[%get3A_501, %get3A_502] {strides = array<i32>} : memref<96x128xf32, #tpu.memory_space<vmem>>, vector<16xf32>,
        %mul3A_504 = arith.mulf %get3A_503, %broadcast_in_dim3A_493 : vector<16xf32>
        %swap3A_505 = arith.index_cast %add3A_490 : i32 to index
        %swap3A_506 = arith.constant 16 : index
        %swap3A_507 = tpu.vector_load %arg14[%swap3A_505, %swap3A_506] {strides = array<i32>} : memref<96x128xf32, #tpu.memory_space<vmem>>, vector<16xf32>,
        tpu.vector_store %arg14[%swap3A_505, %swap3A_506], %mul3A_504 {strides = array<i32>} : memref<96x128xf32, #tpu.memory_space<vmem>>, vector<16xf32>,
        %get3A_508 = arith.index_cast %add3A_490 : i32 to index
        %get3A_509 = arith.constant 32 : index
        %get3A_510 = tpu.vector_load %arg14[%get3A_508, %get3A_509] {strides = array<i32>} : memref<96x128xf32, #tpu.memory_space<vmem>>, vector<16xf32>,
        %mul3A_511 = arith.mulf %get3A_510, %broadcast_in_dim3A_493 : vector<16xf32>
        %swap3A_512 = arith.index_cast %add3A_490 : i32 to index
        %swap3A_513 = arith.constant 32 : index
        %swap3A_514 = tpu.vector_load %arg14[%swap3A_512, %swap3A_513] {strides = array<i32>} : memref<96x128xf32, #tpu.memory_space<vmem>>, vector<16xf32>,
        tpu.vector_store %arg14[%swap3A_512, %swap3A_513], %mul3A_511 {strides = array<i32>} : memref<96x128xf32, #tpu.memory_space<vmem>>, vector<16xf32>,
        %get3A_515 = arith.index_cast %add3A_490 : i32 to index
        %get3A_516 = arith.constant 48 : index
        %get3A_517 = tpu.vector_load %arg14[%get3A_515, %get3A_516] {strides = array<i32>} : memref<96x128xf32, #tpu.memory_space<vmem>>, vector<16xf32>,
        %mul3A_518 = arith.mulf %get3A_517, %broadcast_in_dim3A_493 : vector<16xf32>
        %swap3A_519 = arith.index_cast %add3A_490 : i32 to index
        %swap3A_520 = arith.constant 48 : index
        %swap3A_521 = tpu.vector_load %arg14[%swap3A_519, %swap3A_520] {strides = array<i32>} : memref<96x128xf32, #tpu.memory_space<vmem>>, vector<16xf32>,
        tpu.vector_store %arg14[%swap3A_519, %swap3A_520], %mul3A_518 {strides = array<i32>} : memref<96x128xf32, #tpu.memory_space<vmem>>, vector<16xf32>,
        %get3A_522 = arith.index_cast %add3A_490 : i32 to index
        %get3A_523 = arith.constant 64 : index
        %get3A_524 = tpu.vector_load %arg14[%get3A_522, %get3A_523] {strides = array<i32>} : memref<96x128xf32, #tpu.memory_space<vmem>>, vector<16xf32>,
        %mul3A_525 = arith.mulf %get3A_524, %broadcast_in_dim3A_493 : vector<16xf32>
        %swap3A_526 = arith.index_cast %add3A_490 : i32 to index
        %swap3A_527 = arith.constant 64 : index
        %swap3A_528 = tpu.vector_load %arg14[%swap3A_526, %swap3A_527] {strides = array<i32>} : memref<96x128xf32, #tpu.memory_space<vmem>>, vector<16xf32>,
        tpu.vector_store %arg14[%swap3A_526, %swap3A_527], %mul3A_525 {strides = array<i32>} : memref<96x128xf32, #tpu.memory_space<vmem>>, vector<16xf32>,
        %get3A_529 = arith.index_cast %add3A_490 : i32 to index
        %get3A_530 = arith.constant 80 : index
        %get3A_531 = tpu.vector_load %arg14[%get3A_529, %get3A_530] {strides = array<i32>} : memref<96x128xf32, #tpu.memory_space<vmem>>, vector<16xf32>,
        %mul3A_532 = arith.mulf %get3A_531, %broadcast_in_dim3A_493 : vector<16xf32>
        %swap3A_533 = arith.index_cast %add3A_490 : i32 to index
        %swap3A_534 = arith.constant 80 : index
        %swap3A_535 = tpu.vector_load %arg14[%swap3A_533, %swap3A_534] {strides = array<i32>} : memref<96x128xf32, #tpu.memory_space<vmem>>, vector<16xf32>,
        tpu.vector_store %arg14[%swap3A_533, %swap3A_534], %mul3A_532 {strides = array<i32>} : memref<96x128xf32, #tpu.memory_space<vmem>>, vector<16xf32>,
        %get3A_536 = arith.index_cast %add3A_490 : i32 to index
        %get3A_537 = arith.constant 96 : index
        %get3A_538 = tpu.vector_load %arg14[%get3A_536, %get3A_537] {strides = array<i32>} : memref<96x128xf32, #tpu.memory_space<vmem>>, vector<16xf32>,
        %mul3A_539 = arith.mulf %get3A_538, %broadcast_in_dim3A_493 : vector<16xf32>
        %swap3A_540 = arith.index_cast %add3A_490 : i32 to index
        %swap3A_541 = arith.constant 96 : index
        %swap3A_542 = tpu.vector_load %arg14[%swap3A_540, %swap3A_541] {strides = array<i32>} : memref<96x128xf32, #tpu.memory_space<vmem>>, vector<16xf32>,
        tpu.vector_store %arg14[%swap3A_540, %swap3A_541], %mul3A_539 {strides = array<i32>} : memref<96x128xf32, #tpu.memory_space<vmem>>, vector<16xf32>,
        %get3A_543 = arith.index_cast %add3A_490 : i32 to index
        %get3A_544 = arith.constant 112 : index
        %get3A_545 = tpu.vector_load %arg14[%get3A_543, %get3A_544] {strides = array<i32>} : memref<96x128xf32, #tpu.memory_space<vmem>>, vector<16xf32>,
        %mul3A_546 = arith.mulf %get3A_545, %broadcast_in_dim3A_493 : vector<16xf32>
        %swap3A_547 = arith.index_cast %add3A_490 : i32 to index
        %swap3A_548 = arith.constant 112 : index
        %swap3A_549 = tpu.vector_load %arg14[%swap3A_547, %swap3A_548] {strides = array<i32>} : memref<96x128xf32, #tpu.memory_space<vmem>>, vector<16xf32>,
        tpu.vector_store %arg14[%swap3A_547, %swap3A_548], %mul3A_546 {strides = array<i32>} : memref<96x128xf32, #tpu.memory_space<vmem>>, vector<16xf32>,
        %mul3A_550 = arith.constant 16 : i32
        %mul3A_551 = arith.muli %add3A_156, %mul3A_550 : i32
        %add3A_552 = arith.constant 6 : i32
        %add3A_553 = arith.addi %mul3A_551, %add3A_552 : i32
        %slice3A_554 = vector.extract_strided_slice %exp3A {offsets = [6], sizes = [1], strides = [1]} : vector<16xf32> to vector<1xf32>
        %squeeze3A_555 = vector.extract %slice3A_554[0] : f32 from vector<1xf32>
        %broadcast_in_dim3A_556 = vector.broadcast %squeeze3A_555 : f32 to vector<16xf32>
        %get3A_557 = arith.index_cast %add3A_553 : i32 to index
        %get3A_558 = arith.constant 0 : index
        %get3A_559 = tpu.vector_load %arg14[%get3A_557, %get3A_558] {strides = array<i32>} : memref<96x128xf32, #tpu.memory_space<vmem>>, vector<16xf32>,
        %mul3A_560 = arith.mulf %get3A_559, %broadcast_in_dim3A_556 : vector<16xf32>
        %swap3A_561 = arith.index_cast %add3A_553 : i32 to index
        %swap3A_562 = arith.constant 0 : index
        %swap3A_563 = tpu.vector_load %arg14[%swap3A_561, %swap3A_562] {strides = array<i32>} : memref<96x128xf32, #tpu.memory_space<vmem>>, vector<16xf32>,
        tpu.vector_store %arg14[%swap3A_561, %swap3A_562], %mul3A_560 {strides = array<i32>} : memref<96x128xf32, #tpu.memory_space<vmem>>, vector<16xf32>,
        %get3A_564 = arith.index_cast %add3A_553 : i32 to index
        %get3A_565 = arith.constant 16 : index
        %get3A_566 = tpu.vector_load %arg14[%get3A_564, %get3A_565] {strides = array<i32>} : memref<96x128xf32, #tpu.memory_space<vmem>>, vector<16xf32>,
        %mul3A_567 = arith.mulf %get3A_566, %broadcast_in_dim3A_556 : vector<16xf32>
        %swap3A_568 = arith.index_cast %add3A_553 : i32 to index
        %swap3A_569 = arith.constant 16 : index
        %swap3A_570 = tpu.vector_load %arg14[%swap3A_568, %swap3A_569] {strides = array<i32>} : memref<96x128xf32, #tpu.memory_space<vmem>>, vector<16xf32>,
        tpu.vector_store %arg14[%swap3A_568, %swap3A_569], %mul3A_567 {strides = array<i32>} : memref<96x128xf32, #tpu.memory_space<vmem>>, vector<16xf32>,
        %get3A_571 = arith.index_cast %add3A_553 : i32 to index
        %get3A_572 = arith.constant 32 : index
        %get3A_573 = tpu.vector_load %arg14[%get3A_571, %get3A_572] {strides = array<i32>} : memref<96x128xf32, #tpu.memory_space<vmem>>, vector<16xf32>,
        %mul3A_574 = arith.mulf %get3A_573, %broadcast_in_dim3A_556 : vector<16xf32>
        %swap3A_575 = arith.index_cast %add3A_553 : i32 to index
        %swap3A_576 = arith.constant 32 : index
        %swap3A_577 = tpu.vector_load %arg14[%swap3A_575, %swap3A_576] {strides = array<i32>} : memref<96x128xf32, #tpu.memory_space<vmem>>, vector<16xf32>,
        tpu.vector_store %arg14[%swap3A_575, %swap3A_576], %mul3A_574 {strides = array<i32>} : memref<96x128xf32, #tpu.memory_space<vmem>>, vector<16xf32>,
        %get3A_578 = arith.index_cast %add3A_553 : i32 to index
        %get3A_579 = arith.constant 48 : index
        %get3A_580 = tpu.vector_load %arg14[%get3A_578, %get3A_579] {strides = array<i32>} : memref<96x128xf32, #tpu.memory_space<vmem>>, vector<16xf32>,
        %mul3A_581 = arith.mulf %get3A_580, %broadcast_in_dim3A_556 : vector<16xf32>
        %swap3A_582 = arith.index_cast %add3A_553 : i32 to index
        %swap3A_583 = arith.constant 48 : index
        %swap3A_584 = tpu.vector_load %arg14[%swap3A_582, %swap3A_583] {strides = array<i32>} : memref<96x128xf32, #tpu.memory_space<vmem>>, vector<16xf32>,
        tpu.vector_store %arg14[%swap3A_582, %swap3A_583], %mul3A_581 {strides = array<i32>} : memref<96x128xf32, #tpu.memory_space<vmem>>, vector<16xf32>,
        %get3A_585 = arith.index_cast %add3A_553 : i32 to index
        %get3A_586 = arith.constant 64 : index
        %get3A_587 = tpu.vector_load %arg14[%get3A_585, %get3A_586] {strides = array<i32>} : memref<96x128xf32, #tpu.memory_space<vmem>>, vector<16xf32>,
        %mul3A_588 = arith.mulf %get3A_587, %broadcast_in_dim3A_556 : vector<16xf32>
        %swap3A_589 = arith.index_cast %add3A_553 : i32 to index
        %swap3A_590 = arith.constant 64 : index
        %swap3A_591 = tpu.vector_load %arg14[%swap3A_589, %swap3A_590] {strides = array<i32>} : memref<96x128xf32, #tpu.memory_space<vmem>>, vector<16xf32>,
        tpu.vector_store %arg14[%swap3A_589, %swap3A_590], %mul3A_588 {strides = array<i32>} : memref<96x128xf32, #tpu.memory_space<vmem>>, vector<16xf32>,
        %get3A_592 = arith.index_cast %add3A_553 : i32 to index
        %get3A_593 = arith.constant 80 : index
        %get3A_594 = tpu.vector_load %arg14[%get3A_592, %get3A_593] {strides = array<i32>} : memref<96x128xf32, #tpu.memory_space<vmem>>, vector<16xf32>,
        %mul3A_595 = arith.mulf %get3A_594, %broadcast_in_dim3A_556 : vector<16xf32>
        %swap3A_596 = arith.index_cast %add3A_553 : i32 to index
        %swap3A_597 = arith.constant 80 : index
        %swap3A_598 = tpu.vector_load %arg14[%swap3A_596, %swap3A_597] {strides = array<i32>} : memref<96x128xf32, #tpu.memory_space<vmem>>, vector<16xf32>,
        tpu.vector_store %arg14[%swap3A_596, %swap3A_597], %mul3A_595 {strides = array<i32>} : memref<96x128xf32, #tpu.memory_space<vmem>>, vector<16xf32>,
        %get3A_599 = arith.index_cast %add3A_553 : i32 to index
        %get3A_600 = arith.constant 96 : index
        %get3A_601 = tpu.vector_load %arg14[%get3A_599, %get3A_600] {strides = array<i32>} : memref<96x128xf32, #tpu.memory_space<vmem>>, vector<16xf32>,
        %mul3A_602 = arith.mulf %get3A_601, %broadcast_in_dim3A_556 : vector<16xf32>
        %swap3A_603 = arith.index_cast %add3A_553 : i32 to index
        %swap3A_604 = arith.constant 96 : index
        %swap3A_605 = tpu.vector_load %arg14[%swap3A_603, %swap3A_604] {strides = array<i32>} : memref<96x128xf32, #tpu.memory_space<vmem>>, vector<16xf32>,
        tpu.vector_store %arg14[%swap3A_603, %swap3A_604], %mul3A_602 {strides = array<i32>} : memref<96x128xf32, #tpu.memory_space<vmem>>, vector<16xf32>,
        %get3A_606 = arith.index_cast %add3A_553 : i32 to index
        %get3A_607 = arith.constant 112 : index
        %get3A_608 = tpu.vector_load %arg14[%get3A_606, %get3A_607] {strides = array<i32>} : memref<96x128xf32, #tpu.memory_space<vmem>>, vector<16xf32>,
        %mul3A_609 = arith.mulf %get3A_608, %broadcast_in_dim3A_556 : vector<16xf32>
        %swap3A_610 = arith.index_cast %add3A_553 : i32 to index
        %swap3A_611 = arith.constant 112 : index
        %swap3A_612 = tpu.vector_load %arg14[%swap3A_610, %swap3A_611] {strides = array<i32>} : memref<96x128xf32, #tpu.memory_space<vmem>>, vector<16xf32>,
        tpu.vector_store %arg14[%swap3A_610, %swap3A_611], %mul3A_609 {strides = array<i32>} : memref<96x128xf32, #tpu.memory_space<vmem>>, vector<16xf32>,
        %mul3A_613 = arith.constant 16 : i32
        %mul3A_614 = arith.muli %add3A_156, %mul3A_613 : i32
        %add3A_615 = arith.constant 7 : i32
        %add3A_616 = arith.addi %mul3A_614, %add3A_615 : i32
        %slice3A_617 = vector.extract_strided_slice %exp3A {offsets = [7], sizes = [1], strides = [1]} : vector<16xf32> to vector<1xf32>
        %squeeze3A_618 = vector.extract %slice3A_617[0] : f32 from vector<1xf32>
        %broadcast_in_dim3A_619 = vector.broadcast %squeeze3A_618 : f32 to vector<16xf32>
        %get3A_620 = arith.index_cast %add3A_616 : i32 to index
        %get3A_621 = arith.constant 0 : index
        %get3A_622 = tpu.vector_load %arg14[%get3A_620, %get3A_621] {strides = array<i32>} : memref<96x128xf32, #tpu.memory_space<vmem>>, vector<16xf32>,
        %mul3A_623 = arith.mulf %get3A_622, %broadcast_in_dim3A_619 : vector<16xf32>
        %swap3A_624 = arith.index_cast %add3A_616 : i32 to index
        %swap3A_625 = arith.constant 0 : index
        %swap3A_626 = tpu.vector_load %arg14[%swap3A_624, %swap3A_625] {strides = array<i32>} : memref<96x128xf32, #tpu.memory_space<vmem>>, vector<16xf32>,
        tpu.vector_store %arg14[%swap3A_624, %swap3A_625], %mul3A_623 {strides = array<i32>} : memref<96x128xf32, #tpu.memory_space<vmem>>, vector<16xf32>,
        %get3A_627 = arith.index_cast %add3A_616 : i32 to index
        %get3A_628 = arith.constant 16 : index
        %get3A_629 = tpu.vector_load %arg14[%get3A_627, %get3A_628] {strides = array<i32>} : memref<96x128xf32, #tpu.memory_space<vmem>>, vector<16xf32>,
        %mul3A_630 = arith.mulf %get3A_629, %broadcast_in_dim3A_619 : vector<16xf32>
        %swap3A_631 = arith.index_cast %add3A_616 : i32 to index
        %swap3A_632 = arith.constant 16 : index
        %swap3A_633 = tpu.vector_load %arg14[%swap3A_631, %swap3A_632] {strides = array<i32>} : memref<96x128xf32, #tpu.memory_space<vmem>>, vector<16xf32>,
        tpu.vector_store %arg14[%swap3A_631, %swap3A_632], %mul3A_630 {strides = array<i32>} : memref<96x128xf32, #tpu.memory_space<vmem>>, vector<16xf32>,
        %get3A_634 = arith.index_cast %add3A_616 : i32 to index
        %get3A_635 = arith.constant 32 : index
        %get3A_636 = tpu.vector_load %arg14[%get3A_634, %get3A_635] {strides = array<i32>} : memref<96x128xf32, #tpu.memory_space<vmem>>, vector<16xf32>,
        %mul3A_637 = arith.mulf %get3A_636, %broadcast_in_dim3A_619 : vector<16xf32>
        %swap3A_638 = arith.index_cast %add3A_616 : i32 to index
        %swap3A_639 = arith.constant 32 : index
        %swap3A_640 = tpu.vector_load %arg14[%swap3A_638, %swap3A_639] {strides = array<i32>} : memref<96x128xf32, #tpu.memory_space<vmem>>, vector<16xf32>,
        tpu.vector_store %arg14[%swap3A_638, %swap3A_639], %mul3A_637 {strides = array<i32>} : memref<96x128xf32, #tpu.memory_space<vmem>>, vector<16xf32>,
        %get3A_641 = arith.index_cast %add3A_616 : i32 to index
        %get3A_642 = arith.constant 48 : index
        %get3A_643 = tpu.vector_load %arg14[%get3A_641, %get3A_642] {strides = array<i32>} : memref<96x128xf32, #tpu.memory_space<vmem>>, vector<16xf32>,
        %mul3A_644 = arith.mulf %get3A_643, %broadcast_in_dim3A_619 : vector<16xf32>
        %swap3A_645 = arith.index_cast %add3A_616 : i32 to index
        %swap3A_646 = arith.constant 48 : index
        %swap3A_647 = tpu.vector_load %arg14[%swap3A_645, %swap3A_646] {strides = array<i32>} : memref<96x128xf32, #tpu.memory_space<vmem>>, vector<16xf32>,
        tpu.vector_store %arg14[%swap3A_645, %swap3A_646], %mul3A_644 {strides = array<i32>} : memref<96x128xf32, #tpu.memory_space<vmem>>, vector<16xf32>,
        %get3A_648 = arith.index_cast %add3A_616 : i32 to index
        %get3A_649 = arith.constant 64 : index
        %get3A_650 = tpu.vector_load %arg14[%get3A_648, %get3A_649] {strides = array<i32>} : memref<96x128xf32, #tpu.memory_space<vmem>>, vector<16xf32>,
        %mul3A_651 = arith.mulf %get3A_650, %broadcast_in_dim3A_619 : vector<16xf32>
        %swap3A_652 = arith.index_cast %add3A_616 : i32 to index
        %swap3A_653 = arith.constant 64 : index
        %swap3A_654 = tpu.vector_load %arg14[%swap3A_652, %swap3A_653] {strides = array<i32>} : memref<96x128xf32, #tpu.memory_space<vmem>>, vector<16xf32>,
        tpu.vector_store %arg14[%swap3A_652, %swap3A_653], %mul3A_651 {strides = array<i32>} : memref<96x128xf32, #tpu.memory_space<vmem>>, vector<16xf32>,
        %get3A_655 = arith.index_cast %add3A_616 : i32 to index
        %get3A_656 = arith.constant 80 : index
        %get3A_657 = tpu.vector_load %arg14[%get3A_655, %get3A_656] {strides = array<i32>} : memref<96x128xf32, #tpu.memory_space<vmem>>, vector<16xf32>,
        %mul3A_658 = arith.mulf %get3A_657, %broadcast_in_dim3A_619 : vector<16xf32>
        %swap3A_659 = arith.index_cast %add3A_616 : i32 to index
        %swap3A_660 = arith.constant 80 : index
        %swap3A_661 = tpu.vector_load %arg14[%swap3A_659, %swap3A_660] {strides = array<i32>} : memref<96x128xf32, #tpu.memory_space<vmem>>, vector<16xf32>,
        tpu.vector_store %arg14[%swap3A_659, %swap3A_660], %mul3A_658 {strides = array<i32>} : memref<96x128xf32, #tpu.memory_space<vmem>>, vector<16xf32>,
        %get3A_662 = arith.index_cast %add3A_616 : i32 to index
        %get3A_663 = arith.constant 96 : index
        %get3A_664 = tpu.vector_load %arg14[%get3A_662, %get3A_663] {strides = array<i32>} : memref<96x128xf32, #tpu.memory_space<vmem>>, vector<16xf32>,
        %mul3A_665 = arith.mulf %get3A_664, %broadcast_in_dim3A_619 : vector<16xf32>
        %swap3A_666 = arith.index_cast %add3A_616 : i32 to index
        %swap3A_667 = arith.constant 96 : index
        %swap3A_668 = tpu.vector_load %arg14[%swap3A_666, %swap3A_667] {strides = array<i32>} : memref<96x128xf32, #tpu.memory_space<vmem>>, vector<16xf32>,
        tpu.vector_store %arg14[%swap3A_666, %swap3A_667], %mul3A_665 {strides = array<i32>} : memref<96x128xf32, #tpu.memory_space<vmem>>, vector<16xf32>,
        %get3A_669 = arith.index_cast %add3A_616 : i32 to index
        %get3A_670 = arith.constant 112 : index
        %get3A_671 = tpu.vector_load %arg14[%get3A_669, %get3A_670] {strides = array<i32>} : memref<96x128xf32, #tpu.memory_space<vmem>>, vector<16xf32>,
        %mul3A_672 = arith.mulf %get3A_671, %broadcast_in_dim3A_619 : vector<16xf32>
        %swap3A_673 = arith.index_cast %add3A_616 : i32 to index
        %swap3A_674 = arith.constant 112 : index
        %swap3A_675 = tpu.vector_load %arg14[%swap3A_673, %swap3A_674] {strides = array<i32>} : memref<96x128xf32, #tpu.memory_space<vmem>>, vector<16xf32>,
        tpu.vector_store %arg14[%swap3A_673, %swap3A_674], %mul3A_672 {strides = array<i32>} : memref<96x128xf32, #tpu.memory_space<vmem>>, vector<16xf32>,
        %mul3A_676 = arith.constant 16 : i32
        %mul3A_677 = arith.muli %add3A_156, %mul3A_676 : i32
        %add3A_678 = arith.constant 8 : i32
        %add3A_679 = arith.addi %mul3A_677, %add3A_678 : i32
        %slice3A_680 = vector.extract_strided_slice %exp3A {offsets = [8], sizes = [1], strides = [1]} : vector<16xf32> to vector<1xf32>
        %squeeze3A_681 = vector.extract %slice3A_680[0] : f32 from vector<1xf32>
        %broadcast_in_dim3A_682 = vector.broadcast %squeeze3A_681 : f32 to vector<16xf32>
        %get3A_683 = arith.index_cast %add3A_679 : i32 to index
        %get3A_684 = arith.constant 0 : index
        %get3A_685 = tpu.vector_load %arg14[%get3A_683, %get3A_684] {strides = array<i32>} : memref<96x128xf32, #tpu.memory_space<vmem>>, vector<16xf32>,
        %mul3A_686 = arith.mulf %get3A_685, %broadcast_in_dim3A_682 : vector<16xf32>
        %swap3A_687 = arith.index_cast %add3A_679 : i32 to index
        %swap3A_688 = arith.constant 0 : index
        %swap3A_689 = tpu.vector_load %arg14[%swap3A_687, %swap3A_688] {strides = array<i32>} : memref<96x128xf32, #tpu.memory_space<vmem>>, vector<16xf32>,
        tpu.vector_store %arg14[%swap3A_687, %swap3A_688], %mul3A_686 {strides = array<i32>} : memref<96x128xf32, #tpu.memory_space<vmem>>, vector<16xf32>,
        %get3A_690 = arith.index_cast %add3A_679 : i32 to index
        %get3A_691 = arith.constant 16 : index
        %get3A_692 = tpu.vector_load %arg14[%get3A_690, %get3A_691] {strides = array<i32>} : memref<96x128xf32, #tpu.memory_space<vmem>>, vector<16xf32>,
        %mul3A_693 = arith.mulf %get3A_692, %broadcast_in_dim3A_682 : vector<16xf32>
        %swap3A_694 = arith.index_cast %add3A_679 : i32 to index
        %swap3A_695 = arith.constant 16 : index
        %swap3A_696 = tpu.vector_load %arg14[%swap3A_694, %swap3A_695] {strides = array<i32>} : memref<96x128xf32, #tpu.memory_space<vmem>>, vector<16xf32>,
        tpu.vector_store %arg14[%swap3A_694, %swap3A_695], %mul3A_693 {strides = array<i32>} : memref<96x128xf32, #tpu.memory_space<vmem>>, vector<16xf32>,
        %get3A_697 = arith.index_cast %add3A_679 : i32 to index
        %get3A_698 = arith.constant 32 : index
        %get3A_699 = tpu.vector_load %arg14[%get3A_697, %get3A_698] {strides = array<i32>} : memref<96x128xf32, #tpu.memory_space<vmem>>, vector<16xf32>,
        %mul3A_700 = arith.mulf %get3A_699, %broadcast_in_dim3A_682 : vector<16xf32>
        %swap3A_701 = arith.index_cast %add3A_679 : i32 to index
        %swap3A_702 = arith.constant 32 : index
        %swap3A_703 = tpu.vector_load %arg14[%swap3A_701, %swap3A_702] {strides = array<i32>} : memref<96x128xf32, #tpu.memory_space<vmem>>, vector<16xf32>,
        tpu.vector_store %arg14[%swap3A_701, %swap3A_702], %mul3A_700 {strides = array<i32>} : memref<96x128xf32, #tpu.memory_space<vmem>>, vector<16xf32>,
        %get3A_704 = arith.index_cast %add3A_679 : i32 to index
        %get3A_705 = arith.constant 48 : index
        %get3A_706 = tpu.vector_load %arg14[%get3A_704, %get3A_705] {strides = array<i32>} : memref<96x128xf32, #tpu.memory_space<vmem>>, vector<16xf32>,
        %mul3A_707 = arith.mulf %get3A_706, %broadcast_in_dim3A_682 : vector<16xf32>
        %swap3A_708 = arith.index_cast %add3A_679 : i32 to index
        %swap3A_709 = arith.constant 48 : index
        %swap3A_710 = tpu.vector_load %arg14[%swap3A_708, %swap3A_709] {strides = array<i32>} : memref<96x128xf32, #tpu.memory_space<vmem>>, vector<16xf32>,
        tpu.vector_store %arg14[%swap3A_708, %swap3A_709], %mul3A_707 {strides = array<i32>} : memref<96x128xf32, #tpu.memory_space<vmem>>, vector<16xf32>,
        %get3A_711 = arith.index_cast %add3A_679 : i32 to index
        %get3A_712 = arith.constant 64 : index
        %get3A_713 = tpu.vector_load %arg14[%get3A_711, %get3A_712] {strides = array<i32>} : memref<96x128xf32, #tpu.memory_space<vmem>>, vector<16xf32>,
        %mul3A_714 = arith.mulf %get3A_713, %broadcast_in_dim3A_682 : vector<16xf32>
        %swap3A_715 = arith.index_cast %add3A_679 : i32 to index
        %swap3A_716 = arith.constant 64 : index
        %swap3A_717 = tpu.vector_load %arg14[%swap3A_715, %swap3A_716] {strides = array<i32>} : memref<96x128xf32, #tpu.memory_space<vmem>>, vector<16xf32>,
        tpu.vector_store %arg14[%swap3A_715, %swap3A_716], %mul3A_714 {strides = array<i32>} : memref<96x128xf32, #tpu.memory_space<vmem>>, vector<16xf32>,
        %get3A_718 = arith.index_cast %add3A_679 : i32 to index
        %get3A_719 = arith.constant 80 : index
        %get3A_720 = tpu.vector_load %arg14[%get3A_718, %get3A_719] {strides = array<i32>} : memref<96x128xf32, #tpu.memory_space<vmem>>, vector<16xf32>,
        %mul3A_721 = arith.mulf %get3A_720, %broadcast_in_dim3A_682 : vector<16xf32>
        %swap3A_722 = arith.index_cast %add3A_679 : i32 to index
        %swap3A_723 = arith.constant 80 : index
        %swap3A_724 = tpu.vector_load %arg14[%swap3A_722, %swap3A_723] {strides = array<i32>} : memref<96x128xf32, #tpu.memory_space<vmem>>, vector<16xf32>,
        tpu.vector_store %arg14[%swap3A_722, %swap3A_723], %mul3A_721 {strides = array<i32>} : memref<96x128xf32, #tpu.memory_space<vmem>>, vector<16xf32>,
        %get3A_725 = arith.index_cast %add3A_679 : i32 to index
        %get3A_726 = arith.constant 96 : index
        %get3A_727 = tpu.vector_load %arg14[%get3A_725, %get3A_726] {strides = array<i32>} : memref<96x128xf32, #tpu.memory_space<vmem>>, vector<16xf32>,
        %mul3A_728 = arith.mulf %get3A_727, %broadcast_in_dim3A_682 : vector<16xf32>
        %swap3A_729 = arith.index_cast %add3A_679 : i32 to index
        %swap3A_730 = arith.constant 96 : index
        %swap3A_731 = tpu.vector_load %arg14[%swap3A_729, %swap3A_730] {strides = array<i32>} : memref<96x128xf32, #tpu.memory_space<vmem>>, vector<16xf32>,
        tpu.vector_store %arg14[%swap3A_729, %swap3A_730], %mul3A_728 {strides = array<i32>} : memref<96x128xf32, #tpu.memory_space<vmem>>, vector<16xf32>,
        %get3A_732 = arith.index_cast %add3A_679 : i32 to index
        %get3A_733 = arith.constant 112 : index
        %get3A_734 = tpu.vector_load %arg14[%get3A_732, %get3A_733] {strides = array<i32>} : memref<96x128xf32, #tpu.memory_space<vmem>>, vector<16xf32>,
        %mul3A_735 = arith.mulf %get3A_734, %broadcast_in_dim3A_682 : vector<16xf32>
        %swap3A_736 = arith.index_cast %add3A_679 : i32 to index
        %swap3A_737 = arith.constant 112 : index
        %swap3A_738 = tpu.vector_load %arg14[%swap3A_736, %swap3A_737] {strides = array<i32>} : memref<96x128xf32, #tpu.memory_space<vmem>>, vector<16xf32>,
        tpu.vector_store %arg14[%swap3A_736, %swap3A_737], %mul3A_735 {strides = array<i32>} : memref<96x128xf32, #tpu.memory_space<vmem>>, vector<16xf32>,
        %mul3A_739 = arith.constant 16 : i32
        %mul3A_740 = arith.muli %add3A_156, %mul3A_739 : i32
        %add3A_741 = arith.constant 9 : i32
        %add3A_742 = arith.addi %mul3A_740, %add3A_741 : i32
        %slice3A_743 = vector.extract_strided_slice %exp3A {offsets = [9], sizes = [1], strides = [1]} : vector<16xf32> to vector<1xf32>
        %squeeze3A_744 = vector.extract %slice3A_743[0] : f32 from vector<1xf32>
        %broadcast_in_dim3A_745 = vector.broadcast %squeeze3A_744 : f32 to vector<16xf32>
        %get3A_746 = arith.index_cast %add3A_742 : i32 to index
        %get3A_747 = arith.constant 0 : index
        %get3A_748 = tpu.vector_load %arg14[%get3A_746, %get3A_747] {strides = array<i32>} : memref<96x128xf32, #tpu.memory_space<vmem>>, vector<16xf32>,
        %mul3A_749 = arith.mulf %get3A_748, %broadcast_in_dim3A_745 : vector<16xf32>
        %swap3A_750 = arith.index_cast %add3A_742 : i32 to index
        %swap3A_751 = arith.constant 0 : index
        %swap3A_752 = tpu.vector_load %arg14[%swap3A_750, %swap3A_751] {strides = array<i32>} : memref<96x128xf32, #tpu.memory_space<vmem>>, vector<16xf32>,
        tpu.vector_store %arg14[%swap3A_750, %swap3A_751], %mul3A_749 {strides = array<i32>} : memref<96x128xf32, #tpu.memory_space<vmem>>, vector<16xf32>,
        %get3A_753 = arith.index_cast %add3A_742 : i32 to index
        %get3A_754 = arith.constant 16 : index
        %get3A_755 = tpu.vector_load %arg14[%get3A_753, %get3A_754] {strides = array<i32>} : memref<96x128xf32, #tpu.memory_space<vmem>>, vector<16xf32>,
        %mul3A_756 = arith.mulf %get3A_755, %broadcast_in_dim3A_745 : vector<16xf32>
        %swap3A_757 = arith.index_cast %add3A_742 : i32 to index
        %swap3A_758 = arith.constant 16 : index
        %swap3A_759 = tpu.vector_load %arg14[%swap3A_757, %swap3A_758] {strides = array<i32>} : memref<96x128xf32, #tpu.memory_space<vmem>>, vector<16xf32>,
        tpu.vector_store %arg14[%swap3A_757, %swap3A_758], %mul3A_756 {strides = array<i32>} : memref<96x128xf32, #tpu.memory_space<vmem>>, vector<16xf32>,
        %get3A_760 = arith.index_cast %add3A_742 : i32 to index
        %get3A_761 = arith.constant 32 : index
        %get3A_762 = tpu.vector_load %arg14[%get3A_760, %get3A_761] {strides = array<i32>} : memref<96x128xf32, #tpu.memory_space<vmem>>, vector<16xf32>,
        %mul3A_763 = arith.mulf %get3A_762, %broadcast_in_dim3A_745 : vector<16xf32>
        %swap3A_764 = arith.index_cast %add3A_742 : i32 to index
        %swap3A_765 = arith.constant 32 : index
        %swap3A_766 = tpu.vector_load %arg14[%swap3A_764, %swap3A_765] {strides = array<i32>} : memref<96x128xf32, #tpu.memory_space<vmem>>, vector<16xf32>,
        tpu.vector_store %arg14[%swap3A_764, %swap3A_765], %mul3A_763 {strides = array<i32>} : memref<96x128xf32, #tpu.memory_space<vmem>>, vector<16xf32>,
        %get3A_767 = arith.index_cast %add3A_742 : i32 to index
        %get3A_768 = arith.constant 48 : index
        %get3A_769 = tpu.vector_load %arg14[%get3A_767, %get3A_768] {strides = array<i32>} : memref<96x128xf32, #tpu.memory_space<vmem>>, vector<16xf32>,
        %mul3A_770 = arith.mulf %get3A_769, %broadcast_in_dim3A_745 : vector<16xf32>
        %swap3A_771 = arith.index_cast %add3A_742 : i32 to index
        %swap3A_772 = arith.constant 48 : index
        %swap3A_773 = tpu.vector_load %arg14[%swap3A_771, %swap3A_772] {strides = array<i32>} : memref<96x128xf32, #tpu.memory_space<vmem>>, vector<16xf32>,
        tpu.vector_store %arg14[%swap3A_771, %swap3A_772], %mul3A_770 {strides = array<i32>} : memref<96x128xf32, #tpu.memory_space<vmem>>, vector<16xf32>,
        %get3A_774 = arith.index_cast %add3A_742 : i32 to index
        %get3A_775 = arith.constant 64 : index
        %get3A_776 = tpu.vector_load %arg14[%get3A_774, %get3A_775] {strides = array<i32>} : memref<96x128xf32, #tpu.memory_space<vmem>>, vector<16xf32>,
        %mul3A_777 = arith.mulf %get3A_776, %broadcast_in_dim3A_745 : vector<16xf32>
        %swap3A_778 = arith.index_cast %add3A_742 : i32 to index
        %swap3A_779 = arith.constant 64 : index
        %swap3A_780 = tpu.vector_load %arg14[%swap3A_778, %swap3A_779] {strides = array<i32>} : memref<96x128xf32, #tpu.memory_space<vmem>>, vector<16xf32>,
        tpu.vector_store %arg14[%swap3A_778, %swap3A_779], %mul3A_777 {strides = array<i32>} : memref<96x128xf32, #tpu.memory_space<vmem>>, vector<16xf32>,
        %get3A_781 = arith.index_cast %add3A_742 : i32 to index
        %get3A_782 = arith.constant 80 : index
        %get3A_783 = tpu.vector_load %arg14[%get3A_781, %get3A_782] {strides = array<i32>} : memref<96x128xf32, #tpu.memory_space<vmem>>, vector<16xf32>,
        %mul3A_784 = arith.mulf %get3A_783, %broadcast_in_dim3A_745 : vector<16xf32>
        %swap3A_785 = arith.index_cast %add3A_742 : i32 to index
        %swap3A_786 = arith.constant 80 : index
        %swap3A_787 = tpu.vector_load %arg14[%swap3A_785, %swap3A_786] {strides = array<i32>} : memref<96x128xf32, #tpu.memory_space<vmem>>, vector<16xf32>,
        tpu.vector_store %arg14[%swap3A_785, %swap3A_786], %mul3A_784 {strides = array<i32>} : memref<96x128xf32, #tpu.memory_space<vmem>>, vector<16xf32>,
        %get3A_788 = arith.index_cast %add3A_742 : i32 to index
        %get3A_789 = arith.constant 96 : index
        %get3A_790 = tpu.vector_load %arg14[%get3A_788, %get3A_789] {strides = array<i32>} : memref<96x128xf32, #tpu.memory_space<vmem>>, vector<16xf32>,
        %mul3A_791 = arith.mulf %get3A_790, %broadcast_in_dim3A_745 : vector<16xf32>
        %swap3A_792 = arith.index_cast %add3A_742 : i32 to index
        %swap3A_793 = arith.constant 96 : index
        %swap3A_794 = tpu.vector_load %arg14[%swap3A_792, %swap3A_793] {strides = array<i32>} : memref<96x128xf32, #tpu.memory_space<vmem>>, vector<16xf32>,
        tpu.vector_store %arg14[%swap3A_792, %swap3A_793], %mul3A_791 {strides = array<i32>} : memref<96x128xf32, #tpu.memory_space<vmem>>, vector<16xf32>,
        %get3A_795 = arith.index_cast %add3A_742 : i32 to index
        %get3A_796 = arith.constant 112 : index
        %get3A_797 = tpu.vector_load %arg14[%get3A_795, %get3A_796] {strides = array<i32>} : memref<96x128xf32, #tpu.memory_space<vmem>>, vector<16xf32>,
        %mul3A_798 = arith.mulf %get3A_797, %broadcast_in_dim3A_745 : vector<16xf32>
        %swap3A_799 = arith.index_cast %add3A_742 : i32 to index
        %swap3A_800 = arith.constant 112 : index
        %swap3A_801 = tpu.vector_load %arg14[%swap3A_799, %swap3A_800] {strides = array<i32>} : memref<96x128xf32, #tpu.memory_space<vmem>>, vector<16xf32>,
        tpu.vector_store %arg14[%swap3A_799, %swap3A_800], %mul3A_798 {strides = array<i32>} : memref<96x128xf32, #tpu.memory_space<vmem>>, vector<16xf32>,
        %mul3A_802 = arith.constant 16 : i32
        %mul3A_803 = arith.muli %add3A_156, %mul3A_802 : i32
        %add3A_804 = arith.constant 10 : i32
        %add3A_805 = arith.addi %mul3A_803, %add3A_804 : i32
        %slice3A_806 = vector.extract_strided_slice %exp3A {offsets = [10], sizes = [1], strides = [1]} : vector<16xf32> to vector<1xf32>
        %squeeze3A_807 = vector.extract %slice3A_806[0] : f32 from vector<1xf32>
        %broadcast_in_dim3A_808 = vector.broadcast %squeeze3A_807 : f32 to vector<16xf32>
        %get3A_809 = arith.index_cast %add3A_805 : i32 to index
        %get3A_810 = arith.constant 0 : index
        %get3A_811 = tpu.vector_load %arg14[%get3A_809, %get3A_810] {strides = array<i32>} : memref<96x128xf32, #tpu.memory_space<vmem>>, vector<16xf32>,
        %mul3A_812 = arith.mulf %get3A_811, %broadcast_in_dim3A_808 : vector<16xf32>
        %swap3A_813 = arith.index_cast %add3A_805 : i32 to index
        %swap3A_814 = arith.constant 0 : index
        %swap3A_815 = tpu.vector_load %arg14[%swap3A_813, %swap3A_814] {strides = array<i32>} : memref<96x128xf32, #tpu.memory_space<vmem>>, vector<16xf32>,
        tpu.vector_store %arg14[%swap3A_813, %swap3A_814], %mul3A_812 {strides = array<i32>} : memref<96x128xf32, #tpu.memory_space<vmem>>, vector<16xf32>,
        %get3A_816 = arith.index_cast %add3A_805 : i32 to index
        %get3A_817 = arith.constant 16 : index
        %get3A_818 = tpu.vector_load %arg14[%get3A_816, %get3A_817] {strides = array<i32>} : memref<96x128xf32, #tpu.memory_space<vmem>>, vector<16xf32>,
        %mul3A_819 = arith.mulf %get3A_818, %broadcast_in_dim3A_808 : vector<16xf32>
        %swap3A_820 = arith.index_cast %add3A_805 : i32 to index
        %swap3A_821 = arith.constant 16 : index
        %swap3A_822 = tpu.vector_load %arg14[%swap3A_820, %swap3A_821] {strides = array<i32>} : memref<96x128xf32, #tpu.memory_space<vmem>>, vector<16xf32>,
        tpu.vector_store %arg14[%swap3A_820, %swap3A_821], %mul3A_819 {strides = array<i32>} : memref<96x128xf32, #tpu.memory_space<vmem>>, vector<16xf32>,
        %get3A_823 = arith.index_cast %add3A_805 : i32 to index
        %get3A_824 = arith.constant 32 : index
        %get3A_825 = tpu.vector_load %arg14[%get3A_823, %get3A_824] {strides = array<i32>} : memref<96x128xf32, #tpu.memory_space<vmem>>, vector<16xf32>,
        %mul3A_826 = arith.mulf %get3A_825, %broadcast_in_dim3A_808 : vector<16xf32>
        %swap3A_827 = arith.index_cast %add3A_805 : i32 to index
        %swap3A_828 = arith.constant 32 : index
        %swap3A_829 = tpu.vector_load %arg14[%swap3A_827, %swap3A_828] {strides = array<i32>} : memref<96x128xf32, #tpu.memory_space<vmem>>, vector<16xf32>,
        tpu.vector_store %arg14[%swap3A_827, %swap3A_828], %mul3A_826 {strides = array<i32>} : memref<96x128xf32, #tpu.memory_space<vmem>>, vector<16xf32>,
        %get3A_830 = arith.index_cast %add3A_805 : i32 to index
        %get3A_831 = arith.constant 48 : index
        %get3A_832 = tpu.vector_load %arg14[%get3A_830, %get3A_831] {strides = array<i32>} : memref<96x128xf32, #tpu.memory_space<vmem>>, vector<16xf32>,
        %mul3A_833 = arith.mulf %get3A_832, %broadcast_in_dim3A_808 : vector<16xf32>
        %swap3A_834 = arith.index_cast %add3A_805 : i32 to index
        %swap3A_835 = arith.constant 48 : index
        %swap3A_836 = tpu.vector_load %arg14[%swap3A_834, %swap3A_835] {strides = array<i32>} : memref<96x128xf32, #tpu.memory_space<vmem>>, vector<16xf32>,
        tpu.vector_store %arg14[%swap3A_834, %swap3A_835], %mul3A_833 {strides = array<i32>} : memref<96x128xf32, #tpu.memory_space<vmem>>, vector<16xf32>,
        %get3A_837 = arith.index_cast %add3A_805 : i32 to index
        %get3A_838 = arith.constant 64 : index
        %get3A_839 = tpu.vector_load %arg14[%get3A_837, %get3A_838] {strides = array<i32>} : memref<96x128xf32, #tpu.memory_space<vmem>>, vector<16xf32>,
        %mul3A_840 = arith.mulf %get3A_839, %broadcast_in_dim3A_808 : vector<16xf32>
        %swap3A_841 = arith.index_cast %add3A_805 : i32 to index
        %swap3A_842 = arith.constant 64 : index
        %swap3A_843 = tpu.vector_load %arg14[%swap3A_841, %swap3A_842] {strides = array<i32>} : memref<96x128xf32, #tpu.memory_space<vmem>>, vector<16xf32>,
        tpu.vector_store %arg14[%swap3A_841, %swap3A_842], %mul3A_840 {strides = array<i32>} : memref<96x128xf32, #tpu.memory_space<vmem>>, vector<16xf32>,
        %get3A_844 = arith.index_cast %add3A_805 : i32 to index
        %get3A_845 = arith.constant 80 : index
        %get3A_846 = tpu.vector_load %arg14[%get3A_844, %get3A_845] {strides = array<i32>} : memref<96x128xf32, #tpu.memory_space<vmem>>, vector<16xf32>,
        %mul3A_847 = arith.mulf %get3A_846, %broadcast_in_dim3A_808 : vector<16xf32>
        %swap3A_848 = arith.index_cast %add3A_805 : i32 to index
        %swap3A_849 = arith.constant 80 : index
        %swap3A_850 = tpu.vector_load %arg14[%swap3A_848, %swap3A_849] {strides = array<i32>} : memref<96x128xf32, #tpu.memory_space<vmem>>, vector<16xf32>,
        tpu.vector_store %arg14[%swap3A_848, %swap3A_849], %mul3A_847 {strides = array<i32>} : memref<96x128xf32, #tpu.memory_space<vmem>>, vector<16xf32>,
        %get3A_851 = arith.index_cast %add3A_805 : i32 to index
        %get3A_852 = arith.constant 96 : index
        %get3A_853 = tpu.vector_load %arg14[%get3A_851, %get3A_852] {strides = array<i32>} : memref<96x128xf32, #tpu.memory_space<vmem>>, vector<16xf32>,
        %mul3A_854 = arith.mulf %get3A_853, %broadcast_in_dim3A_808 : vector<16xf32>
        %swap3A_855 = arith.index_cast %add3A_805 : i32 to index
        %swap3A_856 = arith.constant 96 : index
        %swap3A_857 = tpu.vector_load %arg14[%swap3A_855, %swap3A_856] {strides = array<i32>} : memref<96x128xf32, #tpu.memory_space<vmem>>, vector<16xf32>,
        tpu.vector_store %arg14[%swap3A_855, %swap3A_856], %mul3A_854 {strides = array<i32>} : memref<96x128xf32, #tpu.memory_space<vmem>>, vector<16xf32>,
        %get3A_858 = arith.index_cast %add3A_805 : i32 to index
        %get3A_859 = arith.constant 112 : index
        %get3A_860 = tpu.vector_load %arg14[%get3A_858, %get3A_859] {strides = array<i32>} : memref<96x128xf32, #tpu.memory_space<vmem>>, vector<16xf32>,
        %mul3A_861 = arith.mulf %get3A_860, %broadcast_in_dim3A_808 : vector<16xf32>
        %swap3A_862 = arith.index_cast %add3A_805 : i32 to index
        %swap3A_863 = arith.constant 112 : index
        %swap3A_864 = tpu.vector_load %arg14[%swap3A_862, %swap3A_863] {strides = array<i32>} : memref<96x128xf32, #tpu.memory_space<vmem>>, vector<16xf32>,
        tpu.vector_store %arg14[%swap3A_862, %swap3A_863], %mul3A_861 {strides = array<i32>} : memref<96x128xf32, #tpu.memory_space<vmem>>, vector<16xf32>,
        %mul3A_865 = arith.constant 16 : i32
        %mul3A_866 = arith.muli %add3A_156, %mul3A_865 : i32
        %add3A_867 = arith.constant 11 : i32
        %add3A_868 = arith.addi %mul3A_866, %add3A_867 : i32
        %slice3A_869 = vector.extract_strided_slice %exp3A {offsets = [11], sizes = [1], strides = [1]} : vector<16xf32> to vector<1xf32>
        %squeeze3A_870 = vector.extract %slice3A_869[0] : f32 from vector<1xf32>
        %broadcast_in_dim3A_871 = vector.broadcast %squeeze3A_870 : f32 to vector<16xf32>
        %get3A_872 = arith.index_cast %add3A_868 : i32 to index
        %get3A_873 = arith.constant 0 : index
        %get3A_874 = tpu.vector_load %arg14[%get3A_872, %get3A_873] {strides = array<i32>} : memref<96x128xf32, #tpu.memory_space<vmem>>, vector<16xf32>,
        %mul3A_875 = arith.mulf %get3A_874, %broadcast_in_dim3A_871 : vector<16xf32>
        %swap3A_876 = arith.index_cast %add3A_868 : i32 to index
        %swap3A_877 = arith.constant 0 : index
        %swap3A_878 = tpu.vector_load %arg14[%swap3A_876, %swap3A_877] {strides = array<i32>} : memref<96x128xf32, #tpu.memory_space<vmem>>, vector<16xf32>,
        tpu.vector_store %arg14[%swap3A_876, %swap3A_877], %mul3A_875 {strides = array<i32>} : memref<96x128xf32, #tpu.memory_space<vmem>>, vector<16xf32>,
        %get3A_879 = arith.index_cast %add3A_868 : i32 to index
        %get3A_880 = arith.constant 16 : index
        %get3A_881 = tpu.vector_load %arg14[%get3A_879, %get3A_880] {strides = array<i32>} : memref<96x128xf32, #tpu.memory_space<vmem>>, vector<16xf32>,
        %mul3A_882 = arith.mulf %get3A_881, %broadcast_in_dim3A_871 : vector<16xf32>
        %swap3A_883 = arith.index_cast %add3A_868 : i32 to index
        %swap3A_884 = arith.constant 16 : index
        %swap3A_885 = tpu.vector_load %arg14[%swap3A_883, %swap3A_884] {strides = array<i32>} : memref<96x128xf32, #tpu.memory_space<vmem>>, vector<16xf32>,
        tpu.vector_store %arg14[%swap3A_883, %swap3A_884], %mul3A_882 {strides = array<i32>} : memref<96x128xf32, #tpu.memory_space<vmem>>, vector<16xf32>,
        %get3A_886 = arith.index_cast %add3A_868 : i32 to index
        %get3A_887 = arith.constant 32 : index
        %get3A_888 = tpu.vector_load %arg14[%get3A_886, %get3A_887] {strides = array<i32>} : memref<96x128xf32, #tpu.memory_space<vmem>>, vector<16xf32>,
        %mul3A_889 = arith.mulf %get3A_888, %broadcast_in_dim3A_871 : vector<16xf32>
        %swap3A_890 = arith.index_cast %add3A_868 : i32 to index
        %swap3A_891 = arith.constant 32 : index
        %swap3A_892 = tpu.vector_load %arg14[%swap3A_890, %swap3A_891] {strides = array<i32>} : memref<96x128xf32, #tpu.memory_space<vmem>>, vector<16xf32>,
        tpu.vector_store %arg14[%swap3A_890, %swap3A_891], %mul3A_889 {strides = array<i32>} : memref<96x128xf32, #tpu.memory_space<vmem>>, vector<16xf32>,
        %get3A_893 = arith.index_cast %add3A_868 : i32 to index
        %get3A_894 = arith.constant 48 : index
        %get3A_895 = tpu.vector_load %arg14[%get3A_893, %get3A_894] {strides = array<i32>} : memref<96x128xf32, #tpu.memory_space<vmem>>, vector<16xf32>,
        %mul3A_896 = arith.mulf %get3A_895, %broadcast_in_dim3A_871 : vector<16xf32>
        %swap3A_897 = arith.index_cast %add3A_868 : i32 to index
        %swap3A_898 = arith.constant 48 : index
        %swap3A_899 = tpu.vector_load %arg14[%swap3A_897, %swap3A_898] {strides = array<i32>} : memref<96x128xf32, #tpu.memory_space<vmem>>, vector<16xf32>,
        tpu.vector_store %arg14[%swap3A_897, %swap3A_898], %mul3A_896 {strides = array<i32>} : memref<96x128xf32, #tpu.memory_space<vmem>>, vector<16xf32>,
        %get3A_900 = arith.index_cast %add3A_868 : i32 to index
        %get3A_901 = arith.constant 64 : index
        %get3A_902 = tpu.vector_load %arg14[%get3A_900, %get3A_901] {strides = array<i32>} : memref<96x128xf32, #tpu.memory_space<vmem>>, vector<16xf32>,
        %mul3A_903 = arith.mulf %get3A_902, %broadcast_in_dim3A_871 : vector<16xf32>
        %swap3A_904 = arith.index_cast %add3A_868 : i32 to index
        %swap3A_905 = arith.constant 64 : index
        %swap3A_906 = tpu.vector_load %arg14[%swap3A_904, %swap3A_905] {strides = array<i32>} : memref<96x128xf32, #tpu.memory_space<vmem>>, vector<16xf32>,
        tpu.vector_store %arg14[%swap3A_904, %swap3A_905], %mul3A_903 {strides = array<i32>} : memref<96x128xf32, #tpu.memory_space<vmem>>, vector<16xf32>,
        %get3A_907 = arith.index_cast %add3A_868 : i32 to index
        %get3A_908 = arith.constant 80 : index
        %get3A_909 = tpu.vector_load %arg14[%get3A_907, %get3A_908] {strides = array<i32>} : memref<96x128xf32, #tpu.memory_space<vmem>>, vector<16xf32>,
        %mul3A_910 = arith.mulf %get3A_909, %broadcast_in_dim3A_871 : vector<16xf32>
        %swap3A_911 = arith.index_cast %add3A_868 : i32 to index
        %swap3A_912 = arith.constant 80 : index
        %swap3A_913 = tpu.vector_load %arg14[%swap3A_911, %swap3A_912] {strides = array<i32>} : memref<96x128xf32, #tpu.memory_space<vmem>>, vector<16xf32>,
        tpu.vector_store %arg14[%swap3A_911, %swap3A_912], %mul3A_910 {strides = array<i32>} : memref<96x128xf32, #tpu.memory_space<vmem>>, vector<16xf32>,
        %get3A_914 = arith.index_cast %add3A_868 : i32 to index
        %get3A_915 = arith.constant 96 : index
        %get3A_916 = tpu.vector_load %arg14[%get3A_914, %get3A_915] {strides = array<i32>} : memref<96x128xf32, #tpu.memory_space<vmem>>, vector<16xf32>,
        %mul3A_917 = arith.mulf %get3A_916, %broadcast_in_dim3A_871 : vector<16xf32>
        %swap3A_918 = arith.index_cast %add3A_868 : i32 to index
        %swap3A_919 = arith.constant 96 : index
        %swap3A_920 = tpu.vector_load %arg14[%swap3A_918, %swap3A_919] {strides = array<i32>} : memref<96x128xf32, #tpu.memory_space<vmem>>, vector<16xf32>,
        tpu.vector_store %arg14[%swap3A_918, %swap3A_919], %mul3A_917 {strides = array<i32>} : memref<96x128xf32, #tpu.memory_space<vmem>>, vector<16xf32>,
        %get3A_921 = arith.index_cast %add3A_868 : i32 to index
        %get3A_922 = arith.constant 112 : index
        %get3A_923 = tpu.vector_load %arg14[%get3A_921, %get3A_922] {strides = array<i32>} : memref<96x128xf32, #tpu.memory_space<vmem>>, vector<16xf32>,
        %mul3A_924 = arith.mulf %get3A_923, %broadcast_in_dim3A_871 : vector<16xf32>
        %swap3A_925 = arith.index_cast %add3A_868 : i32 to index
        %swap3A_926 = arith.constant 112 : index
        %swap3A_927 = tpu.vector_load %arg14[%swap3A_925, %swap3A_926] {strides = array<i32>} : memref<96x128xf32, #tpu.memory_space<vmem>>, vector<16xf32>,
        tpu.vector_store %arg14[%swap3A_925, %swap3A_926], %mul3A_924 {strides = array<i32>} : memref<96x128xf32, #tpu.memory_space<vmem>>, vector<16xf32>,
        %mul3A_928 = arith.constant 16 : i32
        %mul3A_929 = arith.muli %add3A_156, %mul3A_928 : i32
        %add3A_930 = arith.constant 12 : i32
        %add3A_931 = arith.addi %mul3A_929, %add3A_930 : i32
        %slice3A_932 = vector.extract_strided_slice %exp3A {offsets = [12], sizes = [1], strides = [1]} : vector<16xf32> to vector<1xf32>
        %squeeze3A_933 = vector.extract %slice3A_932[0] : f32 from vector<1xf32>
        %broadcast_in_dim3A_934 = vector.broadcast %squeeze3A_933 : f32 to vector<16xf32>
        %get3A_935 = arith.index_cast %add3A_931 : i32 to index
        %get3A_936 = arith.constant 0 : index
        %get3A_937 = tpu.vector_load %arg14[%get3A_935, %get3A_936] {strides = array<i32>} : memref<96x128xf32, #tpu.memory_space<vmem>>, vector<16xf32>,
        %mul3A_938 = arith.mulf %get3A_937, %broadcast_in_dim3A_934 : vector<16xf32>
        %swap3A_939 = arith.index_cast %add3A_931 : i32 to index
        %swap3A_940 = arith.constant 0 : index
        %swap3A_941 = tpu.vector_load %arg14[%swap3A_939, %swap3A_940] {strides = array<i32>} : memref<96x128xf32, #tpu.memory_space<vmem>>, vector<16xf32>,
        tpu.vector_store %arg14[%swap3A_939, %swap3A_940], %mul3A_938 {strides = array<i32>} : memref<96x128xf32, #tpu.memory_space<vmem>>, vector<16xf32>,
        %get3A_942 = arith.index_cast %add3A_931 : i32 to index
        %get3A_943 = arith.constant 16 : index
        %get3A_944 = tpu.vector_load %arg14[%get3A_942, %get3A_943] {strides = array<i32>} : memref<96x128xf32, #tpu.memory_space<vmem>>, vector<16xf32>,
        %mul3A_945 = arith.mulf %get3A_944, %broadcast_in_dim3A_934 : vector<16xf32>
        %swap3A_946 = arith.index_cast %add3A_931 : i32 to index
        %swap3A_947 = arith.constant 16 : index
        %swap3A_948 = tpu.vector_load %arg14[%swap3A_946, %swap3A_947] {strides = array<i32>} : memref<96x128xf32, #tpu.memory_space<vmem>>, vector<16xf32>,
        tpu.vector_store %arg14[%swap3A_946, %swap3A_947], %mul3A_945 {strides = array<i32>} : memref<96x128xf32, #tpu.memory_space<vmem>>, vector<16xf32>,
        %get3A_949 = arith.index_cast %add3A_931 : i32 to index
        %get3A_950 = arith.constant 32 : index
        %get3A_951 = tpu.vector_load %arg14[%get3A_949, %get3A_950] {strides = array<i32>} : memref<96x128xf32, #tpu.memory_space<vmem>>, vector<16xf32>,
        %mul3A_952 = arith.mulf %get3A_951, %broadcast_in_dim3A_934 : vector<16xf32>
        %swap3A_953 = arith.index_cast %add3A_931 : i32 to index
        %swap3A_954 = arith.constant 32 : index
        %swap3A_955 = tpu.vector_load %arg14[%swap3A_953, %swap3A_954] {strides = array<i32>} : memref<96x128xf32, #tpu.memory_space<vmem>>, vector<16xf32>,
        tpu.vector_store %arg14[%swap3A_953, %swap3A_954], %mul3A_952 {strides = array<i32>} : memref<96x128xf32, #tpu.memory_space<vmem>>, vector<16xf32>,
        %get3A_956 = arith.index_cast %add3A_931 : i32 to index
        %get3A_957 = arith.constant 48 : index
        %get3A_958 = tpu.vector_load %arg14[%get3A_956, %get3A_957] {strides = array<i32>} : memref<96x128xf32, #tpu.memory_space<vmem>>, vector<16xf32>,
        %mul3A_959 = arith.mulf %get3A_958, %broadcast_in_dim3A_934 : vector<16xf32>
        %swap3A_960 = arith.index_cast %add3A_931 : i32 to index
        %swap3A_961 = arith.constant 48 : index
        %swap3A_962 = tpu.vector_load %arg14[%swap3A_960, %swap3A_961] {strides = array<i32>} : memref<96x128xf32, #tpu.memory_space<vmem>>, vector<16xf32>,
        tpu.vector_store %arg14[%swap3A_960, %swap3A_961], %mul3A_959 {strides = array<i32>} : memref<96x128xf32, #tpu.memory_space<vmem>>, vector<16xf32>,
        %get3A_963 = arith.index_cast %add3A_931 : i32 to index
        %get3A_964 = arith.constant 64 : index
        %get3A_965 = tpu.vector_load %arg14[%get3A_963, %get3A_964] {strides = array<i32>} : memref<96x128xf32, #tpu.memory_space<vmem>>, vector<16xf32>,
        %mul3A_966 = arith.mulf %get3A_965, %broadcast_in_dim3A_934 : vector<16xf32>
        %swap3A_967 = arith.index_cast %add3A_931 : i32 to index
        %swap3A_968 = arith.constant 64 : index
        %swap3A_969 = tpu.vector_load %arg14[%swap3A_967, %swap3A_968] {strides = array<i32>} : memref<96x128xf32, #tpu.memory_space<vmem>>, vector<16xf32>,
        tpu.vector_store %arg14[%swap3A_967, %swap3A_968], %mul3A_966 {strides = array<i32>} : memref<96x128xf32, #tpu.memory_space<vmem>>, vector<16xf32>,
        %get3A_970 = arith.index_cast %add3A_931 : i32 to index
        %get3A_971 = arith.constant 80 : index
        %get3A_972 = tpu.vector_load %arg14[%get3A_970, %get3A_971] {strides = array<i32>} : memref<96x128xf32, #tpu.memory_space<vmem>>, vector<16xf32>,
        %mul3A_973 = arith.mulf %get3A_972, %broadcast_in_dim3A_934 : vector<16xf32>
        %swap3A_974 = arith.index_cast %add3A_931 : i32 to index
        %swap3A_975 = arith.constant 80 : index
        %swap3A_976 = tpu.vector_load %arg14[%swap3A_974, %swap3A_975] {strides = array<i32>} : memref<96x128xf32, #tpu.memory_space<vmem>>, vector<16xf32>,
        tpu.vector_store %arg14[%swap3A_974, %swap3A_975], %mul3A_973 {strides = array<i32>} : memref<96x128xf32, #tpu.memory_space<vmem>>, vector<16xf32>,
        %get3A_977 = arith.index_cast %add3A_931 : i32 to index
        %get3A_978 = arith.constant 96 : index
        %get3A_979 = tpu.vector_load %arg14[%get3A_977, %get3A_978] {strides = array<i32>} : memref<96x128xf32, #tpu.memory_space<vmem>>, vector<16xf32>,
        %mul3A_980 = arith.mulf %get3A_979, %broadcast_in_dim3A_934 : vector<16xf32>
        %swap3A_981 = arith.index_cast %add3A_931 : i32 to index
        %swap3A_982 = arith.constant 96 : index
        %swap3A_983 = tpu.vector_load %arg14[%swap3A_981, %swap3A_982] {strides = array<i32>} : memref<96x128xf32, #tpu.memory_space<vmem>>, vector<16xf32>,
        tpu.vector_store %arg14[%swap3A_981, %swap3A_982], %mul3A_980 {strides = array<i32>} : memref<96x128xf32, #tpu.memory_space<vmem>>, vector<16xf32>,
        %get3A_984 = arith.index_cast %add3A_931 : i32 to index
        %get3A_985 = arith.constant 112 : index
        %get3A_986 = tpu.vector_load %arg14[%get3A_984, %get3A_985] {strides = array<i32>} : memref<96x128xf32, #tpu.memory_space<vmem>>, vector<16xf32>,
        %mul3A_987 = arith.mulf %get3A_986, %broadcast_in_dim3A_934 : vector<16xf32>
        %swap3A_988 = arith.index_cast %add3A_931 : i32 to index
        %swap3A_989 = arith.constant 112 : index
        %swap3A_990 = tpu.vector_load %arg14[%swap3A_988, %swap3A_989] {strides = array<i32>} : memref<96x128xf32, #tpu.memory_space<vmem>>, vector<16xf32>,
        tpu.vector_store %arg14[%swap3A_988, %swap3A_989], %mul3A_987 {strides = array<i32>} : memref<96x128xf32, #tpu.memory_space<vmem>>, vector<16xf32>,
        %mul3A_991 = arith.constant 16 : i32
        %mul3A_992 = arith.muli %add3A_156, %mul3A_991 : i32
        %add3A_993 = arith.constant 13 : i32
        %add3A_994 = arith.addi %mul3A_992, %add3A_993 : i32
        %slice3A_995 = vector.extract_strided_slice %exp3A {offsets = [13], sizes = [1], strides = [1]} : vector<16xf32> to vector<1xf32>
        %squeeze3A_996 = vector.extract %slice3A_995[0] : f32 from vector<1xf32>
        %broadcast_in_dim3A_997 = vector.broadcast %squeeze3A_996 : f32 to vector<16xf32>
        %get3A_998 = arith.index_cast %add3A_994 : i32 to index
        %get3A_999 = arith.constant 0 : index
        %get3A_1000 = tpu.vector_load %arg14[%get3A_998, %get3A_999] {strides = array<i32>} : memref<96x128xf32, #tpu.memory_space<vmem>>, vector<16xf32>,
        %mul3A_1001 = arith.mulf %get3A_1000, %broadcast_in_dim3A_997 : vector<16xf32>
        %swap3A_1002 = arith.index_cast %add3A_994 : i32 to index
        %swap3A_1003 = arith.constant 0 : index
        %swap3A_1004 = tpu.vector_load %arg14[%swap3A_1002, %swap3A_1003] {strides = array<i32>} : memref<96x128xf32, #tpu.memory_space<vmem>>, vector<16xf32>,
        tpu.vector_store %arg14[%swap3A_1002, %swap3A_1003], %mul3A_1001 {strides = array<i32>} : memref<96x128xf32, #tpu.memory_space<vmem>>, vector<16xf32>,
        %get3A_1005 = arith.index_cast %add3A_994 : i32 to index
        %get3A_1006 = arith.constant 16 : index
        %get3A_1007 = tpu.vector_load %arg14[%get3A_1005, %get3A_1006] {strides = array<i32>} : memref<96x128xf32, #tpu.memory_space<vmem>>, vector<16xf32>,
        %mul3A_1008 = arith.mulf %get3A_1007, %broadcast_in_dim3A_997 : vector<16xf32>
        %swap3A_1009 = arith.index_cast %add3A_994 : i32 to index
        %swap3A_1010 = arith.constant 16 : index
        %swap3A_1011 = tpu.vector_load %arg14[%swap3A_1009, %swap3A_1010] {strides = array<i32>} : memref<96x128xf32, #tpu.memory_space<vmem>>, vector<16xf32>,
        tpu.vector_store %arg14[%swap3A_1009, %swap3A_1010], %mul3A_1008 {strides = array<i32>} : memref<96x128xf32, #tpu.memory_space<vmem>>, vector<16xf32>,
        %get3A_1012 = arith.index_cast %add3A_994 : i32 to index
        %get3A_1013 = arith.constant 32 : index
        %get3A_1014 = tpu.vector_load %arg14[%get3A_1012, %get3A_1013] {strides = array<i32>} : memref<96x128xf32, #tpu.memory_space<vmem>>, vector<16xf32>,
        %mul3A_1015 = arith.mulf %get3A_1014, %broadcast_in_dim3A_997 : vector<16xf32>
        %swap3A_1016 = arith.index_cast %add3A_994 : i32 to index
        %swap3A_1017 = arith.constant 32 : index
        %swap3A_1018 = tpu.vector_load %arg14[%swap3A_1016, %swap3A_1017] {strides = array<i32>} : memref<96x128xf32, #tpu.memory_space<vmem>>, vector<16xf32>,
        tpu.vector_store %arg14[%swap3A_1016, %swap3A_1017], %mul3A_1015 {strides = array<i32>} : memref<96x128xf32, #tpu.memory_space<vmem>>, vector<16xf32>,
        %get3A_1019 = arith.index_cast %add3A_994 : i32 to index
        %get3A_1020 = arith.constant 48 : index
        %get3A_1021 = tpu.vector_load %arg14[%get3A_1019, %get3A_1020] {strides = array<i32>} : memref<96x128xf32, #tpu.memory_space<vmem>>, vector<16xf32>,
        %mul3A_1022 = arith.mulf %get3A_1021, %broadcast_in_dim3A_997 : vector<16xf32>
        %swap3A_1023 = arith.index_cast %add3A_994 : i32 to index
        %swap3A_1024 = arith.constant 48 : index
        %swap3A_1025 = tpu.vector_load %arg14[%swap3A_1023, %swap3A_1024] {strides = array<i32>} : memref<96x128xf32, #tpu.memory_space<vmem>>, vector<16xf32>,
        tpu.vector_store %arg14[%swap3A_1023, %swap3A_1024], %mul3A_1022 {strides = array<i32>} : memref<96x128xf32, #tpu.memory_space<vmem>>, vector<16xf32>,
        %get3A_1026 = arith.index_cast %add3A_994 : i32 to index
        %get3A_1027 = arith.constant 64 : index
        %get3A_1028 = tpu.vector_load %arg14[%get3A_1026, %get3A_1027] {strides = array<i32>} : memref<96x128xf32, #tpu.memory_space<vmem>>, vector<16xf32>,
        %mul3A_1029 = arith.mulf %get3A_1028, %broadcast_in_dim3A_997 : vector<16xf32>
        %swap3A_1030 = arith.index_cast %add3A_994 : i32 to index
        %swap3A_1031 = arith.constant 64 : index
        %swap3A_1032 = tpu.vector_load %arg14[%swap3A_1030, %swap3A_1031] {strides = array<i32>} : memref<96x128xf32, #tpu.memory_space<vmem>>, vector<16xf32>,
        tpu.vector_store %arg14[%swap3A_1030, %swap3A_1031], %mul3A_1029 {strides = array<i32>} : memref<96x128xf32, #tpu.memory_space<vmem>>, vector<16xf32>,
        %get3A_1033 = arith.index_cast %add3A_994 : i32 to index
        %get3A_1034 = arith.constant 80 : index
        %get3A_1035 = tpu.vector_load %arg14[%get3A_1033, %get3A_1034] {strides = array<i32>} : memref<96x128xf32, #tpu.memory_space<vmem>>, vector<16xf32>,
        %mul3A_1036 = arith.mulf %get3A_1035, %broadcast_in_dim3A_997 : vector<16xf32>
        %swap3A_1037 = arith.index_cast %add3A_994 : i32 to index
        %swap3A_1038 = arith.constant 80 : index
        %swap3A_1039 = tpu.vector_load %arg14[%swap3A_1037, %swap3A_1038] {strides = array<i32>} : memref<96x128xf32, #tpu.memory_space<vmem>>, vector<16xf32>,
        tpu.vector_store %arg14[%swap3A_1037, %swap3A_1038], %mul3A_1036 {strides = array<i32>} : memref<96x128xf32, #tpu.memory_space<vmem>>, vector<16xf32>,
        %get3A_1040 = arith.index_cast %add3A_994 : i32 to index
        %get3A_1041 = arith.constant 96 : index
        %get3A_1042 = tpu.vector_load %arg14[%get3A_1040, %get3A_1041] {strides = array<i32>} : memref<96x128xf32, #tpu.memory_space<vmem>>, vector<16xf32>,
        %mul3A_1043 = arith.mulf %get3A_1042, %broadcast_in_dim3A_997 : vector<16xf32>
        %swap3A_1044 = arith.index_cast %add3A_994 : i32 to index
        %swap3A_1045 = arith.constant 96 : index
        %swap3A_1046 = tpu.vector_load %arg14[%swap3A_1044, %swap3A_1045] {strides = array<i32>} : memref<96x128xf32, #tpu.memory_space<vmem>>, vector<16xf32>,
        tpu.vector_store %arg14[%swap3A_1044, %swap3A_1045], %mul3A_1043 {strides = array<i32>} : memref<96x128xf32, #tpu.memory_space<vmem>>, vector<16xf32>,
        %get3A_1047 = arith.index_cast %add3A_994 : i32 to index
        %get3A_1048 = arith.constant 112 : index
        %get3A_1049 = tpu.vector_load %arg14[%get3A_1047, %get3A_1048] {strides = array<i32>} : memref<96x128xf32, #tpu.memory_space<vmem>>, vector<16xf32>,
        %mul3A_1050 = arith.mulf %get3A_1049, %broadcast_in_dim3A_997 : vector<16xf32>
        %swap3A_1051 = arith.index_cast %add3A_994 : i32 to index
        %swap3A_1052 = arith.constant 112 : index
        %swap3A_1053 = tpu.vector_load %arg14[%swap3A_1051, %swap3A_1052] {strides = array<i32>} : memref<96x128xf32, #tpu.memory_space<vmem>>, vector<16xf32>,
        tpu.vector_store %arg14[%swap3A_1051, %swap3A_1052], %mul3A_1050 {strides = array<i32>} : memref<96x128xf32, #tpu.memory_space<vmem>>, vector<16xf32>,
        %mul3A_1054 = arith.constant 16 : i32
        %mul3A_1055 = arith.muli %add3A_156, %mul3A_1054 : i32
        %add3A_1056 = arith.constant 14 : i32
        %add3A_1057 = arith.addi %mul3A_1055, %add3A_1056 : i32
        %slice3A_1058 = vector.extract_strided_slice %exp3A {offsets = [14], sizes = [1], strides = [1]} : vector<16xf32> to vector<1xf32>
        %squeeze3A_1059 = vector.extract %slice3A_1058[0] : f32 from vector<1xf32>
        %broadcast_in_dim3A_1060 = vector.broadcast %squeeze3A_1059 : f32 to vector<16xf32>
        %get3A_1061 = arith.index_cast %add3A_1057 : i32 to index
        %get3A_1062 = arith.constant 0 : index
        %get3A_1063 = tpu.vector_load %arg14[%get3A_1061, %get3A_1062] {strides = array<i32>} : memref<96x128xf32, #tpu.memory_space<vmem>>, vector<16xf32>,
        %mul3A_1064 = arith.mulf %get3A_1063, %broadcast_in_dim3A_1060 : vector<16xf32>
        %swap3A_1065 = arith.index_cast %add3A_1057 : i32 to index
        %swap3A_1066 = arith.constant 0 : index
        %swap3A_1067 = tpu.vector_load %arg14[%swap3A_1065, %swap3A_1066] {strides = array<i32>} : memref<96x128xf32, #tpu.memory_space<vmem>>, vector<16xf32>,
        tpu.vector_store %arg14[%swap3A_1065, %swap3A_1066], %mul3A_1064 {strides = array<i32>} : memref<96x128xf32, #tpu.memory_space<vmem>>, vector<16xf32>,
        %get3A_1068 = arith.index_cast %add3A_1057 : i32 to index
        %get3A_1069 = arith.constant 16 : index
        %get3A_1070 = tpu.vector_load %arg14[%get3A_1068, %get3A_1069] {strides = array<i32>} : memref<96x128xf32, #tpu.memory_space<vmem>>, vector<16xf32>,
        %mul3A_1071 = arith.mulf %get3A_1070, %broadcast_in_dim3A_1060 : vector<16xf32>
        %swap3A_1072 = arith.index_cast %add3A_1057 : i32 to index
        %swap3A_1073 = arith.constant 16 : index
        %swap3A_1074 = tpu.vector_load %arg14[%swap3A_1072, %swap3A_1073] {strides = array<i32>} : memref<96x128xf32, #tpu.memory_space<vmem>>, vector<16xf32>,
        tpu.vector_store %arg14[%swap3A_1072, %swap3A_1073], %mul3A_1071 {strides = array<i32>} : memref<96x128xf32, #tpu.memory_space<vmem>>, vector<16xf32>,
        %get3A_1075 = arith.index_cast %add3A_1057 : i32 to index
        %get3A_1076 = arith.constant 32 : index
        %get3A_1077 = tpu.vector_load %arg14[%get3A_1075, %get3A_1076] {strides = array<i32>} : memref<96x128xf32, #tpu.memory_space<vmem>>, vector<16xf32>,
        %mul3A_1078 = arith.mulf %get3A_1077, %broadcast_in_dim3A_1060 : vector<16xf32>
        %swap3A_1079 = arith.index_cast %add3A_1057 : i32 to index
        %swap3A_1080 = arith.constant 32 : index
        %swap3A_1081 = tpu.vector_load %arg14[%swap3A_1079, %swap3A_1080] {strides = array<i32>} : memref<96x128xf32, #tpu.memory_space<vmem>>, vector<16xf32>,
        tpu.vector_store %arg14[%swap3A_1079, %swap3A_1080], %mul3A_1078 {strides = array<i32>} : memref<96x128xf32, #tpu.memory_space<vmem>>, vector<16xf32>,
        %get3A_1082 = arith.index_cast %add3A_1057 : i32 to index
        %get3A_1083 = arith.constant 48 : index
        %get3A_1084 = tpu.vector_load %arg14[%get3A_1082, %get3A_1083] {strides = array<i32>} : memref<96x128xf32, #tpu.memory_space<vmem>>, vector<16xf32>,
        %mul3A_1085 = arith.mulf %get3A_1084, %broadcast_in_dim3A_1060 : vector<16xf32>
        %swap3A_1086 = arith.index_cast %add3A_1057 : i32 to index
        %swap3A_1087 = arith.constant 48 : index
        %swap3A_1088 = tpu.vector_load %arg14[%swap3A_1086, %swap3A_1087] {strides = array<i32>} : memref<96x128xf32, #tpu.memory_space<vmem>>, vector<16xf32>,
        tpu.vector_store %arg14[%swap3A_1086, %swap3A_1087], %mul3A_1085 {strides = array<i32>} : memref<96x128xf32, #tpu.memory_space<vmem>>, vector<16xf32>,
        %get3A_1089 = arith.index_cast %add3A_1057 : i32 to index
        %get3A_1090 = arith.constant 64 : index
        %get3A_1091 = tpu.vector_load %arg14[%get3A_1089, %get3A_1090] {strides = array<i32>} : memref<96x128xf32, #tpu.memory_space<vmem>>, vector<16xf32>,
        %mul3A_1092 = arith.mulf %get3A_1091, %broadcast_in_dim3A_1060 : vector<16xf32>
        %swap3A_1093 = arith.index_cast %add3A_1057 : i32 to index
        %swap3A_1094 = arith.constant 64 : index
        %swap3A_1095 = tpu.vector_load %arg14[%swap3A_1093, %swap3A_1094] {strides = array<i32>} : memref<96x128xf32, #tpu.memory_space<vmem>>, vector<16xf32>,
        tpu.vector_store %arg14[%swap3A_1093, %swap3A_1094], %mul3A_1092 {strides = array<i32>} : memref<96x128xf32, #tpu.memory_space<vmem>>, vector<16xf32>,
        %get3A_1096 = arith.index_cast %add3A_1057 : i32 to index
        %get3A_1097 = arith.constant 80 : index
        %get3A_1098 = tpu.vector_load %arg14[%get3A_1096, %get3A_1097] {strides = array<i32>} : memref<96x128xf32, #tpu.memory_space<vmem>>, vector<16xf32>,
        %mul3A_1099 = arith.mulf %get3A_1098, %broadcast_in_dim3A_1060 : vector<16xf32>
        %swap3A_1100 = arith.index_cast %add3A_1057 : i32 to index
        %swap3A_1101 = arith.constant 80 : index
        %swap3A_1102 = tpu.vector_load %arg14[%swap3A_1100, %swap3A_1101] {strides = array<i32>} : memref<96x128xf32, #tpu.memory_space<vmem>>, vector<16xf32>,
        tpu.vector_store %arg14[%swap3A_1100, %swap3A_1101], %mul3A_1099 {strides = array<i32>} : memref<96x128xf32, #tpu.memory_space<vmem>>, vector<16xf32>,
        %get3A_1103 = arith.index_cast %add3A_1057 : i32 to index
        %get3A_1104 = arith.constant 96 : index
        %get3A_1105 = tpu.vector_load %arg14[%get3A_1103, %get3A_1104] {strides = array<i32>} : memref<96x128xf32, #tpu.memory_space<vmem>>, vector<16xf32>,
        %mul3A_1106 = arith.mulf %get3A_1105, %broadcast_in_dim3A_1060 : vector<16xf32>
        %swap3A_1107 = arith.index_cast %add3A_1057 : i32 to index
        %swap3A_1108 = arith.constant 96 : index
        %swap3A_1109 = tpu.vector_load %arg14[%swap3A_1107, %swap3A_1108] {strides = array<i32>} : memref<96x128xf32, #tpu.memory_space<vmem>>, vector<16xf32>,
        tpu.vector_store %arg14[%swap3A_1107, %swap3A_1108], %mul3A_1106 {strides = array<i32>} : memref<96x128xf32, #tpu.memory_space<vmem>>, vector<16xf32>,
        %get3A_1110 = arith.index_cast %add3A_1057 : i32 to index
        %get3A_1111 = arith.constant 112 : index
        %get3A_1112 = tpu.vector_load %arg14[%get3A_1110, %get3A_1111] {strides = array<i32>} : memref<96x128xf32, #tpu.memory_space<vmem>>, vector<16xf32>,
        %mul3A_1113 = arith.mulf %get3A_1112, %broadcast_in_dim3A_1060 : vector<16xf32>
        %swap3A_1114 = arith.index_cast %add3A_1057 : i32 to index
        %swap3A_1115 = arith.constant 112 : index
        %swap3A_1116 = tpu.vector_load %arg14[%swap3A_1114, %swap3A_1115] {strides = array<i32>} : memref<96x128xf32, #tpu.memory_space<vmem>>, vector<16xf32>,
        tpu.vector_store %arg14[%swap3A_1114, %swap3A_1115], %mul3A_1113 {strides = array<i32>} : memref<96x128xf32, #tpu.memory_space<vmem>>, vector<16xf32>,
        %mul3A_1117 = arith.constant 16 : i32
        %mul3A_1118 = arith.muli %add3A_156, %mul3A_1117 : i32
        %add3A_1119 = arith.constant 15 : i32
        %add3A_1120 = arith.addi %mul3A_1118, %add3A_1119 : i32
        %slice3A_1121 = vector.extract_strided_slice %exp3A {offsets = [15], sizes = [1], strides = [1]} : vector<16xf32> to vector<1xf32>
        %squeeze3A_1122 = vector.extract %slice3A_1121[0] : f32 from vector<1xf32>
        %broadcast_in_dim3A_1123 = vector.broadcast %squeeze3A_1122 : f32 to vector<16xf32>
        %get3A_1124 = arith.index_cast %add3A_1120 : i32 to index
        %get3A_1125 = arith.constant 0 : index
        %get3A_1126 = tpu.vector_load %arg14[%get3A_1124, %get3A_1125] {strides = array<i32>} : memref<96x128xf32, #tpu.memory_space<vmem>>, vector<16xf32>,
        %mul3A_1127 = arith.mulf %get3A_1126, %broadcast_in_dim3A_1123 : vector<16xf32>
        %swap3A_1128 = arith.index_cast %add3A_1120 : i32 to index
        %swap3A_1129 = arith.constant 0 : index
        %swap3A_1130 = tpu.vector_load %arg14[%swap3A_1128, %swap3A_1129] {strides = array<i32>} : memref<96x128xf32, #tpu.memory_space<vmem>>, vector<16xf32>,
        tpu.vector_store %arg14[%swap3A_1128, %swap3A_1129], %mul3A_1127 {strides = array<i32>} : memref<96x128xf32, #tpu.memory_space<vmem>>, vector<16xf32>,
        %get3A_1131 = arith.index_cast %add3A_1120 : i32 to index
        %get3A_1132 = arith.constant 16 : index
        %get3A_1133 = tpu.vector_load %arg14[%get3A_1131, %get3A_1132] {strides = array<i32>} : memref<96x128xf32, #tpu.memory_space<vmem>>, vector<16xf32>,
        %mul3A_1134 = arith.mulf %get3A_1133, %broadcast_in_dim3A_1123 : vector<16xf32>
        %swap3A_1135 = arith.index_cast %add3A_1120 : i32 to index
        %swap3A_1136 = arith.constant 16 : index
        %swap3A_1137 = tpu.vector_load %arg14[%swap3A_1135, %swap3A_1136] {strides = array<i32>} : memref<96x128xf32, #tpu.memory_space<vmem>>, vector<16xf32>,
        tpu.vector_store %arg14[%swap3A_1135, %swap3A_1136], %mul3A_1134 {strides = array<i32>} : memref<96x128xf32, #tpu.memory_space<vmem>>, vector<16xf32>,
        %get3A_1138 = arith.index_cast %add3A_1120 : i32 to index
        %get3A_1139 = arith.constant 32 : index
        %get3A_1140 = tpu.vector_load %arg14[%get3A_1138, %get3A_1139] {strides = array<i32>} : memref<96x128xf32, #tpu.memory_space<vmem>>, vector<16xf32>,
        %mul3A_1141 = arith.mulf %get3A_1140, %broadcast_in_dim3A_1123 : vector<16xf32>
        %swap3A_1142 = arith.index_cast %add3A_1120 : i32 to index
        %swap3A_1143 = arith.constant 32 : index
        %swap3A_1144 = tpu.vector_load %arg14[%swap3A_1142, %swap3A_1143] {strides = array<i32>} : memref<96x128xf32, #tpu.memory_space<vmem>>, vector<16xf32>,
        tpu.vector_store %arg14[%swap3A_1142, %swap3A_1143], %mul3A_1141 {strides = array<i32>} : memref<96x128xf32, #tpu.memory_space<vmem>>, vector<16xf32>,
        %get3A_1145 = arith.index_cast %add3A_1120 : i32 to index
        %get3A_1146 = arith.constant 48 : index
        %get3A_1147 = tpu.vector_load %arg14[%get3A_1145, %get3A_1146] {strides = array<i32>} : memref<96x128xf32, #tpu.memory_space<vmem>>, vector<16xf32>,
        %mul3A_1148 = arith.mulf %get3A_1147, %broadcast_in_dim3A_1123 : vector<16xf32>
        %swap3A_1149 = arith.index_cast %add3A_1120 : i32 to index
        %swap3A_1150 = arith.constant 48 : index
        %swap3A_1151 = tpu.vector_load %arg14[%swap3A_1149, %swap3A_1150] {strides = array<i32>} : memref<96x128xf32, #tpu.memory_space<vmem>>, vector<16xf32>,
        tpu.vector_store %arg14[%swap3A_1149, %swap3A_1150], %mul3A_1148 {strides = array<i32>} : memref<96x128xf32, #tpu.memory_space<vmem>>, vector<16xf32>,
        %get3A_1152 = arith.index_cast %add3A_1120 : i32 to index
        %get3A_1153 = arith.constant 64 : index
        %get3A_1154 = tpu.vector_load %arg14[%get3A_1152, %get3A_1153] {strides = array<i32>} : memref<96x128xf32, #tpu.memory_space<vmem>>, vector<16xf32>,
        %mul3A_1155 = arith.mulf %get3A_1154, %broadcast_in_dim3A_1123 : vector<16xf32>
        %swap3A_1156 = arith.index_cast %add3A_1120 : i32 to index
        %swap3A_1157 = arith.constant 64 : index
        %swap3A_1158 = tpu.vector_load %arg14[%swap3A_1156, %swap3A_1157] {strides = array<i32>} : memref<96x128xf32, #tpu.memory_space<vmem>>, vector<16xf32>,
        tpu.vector_store %arg14[%swap3A_1156, %swap3A_1157], %mul3A_1155 {strides = array<i32>} : memref<96x128xf32, #tpu.memory_space<vmem>>, vector<16xf32>,
        %get3A_1159 = arith.index_cast %add3A_1120 : i32 to index
        %get3A_1160 = arith.constant 80 : index
        %get3A_1161 = tpu.vector_load %arg14[%get3A_1159, %get3A_1160] {strides = array<i32>} : memref<96x128xf32, #tpu.memory_space<vmem>>, vector<16xf32>,
        %mul3A_1162 = arith.mulf %get3A_1161, %broadcast_in_dim3A_1123 : vector<16xf32>
        %swap3A_1163 = arith.index_cast %add3A_1120 : i32 to index
        %swap3A_1164 = arith.constant 80 : index
        %swap3A_1165 = tpu.vector_load %arg14[%swap3A_1163, %swap3A_1164] {strides = array<i32>} : memref<96x128xf32, #tpu.memory_space<vmem>>, vector<16xf32>,
        tpu.vector_store %arg14[%swap3A_1163, %swap3A_1164], %mul3A_1162 {strides = array<i32>} : memref<96x128xf32, #tpu.memory_space<vmem>>, vector<16xf32>,
        %get3A_1166 = arith.index_cast %add3A_1120 : i32 to index
        %get3A_1167 = arith.constant 96 : index
        %get3A_1168 = tpu.vector_load %arg14[%get3A_1166, %get3A_1167] {strides = array<i32>} : memref<96x128xf32, #tpu.memory_space<vmem>>, vector<16xf32>,
        %mul3A_1169 = arith.mulf %get3A_1168, %broadcast_in_dim3A_1123 : vector<16xf32>
        %swap3A_1170 = arith.index_cast %add3A_1120 : i32 to index
        %swap3A_1171 = arith.constant 96 : index
        %swap3A_1172 = tpu.vector_load %arg14[%swap3A_1170, %swap3A_1171] {strides = array<i32>} : memref<96x128xf32, #tpu.memory_space<vmem>>, vector<16xf32>,
        tpu.vector_store %arg14[%swap3A_1170, %swap3A_1171], %mul3A_1169 {strides = array<i32>} : memref<96x128xf32, #tpu.memory_space<vmem>>, vector<16xf32>,
        %get3A_1173 = arith.index_cast %add3A_1120 : i32 to index
        %get3A_1174 = arith.constant 112 : index
        %get3A_1175 = tpu.vector_load %arg14[%get3A_1173, %get3A_1174] {strides = array<i32>} : memref<96x128xf32, #tpu.memory_space<vmem>>, vector<16xf32>,
        %mul3A_1176 = arith.mulf %get3A_1175, %broadcast_in_dim3A_1123 : vector<16xf32>
        %swap3A_1177 = arith.index_cast %add3A_1120 : i32 to index
        %swap3A_1178 = arith.constant 112 : index
        %swap3A_1179 = tpu.vector_load %arg14[%swap3A_1177, %swap3A_1178] {strides = array<i32>} : memref<96x128xf32, #tpu.memory_space<vmem>>, vector<16xf32>,
        tpu.vector_store %arg14[%swap3A_1177, %swap3A_1178], %mul3A_1176 {strides = array<i32>} : memref<96x128xf32, #tpu.memory_space<vmem>>, vector<16xf32>,
      }
      %scan3A_148 = arith.constant 6 : i32
      %dma_start3A_149 = arith.constant 0 : i32
      %dma_start3A_150 = arith.constant 0 : i32
      %dma_start3A_151 = tpu.memref_slice %arg16[%dma_start3A_149, %dma_start3A_150] : memref<10240x128xf32, #tpu.memory_space<vmem_shared>> -> memref<10240x128xf32, #tpu.memory_space<vmem_shared>>
      tpu.enqueue_indirect_dma source(%arg14 : memref<96x128xf32, #tpu.memory_space<vmem>>) target(%dma_start3A_151 : memref<10240x128xf32, #tpu.memory_space<vmem_shared>>) offsets(%arg11 : memref<96xi32, #tpu.memory_space<vmem>>) semaphore(%arg25 : memref<!tpu.dma_semaphore, #tpu.memory_space<semaphore_mem>>) {add = true}
    }
    %scan3A_42 = arith.constant 35 : i32
    %dma_wait3A_43 = arith.constant 0 : i32
    %dma_wait3A_44 = arith.constant 0 : i32
    %dma_wait3A_45 = tpu.memref_slice %arg16[%dma_wait3A_43, %dma_wait3A_44] : memref<10240x128xf32, #tpu.memory_space<vmem_shared>> -> memref<10240x128xf32, #tpu.memory_space<vmem_shared>>
    tpu.wait_indirect_dma semaphore(%arg24 : memref<!tpu.dma_semaphore, #tpu.memory_space<semaphore_mem>>) src(%arg13 : memref<96x128xf32, #tpu.memory_space<vmem>>) dst(%dma_wait3A_45 : memref<10240x128xf32, #tpu.memory_space<vmem_shared>>)
    %dma_wait3A_46 = arith.constant 0 : i32
    %dma_wait3A_47 = arith.constant 0 : i32
    %dma_wait3A_48 = tpu.memref_slice %arg16[%dma_wait3A_46, %dma_wait3A_47] : memref<10240x128xf32, #tpu.memory_space<vmem_shared>> -> memref<10240x128xf32, #tpu.memory_space<vmem_shared>>
    tpu.wait_indirect_dma semaphore(%arg25 : memref<!tpu.dma_semaphore, #tpu.memory_space<semaphore_mem>>) src(%arg14 : memref<96x128xf32, #tpu.memory_space<vmem>>) dst(%dma_wait3A_48 : memref<10240x128xf32, #tpu.memory_space<vmem_shared>>)
    "tpu.region"() ({
      %run_scoped3A = tpu.sem_alloc : memref<!tpu.dma_semaphore, #tpu.memory_space<semaphore_mem>>
      %dma_start3A_55 = arith.constant 0 : i32
      %dma_start3A_56 = arith.constant 0 : i32
      %dma_start3A_57 = arith.constant 0 : i32
      %dma_start3A_58 = tpu.memref_slice %arg5[%arg0, %dma_start3A_55, %dma_start3A_56, %dma_start3A_57] : memref<2x16x80x128xf32, #tpu.memory_space<hbm>> -> memref<1x16x80x128xf32, #tpu.memory_space<hbm>>
      %dma_start3A_59 = tpu.memref_squeeze %dma_start3A_58 : memref<1x16x80x128xf32, #tpu.memory_space<hbm>> -> memref<16x80x128xf32, #tpu.memory_space<hbm>>
      %dma_start3A_60 = arith.constant 0 : i32
      %dma_start3A_61 = arith.constant 0 : i32
      %dma_start3A_62 = tpu.memref_slice %dma_start3A_59[%arg1, %dma_start3A_60, %dma_start3A_61] : memref<16x80x128xf32, #tpu.memory_space<hbm>> -> memref<1x80x128xf32, #tpu.memory_space<hbm>>
      %dma_start3A_63 = tpu.memref_squeeze %dma_start3A_62 : memref<1x80x128xf32, #tpu.memory_space<hbm>> -> memref<80x128xf32, #tpu.memory_space<hbm>>
      %dma_start3A_64 = arith.constant 0 : i32
      %dma_start3A_65 = arith.constant 0 : i32
      %dma_start3A_66 = arith.constant 0 : i32
      %dma_start3A_67 = tpu.memref_slice %arg5[%arg0, %dma_start3A_64, %dma_start3A_65, %dma_start3A_66] : memref<2x16x80x128xf32, #tpu.memory_space<hbm>> -> memref<1x16x80x128xf32, #tpu.memory_space<hbm>>
      %dma_start3A_68 = tpu.memref_squeeze %dma_start3A_67 : memref<1x16x80x128xf32, #tpu.memory_space<hbm>> -> memref<16x80x128xf32, #tpu.memory_space<hbm>>
      %dma_start3A_69 = arith.constant 0 : i32
      %dma_start3A_70 = arith.constant 0 : i32
      %dma_start3A_71 = tpu.memref_slice %dma_start3A_68[%arg1, %dma_start3A_69, %dma_start3A_70] : memref<16x80x128xf32, #tpu.memory_space<hbm>> -> memref<1x80x128xf32, #tpu.memory_space<hbm>>
      %dma_start3A_72 = tpu.memref_squeeze %dma_start3A_71 : memref<1x80x128xf32, #tpu.memory_space<hbm>> -> memref<80x128xf32, #tpu.memory_space<hbm>>
      tpu.enqueue_dma source(%arg15 : memref<80x128xf32, #tpu.memory_space<vmem>>) target(%dma_start3A_72 : memref<80x128xf32, #tpu.memory_space<hbm>>) target_semaphore(%run_scoped3A : memref<!tpu.dma_semaphore, #tpu.memory_space<semaphore_mem>>)
      %dma_wait3A_73 = arith.constant 0 : i32
      %dma_wait3A_74 = arith.constant 0 : i32
      %dma_wait3A_75 = arith.constant 0 : i32
      %dma_wait3A_76 = tpu.memref_slice %arg5[%arg0, %dma_wait3A_73, %dma_wait3A_74, %dma_wait3A_75] : memref<2x16x80x128xf32, #tpu.memory_space<hbm>> -> memref<1x16x80x128xf32, #tpu.memory_space<hbm>>
      %dma_wait3A_77 = tpu.memref_squeeze %dma_wait3A_76 : memref<1x16x80x128xf32, #tpu.memory_space<hbm>> -> memref<16x80x128xf32, #tpu.memory_space<hbm>>
      %dma_wait3A_78 = arith.constant 0 : i32
      %dma_wait3A_79 = arith.constant 0 : i32
      %dma_wait3A_80 = tpu.memref_slice %dma_wait3A_77[%arg1, %dma_wait3A_78, %dma_wait3A_79] : memref<16x80x128xf32, #tpu.memory_space<hbm>> -> memref<1x80x128xf32, #tpu.memory_space<hbm>>
      %dma_wait3A_81 = tpu.memref_squeeze %dma_wait3A_80 : memref<1x80x128xf32, #tpu.memory_space<hbm>> -> memref<80x128xf32, #tpu.memory_space<hbm>>
      %dma_wait3A_82 = arith.constant 0 : i32
      %dma_wait3A_83 = arith.constant 0 : i32
      %dma_wait3A_84 = arith.constant 0 : i32
      %dma_wait3A_85 = tpu.memref_slice %arg5[%arg0, %dma_wait3A_82, %dma_wait3A_83, %dma_wait3A_84] : memref<2x16x80x128xf32, #tpu.memory_space<hbm>> -> memref<1x16x80x128xf32, #tpu.memory_space<hbm>>
      %dma_wait3A_86 = tpu.memref_squeeze %dma_wait3A_85 : memref<1x16x80x128xf32, #tpu.memory_space<hbm>> -> memref<16x80x128xf32, #tpu.memory_space<hbm>>
      %dma_wait3A_87 = arith.constant 0 : i32
      %dma_wait3A_88 = arith.constant 0 : i32
      %dma_wait3A_89 = tpu.memref_slice %dma_wait3A_86[%arg1, %dma_wait3A_87, %dma_wait3A_88] : memref<16x80x128xf32, #tpu.memory_space<hbm>> -> memref<1x80x128xf32, #tpu.memory_space<hbm>>
      %dma_wait3A_90 = tpu.memref_squeeze %dma_wait3A_89 : memref<1x80x128xf32, #tpu.memory_space<hbm>> -> memref<80x128xf32, #tpu.memory_space<hbm>>
      tpu.wait_dma2 semaphore(%run_scoped3A : memref<!tpu.dma_semaphore, #tpu.memory_space<semaphore_mem>>) src(%arg15 : memref<80x128xf32, #tpu.memory_space<vmem>>) dst(%dma_wait3A_90 : memref<80x128xf32, #tpu.memory_space<hbm>>)
      tpu.yield
    }) : () -> ()
    %barrier3A_49 = arith.constant 0 : index
    tpu.barrier barrier_id(%barrier3A_49)
    %scan3A_50 = arith.constant 0 : i32
    %scan3A_51 = arith.constant 5 : i32
    %scan3A_52 = arith.addi %scan3A_50, %scan3A_51 : i32
    %scan3A_53 = arith.constant 1 : i32
    scf.for %scan3A_55 = %scan3A_50 to %scan3A_52 step %scan3A_53  : i32 {
      %mul3A_56 = arith.constant 1 : i32
      %mul3A_57 = arith.muli %scan3A_55, %mul3A_56 : i32
      %add3A_58 = arith.constant 0 : i32
      %add3A_59 = arith.addi %add3A_58, %mul3A_57 : i32
      %mul3A_60 = arith.constant 128 : i32
      %mul3A_61 = arith.muli %add3A_59, %mul3A_60 : i32
      %add3A_62 = arith.addi %mul3A_11, %mul3A_61 : i32
      %mul3A_63 = arith.constant 128 : i32
      %mul3A_64 = arith.muli %add3A_59, %mul3A_63 : i32
      %add3A_65 = arith.addi %mul3A_11, %mul3A_64 : i32
      "tpu.region"() ({
        %run_scoped3A = tpu.sem_alloc : memref<!tpu.dma_semaphore, #tpu.memory_space<semaphore_mem>>
        %dma_start3A_66 = arith.constant 0 : i32
        %dma_start3A_67 = arith.constant 0 : i32
        %dma_start3A_68 = tpu.memref_slice %arg4[%arg0, %dma_start3A_66, %dma_start3A_67] : memref<2x10240x128xf32, #tpu.memory_space<hbm>> -> memref<1x10240x128xf32, #tpu.memory_space<hbm>>
        %dma_start3A_69 = tpu.memref_squeeze %dma_start3A_68 : memref<1x10240x128xf32, #tpu.memory_space<hbm>> -> memref<10240x128xf32, #tpu.memory_space<hbm>>
        %dma_start3A_70 = arith.constant 0 : i32
        %dma_start3A_71 = tpu.memref_slice %dma_start3A_69[%add3A_65, %dma_start3A_70] : memref<10240x128xf32, #tpu.memory_space<hbm>> -> memref<128x128xf32, #tpu.memory_space<hbm>>
        %dma_start3A_72 = arith.constant 0 : i32
        %dma_start3A_73 = tpu.memref_slice %arg16[%add3A_62, %dma_start3A_72] : memref<10240x128xf32, #tpu.memory_space<vmem_shared>> -> memref<128x128xf32, #tpu.memory_space<vmem_shared>>
        tpu.enqueue_dma source(%dma_start3A_73 : memref<128x128xf32, #tpu.memory_space<vmem_shared>>) target(%dma_start3A_71 : memref<128x128xf32, #tpu.memory_space<hbm>>) target_semaphore(%run_scoped3A : memref<!tpu.dma_semaphore, #tpu.memory_space<semaphore_mem>>)
        %dma_wait3A_74 = arith.constant 0 : i32
        %dma_wait3A_75 = arith.constant 0 : i32
        %dma_wait3A_76 = tpu.memref_slice %arg4[%arg0, %dma_wait3A_74, %dma_wait3A_75] : memref<2x10240x128xf32, #tpu.memory_space<hbm>> -> memref<1x10240x128xf32, #tpu.memory_space<hbm>>
        %dma_wait3A_77 = tpu.memref_squeeze %dma_wait3A_76 : memref<1x10240x128xf32, #tpu.memory_space<hbm>> -> memref<10240x128xf32, #tpu.memory_space<hbm>>
        %dma_wait3A_78 = arith.constant 0 : i32
        %dma_wait3A_79 = tpu.memref_slice %dma_wait3A_77[%add3A_65, %dma_wait3A_78] : memref<10240x128xf32, #tpu.memory_space<hbm>> -> memref<128x128xf32, #tpu.memory_space<hbm>>
        %dma_wait3A_80 = arith.constant 0 : i32
        %dma_wait3A_81 = tpu.memref_slice %arg16[%add3A_62, %dma_wait3A_80] : memref<10240x128xf32, #tpu.memory_space<vmem_shared>> -> memref<128x128xf32, #tpu.memory_space<vmem_shared>>
        tpu.wait_dma2 semaphore(%run_scoped3A : memref<!tpu.dma_semaphore, #tpu.memory_space<semaphore_mem>>) src(%dma_wait3A_81 : memref<128x128xf32, #tpu.memory_space<vmem_shared>>) dst(%dma_wait3A_79 : memref<128x128xf32, #tpu.memory_space<hbm>>)
        tpu.yield
      }) : () -> ()
    }
    %scan3A_54 = arith.constant 5 : i32
    return
  }
}

module attributes {stable_mosaic.version = 14 : i64} {
  func.func @_prep_body(%arg0: memref<128x10000xf32, #tpu.memory_space<vmem>>, %arg1: memref<10000x128xf32, #tpu.memory_space<vmem>>) attributes {dimension_semantics = [], scalar_prefetch = 0 : i64, scratch_operands = 0 : i64, tpu.core_type = #tpu.core_type<tc>} {
    %get3A = arith.constant 0 : index
    %get3A_0 = arith.constant 0 : index
    %get3A_1 = vector.load %arg0[%get3A, %get3A_0] : memref<128x10000xf32, #tpu.memory_space<vmem>>, vector<128x10000xf32>
    %exp3A = math.exp %get3A_1 : vector<128x10000xf32>
    %transpose3A = tpu.transpose %exp3A, [1, 0] : vector<128x10000xf32> -> vector<10000x128xf32>
    %swap3A = arith.constant 0 : index
    %swap3A_2 = arith.constant 0 : index
    %swap3A_3 = vector.load %arg1[%swap3A, %swap3A_2] : memref<10000x128xf32, #tpu.memory_space<vmem>>, vector<10000x128xf32>
    tpu.vector_store %arg1[%swap3A, %swap3A_2], %transpose3A {strides = array<i32>} : memref<10000x128xf32, #tpu.memory_space<vmem>>, vector<10000x128xf32>,
    return
  }
}

module attributes {stable_mosaic.version = 14 : i64} {
  func.func @_fin_body(%arg0: memref<2x10240x128xf32, #tpu.memory_space<vmem>>, %arg1: memref<2x16x80x128xf32, #tpu.memory_space<vmem>>, %arg2: memref<128x10000xf32, #tpu.memory_space<vmem>>) attributes {dimension_semantics = [], scalar_prefetch = 0 : i64, scratch_operands = 0 : i64, tpu.core_type = #tpu.core_type<tc>} {
    %get3A = arith.constant 0 : index
    %get3A_0 = arith.constant 0 : index
    %get3A_1 = arith.constant 0 : index
    %get3A_2 = vector.load %arg0[%get3A, %get3A_0, %get3A_1] : memref<2x10240x128xf32, #tpu.memory_space<vmem>>, vector<1x10000x128xf32>
    %get3A_3 = vector.shape_cast %get3A_2 : vector<1x10000x128xf32> to vector<10000x128xf32>
    %get3A_4 = arith.constant 1 : index
    %get3A_5 = arith.constant 0 : index
    %get3A_6 = arith.constant 0 : index
    %get3A_7 = vector.load %arg0[%get3A_4, %get3A_5, %get3A_6] : memref<2x10240x128xf32, #tpu.memory_space<vmem>>, vector<1x10000x128xf32>
    %get3A_8 = vector.shape_cast %get3A_7 : vector<1x10000x128xf32> to vector<10000x128xf32>
    %add3A = arith.addf %get3A_3, %get3A_8 : vector<10000x128xf32>
    %get3A_9 = arith.constant 0 : index
    %get3A_10 = arith.constant 0 : index
    %get3A_11 = arith.constant 0 : index
    %get3A_12 = arith.constant 0 : index
    %get3A_13 = vector.load %arg1[%get3A_9, %get3A_10, %get3A_11, %get3A_12] : memref<2x16x80x128xf32, #tpu.memory_space<vmem>>, vector<2x16x80x128xf32>
    %reshape3A = vector.shape_cast %get3A_13 : vector<2x16x80x128xf32> to vector<32x10240xf32>
    %reduce_sum3A = arith.constant dense<0.000000e+00> : vector<10240xf32>
    %reduce_sum3A_14 = vector.multi_reduction <add>, %reshape3A, %reduce_sum3A [0] : vector<32x10240xf32> to vector<10240xf32>
    %slice3A = vector.extract_strided_slice %reduce_sum3A_14 {offsets = [0], sizes = [10000], strides = [1]} : vector<10240xf32> to vector<10000xf32>
    %log3A = math.log %add3A : vector<10000x128xf32>
    %log3A_15 = math.log %slice3A : vector<10000xf32>
    %broadcast_in_dim3A = vector.shape_cast %log3A_15 : vector<10000xf32> to vector<10000x1xf32>
    %sub3A = vector.broadcast %broadcast_in_dim3A : vector<10000x1xf32> to vector<10000x128xf32>
    %sub3A_16 = arith.subf %log3A, %sub3A : vector<10000x128xf32>
    %transpose3A = tpu.transpose %sub3A_16, [1, 0] : vector<10000x128xf32> -> vector<128x10000xf32>
    %swap3A = arith.constant 0 : index
    %swap3A_17 = arith.constant 0 : index
    %swap3A_18 = vector.load %arg2[%swap3A, %swap3A_17] : memref<128x10000xf32, #tpu.memory_space<vmem>>, vector<128x10000xf32>
    tpu.vector_store %arg2[%swap3A, %swap3A_17], %transpose3A {strides = array<i32>} : memref<128x10000xf32, #tpu.memory_space<vmem>>, vector<128x10000xf32>,
    return
  }
}

</mosaic_0001>

<sc_bundles>
// kernel: kernel.5.cloned.1.call-start
scs
__scs_entry_jumppad:
0x0: {  	(pc) =	sbr.rel $0x88, $3  }
0x1: {  	(tag) =	ssettag $0x0;
	lr =	simm.s32 $0x1  }
0x2: {  	[smem:$0x3F9D] =	sst lr;
	_ =	strace $0xD0000000  }
0x3: {  	_ = 	snop  }
0x4: {  	_ = 	snop  }
0x5: {  	_ = 	snop  }
0x6: {  	_ = 	snop  }
0x7: {  	_ = 	snop  }
__scs_overlays_trampoline_lowered:
0x8: {  	[smem:$0x3FAC] =	sst s0  }
0x9: {  	[smem:$0x3FAD] =	sst s1  }
0xa: {  	[smem:$0x3FAE] =	sst s2  }
0xb: {  	[smem:$0x3FAF] =	sst s3  }
0xc: {  	[smem:$0x3FB0] =	sst s4  }
0xd: {  	[smem:$0x3FB1] =	sst s5  }
0xe: {  	[smem:$0x3FB2] =	sst s6  }
0xf: {  	[smem:$0x3FB3] =	sst s7  }
0x10: {  	[smem:$0x3FB4] =	sst s8  }
0x11: {  	[smem:$0x3FB5] =	sst s9;
	s0 =	simm.s32 @!p0 $0x0  }
0x12: {  	s1 =	sld [smem:$0x3F9B];
	s0 =	simm.s32 @p0 $0x1  }
0x13: {  	[smem:$0x3FB6] =	sst s0;
	s0 =	simm.s32 @!p1 $0x0  }
0x14: {  	s2 =	sld [smem:$0x3F9A];
	s0 =	simm.s32 @p1 $0x1  }
0x15: {  	[smem:$0x3FB7] =	sst s0;
	s0 =	simm.s32 @!p2 $0x0  }
0x16: {  	s3 =	sld [smem:$0x3FDB];
	s0 =	simm.s32 @p2 $0x1  }
0x17: {  	s4 =	simm.s32 $0x1BF5;
	[smem:$0x3FB9] =	sst s0  }
0x18: {  	s0 =	sld [smem:$0x3F9C];
	_ =	swait.ge [sflag:s4], $0x0  }
0x19: {  	s7 =	sld [smem:$0x3F9D]  }
0x1a: {  	s8 =	sadd.s32 $0xFFFFE003, lr  }
0x1b: {  	s9 =	sadd.s32 $0xFFFFFEF7, lr;
	s5 =	simm.s32 $0xFFFFFFFF;
	p2 =	slt.u32 s8, $0xFFFFF086  }
0x1c: {  	p1 =	slt.u32 s9, $0xF7A;
	s5 =	simm.s32 @!p2 $0x0  }
0x1d: {  	s5 =	simm.s32 @p1 $0x1;
	p0 =	seq.s32 s7, s2  }
0x1e: {  	s7 =	smul.u32 @!p0 $0xF7A, s2;
	p2 =	seq.s32 @!p0 s5, $0x0  }
0x1f: {  	s9 =	smul.u32 $0xF7A, s1;
	s8 =	simm.s32 @!p0 $0x1BF5;
	p2 =	por !p2, p0  }
0x20: {  	[sflag:s8] =	ssyncset.s32 @!p0 $0xFFFFF086;
	s6 =	sadd.s32 @!p0 s3, s7;
	s7 =	simm.s32 @!p0 $0x108  }
0x21: {  	s3 =	sadd.s32 s3, s9;
	s6 =	sadd.s32 @!p0 $0x88, s6;
	s7 =	simm.s32 @p2 $0x1082  }
0x22: {  	[simem:s7], [sflag:s8] =	dma.local @!p0 [hbm:s6], $0xF7A  }
0x23: {  	s9 =	sor.u32 $0xD0000000, s2;
	s6 =	simm.s32 $0x108;
	_ =	swait.ge @!p0 [sflag:s8], $0x0  }
0x24: {  	s3 =	sadd.s32 $0x88, s3;
	s6 =	simm.s32 @!p1 $0x1082;
	[sflag:s4] =	ssyncset.s32 $0xFFFFF086  }
0x25: {  	[simem:s6], [sflag:s4] =	dma.local [hbm:s3], $0xF7A  }
0x26: {  	[smem:$0x3F9D] =	sst s1;
	(tag) =	ssettag s2;
	_ =	strace s9  }
0x27: {  	s1 =	sld [smem:$0x3FAD]  }
0x28: {  	s2 =	sld [smem:$0x3FAE]  }
0x29: {  	s4 =	sld [smem:$0x3FB0]  }
0x2a: {  	p0 =	seq.s32 s5, $0x0;
	s5 =	sld [smem:$0x3FB1]  }
0x2b: {  	s6 =	sld [smem:$0x3FB2]  }
0x2c: {  	s7 =	sld [smem:$0x3FB3]  }
0x2d: {  	s3 =	simm.s32 $0x108;
	s8 =	sld [smem:$0x3FB4]  }
0x2e: {  	s3 =	simm.s32 @!p0 $0x1082;
	s9 =	sld [smem:$0x3FB5]  }
0x2f: {  	lr =	sadd.s32 s0, s3;
	s0 =	sld [smem:$0x3FAC]  }
0x30: {  	s3 =	sld [smem:$0x3FAF]  }
0x31: {  	[smem:$0x3FB8] =	sst s10  }
0x32: {  	s10 =	sld [smem:$0x3FB6];
	_ =	sdelay $0x3  }
0x33: {  	p0 =	seq.s32 s10, $0x1;
	s10 =	sld [smem:$0x3FB8];
	_ =	sdelay $0x3  }
0x34: {  	[smem:$0x3FB8] =	sst s10  }
0x35: {  	s10 =	sld [smem:$0x3FB7];
	_ =	sdelay $0x3  }
0x36: {  	p1 =	seq.s32 s10, $0x1;
	s10 =	sld [smem:$0x3FB8];
	_ =	sdelay $0x3  }
0x37: {  	[smem:$0x3FB8] =	sst s10  }
0x38: {  	s10 =	sld [smem:$0x3FB9]  }
0x39: {  	_ = 	snop;
	(pc) =	sbr.ind lr, $3  }
0x3a: {  	_ = 	snop  }
0x3b: {  	_ = 	snop  }
0x3c: {  	p2 =	seq.s32 s10, $0x1;
	s10 =	sld [smem:$0x3FB8]  }
0x3d: {  	_ =	shalt  }
0x3e: {  	_ =	shalt  }
0x3f: {  	_ =	shalt  }
0x40: {  	_ =	shalt  }
0x41: {  	_ =	shalt  }
0x42: {  	_ =	shalt  }
0x43: {  	_ =	shalt  }
0x44: {  	_ =	shalt  }
0x45: {  	_ =	shalt  }
0x46: {  	_ =	shalt  }
0x47: {  	_ =	shalt  }
0x48: {  	_ =	shalt  }
0x49: {  	_ =	shalt  }
0x4a: {  	_ =	shalt  }
0x4b: {  	_ =	shalt  }
0x4c: {  	_ =	shalt  }
0x4d: {  	_ =	shalt  }
0x4e: {  	_ =	shalt  }
0x4f: {  	_ =	shalt  }
0x50: {  	_ =	shalt  }
0x51: {  	_ =	shalt  }
0x52: {  	_ =	shalt  }
0x53: {  	_ =	shalt  }
0x54: {  	_ =	shalt  }
0x55: {  	_ =	shalt  }
0x56: {  	_ =	shalt  }
0x57: {  	_ =	shalt  }
0x58: {  	_ =	shalt  }
0x59: {  	_ =	shalt  }
0x5a: {  	_ =	shalt  }
0x5b: {  	_ =	shalt  }
0x5c: {  	_ =	shalt  }
0x5d: {  	_ =	shalt  }
0x5e: {  	_ =	shalt  }
0x5f: {  	_ =	shalt  }
0x60: {  	_ =	shalt  }
0x61: {  	_ =	shalt  }
0x62: {  	_ =	shalt  }
0x63: {  	_ =	shalt  }
0x64: {  	_ =	shalt  }
0x65: {  	_ =	shalt  }
0x66: {  	_ =	shalt  }
0x67: {  	_ =	shalt  }
0x68: {  	_ =	shalt  }
0x69: {  	_ =	shalt  }
0x6a: {  	_ =	shalt  }
0x6b: {  	_ =	shalt  }
0x6c: {  	_ =	shalt  }
0x6d: {  	_ =	shalt  }
0x6e: {  	_ =	shalt  }
0x6f: {  	_ =	shalt  }
0x70: {  	_ =	shalt  }
0x71: {  	_ =	shalt  }
0x72: {  	_ =	shalt  }
0x73: {  	_ =	shalt  }
0x74: {  	_ =	shalt  }
0x75: {  	_ =	shalt  }
0x76: {  	_ =	shalt  }
0x77: {  	_ =	shalt  }
0x78: {  	_ =	shalt  }
0x79: {  	_ =	shalt  }
0x7a: {  	_ =	shalt  }
0x7b: {  	_ =	shalt  }
0x7c: {  	_ =	shalt  }
0x7d: {  	_ =	shalt  }
0x7e: {  	_ =	shalt  }
0x7f: {  	_ =	shalt  }
0x80: {  	_ =	shalt  }
0x81: {  	_ =	shalt  }
0x82: {  	_ =	shalt  }
0x83: {  	_ =	shalt  }
0x84: {  	_ =	shalt  }
0x85: {  	_ =	shalt  }
0x86: {  	_ =	shalt  }
0x87: {  	_ =	shalt  }
.Lfunc_end0:
.L_simem_size_0:
called_computation_lowered:
.L_overlay_start_0:
0x88: {  	s2 =	sld [smem:$0x3FD9]  }
0x89: {  	s3 =	sld [smem:$0x3FFE];
	_ =	sdelay $0x1  }
0x8a: {  	s1 =	srdreg.scid  }
0x8b: {  	s0 =	sand.u32 $0x1, s1  }
0x8c: {  	s17 =	sshll.u32 s0, $0xA;
	s2 =	sadd.s32 s3, s2  }
0x8d: {  	s2 =	sadd.s32 s2, s17  }
0x8e: {  	[smem:$0x3FC4] =	sst s2  }
0x8f: {  	_ = 	snop  }
0x90: {  	s2 =	sld [smem:$0x3FD0];
	(tm) =	ssettm $0x1  }
0x91: {  	s18 =	sld [smem:$0x3FFB];
	_ =	sdelay $0x3  }
0x92: {  	_ =	strace s18  }
0x93: {  	s3 =	sld [smem:$0x3FFC];
	_ =	sdelay $0x3  }
0x94: {  	_ =	strace s3  }
0x95: {  	s3 =	sld [smem:$0x3FFD];
	_ =	sdelay $0x3  }
0x96: {  	_ =	strace s3  }
0x97: {  	_ =	strace $0x8FFFFFFF  }
0x98: {  	s19 =	sld [smem:$0x3FDB];
	_ =	sdelay $0x1  }
0x99: {  	s4 =	simm.s32 $_scs_section_size  }
0x9a: {  	s5 =	simm.s32 $_size__tile_overlayer_lowered;
	s6 =	simm.s32 $_tile_overlayer_lowered  }
0x9b: {  	s22 =	simm.s32 $0x1BFF;
	s21 =	sshll.u32 s6, $0x1;
	s3 =	sadd.s32 s4, s19  }
0x9c: {  	s7 =	simm.s32 $0x0;
	s20 =	sshll.u32 s5, $0x1;
	s5 =	sadd.s32 s21, s3  }
0x9d: {  	[timem:s7], [sflag:s22] =	dma.local [hbm:s5], s20  }
0x9e: {  	_ =	swait.ge [sflag:s22], s20  }
0x9f: {  	s4 =	ssub.s32 $0x0, s20;
	[sflag:s22] =	ssyncset.done $0x0  }
0xa0: {  	[sflag:s22] =	ssyncadd.s32 s4;
	_ =	sdelay $0x1  }
0xa1: {  	s23 =	simm.s32 $0x1B8B  }
0xa2: {  	_ =	swait.ge [sflag:s23], $0x1  }
0xa3: {  	[sflag:s23] =	ssyncset.done $0x0  }
0xa4: {  	s25 =	simm.s32 $0x1B8E;
	s24 =	sld [smem:$0x3FFE];
	[sflag:s23] =	ssyncadd.s32 $0xFFFFFFFF  }
0xa5: {  	s26 =	simm.s32 $execute0_lowered;
	[smem:$0x3FD2] =	sst s25  }
0xa6: {  	s5 =	sshll.u32 s26, $0x1;
	_ =	strace $0x80000046;
	[dreg:$0x1] =	wrdreg $0xFFFFFFFF  }
0xa7: {  	s28 =	simm.s32 $_size_execute0_lowered;
	s3 =	sadd.s32 s3, s5;
	[dreg:$0x0] =	wrdreg $0x0  }
0xa8: {  	s5 =	sshll.u32 s28, $0x1;
	[dreg:$0x2] =	wrdreg s3  }
0xa9: {  	[dreg:$0x3] =	wrdreg s5  }
0xaa: {  	[dreg:$0x4] =	wrdreg $0xC0  }
0xab: {  	_ =	task [dreg:s7], $0x5FFFF  }
0xac: {  	[dreg:$0x1] =	wrdreg $0xFFFFFFFF  }
0xad: {  	[dreg:$0x0] =	wrdreg $0x60  }
0xae: {  	[dreg:$0x2] =	wrdreg s2  }
0xaf: {  	[dreg:$0x3] =	wrdreg s24  }
0xb0: {  	[dreg:$0x4] =	wrdreg $0xBE000  }
0xb1: {  	[dreg:$0x5] =	wrdreg $0x9  }
0xb2: {  	_ =	task.clear_ibuf [dreg:s7], $0x6FFFF;
	_ =	strace $0x90000046  }
0xb3: {  	s29 =	simm.s32 $0x9;
	_ =	strace $0x80000048  }
0xb4: {  	_ =	swait.ge [sflag:s29], $0x1  }
0xb5: {  	[sflag:s29] =	ssyncadd.s32 $0xFFFFFFFF  }
0xb6: {  	_ =	strace $0x90000048  }
0xb7: {  	_ =	sfence  }
0xb8: {  	s30 =	sld [smem:$0x0];
	_ =	sdelay $0x2  }
0xb9: {  	s31 =	sshll.u32 s1, $0xD;
	s1 =	sshrl.u32 s1, $0x2  }
0xba: {  	s3 =	sand.u32 $0x4000, s31;
	s1 =	sadd.s32 s1, s30  }
0xbb: {  	s0 =	sor.u32 s3, s0;
	s1 =	sshll.u32 s1, $0x11  }
0xbc: {  	s0 =	sor.u32 s1, s0  }
0xbd: {  	s0 =	sadd.s32 $0x8F2B, s0  }
0xbe: {  	[sflag:s0] =	ssyncadd.remote.s32 $0x1  }
0xbf: {  	_ =	sfence.sel $0xFFFF  }
0xc0: {  	[dreg:$0x0] =	wrdreg $0xFFFFFFFF;
	(pc) =	sbr.abs _section_cstart, $3  }
0xc1: {  	[dreg:$0x1] =	wrdreg $0xFFFFFFFF  }
0xc2: {  	_ =	task.clear_ibuf [dreg:s7], $0x2FFFF;
	_ =	strace $0x9FFFFFFF  }
0xc3: {  	(tm) =	ssettm $0x7FFFFFFF  }
tec
execute0_lowered:
.L_overlay_start_1:
0x0: {  	(tag) =	ssettag $0x1  }
0x1: {  	s1 =	rddreg [dreg:$0x0]  }
0x2: {  	s0 =	rddreg [dreg:$0x1]  }
0x3: {  	s2 =	rddreg [dreg:$0x2];
	s14 =	stileid.u32  }
0x4: {  	s3 =	simm.s32 $0x0;
	s4 =	srdreg.scid;
	s12 =	smul.u32 $0x50000, s14  }
0x5: {  	s29 =	simm.s32 $0x600;
	s30 =	simm.s32 $0xA;
	s19 =	smul.u32 $0x500, s14  }
0x6: {  	s31 =	simm.s32 $0x180;
	s4 =	sand.u32 $0x1, s4;
	s21 =	smul.u32 $0x2800, s14  }
0x7: {  	[smem:$0x7FF] =	sst s3;
	s8 =	sshll.u32 s14, $0x1;
	s6 =	smul.u32 $0x28000, s4  }
0x8: {  	s7 =	smul.u32 $0x5000, s4;
	s9 =	ssub.s32 $0x2, s4;
	s4 =	sor.u32 s4, s8  }
0x9: {  	s5 =	sadd.s32 $0x1C00, s0;
	_ =	strace $0x80000047;
	s11 =	smul.u32 $0x7620, s4  }
0xa: {  	s13 =	sshrl.u32 s9, $0x1;
	s15 =	sshrl.u32 s12, $0x2;
	s16 =	smul.u32 $0xEC4, s4  }
0xb: {  	s10 =	sadd.s32 s6, s0;
	s9 =	ssub.s32 s9, s13;
	s13 =	smul.u32 $0x280, s14  }
0xc: {  	s0 =	sadd.s32 s7, s0;
	s28 =	sadd.s32 s15, s2;
	s7 =	smul.u32 $0x69, s4  }
0xd: {  	s14 =	simm.s32 $0x9600;
	s11 =	sshrl.u32 s11, $0x3;
	s18 =	sadd.s32 $0x12000, s28  }
0xe: {  	s8 =	sadd.s32 s5, s16;
	s0 =	sadd.s32 $0x6F600, s0;
	[dreg:$0x10] =	wrdreg s28  }
0xf: {  	s20 =	sadd.s32 $0x1F600, s10;
	s9 =	smax.u32 s9, $0x1;
	[dreg:$0x4] =	wrdreg s18  }
0x10: {  	s22 =	sadd.s32 $0x3000, s28;
	s17 =	sadd.s32 s5, s11;
	[dreg:$0x5] =	wrdreg s8  }
0x11: {  	s11 =	sadd.s32 $0x1, s7;
	s12 =	sadd.s32 $0x2, s7;
	[dreg:$0x7] =	wrdreg s9  }
0x12: {  	[dreg:$0x8] =	wrdreg s22;
	s23 =	sadd.s32 $0x80, s13;
	s24 =	sadd.s32 $0x180, s13  }
0x13: {  	s16 =	sadd.s32 $0x100, s13;
	s13 =	sadd.s32 $0x200, s13;
	s0 =	sadd.s32 s19, s0  }
0x14: {  	s26 =	sadd.s32 s21, s20;
	s9 =	simm.s32 $0x2;
	s4 =	sadd.s32 $0x24, s17  }
0x15: {  	s15 =	sshll.u32 s23, $0x4;
	s17 =	sshll.u32 s16, $0x4;
	[dreg:$0x9] =	wrdreg s0  }
0x16: {  	s18 =	sshll.u32 s24, $0x4;
	s25 =	sshll.u32 s13, $0x4;
	[dreg:$0xa] =	wrdreg s26  }
0x17: {  	s19 =	sshll.u32 s23, $0x7;
	s21 =	sshll.u32 s13, $0x7;
	s26 =	sadd.s32 $0xF000, s28  }
0x18: {  	s13 =	simm.s32 $0x4;
	[dreg:$0x6] =	wrdreg s4;
	s6 =	sadd.s32 s15, s20  }
0x19: {  	s10 =	sadd.s32 s17, s20;
	s15 =	sadd.s32 s18, s20;
	[dreg:$0x15] =	wrdreg s26  }
0x1a: {  	s0 =	sadd.s32 s25, s20;
	s17 =	sadd.s32 $0x6000, s28;
	[dreg:$0xb] =	wrdreg s6  }
0x1b: {  	s18 =	sshll.u32 s24, $0x7;
	s20 =	sshll.u32 s16, $0x7;
	[dreg:$0xc] =	wrdreg s10  }
0x1c: {  	s8 =	sadd.s32 s21, s2;
	s24 =	sadd.s32 $0x9000, s28;
	[dreg:$0xd] =	wrdreg s15  }
0x1d: {  	s16 =	simm.s32 $0x3;
	s21 =	simm.s32 $0x6;
	[dreg:$0xe] =	wrdreg s0  }
0x1e: {  	s26 =	simm.s32 $0x0;
	[dreg:$0xf] =	wrdreg s17;
	s25 =	sadd.s32 s18, s2  }
0x1f: {  	s0 =	sadd.s32 s19, s2;
	s4 =	sadd.s32 s20, s2;
	s23 =	sshrl.u32 s8, $0x3  }
0x20: {  	[dreg:$0x14] =	wrdreg s24;
	s8 =	simm.s32 $0x300;
	s10 =	simm.s32 $0x3600  }
0x21: {  	s15 =	simm.s32 $0x480;
	s17 =	simm.s32 $0x6600;
	s18 =	simm.s32 $0x5  }
0x22: {  	s19 =	simm.s32 $0x500;
	s0 =	sshrl.u32 s0, $0x3;
	[dreg:$0x13] =	wrdreg s23  }
0x23: {  	s20 =	simm.s32 $0x7;
	s22 =	sshrl.u32 s4, $0x3;
	[dreg:$0x11] =	wrdreg s0  }
0x24: {  	v0 =	vimm.f32 $0.0e+00;
	s4 =	simm.s32 $0x60;
	s23 =	simm.s32 $0x580;
	[dreg:$0x12] =	wrdreg s22  }
.LBB2_1:
0x25: {  	s0 =	simm.s32 $0x0;
	s22 =	simm.s32 $0x200  }
.LBB2_2:
0x26: {  	p0 =	sne.s32 s22, $0xBE00;
	[tilespmem:s0+$0x670] =	vst v0  }
0x27: {  	[tilespmem:s0+$0x600] =	vst v0  }
0x28: {  	[tilespmem:s0+$0x610] =	vst v0  }
.Ltmp0:
0x29: {  	[tilespmem:s0+$0x620] =	vst v0;
	(pc) =	sbr.rel @p0 .LBB2_2-.Ltmp0, $4  }
0x2a: {  	[tilespmem:s0+$0x630] =	vst v0  }
0x2b: {  	[tilespmem:s0+$0x640] =	vst v0  }
0x2c: {  	[tilespmem:s0+$0x650] =	vst v0  }
0x2d: {  	[tilespmem:s0+$0x660] =	vst v0;
	s0 =	sshra.s32 s22, $0x2;
	s22 =	sadd.s32 $0x200, s22  }
0x2e: {  	[tilespmem:s0+$0x670] =	vst v0  }
0x2f: {  	[tilespmem:s0+$0x600] =	vst v0  }
0x30: {  	[tilespmem:s0+$0x610] =	vst v0  }
0x31: {  	[tilespmem:s0+$0x620] =	vst v0  }
0x32: {  	[tilespmem:s0+$0x630] =	vst v0  }
0x33: {  	[tilespmem:s0+$0x640] =	vst v0  }
0x34: {  	[tilespmem:s0+$0x650] =	vst v0  }
0x35: {  	[tilespmem:s0+$0x660] =	vst v0;
	s0 =	simm.s32 $0x0;
	s22 =	simm.s32 $0x200  }
.LBB2_4:
0x36: {  	p0 =	sne.s32 s22, $0x9E00;
	[tilespmem:s0+$0x9670] =	vst v0  }
0x37: {  	[tilespmem:s0+$0x9600] =	vst v0  }
0x38: {  	[tilespmem:s0+$0x9610] =	vst v0  }
.Ltmp1:
0x39: {  	[tilespmem:s0+$0x9620] =	vst v0;
	(pc) =	sbr.rel @p0 .LBB2_4-.Ltmp1, $4  }
0x3a: {  	[tilespmem:s0+$0x9630] =	vst v0  }
0x3b: {  	[tilespmem:s0+$0x9640] =	vst v0  }
0x3c: {  	[tilespmem:s0+$0x9650] =	vst v0  }
0x3d: {  	[tilespmem:s0+$0x9660] =	vst v0;
	s0 =	sshra.s32 s22, $0x2;
	s22 =	sadd.s32 $0x200, s22  }
0x3e: {  	[tilespmem:s0+$0x9670] =	vst v0  }
0x3f: {  	[tilespmem:s0+$0x9600] =	vst v0  }
0x40: {  	[tilespmem:s0+$0x9610] =	vst v0  }
0x41: {  	[tilespmem:s0+$0x9620] =	vst v0  }
0x42: {  	[tilespmem:s0+$0x9630] =	vst v0  }
0x43: {  	[tilespmem:s0+$0x9640] =	vst v0  }
0x44: {  	[tilespmem:s0+$0x9650] =	vst v0  }
0x45: {  	[tilespmem:s0+$0x9660] =	vst v0  }
0x46: {  	[spmem:s28] =	stream.linear.scatter [tilespmem:s29], [sflag:$0xA], $0x3000, $0x38;
	[tilespmem:$0x1FE00] =	vst v63  }
0x47: {  	_ =	swait.ge [sflag:s30], $0x3000  }
0x48: {  	[sflag:s30] =	ssyncset.done $0x0  }
0x49: {  	s24 =	rddreg [dreg:$0x8];
	[sflag:s30] =	ssyncadd.s32 $0xFFFFD000  }
0x4a: {  	[spmem:s24] =	stream.linear.scatter [tilespmem:s29], [sflag:$0xA], $0x3000, $0x38;
	[tilespmem:$0x1FE00] =	vst v63  }
0x4b: {  	_ =	swait.ge [sflag:s30], $0x3000  }
0x4c: {  	[sflag:s30] =	ssyncset.done $0x0  }
0x4d: {  	s6 =	rddreg [dreg:$0xf];
	[sflag:s30] =	ssyncadd.s32 $0xFFFFD000  }
0x4e: {  	[spmem:s6] =	stream.linear.scatter [tilespmem:s29], [sflag:$0xA], $0x3000, $0x38;
	[tilespmem:$0x1FE00] =	vst v63  }
0x4f: {  	_ =	swait.ge [sflag:s30], $0x3000  }
0x50: {  	[sflag:s30] =	ssyncset.done $0x0  }
0x51: {  	s22 =	rddreg [dreg:$0x14];
	[sflag:s30] =	ssyncadd.s32 $0xFFFFD000  }
0x52: {  	[spmem:s22] =	stream.linear.scatter [tilespmem:s29], [sflag:$0xA], $0x3000, $0x38;
	[tilespmem:$0x1FE00] =	vst v63  }
0x53: {  	_ =	swait.ge [sflag:s30], $0x3000  }
0x54: {  	[sflag:s30] =	ssyncset.done $0x0  }
0x55: {  	[sflag:s30] =	ssyncadd.s32 $0xFFFFD000  }
0x56: {  	[spmem:s25] =	stream.linear.scatter [tilespmem:s29], [sflag:$0xA], $0x3000, $0x38;
	[tilespmem:$0x1FE00] =	vst v63  }
0x57: {  	_ =	swait.ge [sflag:s30], $0x3000  }
0x58: {  	[sflag:s30] =	ssyncset.done $0x0  }
0x59: {  	s24 =	rddreg [dreg:$0x15];
	[sflag:s30] =	ssyncadd.s32 $0xFFFFD000  }
0x5a: {  	[spmem:s24] =	stream.linear.scatter [tilespmem:s29], [sflag:$0xA], $0x3000, $0x38;
	[tilespmem:$0x1FE00] =	vst v63  }
0x5b: {  	_ =	swait.ge [sflag:s30], $0x3000  }
0x5c: {  	[sflag:s30] =	ssyncset.done $0x0  }
0x5d: {  	s6 =	smov.u32 s25;
	s25 =	rddreg [dreg:$0x4];
	[sflag:s30] =	ssyncadd.s32 $0xFFFFD000  }
0x5e: {  	[spmem:s25] =	stream.linear.scatter [tilespmem:s29], [sflag:$0xA], $0x2000, $0x38;
	[tilespmem:$0x1FE00] =	vst v63  }
0x5f: {  	_ =	swait.ge [sflag:s30], $0x2000  }
0x60: {  	[sflag:s30] =	ssyncset.done $0x0  }
0x61: {  	s28 =	simm.s32 $0x0;
	s22 =	rddreg [dreg:$0x5];
	[sflag:s30] =	ssyncadd.s32 $0xFFFFE000  }
0x62: {  	[tilespmem:s28], [sflag:$0x1] =	stream.linear.gather [hbm4b:s22+s28], $0x120, $0x38;
	[tilespmem:$0x1FE00] =	vst v63  }
0x63: {  	s25 =	simm.s32 $0x1;
	s24 =	rddreg [dreg:$0x6]  }
0x64: {  	[tilespmem:s31], [sflag:$0x2] =	stream.linear.gather [hbm4b:s24+s28], $0x120, $0x38;
	[tilespmem:$0x1FE00] =	vst v63  }
0x65: {  	_ =	swait.ge [sflag:s25], $0x120  }
0x66: {  	[sflag:s25] =	ssyncset.done $0x0  }
0x67: {  	[sflag:s25] =	ssyncadd.s32 $0xFFFFFEE0  }
0x68: {  	[tilespmem:s29], [sflag:$0x4] =	stream.indirect.gather [hbm4b:s1+s4], $0x80, s28, s4, $0xb8;
	[tilespmem:$0x1FE00] =	vst v63  }
0x69: {  	s0 =	simm.s32 $0x0;
	[bflag:$0x0] =	sbarrier.arrive $0xFFFF  }
.LBB2_6:
0x6a: {  	s24 =	smul.u32 $0x3, s0;
	_ =	sdelay $0x1  }
0x6b: {  	s22 =	sadd.s32 s7, s24  }
0x6c: {  	p0 =	seq.s32 s0, $0x0;
	s22 =	smul.u32 $0x120, s22  }
0x6d: {  	s25 =	simm.s32 @!p0 $0x8  }
0x6e: {  	_ =	swait.ge @!p0 [sflag:s25], $0x3000;
	s22 =	sshrl.u32 s22, $0x3  }
0x6f: {  	[sflag:s25] =	ssyncset.done @!p0 $0x0;
	s22 =	sadd.s32 s5, s22  }
0x70: {  	[sflag:s25] =	ssyncadd.s32 @!p0 $0xFFFFD000;
	s22 =	sadd.s32 $0x48, s22  }
0x71: {  	[tilespmem:s8], [sflag:$0x3] =	stream.linear.gather [hbm4b:s22+s28], $0x120, $0x38;
	[tilespmem:$0x1FE00] =	vst v63  }
0x72: {  	_ =	swait.ge [sflag:s9], $0x120  }
0x73: {  	[sflag:s9] =	ssyncset.done $0x0  }
0x74: {  	[sflag:s9] =	ssyncadd.s32 $0xFFFFFEE0  }
0x75: {  	[tilespmem:s10], [sflag:$0x5] =	stream.indirect.gather [hbm4b:s1+s4], $0x80, s31, s4, $0xb8;
	[tilespmem:$0x1FE00] =	vst v63  }
0x76: {  	_ =	swait.ge [sflag:s13], $0x3000  }
0x77: {  	[sflag:s13] =	ssyncset.done $0x0  }
0x78: {  	s25 =	simm.s32 $0x0;
	[sflag:s13] =	ssyncadd.s32 $0xFFFFD000  }
.LBB2_7:
0x79: {  	s22 =	sshll.u32 s25, $0x4  }
0x7a: {  	v1 =	vld [tilespmem:s22+$0xC0];
	_ =	sdelay $0x4  }
0x7b: {  	v1 =	vmul.f32 $1.442695020e+00, v1;
	_ =	sdelay $0x1  }
0x7c: {  	(erf) = vpow2.f32 v1;
	_ =	sdelay $0x1  }
0x7d: {  	v2 =	vld [tilespmem:s22+$0x60];
	_ =	sdelay $0x6  }
0x7e: {  	[tilespmem:s22+$0x480] =	vst v2;
	s22 =	sshll.u32 s25, $0xB;
	v1 =	vpop (erf)  }
0x7f: {  	s22 =	sand.u32 $0x3FFFF800, s22;
	[tilespmem:v2+s14+$0x0] =	vst.idx.add.f32.msk $0xffff, v1  }
0x80: {  	v2 =	vld [tilespmem:s22+$0x600]  }
0x81: {  	v3 =	vld [tilespmem:s22+$0x610]  }
0x82: {  	v4 =	vld [tilespmem:s22+$0x620]  }
0x83: {  	v5 =	vbroadcast v1, $0x0;
	v6 =	vld [tilespmem:s22+$0x630]  }
0x84: {  	v7 =	vld [tilespmem:s22+$0x640]  }
0x85: {  	v8 =	vld [tilespmem:s22+$0x650];
	v2 =	vmul.f32 v5, v2  }
0x86: {  	v9 =	vld [tilespmem:s22+$0x660];
	v3 =	vmul.f32 v3, v5  }
0x87: {  	v34 =	vld [tilespmem:s22+$0x670];
	[tilespmem:s22+$0x600] =	vst v2;
	v2 =	vmul.f32 v4, v5  }
0x88: {  	v35 =	vld [tilespmem:s22+$0x680];
	[tilespmem:s22+$0x610] =	vst v3;
	v3 =	vmul.f32 v6, v5  }
0x89: {  	v36 =	vld [tilespmem:s22+$0x690];
	[tilespmem:s22+$0x620] =	vst v2;
	v2 =	vmul.f32 v7, v5  }
0x8a: {  	v37 =	vld [tilespmem:s22+$0x6A0];
	[tilespmem:s22+$0x630] =	vst v3;
	v3 =	vmul.f32 v8, v5  }
0x8b: {  	v38 =	vbroadcast v1, $0x1;
	v10 =	vld [tilespmem:s22+$0x6B0];
	[tilespmem:s22+$0x640] =	vst v2;
	v2 =	vmul.f32 v9, v5  }
0x8c: {  	v39 =	vld [tilespmem:s22+$0x6C0];
	[tilespmem:s22+$0x650] =	vst v3;
	v3 =	vmul.f32 v34, v5  }
0x8d: {  	v40 =	vld [tilespmem:s22+$0x6D0];
	[tilespmem:s22+$0x660] =	vst v2;
	v2 =	vmul.f32 v35, v38  }
0x8e: {  	v41 =	vld [tilespmem:s22+$0x6E0];
	[tilespmem:s22+$0x670] =	vst v3;
	v3 =	vmul.f32 v36, v38  }
0x8f: {  	v42 =	vld [tilespmem:s22+$0x6F0];
	[tilespmem:s22+$0x680] =	vst v2;
	v2 =	vmul.f32 v37, v38  }
0x90: {  	v43 =	vld [tilespmem:s22+$0x700];
	[tilespmem:s22+$0x690] =	vst v3;
	v3 =	vmul.f32 v10, v38  }
0x91: {  	v44 =	vld [tilespmem:s22+$0x710];
	[tilespmem:s22+$0x6A0] =	vst v2;
	v2 =	vmul.f32 v39, v38  }
0x92: {  	v45 =	vld [tilespmem:s22+$0x720];
	[tilespmem:s22+$0x6B0] =	vst v3;
	v3 =	vmul.f32 v40, v38  }
0x93: {  	v46 =	vbroadcast v1, $0x2;
	v47 =	vld [tilespmem:s22+$0x730];
	[tilespmem:s22+$0x6C0] =	vst v2;
	v2 =	vmul.f32 v41, v38  }
0x94: {  	v48 =	vld [tilespmem:s22+$0x740];
	[tilespmem:s22+$0x6D0] =	vst v3;
	v3 =	vmul.f32 v42, v38  }
0x95: {  	v49 =	vld [tilespmem:s22+$0x750];
	[tilespmem:s22+$0x6E0] =	vst v2;
	v2 =	vmul.f32 v43, v46  }
0x96: {  	v50 =	vld [tilespmem:s22+$0x760];
	[tilespmem:s22+$0x6F0] =	vst v3;
	v3 =	vmul.f32 v44, v46  }
0x97: {  	v51 =	vld [tilespmem:s22+$0x770];
	[tilespmem:s22+$0x700] =	vst v2;
	v2 =	vmul.f32 v45, v46  }
0x98: {  	v52 =	vld [tilespmem:s22+$0x780];
	[tilespmem:s22+$0x710] =	vst v3;
	v3 =	vmul.f32 v47, v46  }
0x99: {  	v53 =	vld [tilespmem:s22+$0x790];
	[tilespmem:s22+$0x720] =	vst v2;
	v2 =	vmul.f32 v48, v46  }
0x9a: {  	v54 =	vld [tilespmem:s22+$0x7A0];
	[tilespmem:s22+$0x730] =	vst v3;
	v3 =	vmul.f32 v49, v46  }
0x9b: {  	v55 =	vbroadcast v1, $0x3;
	v56 =	vld [tilespmem:s22+$0x7B0];
	[tilespmem:s22+$0x740] =	vst v2;
	v2 =	vmul.f32 v50, v46  }
0x9c: {  	v57 =	vld [tilespmem:s22+$0x7C0];
	[tilespmem:s22+$0x750] =	vst v3;
	v3 =	vmul.f32 v51, v46  }
0x9d: {  	v58 =	vld [tilespmem:s22+$0x7D0];
	[tilespmem:s22+$0x760] =	vst v2;
	v2 =	vmul.f32 v52, v55  }
0x9e: {  	v59 =	vld [tilespmem:s22+$0x7E0];
	[tilespmem:s22+$0x770] =	vst v3;
	v3 =	vmul.f32 v53, v55  }
0x9f: {  	v60 =	vld [tilespmem:s22+$0x7F0];
	[tilespmem:s22+$0x780] =	vst v2;
	v2 =	vmul.f32 v54, v55  }
0xa0: {  	v61 =	vld [tilespmem:s22+$0x800];
	[tilespmem:s22+$0x790] =	vst v3;
	v3 =	vmul.f32 v56, v55  }
0xa1: {  	v62 =	vld [tilespmem:s22+$0x810];
	[tilespmem:s22+$0x7A0] =	vst v2;
	v2 =	vmul.f32 v57, v55  }
0xa2: {  	v63 =	vld [tilespmem:s22+$0x820];
	[tilespmem:s22+$0x7B0] =	vst v3;
	v3 =	vmul.f32 v58, v55  }
0xa3: {  	v12 =	vbroadcast v1, $0x4;
	v13 =	vld [tilespmem:s22+$0x830];
	[tilespmem:s22+$0x7C0] =	vst v2;
	v2 =	vmul.f32 v59, v55  }
0xa4: {  	v14 =	vld [tilespmem:s22+$0x840];
	[tilespmem:s22+$0x7D0] =	vst v3;
	v3 =	vmul.f32 v60, v55  }
0xa5: {  	v15 =	vld [tilespmem:s22+$0x850];
	[tilespmem:s22+$0x7E0] =	vst v2;
	v2 =	vmul.f32 v61, v12  }
0xa6: {  	v16 =	vld [tilespmem:s22+$0x860];
	[tilespmem:s22+$0x7F0] =	vst v3;
	v3 =	vmul.f32 v62, v12  }
0xa7: {  	v17 =	vld [tilespmem:s22+$0x870];
	[tilespmem:s22+$0x800] =	vst v2;
	v2 =	vmul.f32 v63, v12  }
0xa8: {  	v18 =	vld [tilespmem:s22+$0x880];
	[tilespmem:s22+$0x810] =	vst v3;
	v3 =	vmul.f32 v13, v12  }
0xa9: {  	v19 =	vld [tilespmem:s22+$0x890];
	[tilespmem:s22+$0x820] =	vst v2;
	v2 =	vmul.f32 v14, v12  }
0xaa: {  	v20 =	vld [tilespmem:s22+$0x8A0];
	[tilespmem:s22+$0x830] =	vst v3;
	v3 =	vmul.f32 v15, v12  }
0xab: {  	v21 =	vbroadcast v1, $0x5;
	v22 =	vld [tilespmem:s22+$0x8B0];
	[tilespmem:s22+$0x840] =	vst v2;
	v2 =	vmul.f32 v16, v12  }
0xac: {  	v23 =	vld [tilespmem:s22+$0x8C0];
	[tilespmem:s22+$0x850] =	vst v3;
	v3 =	vmul.f32 v17, v12  }
0xad: {  	v24 =	vld [tilespmem:s22+$0x8D0];
	[tilespmem:s22+$0x860] =	vst v2;
	v2 =	vmul.f32 v18, v21  }
0xae: {  	v25 =	vld [tilespmem:s22+$0x8E0];
	[tilespmem:s22+$0x870] =	vst v3;
	v3 =	vmul.f32 v19, v21  }
0xaf: {  	v26 =	vld [tilespmem:s22+$0x8F0];
	[tilespmem:s22+$0x880] =	vst v2;
	v2 =	vmul.f32 v20, v21  }
0xb0: {  	v27 =	vld [tilespmem:s22+$0x900];
	[tilespmem:s22+$0x890] =	vst v3;
	v3 =	vmul.f32 v22, v21  }
0xb1: {  	v28 =	vld [tilespmem:s22+$0x910];
	[tilespmem:s22+$0x8A0] =	vst v2;
	v2 =	vmul.f32 v23, v21  }
0xb2: {  	v29 =	vld [tilespmem:s22+$0x920];
	[tilespmem:s22+$0x8B0] =	vst v3;
	v3 =	vmul.f32 v24, v21  }
0xb3: {  	v30 =	vbroadcast v1, $0x6;
	v31 =	vld [tilespmem:s22+$0x930];
	[tilespmem:s22+$0x8C0] =	vst v2;
	v2 =	vmul.f32 v25, v21  }
0xb4: {  	v32 =	vld [tilespmem:s22+$0x940];
	[tilespmem:s22+$0x8D0] =	vst v3;
	v3 =	vmul.f32 v26, v21  }
0xb5: {  	v33 =	vld [tilespmem:s22+$0x950];
	[tilespmem:s22+$0x8E0] =	vst v2;
	v2 =	vmul.f32 v27, v30  }
0xb6: {  	v34 =	vld [tilespmem:s22+$0x960];
	[tilespmem:s22+$0x8F0] =	vst v3;
	v3 =	vmul.f32 v28, v30  }
0xb7: {  	v35 =	vld [tilespmem:s22+$0x970];
	[tilespmem:s22+$0x900] =	vst v2;
	v2 =	vmul.f32 v29, v30  }
0xb8: {  	v36 =	vld [tilespmem:s22+$0x980];
	[tilespmem:s22+$0x910] =	vst v3;
	v3 =	vmul.f32 v31, v30  }
0xb9: {  	v37 =	vld [tilespmem:s22+$0x990];
	[tilespmem:s22+$0x920] =	vst v2;
	v2 =	vmul.f32 v32, v30  }
0xba: {  	v38 =	vld [tilespmem:s22+$0x9A0];
	[tilespmem:s22+$0x930] =	vst v3;
	v3 =	vmul.f32 v33, v30  }
0xbb: {  	v39 =	vbroadcast v1, $0x7;
	v40 =	vld [tilespmem:s22+$0x9B0];
	[tilespmem:s22+$0x940] =	vst v2;
	v2 =	vmul.f32 v34, v30  }
0xbc: {  	v41 =	vld [tilespmem:s22+$0x9C0];
	[tilespmem:s22+$0x950] =	vst v3;
	v3 =	vmul.f32 v35, v30  }
0xbd: {  	v42 =	vld [tilespmem:s22+$0x9D0];
	[tilespmem:s22+$0x960] =	vst v2;
	v2 =	vmul.f32 v36, v39  }
0xbe: {  	v43 =	vld [tilespmem:s22+$0x9E0];
	[tilespmem:s22+$0x970] =	vst v3;
	v3 =	vmul.f32 v37, v39  }
0xbf: {  	v44 =	vld [tilespmem:s22+$0x9F0];
	[tilespmem:s22+$0x980] =	vst v2;
	v2 =	vmul.f32 v38, v39  }
0xc0: {  	v45 =	vld [tilespmem:s22+$0xA00];
	[tilespmem:s22+$0x990] =	vst v3;
	v3 =	vmul.f32 v40, v39  }
0xc1: {  	v46 =	vld [tilespmem:s22+$0xA10];
	[tilespmem:s22+$0x9A0] =	vst v2;
	v2 =	vmul.f32 v41, v39  }
0xc2: {  	v47 =	vld [tilespmem:s22+$0xA20];
	[tilespmem:s22+$0x9B0] =	vst v3;
	v3 =	vmul.f32 v42, v39  }
0xc3: {  	v48 =	vbroadcast v1, $0x8;
	v49 =	vld [tilespmem:s22+$0xA30];
	[tilespmem:s22+$0x9C0] =	vst v2;
	v2 =	vmul.f32 v43, v39  }
0xc4: {  	v50 =	vld [tilespmem:s22+$0xA40];
	[tilespmem:s22+$0x9D0] =	vst v3;
	v3 =	vmul.f32 v44, v39  }
0xc5: {  	v51 =	vld [tilespmem:s22+$0xA50];
	[tilespmem:s22+$0x9E0] =	vst v2;
	v2 =	vmul.f32 v45, v48  }
0xc6: {  	v52 =	vld [tilespmem:s22+$0xA60];
	[tilespmem:s22+$0x9F0] =	vst v3;
	v3 =	vmul.f32 v46, v48  }
0xc7: {  	v53 =	vld [tilespmem:s22+$0xA70];
	[tilespmem:s22+$0xA00] =	vst v2;
	v2 =	vmul.f32 v47, v48  }
0xc8: {  	v54 =	vld [tilespmem:s22+$0xA80];
	[tilespmem:s22+$0xA10] =	vst v3;
	v3 =	vmul.f32 v49, v48  }
0xc9: {  	v55 =	vld [tilespmem:s22+$0xA90];
	[tilespmem:s22+$0xA20] =	vst v2;
	v2 =	vmul.f32 v50, v48  }
0xca: {  	v56 =	vld [tilespmem:s22+$0xAA0];
	[tilespmem:s22+$0xA30] =	vst v3;
	v3 =	vmul.f32 v51, v48  }
0xcb: {  	v57 =	vbroadcast v1, $0x9;
	v58 =	vld [tilespmem:s22+$0xAB0];
	[tilespmem:s22+$0xA40] =	vst v2;
	v2 =	vmul.f32 v52, v48  }
0xcc: {  	v59 =	vld [tilespmem:s22+$0xAC0];
	[tilespmem:s22+$0xA50] =	vst v3;
	v3 =	vmul.f32 v53, v48  }
0xcd: {  	v60 =	vld [tilespmem:s22+$0xAD0];
	[tilespmem:s22+$0xA60] =	vst v2;
	v2 =	vmul.f32 v54, v57  }
0xce: {  	v61 =	vld [tilespmem:s22+$0xAE0];
	[tilespmem:s22+$0xA70] =	vst v3;
	v3 =	vmul.f32 v55, v57  }
0xcf: {  	v62 =	vld [tilespmem:s22+$0xAF0];
	[tilespmem:s22+$0xA80] =	vst v2;
	v2 =	vmul.f32 v56, v57  }
0xd0: {  	v63 =	vld [tilespmem:s22+$0xB00];
	[tilespmem:s22+$0xA90] =	vst v3;
	v3 =	vmul.f32 v58, v57  }
0xd1: {  	v12 =	vld [tilespmem:s22+$0xB10];
	[tilespmem:s22+$0xAA0] =	vst v2;
	v2 =	vmul.f32 v59, v57  }
0xd2: {  	v13 =	vld [tilespmem:s22+$0xB20];
	[tilespmem:s22+$0xAB0] =	vst v3;
	v3 =	vmul.f32 v60, v57  }
0xd3: {  	v14 =	vbroadcast v1, $0xA;
	v15 =	vld [tilespmem:s22+$0xB30];
	[tilespmem:s22+$0xAC0] =	vst v2;
	v2 =	vmul.f32 v61, v57  }
0xd4: {  	v16 =	vld [tilespmem:s22+$0xB40];
	[tilespmem:s22+$0xAD0] =	vst v3;
	v3 =	vmul.f32 v62, v57  }
0xd5: {  	v17 =	vld [tilespmem:s22+$0xB50];
	[tilespmem:s22+$0xAE0] =	vst v2;
	v2 =	vmul.f32 v63, v14  }
0xd6: {  	v18 =	vld [tilespmem:s22+$0xB60];
	[tilespmem:s22+$0xAF0] =	vst v3;
	v3 =	vmul.f32 v12, v14  }
0xd7: {  	v19 =	vld [tilespmem:s22+$0xB70];
	[tilespmem:s22+$0xB00] =	vst v2;
	v2 =	vmul.f32 v13, v14  }
0xd8: {  	v20 =	vld [tilespmem:s22+$0xB80];
	[tilespmem:s22+$0xB10] =	vst v3;
	v3 =	vmul.f32 v15, v14  }
0xd9: {  	v21 =	vld [tilespmem:s22+$0xB90];
	[tilespmem:s22+$0xB20] =	vst v2;
	v2 =	vmul.f32 v16, v14  }
0xda: {  	v22 =	vld [tilespmem:s22+$0xBA0];
	[tilespmem:s22+$0xB30] =	vst v3;
	v3 =	vmul.f32 v17, v14  }
0xdb: {  	v23 =	vbroadcast v1, $0xB;
	v24 =	vld [tilespmem:s22+$0xBB0];
	[tilespmem:s22+$0xB40] =	vst v2;
	v2 =	vmul.f32 v18, v14  }
0xdc: {  	v25 =	vld [tilespmem:s22+$0xBC0];
	[tilespmem:s22+$0xB50] =	vst v3;
	v3 =	vmul.f32 v19, v14  }
0xdd: {  	v26 =	vld [tilespmem:s22+$0xBD0];
	[tilespmem:s22+$0xB60] =	vst v2;
	v2 =	vmul.f32 v20, v23  }
0xde: {  	v27 =	vld [tilespmem:s22+$0xBE0];
	[tilespmem:s22+$0xB70] =	vst v3;
	v3 =	vmul.f32 v21, v23  }
0xdf: {  	v28 =	vld [tilespmem:s22+$0xBF0];
	[tilespmem:s22+$0xB80] =	vst v2;
	v2 =	vmul.f32 v22, v23  }
0xe0: {  	v29 =	vld [tilespmem:s22+$0xC00];
	[tilespmem:s22+$0xB90] =	vst v3;
	v3 =	vmul.f32 v24, v23  }
0xe1: {  	v30 =	vld [tilespmem:s22+$0xC10];
	[tilespmem:s22+$0xBA0] =	vst v2;
	v2 =	vmul.f32 v25, v23  }
0xe2: {  	v31 =	vld [tilespmem:s22+$0xC20];
	[tilespmem:s22+$0xBB0] =	vst v3;
	v3 =	vmul.f32 v26, v23  }
0xe3: {  	v32 =	vbroadcast v1, $0xC;
	v33 =	vld [tilespmem:s22+$0xC30];
	[tilespmem:s22+$0xBC0] =	vst v2;
	v2 =	vmul.f32 v27, v23  }
0xe4: {  	v34 =	vld [tilespmem:s22+$0xC40];
	[tilespmem:s22+$0xBD0] =	vst v3;
	v3 =	vmul.f32 v28, v23  }
0xe5: {  	v35 =	vld [tilespmem:s22+$0xC50];
	[tilespmem:s22+$0xBE0] =	vst v2;
	v2 =	vmul.f32 v29, v32  }
0xe6: {  	v36 =	vld [tilespmem:s22+$0xC60];
	[tilespmem:s22+$0xBF0] =	vst v3;
	v3 =	vmul.f32 v30, v32  }
0xe7: {  	v37 =	vld [tilespmem:s22+$0xC70];
	[tilespmem:s22+$0xC00] =	vst v2;
	v2 =	vmul.f32 v31, v32  }
0xe8: {  	v38 =	vld [tilespmem:s22+$0xC80];
	[tilespmem:s22+$0xC10] =	vst v3;
	v3 =	vmul.f32 v33, v32  }
0xe9: {  	v39 =	vld [tilespmem:s22+$0xC90];
	[tilespmem:s22+$0xC20] =	vst v2;
	v2 =	vmul.f32 v34, v32  }
0xea: {  	v40 =	vld [tilespmem:s22+$0xCA0];
	[tilespmem:s22+$0xC30] =	vst v3;
	v3 =	vmul.f32 v35, v32  }
0xeb: {  	v41 =	vbroadcast v1, $0xD;
	v42 =	vld [tilespmem:s22+$0xCB0];
	[tilespmem:s22+$0xC40] =	vst v2;
	v2 =	vmul.f32 v36, v32  }
0xec: {  	v43 =	vld [tilespmem:s22+$0xCC0];
	[tilespmem:s22+$0xC50] =	vst v3;
	v3 =	vmul.f32 v37, v32  }
0xed: {  	v44 =	vld [tilespmem:s22+$0xCD0];
	[tilespmem:s22+$0xC60] =	vst v2;
	v2 =	vmul.f32 v38, v41  }
0xee: {  	v45 =	vld [tilespmem:s22+$0xCE0];
	[tilespmem:s22+$0xC70] =	vst v3;
	v3 =	vmul.f32 v39, v41  }
0xef: {  	v46 =	vld [tilespmem:s22+$0xCF0];
	[tilespmem:s22+$0xC80] =	vst v2;
	v2 =	vmul.f32 v40, v41  }
0xf0: {  	v47 =	vld [tilespmem:s22+$0xD00];
	[tilespmem:s22+$0xC90] =	vst v3;
	v3 =	vmul.f32 v42, v41  }
0xf1: {  	v48 =	vld [tilespmem:s22+$0xD10];
	[tilespmem:s22+$0xCA0] =	vst v2;
	v2 =	vmul.f32 v43, v41  }
0xf2: {  	v49 =	vld [tilespmem:s22+$0xD20];
	[tilespmem:s22+$0xCB0] =	vst v3;
	v3 =	vmul.f32 v44, v41  }
0xf3: {  	v50 =	vbroadcast v1, $0xE;
	v51 =	vld [tilespmem:s22+$0xD30];
	[tilespmem:s22+$0xCC0] =	vst v2;
	v2 =	vmul.f32 v45, v41  }
0xf4: {  	v52 =	vld [tilespmem:s22+$0xD40];
	[tilespmem:s22+$0xCD0] =	vst v3;
	v3 =	vmul.f32 v46, v41  }
0xf5: {  	v53 =	vld [tilespmem:s22+$0xD50];
	[tilespmem:s22+$0xCE0] =	vst v2;
	v2 =	vmul.f32 v47, v50  }
0xf6: {  	v54 =	vld [tilespmem:s22+$0xD60];
	[tilespmem:s22+$0xCF0] =	vst v3;
	v3 =	vmul.f32 v48, v50  }
0xf7: {  	v55 =	vld [tilespmem:s22+$0xD70];
	[tilespmem:s22+$0xD00] =	vst v2;
	v2 =	vmul.f32 v49, v50  }
0xf8: {  	v56 =	vld [tilespmem:s22+$0xD80];
	[tilespmem:s22+$0xD10] =	vst v3;
	v3 =	vmul.f32 v51, v50  }
0xf9: {  	v57 =	vld [tilespmem:s22+$0xD90];
	[tilespmem:s22+$0xD20] =	vst v2;
	v2 =	vmul.f32 v52, v50  }
0xfa: {  	v58 =	vld [tilespmem:s22+$0xDA0];
	[tilespmem:s22+$0xD30] =	vst v3;
	v3 =	vmul.f32 v53, v50  }
0xfb: {  	v1 =	vbroadcast v1, $0xF;
	v59 =	vld [tilespmem:s22+$0xDB0];
	[tilespmem:s22+$0xD40] =	vst v2;
	v2 =	vmul.f32 v54, v50  }
0xfc: {  	v60 =	vld [tilespmem:s22+$0xDC0];
	[tilespmem:s22+$0xD50] =	vst v3;
	v3 =	vmul.f32 v55, v50  }
0xfd: {  	v61 =	vld [tilespmem:s22+$0xDD0];
	[tilespmem:s22+$0xD60] =	vst v2;
	v2 =	vmul.f32 v56, v1  }
0xfe: {  	v62 =	vld [tilespmem:s22+$0xDE0];
	[tilespmem:s22+$0xD70] =	vst v3;
	v3 =	vmul.f32 v57, v1  }
0xff: {  	v63 =	vld [tilespmem:s22+$0xDF0];
	[tilespmem:s22+$0xD80] =	vst v2;
	v2 =	vmul.f32 v58, v1  }
0x100: {  	[tilespmem:s22+$0xD90] =	vst v3;
	v3 =	vmul.f32 v59, v1  }
0x101: {  	p1 =	sne.s32 s25, $0x5;
	[tilespmem:s22+$0xDA0] =	vst v2;
	v2 =	vmul.f32 v60, v1  }
.Ltmp2:
0x102: {  	[tilespmem:s22+$0xDB0] =	vst v3;
	v3 =	vmul.f32 v61, v1;
	(pc) =	sbr.rel @p1 .LBB2_7-.Ltmp2, $4  }
0x103: {  	[tilespmem:s22+$0xDC0] =	vst v2;
	v2 =	vmul.f32 v62, v1  }
0x104: {  	[tilespmem:s22+$0xDD0] =	vst v3;
	v1 =	vmul.f32 v63, v1  }
0x105: {  	[tilespmem:s22+$0xDE0] =	vst v2  }
0x106: {  	s25 =	sadd.s32 $0x1, s25;
	[tilespmem:s22+$0xDF0] =	vst v1  }
0x107: {  	[spmem:s2] =	stream.indirect.scatter.add.f32 [tilespmem:s29], [sflag:$0x7], $0x80, s15, s4, $0xb8;
	[tilespmem:$0x1FE00] =	vst v63  }
0x108: {  	s22 =	simm.s32 @!p0 $0x9  }
0x109: {  	p1 =	seq.s32 @!p0 s0, $0x22;
	_ =	swait.ge @!p0 [sflag:s22], $0x3000  }
0x10a: {  	p1 =	por p0, !p1;
	[sflag:s22] =	ssyncset.done @!p0 $0x0  }
0x10b: {  	[sflag:s22] =	ssyncadd.s32 @!p0 $0xFFFFD000;
	s22 =	sadd.s32 @p1 s24, s11  }
0x10c: {  	s22 =	smul.u32 @p1 $0x120, s22;
	_ =	sdelay $0x1  }
0x10d: {  	s22 =	sshrl.u32 @p1 s22, $0x3  }
0x10e: {  	s22 =	sadd.s32 @p1 s5, s22  }
0x10f: {  	s22 =	sadd.s32 @p1 $0x48, s22  }
0x110: {  	[tilespmem:s3], [sflag:$0x1] =	stream.linear.gather @p1 [hbm4b:s22+s3], $0x120, $0x38;
	[tilespmem:$0x1FE00] =	vst v63  }
0x111: {  	_ =	swait.ge [sflag:s16], $0x120  }
0x112: {  	[sflag:s16] =	ssyncset.done $0x0  }
0x113: {  	[sflag:s16] =	ssyncadd.s32 $0xFFFFFEE0  }
0x114: {  	[tilespmem:s17], [sflag:$0x6] =	stream.indirect.gather [hbm4b:s1+s4], $0x80, s8, s4, $0xb8;
	[tilespmem:$0x1FE00] =	vst v63  }
0x115: {  	_ =	swait.ge [sflag:s18], $0x3000  }
0x116: {  	[sflag:s18] =	ssyncset.done $0x0  }
0x117: {  	s25 =	simm.s32 $0x0;
	[sflag:s18] =	ssyncadd.s32 $0xFFFFD000  }
.LBB2_9:
0x118: {  	s22 =	sshll.u32 s25, $0x4  }
0x119: {  	v1 =	vld [tilespmem:s22+$0x240];
	_ =	sdelay $0x4  }
0x11a: {  	v1 =	vmul.f32 $1.442695020e+00, v1;
	_ =	sdelay $0x1  }
0x11b: {  	(erf) = vpow2.f32 v1;
	_ =	sdelay $0x1  }
0x11c: {  	v2 =	vld [tilespmem:s22+$0x1E0];
	_ =	sdelay $0x6  }
0x11d: {  	[tilespmem:s22+$0x500] =	vst v2;
	s22 =	sshll.u32 s25, $0xB;
	v1 =	vpop (erf)  }
0x11e: {  	s22 =	sand.u32 $0x3FFFF800, s22;
	[tilespmem:v2+s14+$0x0] =	vst.idx.add.f32.msk $0xffff, v1  }
0x11f: {  	v2 =	vld [tilespmem:s22+$0x3600]  }
0x120: {  	v3 =	vld [tilespmem:s22+$0x3610]  }
0x121: {  	v4 =	vld [tilespmem:s22+$0x3620]  }
0x122: {  	v5 =	vbroadcast v1, $0x0;
	v6 =	vld [tilespmem:s22+$0x3630]  }
0x123: {  	v7 =	vld [tilespmem:s22+$0x3640]  }
0x124: {  	v8 =	vld [tilespmem:s22+$0x3650];
	v2 =	vmul.f32 v5, v2  }
0x125: {  	v9 =	vld [tilespmem:s22+$0x3660];
	v3 =	vmul.f32 v3, v5  }
0x126: {  	v34 =	vld [tilespmem:s22+$0x3670];
	[tilespmem:s22+$0x3600] =	vst v2;
	v2 =	vmul.f32 v4, v5  }
0x127: {  	v35 =	vld [tilespmem:s22+$0x3680];
	[tilespmem:s22+$0x3610] =	vst v3;
	v3 =	vmul.f32 v6, v5  }
0x128: {  	v36 =	vld [tilespmem:s22+$0x3690];
	[tilespmem:s22+$0x3620] =	vst v2;
	v2 =	vmul.f32 v7, v5  }
0x129: {  	v37 =	vld [tilespmem:s22+$0x36A0];
	[tilespmem:s22+$0x3630] =	vst v3;
	v3 =	vmul.f32 v8, v5  }
0x12a: {  	v38 =	vbroadcast v1, $0x1;
	v10 =	vld [tilespmem:s22+$0x36B0];
	[tilespmem:s22+$0x3640] =	vst v2;
	v2 =	vmul.f32 v9, v5  }
0x12b: {  	v39 =	vld [tilespmem:s22+$0x36C0];
	[tilespmem:s22+$0x3650] =	vst v3;
	v3 =	vmul.f32 v34, v5  }
0x12c: {  	v40 =	vld [tilespmem:s22+$0x36D0];
	[tilespmem:s22+$0x3660] =	vst v2;
	v2 =	vmul.f32 v35, v38  }
0x12d: {  	v41 =	vld [tilespmem:s22+$0x36E0];
	[tilespmem:s22+$0x3670] =	vst v3;
	v3 =	vmul.f32 v36, v38  }
0x12e: {  	v42 =	vld [tilespmem:s22+$0x36F0];
	[tilespmem:s22+$0x3680] =	vst v2;
	v2 =	vmul.f32 v37, v38  }
0x12f: {  	v43 =	vld [tilespmem:s22+$0x3700];
	[tilespmem:s22+$0x3690] =	vst v3;
	v3 =	vmul.f32 v10, v38  }
0x130: {  	v44 =	vld [tilespmem:s22+$0x3710];
	[tilespmem:s22+$0x36A0] =	vst v2;
	v2 =	vmul.f32 v39, v38  }
0x131: {  	v45 =	vld [tilespmem:s22+$0x3720];
	[tilespmem:s22+$0x36B0] =	vst v3;
	v3 =	vmul.f32 v40, v38  }
0x132: {  	v46 =	vbroadcast v1, $0x2;
	v47 =	vld [tilespmem:s22+$0x3730];
	[tilespmem:s22+$0x36C0] =	vst v2;
	v2 =	vmul.f32 v41, v38  }
0x133: {  	v48 =	vld [tilespmem:s22+$0x3740];
	[tilespmem:s22+$0x36D0] =	vst v3;
	v3 =	vmul.f32 v42, v38  }
0x134: {  	v49 =	vld [tilespmem:s22+$0x3750];
	[tilespmem:s22+$0x36E0] =	vst v2;
	v2 =	vmul.f32 v43, v46  }
0x135: {  	v50 =	vld [tilespmem:s22+$0x3760];
	[tilespmem:s22+$0x36F0] =	vst v3;
	v3 =	vmul.f32 v44, v46  }
0x136: {  	v51 =	vld [tilespmem:s22+$0x3770];
	[tilespmem:s22+$0x3700] =	vst v2;
	v2 =	vmul.f32 v45, v46  }
0x137: {  	v52 =	vld [tilespmem:s22+$0x3780];
	[tilespmem:s22+$0x3710] =	vst v3;
	v3 =	vmul.f32 v47, v46  }
0x138: {  	v53 =	vld [tilespmem:s22+$0x3790];
	[tilespmem:s22+$0x3720] =	vst v2;
	v2 =	vmul.f32 v48, v46  }
0x139: {  	v54 =	vld [tilespmem:s22+$0x37A0];
	[tilespmem:s22+$0x3730] =	vst v3;
	v3 =	vmul.f32 v49, v46  }
0x13a: {  	v55 =	vbroadcast v1, $0x3;
	v56 =	vld [tilespmem:s22+$0x37B0];
	[tilespmem:s22+$0x3740] =	vst v2;
	v2 =	vmul.f32 v50, v46  }
0x13b: {  	v57 =	vld [tilespmem:s22+$0x37C0];
	[tilespmem:s22+$0x3750] =	vst v3;
	v3 =	vmul.f32 v51, v46  }
0x13c: {  	v58 =	vld [tilespmem:s22+$0x37D0];
	[tilespmem:s22+$0x3760] =	vst v2;
	v2 =	vmul.f32 v52, v55  }
0x13d: {  	v59 =	vld [tilespmem:s22+$0x37E0];
	[tilespmem:s22+$0x3770] =	vst v3;
	v3 =	vmul.f32 v53, v55  }
0x13e: {  	v60 =	vld [tilespmem:s22+$0x37F0];
	[tilespmem:s22+$0x3780] =	vst v2;
	v2 =	vmul.f32 v54, v55  }
0x13f: {  	v61 =	vld [tilespmem:s22+$0x3800];
	[tilespmem:s22+$0x3790] =	vst v3;
	v3 =	vmul.f32 v56, v55  }
0x140: {  	v62 =	vld [tilespmem:s22+$0x3810];
	[tilespmem:s22+$0x37A0] =	vst v2;
	v2 =	vmul.f32 v57, v55  }
0x141: {  	v63 =	vld [tilespmem:s22+$0x3820];
	[tilespmem:s22+$0x37B0] =	vst v3;
	v3 =	vmul.f32 v58, v55  }
0x142: {  	v12 =	vbroadcast v1, $0x4;
	v13 =	vld [tilespmem:s22+$0x3830];
	[tilespmem:s22+$0x37C0] =	vst v2;
	v2 =	vmul.f32 v59, v55  }
0x143: {  	v14 =	vld [tilespmem:s22+$0x3840];
	[tilespmem:s22+$0x37D0] =	vst v3;
	v3 =	vmul.f32 v60, v55  }
0x144: {  	v15 =	vld [tilespmem:s22+$0x3850];
	[tilespmem:s22+$0x37E0] =	vst v2;
	v2 =	vmul.f32 v61, v12  }
0x145: {  	v16 =	vld [tilespmem:s22+$0x3860];
	[tilespmem:s22+$0x37F0] =	vst v3;
	v3 =	vmul.f32 v62, v12  }
0x146: {  	v17 =	vld [tilespmem:s22+$0x3870];
	[tilespmem:s22+$0x3800] =	vst v2;
	v2 =	vmul.f32 v63, v12  }
0x147: {  	v18 =	vld [tilespmem:s22+$0x3880];
	[tilespmem:s22+$0x3810] =	vst v3;
	v3 =	vmul.f32 v13, v12  }
0x148: {  	v19 =	vld [tilespmem:s22+$0x3890];
	[tilespmem:s22+$0x3820] =	vst v2;
	v2 =	vmul.f32 v14, v12  }
0x149: {  	v20 =	vld [tilespmem:s22+$0x38A0];
	[tilespmem:s22+$0x3830] =	vst v3;
	v3 =	vmul.f32 v15, v12  }
0x14a: {  	v21 =	vbroadcast v1, $0x5;
	v22 =	vld [tilespmem:s22+$0x38B0];
	[tilespmem:s22+$0x3840] =	vst v2;
	v2 =	vmul.f32 v16, v12  }
0x14b: {  	v23 =	vld [tilespmem:s22+$0x38C0];
	[tilespmem:s22+$0x3850] =	vst v3;
	v3 =	vmul.f32 v17, v12  }
0x14c: {  	v24 =	vld [tilespmem:s22+$0x38D0];
	[tilespmem:s22+$0x3860] =	vst v2;
	v2 =	vmul.f32 v18, v21  }
0x14d: {  	v25 =	vld [tilespmem:s22+$0x38E0];
	[tilespmem:s22+$0x3870] =	vst v3;
	v3 =	vmul.f32 v19, v21  }
0x14e: {  	v26 =	vld [tilespmem:s22+$0x38F0];
	[tilespmem:s22+$0x3880] =	vst v2;
	v2 =	vmul.f32 v20, v21  }
0x14f: {  	v27 =	vld [tilespmem:s22+$0x3900];
	[tilespmem:s22+$0x3890] =	vst v3;
	v3 =	vmul.f32 v22, v21  }
0x150: {  	v28 =	vld [tilespmem:s22+$0x3910];
	[tilespmem:s22+$0x38A0] =	vst v2;
	v2 =	vmul.f32 v23, v21  }
0x151: {  	v29 =	vld [tilespmem:s22+$0x3920];
	[tilespmem:s22+$0x38B0] =	vst v3;
	v3 =	vmul.f32 v24, v21  }
0x152: {  	v30 =	vbroadcast v1, $0x6;
	v31 =	vld [tilespmem:s22+$0x3930];
	[tilespmem:s22+$0x38C0] =	vst v2;
	v2 =	vmul.f32 v25, v21  }
0x153: {  	v32 =	vld [tilespmem:s22+$0x3940];
	[tilespmem:s22+$0x38D0] =	vst v3;
	v3 =	vmul.f32 v26, v21  }
0x154: {  	v33 =	vld [tilespmem:s22+$0x3950];
	[tilespmem:s22+$0x38E0] =	vst v2;
	v2 =	vmul.f32 v27, v30  }
0x155: {  	v34 =	vld [tilespmem:s22+$0x3960];
	[tilespmem:s22+$0x38F0] =	vst v3;
	v3 =	vmul.f32 v28, v30  }
0x156: {  	v35 =	vld [tilespmem:s22+$0x3970];
	[tilespmem:s22+$0x3900] =	vst v2;
	v2 =	vmul.f32 v29, v30  }
0x157: {  	v36 =	vld [tilespmem:s22+$0x3980];
	[tilespmem:s22+$0x3910] =	vst v3;
	v3 =	vmul.f32 v31, v30  }
0x158: {  	v37 =	vld [tilespmem:s22+$0x3990];
	[tilespmem:s22+$0x3920] =	vst v2;
	v2 =	vmul.f32 v32, v30  }
0x159: {  	v38 =	vld [tilespmem:s22+$0x39A0];
	[tilespmem:s22+$0x3930] =	vst v3;
	v3 =	vmul.f32 v33, v30  }
0x15a: {  	v39 =	vbroadcast v1, $0x7;
	v40 =	vld [tilespmem:s22+$0x39B0];
	[tilespmem:s22+$0x3940] =	vst v2;
	v2 =	vmul.f32 v34, v30  }
0x15b: {  	v41 =	vld [tilespmem:s22+$0x39C0];
	[tilespmem:s22+$0x3950] =	vst v3;
	v3 =	vmul.f32 v35, v30  }
0x15c: {  	v42 =	vld [tilespmem:s22+$0x39D0];
	[tilespmem:s22+$0x3960] =	vst v2;
	v2 =	vmul.f32 v36, v39  }
0x15d: {  	v43 =	vld [tilespmem:s22+$0x39E0];
	[tilespmem:s22+$0x3970] =	vst v3;
	v3 =	vmul.f32 v37, v39  }
0x15e: {  	v44 =	vld [tilespmem:s22+$0x39F0];
	[tilespmem:s22+$0x3980] =	vst v2;
	v2 =	vmul.f32 v38, v39  }
0x15f: {  	v45 =	vld [tilespmem:s22+$0x3A00];
	[tilespmem:s22+$0x3990] =	vst v3;
	v3 =	vmul.f32 v40, v39  }
0x160: {  	v46 =	vld [tilespmem:s22+$0x3A10];
	[tilespmem:s22+$0x39A0] =	vst v2;
	v2 =	vmul.f32 v41, v39  }
0x161: {  	v47 =	vld [tilespmem:s22+$0x3A20];
	[tilespmem:s22+$0x39B0] =	vst v3;
	v3 =	vmul.f32 v42, v39  }
0x162: {  	v48 =	vbroadcast v1, $0x8;
	v49 =	vld [tilespmem:s22+$0x3A30];
	[tilespmem:s22+$0x39C0] =	vst v2;
	v2 =	vmul.f32 v43, v39  }
0x163: {  	v50 =	vld [tilespmem:s22+$0x3A40];
	[tilespmem:s22+$0x39D0] =	vst v3;
	v3 =	vmul.f32 v44, v39  }
0x164: {  	v51 =	vld [tilespmem:s22+$0x3A50];
	[tilespmem:s22+$0x39E0] =	vst v2;
	v2 =	vmul.f32 v45, v48  }
0x165: {  	v52 =	vld [tilespmem:s22+$0x3A60];
	[tilespmem:s22+$0x39F0] =	vst v3;
	v3 =	vmul.f32 v46, v48  }
0x166: {  	v53 =	vld [tilespmem:s22+$0x3A70];
	[tilespmem:s22+$0x3A00] =	vst v2;
	v2 =	vmul.f32 v47, v48  }
0x167: {  	v54 =	vld [tilespmem:s22+$0x3A80];
	[tilespmem:s22+$0x3A10] =	vst v3;
	v3 =	vmul.f32 v49, v48  }
0x168: {  	v55 =	vld [tilespmem:s22+$0x3A90];
	[tilespmem:s22+$0x3A20] =	vst v2;
	v2 =	vmul.f32 v50, v48  }
0x169: {  	v56 =	vld [tilespmem:s22+$0x3AA0];
	[tilespmem:s22+$0x3A30] =	vst v3;
	v3 =	vmul.f32 v51, v48  }
0x16a: {  	v57 =	vbroadcast v1, $0x9;
	v58 =	vld [tilespmem:s22+$0x3AB0];
	[tilespmem:s22+$0x3A40] =	vst v2;
	v2 =	vmul.f32 v52, v48  }
0x16b: {  	v59 =	vld [tilespmem:s22+$0x3AC0];
	[tilespmem:s22+$0x3A50] =	vst v3;
	v3 =	vmul.f32 v53, v48  }
0x16c: {  	v60 =	vld [tilespmem:s22+$0x3AD0];
	[tilespmem:s22+$0x3A60] =	vst v2;
	v2 =	vmul.f32 v54, v57  }
0x16d: {  	v61 =	vld [tilespmem:s22+$0x3AE0];
	[tilespmem:s22+$0x3A70] =	vst v3;
	v3 =	vmul.f32 v55, v57  }
0x16e: {  	v62 =	vld [tilespmem:s22+$0x3AF0];
	[tilespmem:s22+$0x3A80] =	vst v2;
	v2 =	vmul.f32 v56, v57  }
0x16f: {  	v63 =	vld [tilespmem:s22+$0x3B00];
	[tilespmem:s22+$0x3A90] =	vst v3;
	v3 =	vmul.f32 v58, v57  }
0x170: {  	v12 =	vld [tilespmem:s22+$0x3B10];
	[tilespmem:s22+$0x3AA0] =	vst v2;
	v2 =	vmul.f32 v59, v57  }
0x171: {  	v13 =	vld [tilespmem:s22+$0x3B20];
	[tilespmem:s22+$0x3AB0] =	vst v3;
	v3 =	vmul.f32 v60, v57  }
0x172: {  	v14 =	vbroadcast v1, $0xA;
	v15 =	vld [tilespmem:s22+$0x3B30];
	[tilespmem:s22+$0x3AC0] =	vst v2;
	v2 =	vmul.f32 v61, v57  }
0x173: {  	v16 =	vld [tilespmem:s22+$0x3B40];
	[tilespmem:s22+$0x3AD0] =	vst v3;
	v3 =	vmul.f32 v62, v57  }
0x174: {  	v17 =	vld [tilespmem:s22+$0x3B50];
	[tilespmem:s22+$0x3AE0] =	vst v2;
	v2 =	vmul.f32 v63, v14  }
0x175: {  	v18 =	vld [tilespmem:s22+$0x3B60];
	[tilespmem:s22+$0x3AF0] =	vst v3;
	v3 =	vmul.f32 v12, v14  }
0x176: {  	v19 =	vld [tilespmem:s22+$0x3B70];
	[tilespmem:s22+$0x3B00] =	vst v2;
	v2 =	vmul.f32 v13, v14  }
0x177: {  	v20 =	vld [tilespmem:s22+$0x3B80];
	[tilespmem:s22+$0x3B10] =	vst v3;
	v3 =	vmul.f32 v15, v14  }
0x178: {  	v21 =	vld [tilespmem:s22+$0x3B90];
	[tilespmem:s22+$0x3B20] =	vst v2;
	v2 =	vmul.f32 v16, v14  }
0x179: {  	v22 =	vld [tilespmem:s22+$0x3BA0];
	[tilespmem:s22+$0x3B30] =	vst v3;
	v3 =	vmul.f32 v17, v14  }
0x17a: {  	v23 =	vbroadcast v1, $0xB;
	v24 =	vld [tilespmem:s22+$0x3BB0];
	[tilespmem:s22+$0x3B40] =	vst v2;
	v2 =	vmul.f32 v18, v14  }
0x17b: {  	v25 =	vld [tilespmem:s22+$0x3BC0];
	[tilespmem:s22+$0x3B50] =	vst v3;
	v3 =	vmul.f32 v19, v14  }
0x17c: {  	v26 =	vld [tilespmem:s22+$0x3BD0];
	[tilespmem:s22+$0x3B60] =	vst v2;
	v2 =	vmul.f32 v20, v23  }
0x17d: {  	v27 =	vld [tilespmem:s22+$0x3BE0];
	[tilespmem:s22+$0x3B70] =	vst v3;
	v3 =	vmul.f32 v21, v23  }
0x17e: {  	v28 =	vld [tilespmem:s22+$0x3BF0];
	[tilespmem:s22+$0x3B80] =	vst v2;
	v2 =	vmul.f32 v22, v23  }
0x17f: {  	v29 =	vld [tilespmem:s22+$0x3C00];
	[tilespmem:s22+$0x3B90] =	vst v3;
	v3 =	vmul.f32 v24, v23  }
0x180: {  	v30 =	vld [tilespmem:s22+$0x3C10];
	[tilespmem:s22+$0x3BA0] =	vst v2;
	v2 =	vmul.f32 v25, v23  }
0x181: {  	v31 =	vld [tilespmem:s22+$0x3C20];
	[tilespmem:s22+$0x3BB0] =	vst v3;
	v3 =	vmul.f32 v26, v23  }
0x182: {  	v32 =	vbroadcast v1, $0xC;
	v33 =	vld [tilespmem:s22+$0x3C30];
	[tilespmem:s22+$0x3BC0] =	vst v2;
	v2 =	vmul.f32 v27, v23  }
0x183: {  	v34 =	vld [tilespmem:s22+$0x3C40];
	[tilespmem:s22+$0x3BD0] =	vst v3;
	v3 =	vmul.f32 v28, v23  }
0x184: {  	v35 =	vld [tilespmem:s22+$0x3C50];
	[tilespmem:s22+$0x3BE0] =	vst v2;
	v2 =	vmul.f32 v29, v32  }
0x185: {  	v36 =	vld [tilespmem:s22+$0x3C60];
	[tilespmem:s22+$0x3BF0] =	vst v3;
	v3 =	vmul.f32 v30, v32  }
0x186: {  	v37 =	vld [tilespmem:s22+$0x3C70];
	[tilespmem:s22+$0x3C00] =	vst v2;
	v2 =	vmul.f32 v31, v32  }
0x187: {  	v38 =	vld [tilespmem:s22+$0x3C80];
	[tilespmem:s22+$0x3C10] =	vst v3;
	v3 =	vmul.f32 v33, v32  }
0x188: {  	v39 =	vld [tilespmem:s22+$0x3C90];
	[tilespmem:s22+$0x3C20] =	vst v2;
	v2 =	vmul.f32 v34, v32  }
0x189: {  	v40 =	vld [tilespmem:s22+$0x3CA0];
	[tilespmem:s22+$0x3C30] =	vst v3;
	v3 =	vmul.f32 v35, v32  }
0x18a: {  	v41 =	vbroadcast v1, $0xD;
	v42 =	vld [tilespmem:s22+$0x3CB0];
	[tilespmem:s22+$0x3C40] =	vst v2;
	v2 =	vmul.f32 v36, v32  }
0x18b: {  	v43 =	vld [tilespmem:s22+$0x3CC0];
	[tilespmem:s22+$0x3C50] =	vst v3;
	v3 =	vmul.f32 v37, v32  }
0x18c: {  	v44 =	vld [tilespmem:s22+$0x3CD0];
	[tilespmem:s22+$0x3C60] =	vst v2;
	v2 =	vmul.f32 v38, v41  }
0x18d: {  	v45 =	vld [tilespmem:s22+$0x3CE0];
	[tilespmem:s22+$0x3C70] =	vst v3;
	v3 =	vmul.f32 v39, v41  }
0x18e: {  	v46 =	vld [tilespmem:s22+$0x3CF0];
	[tilespmem:s22+$0x3C80] =	vst v2;
	v2 =	vmul.f32 v40, v41  }
0x18f: {  	v47 =	vld [tilespmem:s22+$0x3D00];
	[tilespmem:s22+$0x3C90] =	vst v3;
	v3 =	vmul.f32 v42, v41  }
0x190: {  	v48 =	vld [tilespmem:s22+$0x3D10];
	[tilespmem:s22+$0x3CA0] =	vst v2;
	v2 =	vmul.f32 v43, v41  }
0x191: {  	v49 =	vld [tilespmem:s22+$0x3D20];
	[tilespmem:s22+$0x3CB0] =	vst v3;
	v3 =	vmul.f32 v44, v41  }
0x192: {  	v50 =	vbroadcast v1, $0xE;
	v51 =	vld [tilespmem:s22+$0x3D30];
	[tilespmem:s22+$0x3CC0] =	vst v2;
	v2 =	vmul.f32 v45, v41  }
0x193: {  	v52 =	vld [tilespmem:s22+$0x3D40];
	[tilespmem:s22+$0x3CD0] =	vst v3;
	v3 =	vmul.f32 v46, v41  }
0x194: {  	v53 =	vld [tilespmem:s22+$0x3D50];
	[tilespmem:s22+$0x3CE0] =	vst v2;
	v2 =	vmul.f32 v47, v50  }
0x195: {  	v54 =	vld [tilespmem:s22+$0x3D60];
	[tilespmem:s22+$0x3CF0] =	vst v3;
	v3 =	vmul.f32 v48, v50  }
0x196: {  	v55 =	vld [tilespmem:s22+$0x3D70];
	[tilespmem:s22+$0x3D00] =	vst v2;
	v2 =	vmul.f32 v49, v50  }
0x197: {  	v56 =	vld [tilespmem:s22+$0x3D80];
	[tilespmem:s22+$0x3D10] =	vst v3;
	v3 =	vmul.f32 v51, v50  }
0x198: {  	v57 =	vld [tilespmem:s22+$0x3D90];
	[tilespmem:s22+$0x3D20] =	vst v2;
	v2 =	vmul.f32 v52, v50  }
0x199: {  	v58 =	vld [tilespmem:s22+$0x3DA0];
	[tilespmem:s22+$0x3D30] =	vst v3;
	v3 =	vmul.f32 v53, v50  }
0x19a: {  	v1 =	vbroadcast v1, $0xF;
	v59 =	vld [tilespmem:s22+$0x3DB0];
	[tilespmem:s22+$0x3D40] =	vst v2;
	v2 =	vmul.f32 v54, v50  }
0x19b: {  	v60 =	vld [tilespmem:s22+$0x3DC0];
	[tilespmem:s22+$0x3D50] =	vst v3;
	v3 =	vmul.f32 v55, v50  }
0x19c: {  	v61 =	vld [tilespmem:s22+$0x3DD0];
	[tilespmem:s22+$0x3D60] =	vst v2;
	v2 =	vmul.f32 v56, v1  }
0x19d: {  	v62 =	vld [tilespmem:s22+$0x3DE0];
	[tilespmem:s22+$0x3D70] =	vst v3;
	v3 =	vmul.f32 v57, v1  }
0x19e: {  	v63 =	vld [tilespmem:s22+$0x3DF0];
	[tilespmem:s22+$0x3D80] =	vst v2;
	v2 =	vmul.f32 v58, v1  }
0x19f: {  	[tilespmem:s22+$0x3D90] =	vst v3;
	v3 =	vmul.f32 v59, v1  }
0x1a0: {  	p0 =	sne.s32 s25, $0x5;
	[tilespmem:s22+$0x3DA0] =	vst v2;
	v2 =	vmul.f32 v60, v1  }
.Ltmp3:
0x1a1: {  	[tilespmem:s22+$0x3DB0] =	vst v3;
	v3 =	vmul.f32 v61, v1;
	(pc) =	sbr.rel @p0 .LBB2_9-.Ltmp3, $4  }
0x1a2: {  	[tilespmem:s22+$0x3DC0] =	vst v2;
	v2 =	vmul.f32 v62, v1  }
0x1a3: {  	[tilespmem:s22+$0x3DD0] =	vst v3;
	v1 =	vmul.f32 v63, v1  }
0x1a4: {  	[tilespmem:s22+$0x3DE0] =	vst v2  }
0x1a5: {  	s25 =	sadd.s32 $0x1, s25;
	[tilespmem:s22+$0x3DF0] =	vst v1  }
0x1a6: {  	p0 =	seq.s32 s0, $0x22  }
0x1a7: {  	s22 =	sadd.s32 @!p0 s24, s12  }
0x1a8: {  	s22 =	smul.u32 @!p0 $0x120, s22  }
0x1a9: {  	[spmem:s2] =	stream.indirect.scatter.add.f32 [tilespmem:s10], [sflag:$0x8], $0x80, s19, s4, $0xb8;
	[tilespmem:$0x1FE00] =	vst v63  }
0x1aa: {  	_ =	swait.ge [sflag:s20], $0x3000;
	s22 =	sshrl.u32 @!p0 s22, $0x3  }
0x1ab: {  	s24 =	simm.s32 @!p0 $0x0;
	[sflag:s20] =	ssyncset.done $0x0;
	s22 =	sadd.s32 @!p0 s5, s22  }
0x1ac: {  	s25 =	simm.s32 @!p0 $0x180;
	[sflag:s20] =	ssyncadd.s32 $0xFFFFD000;
	s22 =	sadd.s32 @!p0 $0x48, s22  }
0x1ad: {  	[tilespmem:s25], [sflag:$0x2] =	stream.linear.gather @!p0 [hbm4b:s22+s24], $0x120, $0x38;
	[tilespmem:$0x1FE00] =	vst v63  }
0x1ae: {  	s22 =	simm.s32 @!p0 $0x1  }
0x1af: {  	_ =	swait.ge @!p0 [sflag:s22], $0x120  }
0x1b0: {  	[sflag:s22] =	ssyncset.done @!p0 $0x0  }
0x1b1: {  	s25 =	simm.s32 @!p0 $0x600;
	[sflag:s22] =	ssyncadd.s32 @!p0 $0xFFFFFEE0;
	s22 =	simm.s32 @!p0 $0x60  }
0x1b2: {  	[tilespmem:s25], [sflag:$0x4] =	stream.indirect.gather @!p0 [hbm4b:s1+s22], $0x80, s24, s22, $0xb8;
	[tilespmem:$0x1FE00] =	vst v63  }
0x1b3: {  	_ =	swait.ge [sflag:s21], $0x3000  }
0x1b4: {  	[sflag:s21] =	ssyncset.done $0x0  }
0x1b5: {  	s24 =	simm.s32 $0x0;
	[sflag:s21] =	ssyncadd.s32 $0xFFFFD000  }
.LBB2_11:
0x1b6: {  	s22 =	sshll.u32 s24, $0x4  }
0x1b7: {  	v1 =	vld [tilespmem:s22+$0x3C0];
	_ =	sdelay $0x4  }
0x1b8: {  	v1 =	vmul.f32 $1.442695020e+00, v1;
	_ =	sdelay $0x1  }
0x1b9: {  	(erf) = vpow2.f32 v1;
	_ =	sdelay $0x1  }
0x1ba: {  	v2 =	vld [tilespmem:s22+$0x360];
	_ =	sdelay $0x6  }
0x1bb: {  	s25 =	sshll.u32 s24, $0xB;
	[tilespmem:s22+$0x580] =	vst v2;
	v1 =	vpop (erf)  }
0x1bc: {  	s22 =	sand.u32 $0x3FFFF800, s25;
	[tilespmem:v2+s14+$0x0] =	vst.idx.add.f32.msk $0xffff, v1  }
0x1bd: {  	v2 =	vld [tilespmem:s22+$0x6600]  }
0x1be: {  	v3 =	vld [tilespmem:s22+$0x6610]  }
0x1bf: {  	v4 =	vld [tilespmem:s22+$0x6620]  }
0x1c0: {  	v5 =	vbroadcast v1, $0x0;
	v6 =	vld [tilespmem:s22+$0x6630]  }
0x1c1: {  	v7 =	vld [tilespmem:s22+$0x6640]  }
0x1c2: {  	v8 =	vld [tilespmem:s22+$0x6650];
	v2 =	vmul.f32 v5, v2  }
0x1c3: {  	v9 =	vld [tilespmem:s22+$0x6660];
	v3 =	vmul.f32 v3, v5  }
0x1c4: {  	v34 =	vld [tilespmem:s22+$0x6670];
	[tilespmem:s22+$0x6600] =	vst v2;
	v2 =	vmul.f32 v4, v5  }
0x1c5: {  	v35 =	vld [tilespmem:s22+$0x6680];
	[tilespmem:s22+$0x6610] =	vst v3;
	v3 =	vmul.f32 v6, v5  }
0x1c6: {  	v36 =	vld [tilespmem:s22+$0x6690];
	[tilespmem:s22+$0x6620] =	vst v2;
	v2 =	vmul.f32 v7, v5  }
0x1c7: {  	v37 =	vld [tilespmem:s22+$0x66A0];
	[tilespmem:s22+$0x6630] =	vst v3;
	v3 =	vmul.f32 v8, v5  }
0x1c8: {  	v38 =	vbroadcast v1, $0x1;
	v10 =	vld [tilespmem:s22+$0x66B0];
	[tilespmem:s22+$0x6640] =	vst v2;
	v2 =	vmul.f32 v9, v5  }
0x1c9: {  	v39 =	vld [tilespmem:s22+$0x66C0];
	[tilespmem:s22+$0x6650] =	vst v3;
	v3 =	vmul.f32 v34, v5  }
0x1ca: {  	v40 =	vld [tilespmem:s22+$0x66D0];
	[tilespmem:s22+$0x6660] =	vst v2;
	v2 =	vmul.f32 v35, v38  }
0x1cb: {  	v41 =	vld [tilespmem:s22+$0x66E0];
	[tilespmem:s22+$0x6670] =	vst v3;
	v3 =	vmul.f32 v36, v38  }
0x1cc: {  	v42 =	vld [tilespmem:s22+$0x66F0];
	[tilespmem:s22+$0x6680] =	vst v2;
	v2 =	vmul.f32 v37, v38  }
0x1cd: {  	v43 =	vld [tilespmem:s22+$0x6700];
	[tilespmem:s22+$0x6690] =	vst v3;
	v3 =	vmul.f32 v10, v38  }
0x1ce: {  	v44 =	vld [tilespmem:s22+$0x6710];
	[tilespmem:s22+$0x66A0] =	vst v2;
	v2 =	vmul.f32 v39, v38  }
0x1cf: {  	v45 =	vld [tilespmem:s22+$0x6720];
	[tilespmem:s22+$0x66B0] =	vst v3;
	v3 =	vmul.f32 v40, v38  }
0x1d0: {  	v46 =	vbroadcast v1, $0x2;
	v47 =	vld [tilespmem:s22+$0x6730];
	[tilespmem:s22+$0x66C0] =	vst v2;
	v2 =	vmul.f32 v41, v38  }
0x1d1: {  	v48 =	vld [tilespmem:s22+$0x6740];
	[tilespmem:s22+$0x66D0] =	vst v3;
	v3 =	vmul.f32 v42, v38  }
0x1d2: {  	v49 =	vld [tilespmem:s22+$0x6750];
	[tilespmem:s22+$0x66E0] =	vst v2;
	v2 =	vmul.f32 v43, v46  }
0x1d3: {  	v50 =	vld [tilespmem:s22+$0x6760];
	[tilespmem:s22+$0x66F0] =	vst v3;
	v3 =	vmul.f32 v44, v46  }
0x1d4: {  	v51 =	vld [tilespmem:s22+$0x6770];
	[tilespmem:s22+$0x6700] =	vst v2;
	v2 =	vmul.f32 v45, v46  }
0x1d5: {  	v52 =	vld [tilespmem:s22+$0x6780];
	[tilespmem:s22+$0x6710] =	vst v3;
	v3 =	vmul.f32 v47, v46  }
0x1d6: {  	v53 =	vld [tilespmem:s22+$0x6790];
	[tilespmem:s22+$0x6720] =	vst v2;
	v2 =	vmul.f32 v48, v46  }
0x1d7: {  	v54 =	vld [tilespmem:s22+$0x67A0];
	[tilespmem:s22+$0x6730] =	vst v3;
	v3 =	vmul.f32 v49, v46  }
0x1d8: {  	v55 =	vbroadcast v1, $0x3;
	v56 =	vld [tilespmem:s22+$0x67B0];
	[tilespmem:s22+$0x6740] =	vst v2;
	v2 =	vmul.f32 v50, v46  }
0x1d9: {  	v57 =	vld [tilespmem:s22+$0x67C0];
	[tilespmem:s22+$0x6750] =	vst v3;
	v3 =	vmul.f32 v51, v46  }
0x1da: {  	v58 =	vld [tilespmem:s22+$0x67D0];
	[tilespmem:s22+$0x6760] =	vst v2;
	v2 =	vmul.f32 v52, v55  }
0x1db: {  	v59 =	vld [tilespmem:s22+$0x67E0];
	[tilespmem:s22+$0x6770] =	vst v3;
	v3 =	vmul.f32 v53, v55  }
0x1dc: {  	v60 =	vld [tilespmem:s22+$0x67F0];
	[tilespmem:s22+$0x6780] =	vst v2;
	v2 =	vmul.f32 v54, v55  }
0x1dd: {  	v61 =	vld [tilespmem:s22+$0x6800];
	[tilespmem:s22+$0x6790] =	vst v3;
	v3 =	vmul.f32 v56, v55  }
0x1de: {  	v62 =	vld [tilespmem:s22+$0x6810];
	[tilespmem:s22+$0x67A0] =	vst v2;
	v2 =	vmul.f32 v57, v55  }
0x1df: {  	v63 =	vld [tilespmem:s22+$0x6820];
	[tilespmem:s22+$0x67B0] =	vst v3;
	v3 =	vmul.f32 v58, v55  }
0x1e0: {  	v12 =	vbroadcast v1, $0x4;
	v13 =	vld [tilespmem:s22+$0x6830];
	[tilespmem:s22+$0x67C0] =	vst v2;
	v2 =	vmul.f32 v59, v55  }
0x1e1: {  	v14 =	vld [tilespmem:s22+$0x6840];
	[tilespmem:s22+$0x67D0] =	vst v3;
	v3 =	vmul.f32 v60, v55  }
0x1e2: {  	v15 =	vld [tilespmem:s22+$0x6850];
	[tilespmem:s22+$0x67E0] =	vst v2;
	v2 =	vmul.f32 v61, v12  }
0x1e3: {  	v16 =	vld [tilespmem:s22+$0x6860];
	[tilespmem:s22+$0x67F0] =	vst v3;
	v3 =	vmul.f32 v62, v12  }
0x1e4: {  	v17 =	vld [tilespmem:s22+$0x6870];
	[tilespmem:s22+$0x6800] =	vst v2;
	v2 =	vmul.f32 v63, v12  }
0x1e5: {  	v18 =	vld [tilespmem:s22+$0x6880];
	[tilespmem:s22+$0x6810] =	vst v3;
	v3 =	vmul.f32 v13, v12  }
0x1e6: {  	v19 =	vld [tilespmem:s22+$0x6890];
	[tilespmem:s22+$0x6820] =	vst v2;
	v2 =	vmul.f32 v14, v12  }
0x1e7: {  	v20 =	vld [tilespmem:s22+$0x68A0];
	[tilespmem:s22+$0x6830] =	vst v3;
	v3 =	vmul.f32 v15, v12  }
0x1e8: {  	v21 =	vbroadcast v1, $0x5;
	v22 =	vld [tilespmem:s22+$0x68B0];
	[tilespmem:s22+$0x6840] =	vst v2;
	v2 =	vmul.f32 v16, v12  }
0x1e9: {  	v23 =	vld [tilespmem:s22+$0x68C0];
	[tilespmem:s22+$0x6850] =	vst v3;
	v3 =	vmul.f32 v17, v12  }
0x1ea: {  	v24 =	vld [tilespmem:s22+$0x68D0];
	[tilespmem:s22+$0x6860] =	vst v2;
	v2 =	vmul.f32 v18, v21  }
0x1eb: {  	v25 =	vld [tilespmem:s22+$0x68E0];
	[tilespmem:s22+$0x6870] =	vst v3;
	v3 =	vmul.f32 v19, v21  }
0x1ec: {  	v26 =	vld [tilespmem:s22+$0x68F0];
	[tilespmem:s22+$0x6880] =	vst v2;
	v2 =	vmul.f32 v20, v21  }
0x1ed: {  	v27 =	vld [tilespmem:s22+$0x6900];
	[tilespmem:s22+$0x6890] =	vst v3;
	v3 =	vmul.f32 v22, v21  }
0x1ee: {  	v28 =	vld [tilespmem:s22+$0x6910];
	[tilespmem:s22+$0x68A0] =	vst v2;
	v2 =	vmul.f32 v23, v21  }
0x1ef: {  	v29 =	vld [tilespmem:s22+$0x6920];
	[tilespmem:s22+$0x68B0] =	vst v3;
	v3 =	vmul.f32 v24, v21  }
0x1f0: {  	v30 =	vbroadcast v1, $0x6;
	v31 =	vld [tilespmem:s22+$0x6930];
	[tilespmem:s22+$0x68C0] =	vst v2;
	v2 =	vmul.f32 v25, v21  }
0x1f1: {  	v32 =	vld [tilespmem:s22+$0x6940];
	[tilespmem:s22+$0x68D0] =	vst v3;
	v3 =	vmul.f32 v26, v21  }
0x1f2: {  	v33 =	vld [tilespmem:s22+$0x6950];
	[tilespmem:s22+$0x68E0] =	vst v2;
	v2 =	vmul.f32 v27, v30  }
0x1f3: {  	v34 =	vld [tilespmem:s22+$0x6960];
	[tilespmem:s22+$0x68F0] =	vst v3;
	v3 =	vmul.f32 v28, v30  }
0x1f4: {  	v35 =	vld [tilespmem:s22+$0x6970];
	[tilespmem:s22+$0x6900] =	vst v2;
	v2 =	vmul.f32 v29, v30  }
0x1f5: {  	v36 =	vld [tilespmem:s22+$0x6980];
	[tilespmem:s22+$0x6910] =	vst v3;
	v3 =	vmul.f32 v31, v30  }
0x1f6: {  	v37 =	vld [tilespmem:s22+$0x6990];
	[tilespmem:s22+$0x6920] =	vst v2;
	v2 =	vmul.f32 v32, v30  }
0x1f7: {  	v38 =	vld [tilespmem:s22+$0x69A0];
	[tilespmem:s22+$0x6930] =	vst v3;
	v3 =	vmul.f32 v33, v30  }
0x1f8: {  	v39 =	vbroadcast v1, $0x7;
	v40 =	vld [tilespmem:s22+$0x69B0];
	[tilespmem:s22+$0x6940] =	vst v2;
	v2 =	vmul.f32 v34, v30  }
0x1f9: {  	v41 =	vld [tilespmem:s22+$0x69C0];
	[tilespmem:s22+$0x6950] =	vst v3;
	v3 =	vmul.f32 v35, v30  }
0x1fa: {  	v42 =	vld [tilespmem:s22+$0x69D0];
	[tilespmem:s22+$0x6960] =	vst v2;
	v2 =	vmul.f32 v36, v39  }
0x1fb: {  	v43 =	vld [tilespmem:s22+$0x69E0];
	[tilespmem:s22+$0x6970] =	vst v3;
	v3 =	vmul.f32 v37, v39  }
0x1fc: {  	v44 =	vld [tilespmem:s22+$0x69F0];
	[tilespmem:s22+$0x6980] =	vst v2;
	v2 =	vmul.f32 v38, v39  }
0x1fd: {  	v45 =	vld [tilespmem:s22+$0x6A00];
	[tilespmem:s22+$0x6990] =	vst v3;
	v3 =	vmul.f32 v40, v39  }
0x1fe: {  	v46 =	vld [tilespmem:s22+$0x6A10];
	[tilespmem:s22+$0x69A0] =	vst v2;
	v2 =	vmul.f32 v41, v39  }
0x1ff: {  	v47 =	vld [tilespmem:s22+$0x6A20];
	[tilespmem:s22+$0x69B0] =	vst v3;
	v3 =	vmul.f32 v42, v39  }
0x200: {  	v48 =	vbroadcast v1, $0x8;
	v49 =	vld [tilespmem:s22+$0x6A30];
	[tilespmem:s22+$0x69C0] =	vst v2;
	v2 =	vmul.f32 v43, v39  }
0x201: {  	v50 =	vld [tilespmem:s22+$0x6A40];
	[tilespmem:s22+$0x69D0] =	vst v3;
	v3 =	vmul.f32 v44, v39  }
0x202: {  	v51 =	vld [tilespmem:s22+$0x6A50];
	[tilespmem:s22+$0x69E0] =	vst v2;
	v2 =	vmul.f32 v45, v48  }
0x203: {  	v52 =	vld [tilespmem:s22+$0x6A60];
	[tilespmem:s22+$0x69F0] =	vst v3;
	v3 =	vmul.f32 v46, v48  }
0x204: {  	v53 =	vld [tilespmem:s22+$0x6A70];
	[tilespmem:s22+$0x6A00] =	vst v2;
	v2 =	vmul.f32 v47, v48  }
0x205: {  	v54 =	vld [tilespmem:s22+$0x6A80];
	[tilespmem:s22+$0x6A10] =	vst v3;
	v3 =	vmul.f32 v49, v48  }
0x206: {  	v55 =	vld [tilespmem:s22+$0x6A90];
	[tilespmem:s22+$0x6A20] =	vst v2;
	v2 =	vmul.f32 v50, v48  }
0x207: {  	v56 =	vld [tilespmem:s22+$0x6AA0];
	[tilespmem:s22+$0x6A30] =	vst v3;
	v3 =	vmul.f32 v51, v48  }
0x208: {  	v57 =	vbroadcast v1, $0x9;
	v58 =	vld [tilespmem:s22+$0x6AB0];
	[tilespmem:s22+$0x6A40] =	vst v2;
	v2 =	vmul.f32 v52, v48  }
0x209: {  	v59 =	vld [tilespmem:s22+$0x6AC0];
	[tilespmem:s22+$0x6A50] =	vst v3;
	v3 =	vmul.f32 v53, v48  }
0x20a: {  	v60 =	vld [tilespmem:s22+$0x6AD0];
	[tilespmem:s22+$0x6A60] =	vst v2;
	v2 =	vmul.f32 v54, v57  }
0x20b: {  	v61 =	vld [tilespmem:s22+$0x6AE0];
	[tilespmem:s22+$0x6A70] =	vst v3;
	v3 =	vmul.f32 v55, v57  }
0x20c: {  	v62 =	vld [tilespmem:s22+$0x6AF0];
	[tilespmem:s22+$0x6A80] =	vst v2;
	v2 =	vmul.f32 v56, v57  }
0x20d: {  	v63 =	vld [tilespmem:s22+$0x6B00];
	[tilespmem:s22+$0x6A90] =	vst v3;
	v3 =	vmul.f32 v58, v57  }
0x20e: {  	v12 =	vld [tilespmem:s22+$0x6B10];
	[tilespmem:s22+$0x6AA0] =	vst v2;
	v2 =	vmul.f32 v59, v57  }
0x20f: {  	v13 =	vld [tilespmem:s22+$0x6B20];
	[tilespmem:s22+$0x6AB0] =	vst v3;
	v3 =	vmul.f32 v60, v57  }
0x210: {  	v14 =	vbroadcast v1, $0xA;
	v15 =	vld [tilespmem:s22+$0x6B30];
	[tilespmem:s22+$0x6AC0] =	vst v2;
	v2 =	vmul.f32 v61, v57  }
0x211: {  	v16 =	vld [tilespmem:s22+$0x6B40];
	[tilespmem:s22+$0x6AD0] =	vst v3;
	v3 =	vmul.f32 v62, v57  }
0x212: {  	v17 =	vld [tilespmem:s22+$0x6B50];
	[tilespmem:s22+$0x6AE0] =	vst v2;
	v2 =	vmul.f32 v63, v14  }
0x213: {  	v18 =	vld [tilespmem:s22+$0x6B60];
	[tilespmem:s22+$0x6AF0] =	vst v3;
	v3 =	vmul.f32 v12, v14  }
0x214: {  	v19 =	vld [tilespmem:s22+$0x6B70];
	[tilespmem:s22+$0x6B00] =	vst v2;
	v2 =	vmul.f32 v13, v14  }
0x215: {  	v20 =	vld [tilespmem:s22+$0x6B80];
	[tilespmem:s22+$0x6B10] =	vst v3;
	v3 =	vmul.f32 v15, v14  }
0x216: {  	v21 =	vld [tilespmem:s22+$0x6B90];
	[tilespmem:s22+$0x6B20] =	vst v2;
	v2 =	vmul.f32 v16, v14  }
0x217: {  	v22 =	vld [tilespmem:s22+$0x6BA0];
	[tilespmem:s22+$0x6B30] =	vst v3;
	v3 =	vmul.f32 v17, v14  }
0x218: {  	v23 =	vbroadcast v1, $0xB;
	v24 =	vld [tilespmem:s22+$0x6BB0];
	[tilespmem:s22+$0x6B40] =	vst v2;
	v2 =	vmul.f32 v18, v14  }
0x219: {  	v25 =	vld [tilespmem:s22+$0x6BC0];
	[tilespmem:s22+$0x6B50] =	vst v3;
	v3 =	vmul.f32 v19, v14  }
0x21a: {  	v26 =	vld [tilespmem:s22+$0x6BD0];
	[tilespmem:s22+$0x6B60] =	vst v2;
	v2 =	vmul.f32 v20, v23  }
0x21b: {  	v27 =	vld [tilespmem:s22+$0x6BE0];
	[tilespmem:s22+$0x6B70] =	vst v3;
	v3 =	vmul.f32 v21, v23  }
0x21c: {  	v28 =	vld [tilespmem:s22+$0x6BF0];
	[tilespmem:s22+$0x6B80] =	vst v2;
	v2 =	vmul.f32 v22, v23  }
0x21d: {  	v29 =	vld [tilespmem:s22+$0x6C00];
	[tilespmem:s22+$0x6B90] =	vst v3;
	v3 =	vmul.f32 v24, v23  }
0x21e: {  	v30 =	vld [tilespmem:s22+$0x6C10];
	[tilespmem:s22+$0x6BA0] =	vst v2;
	v2 =	vmul.f32 v25, v23  }
0x21f: {  	v31 =	vld [tilespmem:s22+$0x6C20];
	[tilespmem:s22+$0x6BB0] =	vst v3;
	v3 =	vmul.f32 v26, v23  }
0x220: {  	v32 =	vbroadcast v1, $0xC;
	v33 =	vld [tilespmem:s22+$0x6C30];
	[tilespmem:s22+$0x6BC0] =	vst v2;
	v2 =	vmul.f32 v27, v23  }
0x221: {  	v34 =	vld [tilespmem:s22+$0x6C40];
	[tilespmem:s22+$0x6BD0] =	vst v3;
	v3 =	vmul.f32 v28, v23  }
0x222: {  	v35 =	vld [tilespmem:s22+$0x6C50];
	[tilespmem:s22+$0x6BE0] =	vst v2;
	v2 =	vmul.f32 v29, v32  }
0x223: {  	v36 =	vld [tilespmem:s22+$0x6C60];
	[tilespmem:s22+$0x6BF0] =	vst v3;
	v3 =	vmul.f32 v30, v32  }
0x224: {  	v37 =	vld [tilespmem:s22+$0x6C70];
	[tilespmem:s22+$0x6C00] =	vst v2;
	v2 =	vmul.f32 v31, v32  }
0x225: {  	v38 =	vld [tilespmem:s22+$0x6C80];
	[tilespmem:s22+$0x6C10] =	vst v3;
	v3 =	vmul.f32 v33, v32  }
0x226: {  	v39 =	vld [tilespmem:s22+$0x6C90];
	[tilespmem:s22+$0x6C20] =	vst v2;
	v2 =	vmul.f32 v34, v32  }
0x227: {  	v40 =	vld [tilespmem:s22+$0x6CA0];
	[tilespmem:s22+$0x6C30] =	vst v3;
	v3 =	vmul.f32 v35, v32  }
0x228: {  	v41 =	vbroadcast v1, $0xD;
	v42 =	vld [tilespmem:s22+$0x6CB0];
	[tilespmem:s22+$0x6C40] =	vst v2;
	v2 =	vmul.f32 v36, v32  }
0x229: {  	v43 =	vld [tilespmem:s22+$0x6CC0];
	[tilespmem:s22+$0x6C50] =	vst v3;
	v3 =	vmul.f32 v37, v32  }
0x22a: {  	v44 =	vld [tilespmem:s22+$0x6CD0];
	[tilespmem:s22+$0x6C60] =	vst v2;
	v2 =	vmul.f32 v38, v41  }
0x22b: {  	v45 =	vld [tilespmem:s22+$0x6CE0];
	[tilespmem:s22+$0x6C70] =	vst v3;
	v3 =	vmul.f32 v39, v41  }
0x22c: {  	v46 =	vld [tilespmem:s22+$0x6CF0];
	[tilespmem:s22+$0x6C80] =	vst v2;
	v2 =	vmul.f32 v40, v41  }
0x22d: {  	v47 =	vld [tilespmem:s22+$0x6D00];
	[tilespmem:s22+$0x6C90] =	vst v3;
	v3 =	vmul.f32 v42, v41  }
0x22e: {  	v48 =	vld [tilespmem:s22+$0x6D10];
	[tilespmem:s22+$0x6CA0] =	vst v2;
	v2 =	vmul.f32 v43, v41  }
0x22f: {  	v49 =	vld [tilespmem:s22+$0x6D20];
	[tilespmem:s22+$0x6CB0] =	vst v3;
	v3 =	vmul.f32 v44, v41  }
0x230: {  	v50 =	vbroadcast v1, $0xE;
	v51 =	vld [tilespmem:s22+$0x6D30];
	[tilespmem:s22+$0x6CC0] =	vst v2;
	v2 =	vmul.f32 v45, v41  }
0x231: {  	v52 =	vld [tilespmem:s22+$0x6D40];
	[tilespmem:s22+$0x6CD0] =	vst v3;
	v3 =	vmul.f32 v46, v41  }
0x232: {  	v53 =	vld [tilespmem:s22+$0x6D50];
	[tilespmem:s22+$0x6CE0] =	vst v2;
	v2 =	vmul.f32 v47, v50  }
0x233: {  	v54 =	vld [tilespmem:s22+$0x6D60];
	[tilespmem:s22+$0x6CF0] =	vst v3;
	v3 =	vmul.f32 v48, v50  }
0x234: {  	v55 =	vld [tilespmem:s22+$0x6D70];
	[tilespmem:s22+$0x6D00] =	vst v2;
	v2 =	vmul.f32 v49, v50  }
0x235: {  	v56 =	vld [tilespmem:s22+$0x6D80];
	[tilespmem:s22+$0x6D10] =	vst v3;
	v3 =	vmul.f32 v51, v50  }
0x236: {  	v57 =	vld [tilespmem:s22+$0x6D90];
	[tilespmem:s22+$0x6D20] =	vst v2;
	v2 =	vmul.f32 v52, v50  }
0x237: {  	v58 =	vld [tilespmem:s22+$0x6DA0];
	[tilespmem:s22+$0x6D30] =	vst v3;
	v3 =	vmul.f32 v53, v50  }
0x238: {  	v1 =	vbroadcast v1, $0xF;
	v59 =	vld [tilespmem:s22+$0x6DB0];
	[tilespmem:s22+$0x6D40] =	vst v2;
	v2 =	vmul.f32 v54, v50  }
0x239: {  	v60 =	vld [tilespmem:s22+$0x6DC0];
	[tilespmem:s22+$0x6D50] =	vst v3;
	v3 =	vmul.f32 v55, v50  }
0x23a: {  	v61 =	vld [tilespmem:s22+$0x6DD0];
	[tilespmem:s22+$0x6D60] =	vst v2;
	v2 =	vmul.f32 v56, v1  }
0x23b: {  	v62 =	vld [tilespmem:s22+$0x6DE0];
	[tilespmem:s22+$0x6D70] =	vst v3;
	v3 =	vmul.f32 v57, v1  }
0x23c: {  	v63 =	vld [tilespmem:s22+$0x6DF0];
	[tilespmem:s22+$0x6D80] =	vst v2;
	v2 =	vmul.f32 v58, v1  }
0x23d: {  	[tilespmem:s22+$0x6D90] =	vst v3;
	v3 =	vmul.f32 v59, v1  }
0x23e: {  	p0 =	sne.s32 s24, $0x5;
	[tilespmem:s22+$0x6DA0] =	vst v2;
	v2 =	vmul.f32 v60, v1  }
.Ltmp4:
0x23f: {  	[tilespmem:s22+$0x6DB0] =	vst v3;
	v3 =	vmul.f32 v61, v1;
	(pc) =	sbr.rel @p0 .LBB2_11-.Ltmp4, $4  }
0x240: {  	[tilespmem:s22+$0x6DC0] =	vst v2;
	v2 =	vmul.f32 v62, v1  }
0x241: {  	[tilespmem:s22+$0x6DD0] =	vst v3;
	v1 =	vmul.f32 v63, v1  }
0x242: {  	[tilespmem:s22+$0x6DE0] =	vst v2  }
0x243: {  	s24 =	sadd.s32 $0x1, s24;
	[tilespmem:s22+$0x6DF0] =	vst v1  }
0x244: {  	s0 =	sadd.s32 $0x1, s0  }
0x245: {  	p0 =	sne.s32 s0, $0x23  }
.Ltmp5:
0x246: {  	_ = 	snop;
	(pc) =	sbr.rel @p0 .LBB2_6-.Ltmp5, $2  }
0x247: {  	_ =	sdelay $0x2  }
0x248: {  	[spmem:s2] =	stream.indirect.scatter.add.f32 [tilespmem:s17], [sflag:$0x9], $0x80, s23, s4, $0xb8;
	[tilespmem:$0x1FE00] =	vst v63  }
0x249: {  	s0 =	simm.s32 $0x8  }
0x24a: {  	_ =	swait.ge [sflag:s0], $0x3000  }
0x24b: {  	[sflag:s0] =	ssyncset.done $0x0  }
0x24c: {  	s24 =	simm.s32 $0x9;
	[sflag:s0] =	ssyncadd.s32 $0xFFFFD000  }
0x24d: {  	_ =	swait.ge [sflag:s24], $0x3000  }
0x24e: {  	[sflag:s24] =	ssyncset.done $0x0  }
0x24f: {  	s25 =	rddreg [dreg:$0x9];
	[sflag:s24] =	ssyncadd.s32 $0xFFFFD000  }
0x250: {  	[hbm4b:s25+s3] =	stream.linear.scatter [tilespmem:s14], [sflag:$0xA], $0x2800, $0x38;
	[tilespmem:$0x1FE00] =	vst v63  }
0x251: {  	_ =	swait.ge [sflag:s30], $0x2800  }
0x252: {  	[sflag:s30] =	ssyncset.done $0x0  }
0x253: {  	[sflag:s30] =	ssyncadd.s32 $0xFFFFD800  }
0x254: {  	s22 =	stileid.u32;
	[bflag:$0x0] =	sbarrier.arrive $0xFFFF  }
0x255: {  	s0 =	sshll.u32 s22, $0x6;
	s28 =	rddreg [dreg:$0x10]  }
0x256: {  	s0 =	sor.u32 $0x1C0A, s0;
	s24 =	rddreg [dreg:$0xa];
	s22 =	sshrl.u32 s28, $0x3  }
0x257: {  	[hbm:s24], [sflag:s0] =	dma.local [spmem:s22], $0x800  }
0x258: {  	_ =	swait.ge [sflag:s30], $0x800  }
0x259: {  	[sflag:s30] =	ssyncset.done $0x0;
	s24 =	rddreg [dreg:$0xb]  }
0x25a: {  	s25 =	rddreg [dreg:$0x11];
	[sflag:s30] =	ssyncadd.s32 $0xFFFFF800  }
0x25b: {  	[hbm:s24], [sflag:s0] =	dma.local [spmem:s25], $0x800  }
0x25c: {  	_ =	swait.ge [sflag:s30], $0x800  }
0x25d: {  	[sflag:s30] =	ssyncset.done $0x0;
	s24 =	rddreg [dreg:$0xc]  }
0x25e: {  	s25 =	rddreg [dreg:$0x12];
	[sflag:s30] =	ssyncadd.s32 $0xFFFFF800  }
0x25f: {  	[hbm:s24], [sflag:s0] =	dma.local [spmem:s25], $0x800  }
0x260: {  	_ =	swait.ge [sflag:s30], $0x800  }
0x261: {  	s25 =	smov.u32 s6;
	[sflag:s30] =	ssyncset.done $0x0  }
0x262: {  	s24 =	sshrl.u32 s6, $0x3;
	s6 =	rddreg [dreg:$0xd];
	[sflag:s30] =	ssyncadd.s32 $0xFFFFF800  }
0x263: {  	[hbm:s6], [sflag:s0] =	dma.local [spmem:s24], $0x800  }
0x264: {  	_ =	swait.ge [sflag:s30], $0x800  }
0x265: {  	[sflag:s30] =	ssyncset.done $0x0;
	s6 =	rddreg [dreg:$0xe]  }
0x266: {  	s24 =	rddreg [dreg:$0x13];
	[sflag:s30] =	ssyncadd.s32 $0xFFFFF800  }
0x267: {  	[hbm:s6], [sflag:s0] =	dma.local [spmem:s24], $0x800  }
0x268: {  	_ =	swait.ge [sflag:s30], $0x800  }
0x269: {  	s26 =	sadd.s32 $0x1, s26;
	s24 =	rddreg [dreg:$0x7]  }
0x26a: {  	p0 =	sne.s32 s26, s24  }
.Ltmp6:
0x26b: {  	_ = 	snop;
	(pc) =	sbr.rel @p0 .LBB2_1-.Ltmp6, $3  }
0x26c: {  	_ =	sdelay $0x1  }
0x26d: {  	[sflag:s30] =	ssyncset.done $0x0  }
0x26e: {  	[sflag:s30] =	ssyncadd.s32 $0xFFFFF800  }
0x26f: {  	_ =	sfence.sel $0x180000  }
0x270: {  	[bflag:$0x0] =	sbarrier.arrive $0xFFFF  }
0x271: {  	_ =	strace $0x90000047  }
0x272: {  	s0 =	stileid.u32;
	[bflag:$0x2] =	sbarrier.arrive $0xFFFF  }
0x273: {  	p0 =	sne.s32 s0, $0x0;
	s0 =	rddreg [dreg:$0x3]  }
0x274: {  	s0 =	sadd.s32 @!p0 $0x100000, s0  }
0x275: {  	[sflag:s0] =	ssyncadd.tile.s32 @!p0 $0x1;
	_ =	shalt  }
.Lfunc_end2:
_tile_overlayer_lowered:
.L_overlay_start_2:
0x276: {  	(tag) =	ssettag $0x2  }
0x277: {  	s0 =	rddreg [dreg:$0x0];
	s2 =	stileid.u32  }
0x278: {  	s1 =	rddreg [dreg:$0x1];
	p0 =	sne.s32 s2, $0x0  }
0x279: {  	s3 =	rddreg [dreg:$0x2];
	[bflag:$0x3] =	sbarrier.arrive $0xFFFF;
	s2 =	simm.s32 @!p0 $0x1C0A  }
0x27a: {  	[timem:s3], [sflag:s2] =	dma.local @!p0 [hbm:s0], s1  }
0x27b: {  	s0 =	simm.s32 @!p0 $0xA  }
0x27c: {  	_ =	swait.ge @!p0 [sflag:s0], s1  }
0x27d: {  	s1 =	ssub.s32 @!p0 $0x0, s1;
	[sflag:s0] =	ssyncset.done @!p0 $0x0  }
0x27e: {  	[sflag:s0] =	ssyncadd.s32 @!p0 s1  }
0x27f: {  	[bflag:$0x3] =	sbarrier.arrive $0xFFFF  }
0x280: {  	_ =	shalt  }

</sc_bundles>
